<compile_context>
chip_gen: v7x
topology: tpu7x:2x2x1
jax: 0.10.2.dev20260603
libtpu: 0.0.44.dev20260713+nightly
codegen_flags: <defaults>
</compile_context>

<pallas_src>
import functools

import jax
import jax.numpy as jnp
from jax import lax
from jax.experimental import pallas as pl
from jax.experimental.pallas import tpu as pltpu
from jax.experimental.pallas import tpu_sc as plsc

F = 4
NPTS = 65536
NXG = 81
NYG = 81
NCELL = NXG * NYG
CPAD = 6656
NPLANE = 5
ACCW = NPLANE * CPAD
Q = 512
NSUB = 16
NCORE = 2
GROUP = 8
PPT = NPTS // GROUP
VPT = PPT // 16
NVC = CPAD // 16
X_MIN = -4.0
SX = 0.1
GMAX = NXG - 1


def _sc_body(pts_hbm, out_hbm, pts_v, acc_v, red_v, red2_v,
             hist_v, nge_v, bigkey_v, eqidx_v, sel_v, val_v, wb_v, rankf_v,
             feat8_v, dma_sem, sh_part, sh_aux, sh_acc):
    c = lax.axis_index("c")
    s = lax.axis_index("s")
    fc = s // GROUP
    f = c * 2 + fc
    g = s % GROUP
    p0 = g * PPT
    lanes = lax.iota(jnp.int32, 16)
    zf16 = jnp.zeros((16,), jnp.float32)
    one16 = jnp.ones((16,), jnp.float32)

    descs = [
        pltpu.async_copy(
            pts_hbm.at[pl.ds(f * 4 * NPTS + coord * NPTS + p0, PPT)],
            pts_v.at[pl.ds(coord * PPT, PPT)], dma_sem)
        for coord in range(4)
    ]

    def zero_body(i, _):
        for u in range(8):
            acc_v[pl.ds(i * 128 + u * 16, 16)] = zf16
        return 0
    lax.fori_loop(0, ACCW // 128, zero_body, 0)
    for d in descs:
        d.wait()

    def bin_body(v, _):
      for u in range(2):
        base = v * 32 + u * 16
        px = pts_v[pl.ds(base, 16)]
        py = pts_v[pl.ds(PPT + base, 16)]
        pz = pts_v[pl.ds(2 * PPT + base, 16)]
        pi = pts_v[pl.ds(3 * PPT + base, 16)]
        valid = ((px >= -4.0) & (px <= 4.0)
                 & (py >= -4.0) & (py <= 4.0)
                 & (pz >= -4.0) & (pz <= 4.0))
        gx = jnp.clip(((px - X_MIN) / SX).astype(jnp.int32), 0, GMAX)
        gy = jnp.clip(((py - X_MIN) / SX).astype(jnp.int32), 0, GMAX)
        cell = gx * NYG + gy
        plsc.addupdate_scatter(acc_v, [cell], one16, mask=valid)
        plsc.addupdate_scatter(acc_v, [cell + CPAD], px, mask=valid)
        plsc.addupdate_scatter(acc_v, [cell + 2 * CPAD], py, mask=valid)
        plsc.addupdate_scatter(acc_v, [cell + 3 * CPAD], pz, mask=valid)
        plsc.addupdate_scatter(acc_v, [cell + 4 * CPAD], pi, mask=valid)
      return 0
    lax.fori_loop(0, VPT // 2, bin_body, 0)

    half = ACCW // 2
    sliw = half // GROUP
    off = g * sliw
    gbase = fc * GROUP * half
    for r in range(2):
        pltpu.sync_copy(acc_v.at[pl.ds(r * half, half)],
                        sh_part.at[pl.ds(s * half, half)])
        plsc.subcore_barrier()
        pltpu.sync_copy(sh_part.at[pl.ds(gbase + off, sliw)], red2_v)
        for t in range(1, GROUP):
            pltpu.sync_copy(sh_part.at[pl.ds(gbase + t * half + off, sliw)],
                            red_v)

            def add_body(i, _):
                for u in range(5):
                    o = i * 80 + u * 16
                    red2_v[pl.ds(o, 16)] = (red2_v[pl.ds(o, 16)]
                                            + red_v[pl.ds(o, 16)])
                return 0
            lax.fori_loop(0, sliw // 80, add_body, 0)
        pltpu.sync_copy(red2_v,
                        sh_acc.at[pl.ds(fc * ACCW + r * half + off, sliw)])
        plsc.subcore_barrier()

    @pl.when(g == 0)
    def _topk():
        pltpu.sync_copy(sh_acc.at[pl.ds(fc * ACCW, ACCW)], acc_v)

        for i in range(9):
            hist_v[pl.ds(i * 16, 16)] = jnp.zeros((16,), jnp.int32)
        for i in range(32):
            bigkey_v[pl.ds(i * 16, 16)] = jnp.full((16,), -1, jnp.int32)
        for r in range(5, 8):
            def z8_body(i, _, r=r):
                feat8_v[pl.ds(r * Q + i * 16, 16)] = zf16
                return 0
            lax.fori_loop(0, Q // 16, z8_body, 0)

        def hist_body(v, _):
            for u in range(2):
                cnt = acc_v[pl.ds(v * 32 + u * 16, 16)]
                ci = cnt.astype(jnp.int32)
                bin_ = jnp.minimum(ci, 128)
                cellidx = v * 32 + u * 16 + lanes
                plsc.addupdate_scatter(hist_v, [bin_],
                                       jnp.ones((16,), jnp.int32),
                                       mask=cellidx < NCELL)
            return 0
        lax.fori_loop(0, NVC // 2, hist_body, 0)

        carry = jnp.zeros((16,), jnp.int32)
        for vi in range(8, -1, -1):
            h = hist_v[pl.ds(vi * 16, 16)]
            cs = lax.rev(plsc.cumsum(lax.rev(h, (0,))), (0,))
            nge_v[pl.ds(vi * 16, 16)] = cs + carry
            carry = carry + jnp.full((16,), jnp.sum(h))

        T = jnp.int32(-1)
        for vi in range(9):
            tvec = lanes + vi * 16
            ngev = nge_v[pl.ds(vi * 16, 16)]
            T = jnp.maximum(T, jnp.max(jnp.where(ngev >= Q, tvec, -1)))
        M = jnp.int32(0)
        for vi in range(9):
            tvec = lanes + vi * 16
            ngev = nge_v[pl.ds(vi * 16, 16)]
            M = jnp.maximum(M, jnp.max(jnp.where(tvec == T + 1, ngev, 0)))

        def comp_body(v, bases):
            bigbase, eqbase = bases
            for u in range(2):
                ci = acc_v[pl.ds(v * 32 + u * 16, 16)].astype(jnp.int32)
                cellidx = v * 32 + u * 16 + lanes
                iscell = cellidx < NCELL
                big = (ci > T) & iscell
                eq = (ci == T) & iscell
                key = ci * 8192 + (8191 - cellidx)
                bpos = bigbase + plsc.cumsum(big.astype(jnp.int32)) - 1
                plsc.store_scatter(bigkey_v, [bpos], key, mask=big)
                epos = eqbase + plsc.cumsum(eq.astype(jnp.int32)) - 1
                plsc.store_scatter(eqidx_v, [epos], cellidx, mask=eq)
                nb = plsc.all_reduce_population_count(big).astype(jnp.int32)
                ne = plsc.all_reduce_population_count(eq).astype(jnp.int32)
                bigbase = bigbase + nb
                eqbase = eqbase + ne
            return (bigbase, eqbase)
        lax.fori_loop(0, NVC // 2, comp_body,
                      (jnp.zeros((16,), jnp.int32), jnp.zeros((16,), jnp.int32)))

        pltpu.sync_copy(bigkey_v, sh_aux.at[pl.ds(fc * 2048, Q)])
        rankf_v[pl.ds(0, 16)] = jnp.full((16,), M)
        rankf_v[pl.ds(16, 16)] = jnp.full((16,), T)
        pltpu.sync_copy(rankf_v.at[pl.ds(0, 32)],
                        sh_aux.at[pl.ds(fc * 2048 + 512, 32)])

    plsc.subcore_barrier()
    pltpu.sync_copy(sh_aux.at[pl.ds(fc * 2048, Q)], bigkey_v)

    def wb_body(j, _):
        wv = bigkey_v[pl.ds(j * 16, 16)]
        for l in range(16):
            wl = jnp.max(jnp.where(lanes == l, wv, jnp.int32(-2**31 + 1)))
            wb_v[pl.ds((j * 16 + l) * 16, 16)] = jnp.full((16,), wl)
        return 0
    lax.fori_loop(0, 32, wb_body, 0)

    for u in range(4):
        kv = bigkey_v[pl.ds((g * 4 + u) * 16, 16)]

        def cnt_body(j8, r, kv=kv):
            for u8 in range(8):
                r = r + (wb_v[pl.ds(j8 * 128 + u8 * 16, 16)] > kv
                         ).astype(jnp.int32)
            return r
        rankv = lax.fori_loop(0, Q // 8, cnt_body, jnp.zeros((16,), jnp.int32))
        rankf_v[pl.ds(u * 16, 16)] = rankv
    pltpu.sync_copy(rankf_v, sh_aux.at[pl.ds(fc * 2048 + 1024 + g * 64, 64)])
    plsc.subcore_barrier()

    @pl.when(g == 0)
    def _emit():
        pltpu.sync_copy(sh_aux.at[pl.ds(fc * 2048 + 1024, Q)],
                        wb_v.at[pl.ds(0, Q)])
        pltpu.sync_copy(sh_aux.at[pl.ds(fc * 2048 + 512, 32)],
                        rankf_v.at[pl.ds(0, 32)])
        M = jnp.max(rankf_v[pl.ds(0, 16)])
        T = jnp.max(rankf_v[pl.ds(16, 16)])

        def scat_body(i, _):
            kv = bigkey_v[pl.ds(i * 16, 16)]
            rankv = wb_v[pl.ds(i * 16, 16)]
            mb = (i * 16 + lanes) < M
            idx = 8191 - (kv & 8191)
            valf = (kv >> 13).astype(jnp.float32)
            plsc.store_scatter(sel_v, [rankv], idx, mask=mb)
            plsc.store_scatter(val_v, [rankv], valf, mask=mb)
            return 0
        lax.fori_loop(0, 32, scat_body, 0)

        def eq_body(v, _):
            t = v * 16 + lanes
            me = t < (Q - M)
            eidx = eqidx_v[pl.ds(v * 16, 16)]
            plsc.store_scatter(sel_v, [M + t], eidx, mask=me)
            plsc.store_scatter(val_v, [M + t],
                              jnp.full((16,), T.astype(jnp.float32)), mask=me)
            return 0
        lax.fori_loop(0, Q // 16, eq_body, 0)

        def gat_body(v, _):
            base = v * 16
            idxv = sel_v[pl.ds(base, 16)]
            valv = val_v[pl.ds(base, 16)]
            denom = jnp.maximum(valv, 1.0)
            for r in range(4):
                sr = plsc.load_gather(acc_v, [idxv + (r + 1) * CPAD])
                feat8_v[pl.ds(r * Q + base, 16)] = sr / denom
            feat8_v[pl.ds(4 * Q + base, 16)] = valv
            return 0
        lax.fori_loop(0, Q // 16, gat_body, 0)

        pltpu.sync_copy(feat8_v, out_hbm.at[pl.ds(f * 8 * Q, 8 * Q)])


@functools.lru_cache(maxsize=1)
def _sc_encode():
    mesh = plsc.VectorSubcoreMesh(core_axis_name="c", subcore_axis_name="s",
                                  num_cores=NCORE, num_subcores=NSUB)
    return pl.kernel(
        _sc_body,
        out_type=jax.ShapeDtypeStruct((F * 8 * Q,), jnp.float32),
        mesh=mesh,
        compiler_params=pltpu.CompilerParams(needs_layout_passes=False),
        scratch_types=[
            pltpu.VMEM((4 * PPT,), jnp.float32),
            pltpu.VMEM((ACCW,), jnp.float32),
            pltpu.VMEM((ACCW // 2 // GROUP,), jnp.float32),
            pltpu.VMEM((ACCW // 2 // GROUP,), jnp.float32),
            pltpu.VMEM((144,), jnp.int32),
            pltpu.VMEM((144,), jnp.int32),
            pltpu.VMEM((Q,), jnp.int32),
            pltpu.VMEM((CPAD,), jnp.int32),
            pltpu.VMEM((Q,), jnp.int32),
            pltpu.VMEM((Q,), jnp.float32),
            pltpu.VMEM((Q * 16,), jnp.int32),
            pltpu.VMEM((64,), jnp.int32),
            pltpu.VMEM((8 * Q,), jnp.float32),
            pltpu.SemaphoreType.DMA,
            pltpu.VMEM_SHARED((NSUB * ACCW // 2,), jnp.float32),
            pltpu.VMEM_SHARED((4096,), jnp.int32),
            pltpu.VMEM_SHARED((2 * ACCW,), jnp.float32),
        ],
    )


def _mlp_body(a_ref, v_ref, w1_ref, b1_ref, w2_ref, b2_ref, out_ref):
    a = a_ref[0]
    x = lax.dot_general(a, w1_ref[...], (((0,), (0,)), ((), ())),
                        preferred_element_type=jnp.float32)
    h = jnp.maximum(x + b1_ref[0], 0.0)
    e = lax.dot_general(h, w2_ref[...], (((1,), (0,)), ((), ())),
                        preferred_element_type=jnp.float32) + b2_ref[0]
    out_ref[0] = jnp.where(v_ref[0] > 0.0, e, 0.0)


def _tc_mlp(f3, vals, w1p, b1, w2, b2):
    d = w2.shape[0]
    return pl.pallas_call(
        _mlp_body,
        grid=(F,),
        in_specs=[
            pl.BlockSpec((1, 8, Q), lambda i: (i, 0, 0)),
            pl.BlockSpec((1, Q, 1), lambda i: (i, 0, 0)),
            pl.BlockSpec((8, d), lambda i: (0, 0)),
            pl.BlockSpec((1, d), lambda i: (0, 0)),
            pl.BlockSpec((d, d), lambda i: (0, 0)),
            pl.BlockSpec((1, d), lambda i: (0, 0)),
        ],
        out_specs=pl.BlockSpec((1, Q, d), lambda i: (i, 0, 0)),
        out_shape=jax.ShapeDtypeStruct((F, Q, d), jnp.float32),
    )(f3, vals, w1p, b1, w2, b2)


def kernel(points, mask, W1, b1, W2, b2):
    pts_m = jnp.where(mask[:, :, None], points, 1e9)
    pts_t = jnp.transpose(pts_m, (0, 2, 1)).reshape(-1)
    feat8 = _sc_encode()(pts_t)
    f3 = feat8.reshape(F, 8, Q)
    d = W2.shape[0]
    w1p = jnp.concatenate([W1, jnp.zeros((3, d), jnp.float32)], axis=0)
    scores = f3[:, 4, :]
    queries = _tc_mlp(f3, scores.reshape(F, Q, 1), w1p,
                      b1.reshape(1, d), W2, b2.reshape(1, d))
    refs = jnp.transpose(f3[:, 0:3, :], (0, 2, 1))
    return queries, refs, scores

# --- scband reference (transcript-rebuilt; emitter-appended) ---
"""Pipeline reference for scband-lidar-seed-encoder-70841190580297 (READ-ONLY COPY).

The authoritative reference and input builder live on the scoring server;
editing this copy changes nothing except your own understanding.
"""

import jax, jax.numpy as jnp
import numpy as np

X_MIN, X_MAX = -4.0, 4.0
Y_MIN, Y_MAX = -4.0, 4.0
Z_MIN, Z_MAX = -4.0, 4.0
SX, SY = 0.1, 0.1
NX = int(np.floor((X_MAX - X_MIN) / SX)) + 1
NY = int(np.floor((Y_MAX - Y_MIN) / SY)) + 1
NC = NX * NY
Q_LIDAR = 512
D_MODEL = 256


def setup_inputs(seed: int = 0) -> dict:
    key = jax.random.key(seed)
    k1, k2, k3 = jax.random.split(key, 3)
    points = jax.random.normal(k1, (4, 65536, 4), dtype=jnp.float32)
    mask = jnp.ones((4, 65536), dtype=bool)
    W1 = jax.random.normal(k2, (5, D_MODEL), dtype=jnp.float32) / np.sqrt(5.0)
    b1 = jnp.zeros((D_MODEL,), dtype=jnp.float32)
    W2 = jax.random.normal(k3, (D_MODEL, D_MODEL), dtype=jnp.float32) / np.sqrt(float(D_MODEL))
    b2 = jnp.zeros((D_MODEL,), dtype=jnp.float32)
    return {"points": points, "mask": mask, "W1": W1, "b1": b1, "W2": W2, "b2": b2}


def _encode_frame(pts, msk, W1, b1, W2, b2):
    xyz = pts[:, :3]
    inten = pts[:, 3:4]
    valid = (msk
             & (xyz[:, 0] >= X_MIN) & (xyz[:, 0] <= X_MAX)
             & (xyz[:, 1] >= Y_MIN) & (xyz[:, 1] <= Y_MAX)
             & (xyz[:, 2] >= Z_MIN) & (xyz[:, 2] <= Z_MAX))
    gx = jnp.floor((xyz[:, 0] - X_MIN) / SX).astype(jnp.int32)
    gy = jnp.floor((xyz[:, 1] - Y_MIN) / SY).astype(jnp.int32)
    cell = jnp.clip(gx, 0, NX - 1) * NY + jnp.clip(gy, 0, NY - 1)
    cell = jnp.where(valid, cell, NC)
    ones = valid.astype(jnp.float32)
    counts = jax.ops.segment_sum(ones, cell, num_segments=NC + 1)[:NC]
    sum_xyz = jax.ops.segment_sum(jnp.where(valid[:, None], xyz, 0.0), cell, num_segments=NC + 1)[:NC]
    feat4 = jnp.concatenate([xyz, inten], axis=-1)
    sum_feat = jax.ops.segment_sum(jnp.where(valid[:, None], feat4, 0.0), cell, num_segments=NC + 1)[:NC]
    denom = jnp.maximum(counts, 1.0)[:, None]
    centers = sum_xyz / denom
    feats = sum_feat / denom
    top_vals, top_idx = jax.lax.top_k(counts, Q_LIDAR)
    present = top_vals > 0
    feat5 = jnp.concatenate([feats[top_idx], top_vals[:, None]], axis=-1)
    h = jax.nn.relu(feat5 @ W1 + b1)
    emb = h @ W2 + b2
    queries = jnp.where(present[:, None], emb, 0.0)
    refs = jnp.where(present[:, None], centers[top_idx], 0.0)
    scores = jnp.where(present, top_vals, 0.0)
    return queries, refs, scores


def reference(points, mask, W1, b1, W2, b2):
    return jax.vmap(lambda p, m: _encode_frame(p, m, W1, b1, W2, b2))(points, mask)

if __name__ == "__main__":
    import jax
    _d = setup_inputs()
    print(jax.jit(kernel)(*tuple(_d.values())))

</pallas_src>

<mosaic_0001>
#map = affine_map<(d0, d1) -> (0)>
module attributes {stable_mosaic.version = 14 : i64} {
  func.func @_sc_body(%arg0: i32, %arg1: i32, %arg2: memref<1048576xf32, #tpu.memory_space<hbm>>, %arg3: memref<16384xf32, #tpu.memory_space<hbm>>, %arg4: memref<32768xf32, #tpu.memory_space<vmem>>, %arg5: memref<33280xf32, #tpu.memory_space<vmem>>, %arg6: memref<2080xf32, #tpu.memory_space<vmem>>, %arg7: memref<2080xf32, #tpu.memory_space<vmem>>, %arg8: memref<144xi32, #tpu.memory_space<vmem>>, %arg9: memref<144xi32, #tpu.memory_space<vmem>>, %arg10: memref<512xi32, #tpu.memory_space<vmem>>, %arg11: memref<6656xi32, #tpu.memory_space<vmem>>, %arg12: memref<512xi32, #tpu.memory_space<vmem>>, %arg13: memref<512xf32, #tpu.memory_space<vmem>>, %arg14: memref<8192xi32, #tpu.memory_space<vmem>>, %arg15: memref<64xi32, #tpu.memory_space<vmem>>, %arg16: memref<4096xf32, #tpu.memory_space<vmem>>, %arg17: memref<!tpu.dma_semaphore, #tpu.memory_space<semaphore_mem>>, %arg18: memref<266240xf32, #tpu.memory_space<vmem_shared>>, %arg19: memref<4096xi32, #tpu.memory_space<vmem_shared>>, %arg20: memref<66560xf32, #tpu.memory_space<vmem_shared>>) attributes {dimension_semantics = [#tpu.dimension_semantics<core_parallel>, #tpu.dimension_semantics<subcore_parallel>], iteration_bounds = array<i64: 2, 16>, scalar_prefetch = 0 : i64, scratch_operands = 17 : i64, tpu.core_type = #tpu.core_type<sc_vector_subcore>, window_params = [{transform_indices = #map}, {transform_indices = #map}]} {
    %jit3A = arith.constant 8 : i32
    %div3A = arith.divsi %arg1, %jit3A : i32
    %sign3A = arith.constant 0 : i32
    %sign3A_0 = arith.cmpi sgt, %arg1, %sign3A : i32
    %sign3A_1 = arith.extui %sign3A_0 : i1 to i32
    %sign3A_2 = arith.constant 0 : i32
    %sign3A_3 = arith.cmpi slt, %arg1, %sign3A_2 : i32
    %sign3A_4 = arith.extui %sign3A_3 : i1 to i32
    %sign3A_5 = arith.subi %sign3A_1, %sign3A_4 : i32
    %sign3A_6 = arith.constant 0 : i32
    %sign3A_7 = arith.cmpi sgt, %jit3A, %sign3A_6 : i32
    %sign3A_8 = arith.extui %sign3A_7 : i1 to i32
    %sign3A_9 = arith.constant 0 : i32
    %sign3A_10 = arith.cmpi slt, %jit3A, %sign3A_9 : i32
    %sign3A_11 = arith.extui %sign3A_10 : i1 to i32
    %sign3A_12 = arith.subi %sign3A_8, %sign3A_11 : i32
    %ne3A = arith.cmpi ne, %sign3A_5, %sign3A_12 : i32
    %rem3A = arith.remsi %arg1, %jit3A : i32
    %ne3A_13 = arith.constant 0 : i32
    %ne3A_14 = arith.cmpi ne, %rem3A, %ne3A_13 : i32
    %and3A = arith.andi %ne3A, %ne3A_14 : i1
    %sub3A = arith.constant 1 : i32
    %sub3A_15 = arith.subi %div3A, %sub3A : i32
    %select_n3A = arith.select %and3A, %sub3A_15, %div3A : i32
    %mul3A = arith.constant 2 : i32
    %mul3A_16 = arith.muli %arg0, %mul3A : i32
    %add3A = arith.addi %mul3A_16, %select_n3A : i32
    %jit3A_17 = arith.constant 8 : i32
    %eq3A = arith.constant 0 : i32
    %eq3A_18 = arith.cmpi eq, %jit3A_17, %eq3A : i32
    %jit3A_19 = arith.constant 1 : i32
    %select_n3A_20 = arith.select %eq3A_18, %jit3A_19, %jit3A_17 : i32
    %rem3A_21 = arith.remsi %arg1, %select_n3A_20 : i32
    %ne3A_22 = arith.constant 0 : i32
    %ne3A_23 = arith.cmpi ne, %rem3A_21, %ne3A_22 : i32
    %lt3A = arith.constant 0 : i32
    %lt3A_24 = arith.cmpi slt, %rem3A_21, %lt3A : i32
    %lt3A_25 = arith.constant 0 : i32
    %lt3A_26 = arith.cmpi slt, %select_n3A_20, %lt3A_25 : i32
    %ne3A_27 = arith.xori %lt3A_24, %lt3A_26 : i1
    %and3A_28 = arith.andi %ne3A_27, %ne3A_23 : i1
    %add3A_29 = arith.addi %rem3A_21, %select_n3A_20 : i32
    %select_n3A_30 = arith.select %and3A_28, %add3A_29, %rem3A_21 : i32
    %mul3A_31 = arith.constant 8192 : i32
    %mul3A_32 = arith.muli %select_n3A_30, %mul3A_31 : i32
    %iota3A = tpu.iota {dimensions = array<i32: 0>} : vector<16xi32>
    %broadcast_in_dim3A = arith.constant 0.000000e+00 : f32
    %broadcast_in_dim3A_33 = vector.broadcast %broadcast_in_dim3A : f32 to vector<16xf32>
    %broadcast_in_dim3A_34 = arith.constant 1.000000e+00 : f32
    %broadcast_in_dim3A_35 = vector.broadcast %broadcast_in_dim3A_34 : f32 to vector<16xf32>
    %mul3A_36 = arith.constant 4 : i32
    %mul3A_37 = arith.muli %add3A, %mul3A_36 : i32
    %mul3A_38 = arith.constant 65536 : i32
    %mul3A_39 = arith.muli %mul3A_37, %mul3A_38 : i32
    %add3A_40 = arith.constant 0 : i32
    %add3A_41 = arith.addi %mul3A_39, %add3A_40 : i32
    %add3A_42 = arith.addi %add3A_41, %mul3A_32 : i32
    %dma_start3A = arith.constant 0 : i32
    %dma_start3A_43 = tpu.memref_slice %arg4[%dma_start3A] : memref<32768xf32, #tpu.memory_space<vmem>> -> memref<8192xf32, #tpu.memory_space<vmem>>
    %dma_start3A_44 = tpu.memref_slice %arg2[%add3A_42] : memref<1048576xf32, #tpu.memory_space<hbm>> -> memref<8192xf32, #tpu.memory_space<hbm>>
    %dma_start3A_45 = arith.constant 0 : i32
    %dma_start3A_46 = tpu.memref_slice %arg4[%dma_start3A_45] : memref<32768xf32, #tpu.memory_space<vmem>> -> memref<8192xf32, #tpu.memory_space<vmem>>
    %dma_start3A_47 = tpu.memref_slice %arg2[%add3A_42] : memref<1048576xf32, #tpu.memory_space<hbm>> -> memref<8192xf32, #tpu.memory_space<hbm>>
    tpu.enqueue_dma source(%dma_start3A_47 : memref<8192xf32, #tpu.memory_space<hbm>>) target(%dma_start3A_46 : memref<8192xf32, #tpu.memory_space<vmem>>) target_semaphore(%arg17 : memref<!tpu.dma_semaphore, #tpu.memory_space<semaphore_mem>>)
    %mul3A_48 = arith.constant 4 : i32
    %mul3A_49 = arith.muli %add3A, %mul3A_48 : i32
    %mul3A_50 = arith.constant 65536 : i32
    %mul3A_51 = arith.muli %mul3A_49, %mul3A_50 : i32
    %add3A_52 = arith.constant 65536 : i32
    %add3A_53 = arith.addi %mul3A_51, %add3A_52 : i32
    %add3A_54 = arith.addi %add3A_53, %mul3A_32 : i32
    %dma_start3A_55 = arith.constant 8192 : i32
    %dma_start3A_56 = tpu.memref_slice %arg4[%dma_start3A_55] : memref<32768xf32, #tpu.memory_space<vmem>> -> memref<8192xf32, #tpu.memory_space<vmem>>
    %dma_start3A_57 = tpu.memref_slice %arg2[%add3A_54] : memref<1048576xf32, #tpu.memory_space<hbm>> -> memref<8192xf32, #tpu.memory_space<hbm>>
    %dma_start3A_58 = arith.constant 8192 : i32
    %dma_start3A_59 = tpu.memref_slice %arg4[%dma_start3A_58] : memref<32768xf32, #tpu.memory_space<vmem>> -> memref<8192xf32, #tpu.memory_space<vmem>>
    %dma_start3A_60 = tpu.memref_slice %arg2[%add3A_54] : memref<1048576xf32, #tpu.memory_space<hbm>> -> memref<8192xf32, #tpu.memory_space<hbm>>
    tpu.enqueue_dma source(%dma_start3A_60 : memref<8192xf32, #tpu.memory_space<hbm>>) target(%dma_start3A_59 : memref<8192xf32, #tpu.memory_space<vmem>>) target_semaphore(%arg17 : memref<!tpu.dma_semaphore, #tpu.memory_space<semaphore_mem>>)
    %mul3A_61 = arith.constant 4 : i32
    %mul3A_62 = arith.muli %add3A, %mul3A_61 : i32
    %mul3A_63 = arith.constant 65536 : i32
    %mul3A_64 = arith.muli %mul3A_62, %mul3A_63 : i32
    %add3A_65 = arith.constant 131072 : i32
    %add3A_66 = arith.addi %mul3A_64, %add3A_65 : i32
    %add3A_67 = arith.addi %add3A_66, %mul3A_32 : i32
    %dma_start3A_68 = arith.constant 16384 : i32
    %dma_start3A_69 = tpu.memref_slice %arg4[%dma_start3A_68] : memref<32768xf32, #tpu.memory_space<vmem>> -> memref<8192xf32, #tpu.memory_space<vmem>>
    %dma_start3A_70 = tpu.memref_slice %arg2[%add3A_67] : memref<1048576xf32, #tpu.memory_space<hbm>> -> memref<8192xf32, #tpu.memory_space<hbm>>
    %dma_start3A_71 = arith.constant 16384 : i32
    %dma_start3A_72 = tpu.memref_slice %arg4[%dma_start3A_71] : memref<32768xf32, #tpu.memory_space<vmem>> -> memref<8192xf32, #tpu.memory_space<vmem>>
    %dma_start3A_73 = tpu.memref_slice %arg2[%add3A_67] : memref<1048576xf32, #tpu.memory_space<hbm>> -> memref<8192xf32, #tpu.memory_space<hbm>>
    tpu.enqueue_dma source(%dma_start3A_73 : memref<8192xf32, #tpu.memory_space<hbm>>) target(%dma_start3A_72 : memref<8192xf32, #tpu.memory_space<vmem>>) target_semaphore(%arg17 : memref<!tpu.dma_semaphore, #tpu.memory_space<semaphore_mem>>)
    %mul3A_74 = arith.constant 4 : i32
    %mul3A_75 = arith.muli %add3A, %mul3A_74 : i32
    %mul3A_76 = arith.constant 65536 : i32
    %mul3A_77 = arith.muli %mul3A_75, %mul3A_76 : i32
    %add3A_78 = arith.constant 196608 : i32
    %add3A_79 = arith.addi %mul3A_77, %add3A_78 : i32
    %add3A_80 = arith.addi %add3A_79, %mul3A_32 : i32
    %dma_start3A_81 = arith.constant 24576 : i32
    %dma_start3A_82 = tpu.memref_slice %arg4[%dma_start3A_81] : memref<32768xf32, #tpu.memory_space<vmem>> -> memref<8192xf32, #tpu.memory_space<vmem>>
    %dma_start3A_83 = tpu.memref_slice %arg2[%add3A_80] : memref<1048576xf32, #tpu.memory_space<hbm>> -> memref<8192xf32, #tpu.memory_space<hbm>>
    %dma_start3A_84 = arith.constant 24576 : i32
    %dma_start3A_85 = tpu.memref_slice %arg4[%dma_start3A_84] : memref<32768xf32, #tpu.memory_space<vmem>> -> memref<8192xf32, #tpu.memory_space<vmem>>
    %dma_start3A_86 = tpu.memref_slice %arg2[%add3A_80] : memref<1048576xf32, #tpu.memory_space<hbm>> -> memref<8192xf32, #tpu.memory_space<hbm>>
    tpu.enqueue_dma source(%dma_start3A_86 : memref<8192xf32, #tpu.memory_space<hbm>>) target(%dma_start3A_85 : memref<8192xf32, #tpu.memory_space<vmem>>) target_semaphore(%arg17 : memref<!tpu.dma_semaphore, #tpu.memory_space<semaphore_mem>>)
    %scan3A = arith.constant 0 : i32
    %scan3A_87 = arith.constant 0 : i32
    %scan3A_88 = arith.constant 260 : i32
    %scan3A_89 = arith.addi %scan3A_87, %scan3A_88 : i32
    %scan3A_90 = arith.constant 1 : i32
    %scan3A_91 = scf.for %scan3A_384 = %scan3A_87 to %scan3A_89 step %scan3A_90 iter_args(%scan3A_385 = %scan3A) -> (i32)  : i32 {
      %mul3A_386 = arith.constant 128 : i32
      %mul3A_387 = arith.muli %scan3A_384, %mul3A_386 : i32
      %add3A_388 = arith.constant 0 : i32
      %add3A_389 = arith.addi %mul3A_387, %add3A_388 : i32
      %swap3A_390 = arith.index_cast %add3A_389 : i32 to index
      %swap3A_391 = tpu.vector_load %arg5[%swap3A_390] {strides = array<i32>} : memref<33280xf32, #tpu.memory_space<vmem>>, vector<16xf32>,
      tpu.vector_store %arg5[%swap3A_390], %broadcast_in_dim3A_33 {strides = array<i32>} : memref<33280xf32, #tpu.memory_space<vmem>>, vector<16xf32>,
      %mul3A_392 = arith.constant 128 : i32
      %mul3A_393 = arith.muli %scan3A_384, %mul3A_392 : i32
      %add3A_394 = arith.constant 16 : i32
      %add3A_395 = arith.addi %mul3A_393, %add3A_394 : i32
      %swap3A_396 = arith.index_cast %add3A_395 : i32 to index
      %swap3A_397 = tpu.vector_load %arg5[%swap3A_396] {strides = array<i32>} : memref<33280xf32, #tpu.memory_space<vmem>>, vector<16xf32>,
      tpu.vector_store %arg5[%swap3A_396], %broadcast_in_dim3A_33 {strides = array<i32>} : memref<33280xf32, #tpu.memory_space<vmem>>, vector<16xf32>,
      %mul3A_398 = arith.constant 128 : i32
      %mul3A_399 = arith.muli %scan3A_384, %mul3A_398 : i32
      %add3A_400 = arith.constant 32 : i32
      %add3A_401 = arith.addi %mul3A_399, %add3A_400 : i32
      %swap3A_402 = arith.index_cast %add3A_401 : i32 to index
      %swap3A_403 = tpu.vector_load %arg5[%swap3A_402] {strides = array<i32>} : memref<33280xf32, #tpu.memory_space<vmem>>, vector<16xf32>,
      tpu.vector_store %arg5[%swap3A_402], %broadcast_in_dim3A_33 {strides = array<i32>} : memref<33280xf32, #tpu.memory_space<vmem>>, vector<16xf32>,
      %mul3A_404 = arith.constant 128 : i32
      %mul3A_405 = arith.muli %scan3A_384, %mul3A_404 : i32
      %add3A_406 = arith.constant 48 : i32
      %add3A_407 = arith.addi %mul3A_405, %add3A_406 : i32
      %swap3A_408 = arith.index_cast %add3A_407 : i32 to index
      %swap3A_409 = tpu.vector_load %arg5[%swap3A_408] {strides = array<i32>} : memref<33280xf32, #tpu.memory_space<vmem>>, vector<16xf32>,
      tpu.vector_store %arg5[%swap3A_408], %broadcast_in_dim3A_33 {strides = array<i32>} : memref<33280xf32, #tpu.memory_space<vmem>>, vector<16xf32>,
      %mul3A_410 = arith.constant 128 : i32
      %mul3A_411 = arith.muli %scan3A_384, %mul3A_410 : i32
      %add3A_412 = arith.constant 64 : i32
      %add3A_413 = arith.addi %mul3A_411, %add3A_412 : i32
      %swap3A_414 = arith.index_cast %add3A_413 : i32 to index
      %swap3A_415 = tpu.vector_load %arg5[%swap3A_414] {strides = array<i32>} : memref<33280xf32, #tpu.memory_space<vmem>>, vector<16xf32>,
      tpu.vector_store %arg5[%swap3A_414], %broadcast_in_dim3A_33 {strides = array<i32>} : memref<33280xf32, #tpu.memory_space<vmem>>, vector<16xf32>,
      %mul3A_416 = arith.constant 128 : i32
      %mul3A_417 = arith.muli %scan3A_384, %mul3A_416 : i32
      %add3A_418 = arith.constant 80 : i32
      %add3A_419 = arith.addi %mul3A_417, %add3A_418 : i32
      %swap3A_420 = arith.index_cast %add3A_419 : i32 to index
      %swap3A_421 = tpu.vector_load %arg5[%swap3A_420] {strides = array<i32>} : memref<33280xf32, #tpu.memory_space<vmem>>, vector<16xf32>,
      tpu.vector_store %arg5[%swap3A_420], %broadcast_in_dim3A_33 {strides = array<i32>} : memref<33280xf32, #tpu.memory_space<vmem>>, vector<16xf32>,
      %mul3A_422 = arith.constant 128 : i32
      %mul3A_423 = arith.muli %scan3A_384, %mul3A_422 : i32
      %add3A_424 = arith.constant 96 : i32
      %add3A_425 = arith.addi %mul3A_423, %add3A_424 : i32
      %swap3A_426 = arith.index_cast %add3A_425 : i32 to index
      %swap3A_427 = tpu.vector_load %arg5[%swap3A_426] {strides = array<i32>} : memref<33280xf32, #tpu.memory_space<vmem>>, vector<16xf32>,
      tpu.vector_store %arg5[%swap3A_426], %broadcast_in_dim3A_33 {strides = array<i32>} : memref<33280xf32, #tpu.memory_space<vmem>>, vector<16xf32>,
      %mul3A_428 = arith.constant 128 : i32
      %mul3A_429 = arith.muli %scan3A_384, %mul3A_428 : i32
      %add3A_430 = arith.constant 112 : i32
      %add3A_431 = arith.addi %mul3A_429, %add3A_430 : i32
      %swap3A_432 = arith.index_cast %add3A_431 : i32 to index
      %swap3A_433 = tpu.vector_load %arg5[%swap3A_432] {strides = array<i32>} : memref<33280xf32, #tpu.memory_space<vmem>>, vector<16xf32>,
      tpu.vector_store %arg5[%swap3A_432], %broadcast_in_dim3A_33 {strides = array<i32>} : memref<33280xf32, #tpu.memory_space<vmem>>, vector<16xf32>,
      %scan3A_434 = arith.constant 0 : i32
      scf.yield %scan3A_434 : i32
    }
    %scan3A_92 = arith.constant 260 : i32
    %dma_wait3A = arith.constant 0 : i32
    %dma_wait3A_93 = tpu.memref_slice %arg4[%dma_wait3A] : memref<32768xf32, #tpu.memory_space<vmem>> -> memref<8192xf32, #tpu.memory_space<vmem>>
    %dma_wait3A_94 = tpu.memref_slice %arg2[%add3A_42] : memref<1048576xf32, #tpu.memory_space<hbm>> -> memref<8192xf32, #tpu.memory_space<hbm>>
    %dma_wait3A_95 = arith.constant 0 : i32
    %dma_wait3A_96 = tpu.memref_slice %arg4[%dma_wait3A_95] : memref<32768xf32, #tpu.memory_space<vmem>> -> memref<8192xf32, #tpu.memory_space<vmem>>
    %dma_wait3A_97 = tpu.memref_slice %arg2[%add3A_42] : memref<1048576xf32, #tpu.memory_space<hbm>> -> memref<8192xf32, #tpu.memory_space<hbm>>
    tpu.wait_dma2 semaphore(%arg17 : memref<!tpu.dma_semaphore, #tpu.memory_space<semaphore_mem>>) src(%dma_wait3A_97 : memref<8192xf32, #tpu.memory_space<hbm>>) dst(%dma_wait3A_96 : memref<8192xf32, #tpu.memory_space<vmem>>)
    %dma_wait3A_98 = arith.constant 8192 : i32
    %dma_wait3A_99 = tpu.memref_slice %arg4[%dma_wait3A_98] : memref<32768xf32, #tpu.memory_space<vmem>> -> memref<8192xf32, #tpu.memory_space<vmem>>
    %dma_wait3A_100 = tpu.memref_slice %arg2[%add3A_54] : memref<1048576xf32, #tpu.memory_space<hbm>> -> memref<8192xf32, #tpu.memory_space<hbm>>
    %dma_wait3A_101 = arith.constant 8192 : i32
    %dma_wait3A_102 = tpu.memref_slice %arg4[%dma_wait3A_101] : memref<32768xf32, #tpu.memory_space<vmem>> -> memref<8192xf32, #tpu.memory_space<vmem>>
    %dma_wait3A_103 = tpu.memref_slice %arg2[%add3A_54] : memref<1048576xf32, #tpu.memory_space<hbm>> -> memref<8192xf32, #tpu.memory_space<hbm>>
    tpu.wait_dma2 semaphore(%arg17 : memref<!tpu.dma_semaphore, #tpu.memory_space<semaphore_mem>>) src(%dma_wait3A_103 : memref<8192xf32, #tpu.memory_space<hbm>>) dst(%dma_wait3A_102 : memref<8192xf32, #tpu.memory_space<vmem>>)
    %dma_wait3A_104 = arith.constant 16384 : i32
    %dma_wait3A_105 = tpu.memref_slice %arg4[%dma_wait3A_104] : memref<32768xf32, #tpu.memory_space<vmem>> -> memref<8192xf32, #tpu.memory_space<vmem>>
    %dma_wait3A_106 = tpu.memref_slice %arg2[%add3A_67] : memref<1048576xf32, #tpu.memory_space<hbm>> -> memref<8192xf32, #tpu.memory_space<hbm>>
    %dma_wait3A_107 = arith.constant 16384 : i32
    %dma_wait3A_108 = tpu.memref_slice %arg4[%dma_wait3A_107] : memref<32768xf32, #tpu.memory_space<vmem>> -> memref<8192xf32, #tpu.memory_space<vmem>>
    %dma_wait3A_109 = tpu.memref_slice %arg2[%add3A_67] : memref<1048576xf32, #tpu.memory_space<hbm>> -> memref<8192xf32, #tpu.memory_space<hbm>>
    tpu.wait_dma2 semaphore(%arg17 : memref<!tpu.dma_semaphore, #tpu.memory_space<semaphore_mem>>) src(%dma_wait3A_109 : memref<8192xf32, #tpu.memory_space<hbm>>) dst(%dma_wait3A_108 : memref<8192xf32, #tpu.memory_space<vmem>>)
    %dma_wait3A_110 = arith.constant 24576 : i32
    %dma_wait3A_111 = tpu.memref_slice %arg4[%dma_wait3A_110] : memref<32768xf32, #tpu.memory_space<vmem>> -> memref<8192xf32, #tpu.memory_space<vmem>>
    %dma_wait3A_112 = tpu.memref_slice %arg2[%add3A_80] : memref<1048576xf32, #tpu.memory_space<hbm>> -> memref<8192xf32, #tpu.memory_space<hbm>>
    %dma_wait3A_113 = arith.constant 24576 : i32
    %dma_wait3A_114 = tpu.memref_slice %arg4[%dma_wait3A_113] : memref<32768xf32, #tpu.memory_space<vmem>> -> memref<8192xf32, #tpu.memory_space<vmem>>
    %dma_wait3A_115 = tpu.memref_slice %arg2[%add3A_80] : memref<1048576xf32, #tpu.memory_space<hbm>> -> memref<8192xf32, #tpu.memory_space<hbm>>
    tpu.wait_dma2 semaphore(%arg17 : memref<!tpu.dma_semaphore, #tpu.memory_space<semaphore_mem>>) src(%dma_wait3A_115 : memref<8192xf32, #tpu.memory_space<hbm>>) dst(%dma_wait3A_114 : memref<8192xf32, #tpu.memory_space<vmem>>)
    %scan3A_116 = arith.constant 0 : i32
    %scan3A_117 = arith.constant 0 : i32
    %scan3A_118 = arith.constant 256 : i32
    %scan3A_119 = arith.addi %scan3A_117, %scan3A_118 : i32
    %scan3A_120 = arith.constant 1 : i32
    %scan3A_121 = scf.for %scan3A_384 = %scan3A_117 to %scan3A_119 step %scan3A_120 iter_args(%scan3A_385 = %scan3A_116) -> (i32)  : i32 {
      %mul3A_386 = arith.constant 32 : i32
      %mul3A_387 = arith.muli %scan3A_384, %mul3A_386 : i32
      %add3A_388 = arith.constant 0 : i32
      %add3A_389 = arith.addi %mul3A_387, %add3A_388 : i32
      %get3A_390 = arith.index_cast %add3A_389 : i32 to index
      %get3A_391 = tpu.vector_load %arg4[%get3A_390] {strides = array<i32>} : memref<32768xf32, #tpu.memory_space<vmem>>, vector<16xf32>,
      %add3A_392 = arith.constant 8192 : i32
      %add3A_393 = arith.addi %add3A_392, %add3A_389 : i32
      %get3A_394 = arith.index_cast %add3A_393 : i32 to index
      %get3A_395 = tpu.vector_load %arg4[%get3A_394] {strides = array<i32>} : memref<32768xf32, #tpu.memory_space<vmem>>, vector<16xf32>,
      %add3A_396 = arith.constant 16384 : i32
      %add3A_397 = arith.addi %add3A_396, %add3A_389 : i32
      %get3A_398 = arith.index_cast %add3A_397 : i32 to index
      %get3A_399 = tpu.vector_load %arg4[%get3A_398] {strides = array<i32>} : memref<32768xf32, #tpu.memory_space<vmem>>, vector<16xf32>,
      %add3A_400 = arith.constant 24576 : i32
      %add3A_401 = arith.addi %add3A_400, %add3A_389 : i32
      %get3A_402 = arith.index_cast %add3A_401 : i32 to index
      %get3A_403 = tpu.vector_load %arg4[%get3A_402] {strides = array<i32>} : memref<32768xf32, #tpu.memory_space<vmem>>, vector<16xf32>,
      %ge3A = arith.constant -4.000000e+00 : f32
      %ge3A_404 = vector.broadcast %ge3A : f32 to vector<16xf32>
      %ge3A_405 = arith.cmpf oge, %get3A_391, %ge3A_404 : vector<16xf32>
      %le3A = arith.constant 4.000000e+00 : f32
      %le3A_406 = vector.broadcast %le3A : f32 to vector<16xf32>
      %le3A_407 = arith.cmpf ole, %get3A_391, %le3A_406 : vector<16xf32>
      %and3A_408 = arith.andi %ge3A_405, %le3A_407 : vector<16xi1>
      %ge3A_409 = arith.constant -4.000000e+00 : f32
      %ge3A_410 = vector.broadcast %ge3A_409 : f32 to vector<16xf32>
      %ge3A_411 = arith.cmpf oge, %get3A_395, %ge3A_410 : vector<16xf32>
      %and3A_412 = arith.andi %and3A_408, %ge3A_411 : vector<16xi1>
      %le3A_413 = arith.constant 4.000000e+00 : f32
      %le3A_414 = vector.broadcast %le3A_413 : f32 to vector<16xf32>
      %le3A_415 = arith.cmpf ole, %get3A_395, %le3A_414 : vector<16xf32>
      %and3A_416 = arith.andi %and3A_412, %le3A_415 : vector<16xi1>
      %ge3A_417 = arith.constant -4.000000e+00 : f32
      %ge3A_418 = vector.broadcast %ge3A_417 : f32 to vector<16xf32>
      %ge3A_419 = arith.cmpf oge, %get3A_399, %ge3A_418 : vector<16xf32>
      %and3A_420 = arith.andi %and3A_416, %ge3A_419 : vector<16xi1>
      %le3A_421 = arith.constant 4.000000e+00 : f32
      %le3A_422 = vector.broadcast %le3A_421 : f32 to vector<16xf32>
      %le3A_423 = arith.cmpf ole, %get3A_399, %le3A_422 : vector<16xf32>
      %and3A_424 = arith.andi %and3A_420, %le3A_423 : vector<16xi1>
      %sub3A_425 = arith.constant -4.000000e+00 : f32
      %sub3A_426 = vector.broadcast %sub3A_425 : f32 to vector<16xf32>
      %sub3A_427 = arith.subf %get3A_391, %sub3A_426 : vector<16xf32>
      %div3A_428 = arith.constant 1.000000e-01 : f32
      %div3A_429 = vector.broadcast %div3A_428 : f32 to vector<16xf32>
      %div3A_430 = arith.divf %sub3A_427, %div3A_429 : vector<16xf32>
      %convert_element_type3A_431 = arith.fptosi %div3A_430 : vector<16xf32> to vector<16xi32>
      %jit3A_432 = arith.constant 0 : i32
      %jit3A_433 = arith.constant 80 : i32
      %max3A = vector.broadcast %jit3A_432 : i32 to vector<16xi32>
      %max3A_434 = arith.maxsi %max3A, %convert_element_type3A_431 : vector<16xi32>
      %min3A = vector.broadcast %jit3A_433 : i32 to vector<16xi32>
      %min3A_435 = arith.minsi %min3A, %max3A_434 : vector<16xi32>
      %sub3A_436 = arith.constant -4.000000e+00 : f32
      %sub3A_437 = vector.broadcast %sub3A_436 : f32 to vector<16xf32>
      %sub3A_438 = arith.subf %get3A_395, %sub3A_437 : vector<16xf32>
      %div3A_439 = arith.constant 1.000000e-01 : f32
      %div3A_440 = vector.broadcast %div3A_439 : f32 to vector<16xf32>
      %div3A_441 = arith.divf %sub3A_438, %div3A_440 : vector<16xf32>
      %convert_element_type3A_442 = arith.fptosi %div3A_441 : vector<16xf32> to vector<16xi32>
      %jit3A_443 = arith.constant 0 : i32
      %jit3A_444 = arith.constant 80 : i32
      %max3A_445 = vector.broadcast %jit3A_443 : i32 to vector<16xi32>
      %max3A_446 = arith.maxsi %max3A_445, %convert_element_type3A_442 : vector<16xi32>
      %min3A_447 = vector.broadcast %jit3A_444 : i32 to vector<16xi32>
      %min3A_448 = arith.minsi %min3A_447, %max3A_446 : vector<16xi32>
      %mul3A_449 = arith.constant 81 : i32
      %mul3A_450 = vector.broadcast %mul3A_449 : i32 to vector<16xi32>
      %mul3A_451 = arith.muli %min3A_435, %mul3A_450 : vector<16xi32>
      %add3A_452 = arith.addi %mul3A_451, %min3A_448 : vector<16xi32>
      tpu.vector_store_idx %arg5[%add3A_452], %broadcast_in_dim3A_35 masked %and3A_424 {add = true} : memref<33280xf32, #tpu.memory_space<vmem>>[vector<16xi32>], vector<16xf32>, vector<16xi1>
      %add3A_453 = arith.constant 6656 : i32
      %add3A_454 = vector.broadcast %add3A_453 : i32 to vector<16xi32>
      %add3A_455 = arith.addi %add3A_452, %add3A_454 : vector<16xi32>
      tpu.vector_store_idx %arg5[%add3A_455], %get3A_391 masked %and3A_424 {add = true} : memref<33280xf32, #tpu.memory_space<vmem>>[vector<16xi32>], vector<16xf32>, vector<16xi1>
      %add3A_456 = arith.constant 13312 : i32
      %add3A_457 = vector.broadcast %add3A_456 : i32 to vector<16xi32>
      %add3A_458 = arith.addi %add3A_452, %add3A_457 : vector<16xi32>
      tpu.vector_store_idx %arg5[%add3A_458], %get3A_395 masked %and3A_424 {add = true} : memref<33280xf32, #tpu.memory_space<vmem>>[vector<16xi32>], vector<16xf32>, vector<16xi1>
      %add3A_459 = arith.constant 19968 : i32
      %add3A_460 = vector.broadcast %add3A_459 : i32 to vector<16xi32>
      %add3A_461 = arith.addi %add3A_452, %add3A_460 : vector<16xi32>
      tpu.vector_store_idx %arg5[%add3A_461], %get3A_399 masked %and3A_424 {add = true} : memref<33280xf32, #tpu.memory_space<vmem>>[vector<16xi32>], vector<16xf32>, vector<16xi1>
      %add3A_462 = arith.constant 26624 : i32
      %add3A_463 = vector.broadcast %add3A_462 : i32 to vector<16xi32>
      %add3A_464 = arith.addi %add3A_452, %add3A_463 : vector<16xi32>
      tpu.vector_store_idx %arg5[%add3A_464], %get3A_403 masked %and3A_424 {add = true} : memref<33280xf32, #tpu.memory_space<vmem>>[vector<16xi32>], vector<16xf32>, vector<16xi1>
      %mul3A_465 = arith.constant 32 : i32
      %mul3A_466 = arith.muli %scan3A_384, %mul3A_465 : i32
      %add3A_467 = arith.constant 16 : i32
      %add3A_468 = arith.addi %mul3A_466, %add3A_467 : i32
      %get3A_469 = arith.index_cast %add3A_468 : i32 to index
      %get3A_470 = tpu.vector_load %arg4[%get3A_469] {strides = array<i32>} : memref<32768xf32, #tpu.memory_space<vmem>>, vector<16xf32>,
      %add3A_471 = arith.constant 8192 : i32
      %add3A_472 = arith.addi %add3A_471, %add3A_468 : i32
      %get3A_473 = arith.index_cast %add3A_472 : i32 to index
      %get3A_474 = tpu.vector_load %arg4[%get3A_473] {strides = array<i32>} : memref<32768xf32, #tpu.memory_space<vmem>>, vector<16xf32>,
      %add3A_475 = arith.constant 16384 : i32
      %add3A_476 = arith.addi %add3A_475, %add3A_468 : i32
      %get3A_477 = arith.index_cast %add3A_476 : i32 to index
      %get3A_478 = tpu.vector_load %arg4[%get3A_477] {strides = array<i32>} : memref<32768xf32, #tpu.memory_space<vmem>>, vector<16xf32>,
      %add3A_479 = arith.constant 24576 : i32
      %add3A_480 = arith.addi %add3A_479, %add3A_468 : i32
      %get3A_481 = arith.index_cast %add3A_480 : i32 to index
      %get3A_482 = tpu.vector_load %arg4[%get3A_481] {strides = array<i32>} : memref<32768xf32, #tpu.memory_space<vmem>>, vector<16xf32>,
      %ge3A_483 = arith.constant -4.000000e+00 : f32
      %ge3A_484 = vector.broadcast %ge3A_483 : f32 to vector<16xf32>
      %ge3A_485 = arith.cmpf oge, %get3A_470, %ge3A_484 : vector<16xf32>
      %le3A_486 = arith.constant 4.000000e+00 : f32
      %le3A_487 = vector.broadcast %le3A_486 : f32 to vector<16xf32>
      %le3A_488 = arith.cmpf ole, %get3A_470, %le3A_487 : vector<16xf32>
      %and3A_489 = arith.andi %ge3A_485, %le3A_488 : vector<16xi1>
      %ge3A_490 = arith.constant -4.000000e+00 : f32
      %ge3A_491 = vector.broadcast %ge3A_490 : f32 to vector<16xf32>
      %ge3A_492 = arith.cmpf oge, %get3A_474, %ge3A_491 : vector<16xf32>
      %and3A_493 = arith.andi %and3A_489, %ge3A_492 : vector<16xi1>
      %le3A_494 = arith.constant 4.000000e+00 : f32
      %le3A_495 = vector.broadcast %le3A_494 : f32 to vector<16xf32>
      %le3A_496 = arith.cmpf ole, %get3A_474, %le3A_495 : vector<16xf32>
      %and3A_497 = arith.andi %and3A_493, %le3A_496 : vector<16xi1>
      %ge3A_498 = arith.constant -4.000000e+00 : f32
      %ge3A_499 = vector.broadcast %ge3A_498 : f32 to vector<16xf32>
      %ge3A_500 = arith.cmpf oge, %get3A_478, %ge3A_499 : vector<16xf32>
      %and3A_501 = arith.andi %and3A_497, %ge3A_500 : vector<16xi1>
      %le3A_502 = arith.constant 4.000000e+00 : f32
      %le3A_503 = vector.broadcast %le3A_502 : f32 to vector<16xf32>
      %le3A_504 = arith.cmpf ole, %get3A_478, %le3A_503 : vector<16xf32>
      %and3A_505 = arith.andi %and3A_501, %le3A_504 : vector<16xi1>
      %sub3A_506 = arith.constant -4.000000e+00 : f32
      %sub3A_507 = vector.broadcast %sub3A_506 : f32 to vector<16xf32>
      %sub3A_508 = arith.subf %get3A_470, %sub3A_507 : vector<16xf32>
      %div3A_509 = arith.constant 1.000000e-01 : f32
      %div3A_510 = vector.broadcast %div3A_509 : f32 to vector<16xf32>
      %div3A_511 = arith.divf %sub3A_508, %div3A_510 : vector<16xf32>
      %convert_element_type3A_512 = arith.fptosi %div3A_511 : vector<16xf32> to vector<16xi32>
      %jit3A_513 = arith.constant 0 : i32
      %jit3A_514 = arith.constant 80 : i32
      %max3A_515 = vector.broadcast %jit3A_513 : i32 to vector<16xi32>
      %max3A_516 = arith.maxsi %max3A_515, %convert_element_type3A_512 : vector<16xi32>
      %min3A_517 = vector.broadcast %jit3A_514 : i32 to vector<16xi32>
      %min3A_518 = arith.minsi %min3A_517, %max3A_516 : vector<16xi32>
      %sub3A_519 = arith.constant -4.000000e+00 : f32
      %sub3A_520 = vector.broadcast %sub3A_519 : f32 to vector<16xf32>
      %sub3A_521 = arith.subf %get3A_474, %sub3A_520 : vector<16xf32>
      %div3A_522 = arith.constant 1.000000e-01 : f32
      %div3A_523 = vector.broadcast %div3A_522 : f32 to vector<16xf32>
      %div3A_524 = arith.divf %sub3A_521, %div3A_523 : vector<16xf32>
      %convert_element_type3A_525 = arith.fptosi %div3A_524 : vector<16xf32> to vector<16xi32>
      %jit3A_526 = arith.constant 0 : i32
      %jit3A_527 = arith.constant 80 : i32
      %max3A_528 = vector.broadcast %jit3A_526 : i32 to vector<16xi32>
      %max3A_529 = arith.maxsi %max3A_528, %convert_element_type3A_525 : vector<16xi32>
      %min3A_530 = vector.broadcast %jit3A_527 : i32 to vector<16xi32>
      %min3A_531 = arith.minsi %min3A_530, %max3A_529 : vector<16xi32>
      %mul3A_532 = arith.constant 81 : i32
      %mul3A_533 = vector.broadcast %mul3A_532 : i32 to vector<16xi32>
      %mul3A_534 = arith.muli %min3A_518, %mul3A_533 : vector<16xi32>
      %add3A_535 = arith.addi %mul3A_534, %min3A_531 : vector<16xi32>
      tpu.vector_store_idx %arg5[%add3A_535], %broadcast_in_dim3A_35 masked %and3A_505 {add = true} : memref<33280xf32, #tpu.memory_space<vmem>>[vector<16xi32>], vector<16xf32>, vector<16xi1>
      %add3A_536 = arith.constant 6656 : i32
      %add3A_537 = vector.broadcast %add3A_536 : i32 to vector<16xi32>
      %add3A_538 = arith.addi %add3A_535, %add3A_537 : vector<16xi32>
      tpu.vector_store_idx %arg5[%add3A_538], %get3A_470 masked %and3A_505 {add = true} : memref<33280xf32, #tpu.memory_space<vmem>>[vector<16xi32>], vector<16xf32>, vector<16xi1>
      %add3A_539 = arith.constant 13312 : i32
      %add3A_540 = vector.broadcast %add3A_539 : i32 to vector<16xi32>
      %add3A_541 = arith.addi %add3A_535, %add3A_540 : vector<16xi32>
      tpu.vector_store_idx %arg5[%add3A_541], %get3A_474 masked %and3A_505 {add = true} : memref<33280xf32, #tpu.memory_space<vmem>>[vector<16xi32>], vector<16xf32>, vector<16xi1>
      %add3A_542 = arith.constant 19968 : i32
      %add3A_543 = vector.broadcast %add3A_542 : i32 to vector<16xi32>
      %add3A_544 = arith.addi %add3A_535, %add3A_543 : vector<16xi32>
      tpu.vector_store_idx %arg5[%add3A_544], %get3A_478 masked %and3A_505 {add = true} : memref<33280xf32, #tpu.memory_space<vmem>>[vector<16xi32>], vector<16xf32>, vector<16xi1>
      %add3A_545 = arith.constant 26624 : i32
      %add3A_546 = vector.broadcast %add3A_545 : i32 to vector<16xi32>
      %add3A_547 = arith.addi %add3A_535, %add3A_546 : vector<16xi32>
      tpu.vector_store_idx %arg5[%add3A_547], %get3A_482 masked %and3A_505 {add = true} : memref<33280xf32, #tpu.memory_space<vmem>>[vector<16xi32>], vector<16xf32>, vector<16xi1>
      %scan3A_548 = arith.constant 0 : i32
      scf.yield %scan3A_548 : i32
    }
    %scan3A_122 = arith.constant 256 : i32
    %mul3A_123 = arith.constant 2080 : i32
    %mul3A_124 = arith.muli %select_n3A_30, %mul3A_123 : i32
    %mul3A_125 = arith.constant 8 : i32
    %mul3A_126 = arith.muli %select_n3A, %mul3A_125 : i32
    %mul3A_127 = arith.constant 16640 : i32
    %mul3A_128 = arith.muli %mul3A_126, %mul3A_127 : i32
    %mul3A_129 = arith.constant 16640 : i32
    %mul3A_130 = arith.muli %arg1, %mul3A_129 : i32
    "tpu.region"() ({
      %run_scoped3A = tpu.sem_alloc : memref<!tpu.dma_semaphore, #tpu.memory_space<semaphore_mem>>
      %dma_start3A_384 = arith.constant 0 : i32
      %dma_start3A_385 = tpu.memref_slice %arg5[%dma_start3A_384] : memref<33280xf32, #tpu.memory_space<vmem>> -> memref<16640xf32, #tpu.memory_space<vmem>>
      %dma_start3A_386 = tpu.memref_slice %arg18[%mul3A_130] : memref<266240xf32, #tpu.memory_space<vmem_shared>> -> memref<16640xf32, #tpu.memory_space<vmem_shared>>
      %dma_start3A_387 = tpu.memref_slice %arg18[%mul3A_130] : memref<266240xf32, #tpu.memory_space<vmem_shared>> -> memref<16640xf32, #tpu.memory_space<vmem_shared>>
      %dma_start3A_388 = arith.constant 0 : i32
      %dma_start3A_389 = tpu.memref_slice %arg5[%dma_start3A_388] : memref<33280xf32, #tpu.memory_space<vmem>> -> memref<16640xf32, #tpu.memory_space<vmem>>
      tpu.enqueue_dma source(%dma_start3A_389 : memref<16640xf32, #tpu.memory_space<vmem>>) target(%dma_start3A_387 : memref<16640xf32, #tpu.memory_space<vmem_shared>>) target_semaphore(%run_scoped3A : memref<!tpu.dma_semaphore, #tpu.memory_space<semaphore_mem>>)
      %dma_wait3A_390 = arith.constant 0 : i32
      %dma_wait3A_391 = tpu.memref_slice %arg5[%dma_wait3A_390] : memref<33280xf32, #tpu.memory_space<vmem>> -> memref<16640xf32, #tpu.memory_space<vmem>>
      %dma_wait3A_392 = tpu.memref_slice %arg18[%mul3A_130] : memref<266240xf32, #tpu.memory_space<vmem_shared>> -> memref<16640xf32, #tpu.memory_space<vmem_shared>>
      %dma_wait3A_393 = tpu.memref_slice %arg18[%mul3A_130] : memref<266240xf32, #tpu.memory_space<vmem_shared>> -> memref<16640xf32, #tpu.memory_space<vmem_shared>>
      %dma_wait3A_394 = arith.constant 0 : i32
      %dma_wait3A_395 = tpu.memref_slice %arg5[%dma_wait3A_394] : memref<33280xf32, #tpu.memory_space<vmem>> -> memref<16640xf32, #tpu.memory_space<vmem>>
      tpu.wait_dma2 semaphore(%run_scoped3A : memref<!tpu.dma_semaphore, #tpu.memory_space<semaphore_mem>>) src(%dma_wait3A_395 : memref<16640xf32, #tpu.memory_space<vmem>>) dst(%dma_wait3A_393 : memref<16640xf32, #tpu.memory_space<vmem_shared>>)
      tpu.yield
    }) : () -> ()
    %barrier3A = arith.constant 0 : index
    tpu.barrier barrier_id(%barrier3A)
    %add3A_131 = arith.addi %mul3A_128, %mul3A_124 : i32
    "tpu.region"() ({
      %run_scoped3A = tpu.sem_alloc : memref<!tpu.dma_semaphore, #tpu.memory_space<semaphore_mem>>
      %dma_start3A_384 = tpu.memref_slice %arg18[%add3A_131] : memref<266240xf32, #tpu.memory_space<vmem_shared>> -> memref<2080xf32, #tpu.memory_space<vmem_shared>>
      %dma_start3A_385 = tpu.memref_slice %arg18[%add3A_131] : memref<266240xf32, #tpu.memory_space<vmem_shared>> -> memref<2080xf32, #tpu.memory_space<vmem_shared>>
      tpu.enqueue_dma source(%dma_start3A_385 : memref<2080xf32, #tpu.memory_space<vmem_shared>>) target(%arg7 : memref<2080xf32, #tpu.memory_space<vmem>>) target_semaphore(%run_scoped3A : memref<!tpu.dma_semaphore, #tpu.memory_space<semaphore_mem>>)
      %dma_wait3A_386 = tpu.memref_slice %arg18[%add3A_131] : memref<266240xf32, #tpu.memory_space<vmem_shared>> -> memref<2080xf32, #tpu.memory_space<vmem_shared>>
      %dma_wait3A_387 = tpu.memref_slice %arg18[%add3A_131] : memref<266240xf32, #tpu.memory_space<vmem_shared>> -> memref<2080xf32, #tpu.memory_space<vmem_shared>>
      tpu.wait_dma2 semaphore(%run_scoped3A : memref<!tpu.dma_semaphore, #tpu.memory_space<semaphore_mem>>) src(%dma_wait3A_387 : memref<2080xf32, #tpu.memory_space<vmem_shared>>) dst(%arg7 : memref<2080xf32, #tpu.memory_space<vmem>>)
      tpu.yield
    }) : () -> ()
    %add3A_132 = arith.constant 16640 : i32
    %add3A_133 = arith.addi %mul3A_128, %add3A_132 : i32
    %add3A_134 = arith.addi %add3A_133, %mul3A_124 : i32
    "tpu.region"() ({
      %run_scoped3A = tpu.sem_alloc : memref<!tpu.dma_semaphore, #tpu.memory_space<semaphore_mem>>
      %dma_start3A_384 = tpu.memref_slice %arg18[%add3A_134] : memref<266240xf32, #tpu.memory_space<vmem_shared>> -> memref<2080xf32, #tpu.memory_space<vmem_shared>>
      %dma_start3A_385 = tpu.memref_slice %arg18[%add3A_134] : memref<266240xf32, #tpu.memory_space<vmem_shared>> -> memref<2080xf32, #tpu.memory_space<vmem_shared>>
      tpu.enqueue_dma source(%dma_start3A_385 : memref<2080xf32, #tpu.memory_space<vmem_shared>>) target(%arg6 : memref<2080xf32, #tpu.memory_space<vmem>>) target_semaphore(%run_scoped3A : memref<!tpu.dma_semaphore, #tpu.memory_space<semaphore_mem>>)
      %dma_wait3A_386 = tpu.memref_slice %arg18[%add3A_134] : memref<266240xf32, #tpu.memory_space<vmem_shared>> -> memref<2080xf32, #tpu.memory_space<vmem_shared>>
      %dma_wait3A_387 = tpu.memref_slice %arg18[%add3A_134] : memref<266240xf32, #tpu.memory_space<vmem_shared>> -> memref<2080xf32, #tpu.memory_space<vmem_shared>>
      tpu.wait_dma2 semaphore(%run_scoped3A : memref<!tpu.dma_semaphore, #tpu.memory_space<semaphore_mem>>) src(%dma_wait3A_387 : memref<2080xf32, #tpu.memory_space<vmem_shared>>) dst(%arg6 : memref<2080xf32, #tpu.memory_space<vmem>>)
      tpu.yield
    }) : () -> ()
    %scan3A_135 = arith.constant 0 : i32
    %scan3A_136 = arith.constant 0 : i32
    %scan3A_137 = arith.constant 26 : i32
    %scan3A_138 = arith.addi %scan3A_136, %scan3A_137 : i32
    %scan3A_139 = arith.constant 1 : i32
    %scan3A_140 = scf.for %scan3A_384 = %scan3A_136 to %scan3A_138 step %scan3A_139 iter_args(%scan3A_385 = %scan3A_135) -> (i32)  : i32 {
      %mul3A_386 = arith.constant 80 : i32
      %mul3A_387 = arith.muli %scan3A_384, %mul3A_386 : i32
      %add3A_388 = arith.constant 0 : i32
      %add3A_389 = arith.addi %mul3A_387, %add3A_388 : i32
      %get3A_390 = arith.index_cast %add3A_389 : i32 to index
      %get3A_391 = tpu.vector_load %arg7[%get3A_390] {strides = array<i32>} : memref<2080xf32, #tpu.memory_space<vmem>>, vector<16xf32>,
      %get3A_392 = arith.index_cast %add3A_389 : i32 to index
      %get3A_393 = tpu.vector_load %arg6[%get3A_392] {strides = array<i32>} : memref<2080xf32, #tpu.memory_space<vmem>>, vector<16xf32>,
      %add3A_394 = arith.addf %get3A_391, %get3A_393 : vector<16xf32>
      %swap3A_395 = arith.index_cast %add3A_389 : i32 to index
      %swap3A_396 = tpu.vector_load %arg7[%swap3A_395] {strides = array<i32>} : memref<2080xf32, #tpu.memory_space<vmem>>, vector<16xf32>,
      tpu.vector_store %arg7[%swap3A_395], %add3A_394 {strides = array<i32>} : memref<2080xf32, #tpu.memory_space<vmem>>, vector<16xf32>,
      %mul3A_397 = arith.constant 80 : i32
      %mul3A_398 = arith.muli %scan3A_384, %mul3A_397 : i32
      %add3A_399 = arith.constant 16 : i32
      %add3A_400 = arith.addi %mul3A_398, %add3A_399 : i32
      %get3A_401 = arith.index_cast %add3A_400 : i32 to index
      %get3A_402 = tpu.vector_load %arg7[%get3A_401] {strides = array<i32>} : memref<2080xf32, #tpu.memory_space<vmem>>, vector<16xf32>,
      %get3A_403 = arith.index_cast %add3A_400 : i32 to index
      %get3A_404 = tpu.vector_load %arg6[%get3A_403] {strides = array<i32>} : memref<2080xf32, #tpu.memory_space<vmem>>, vector<16xf32>,
      %add3A_405 = arith.addf %get3A_402, %get3A_404 : vector<16xf32>
      %swap3A_406 = arith.index_cast %add3A_400 : i32 to index
      %swap3A_407 = tpu.vector_load %arg7[%swap3A_406] {strides = array<i32>} : memref<2080xf32, #tpu.memory_space<vmem>>, vector<16xf32>,
      tpu.vector_store %arg7[%swap3A_406], %add3A_405 {strides = array<i32>} : memref<2080xf32, #tpu.memory_space<vmem>>, vector<16xf32>,
      %mul3A_408 = arith.constant 80 : i32
      %mul3A_409 = arith.muli %scan3A_384, %mul3A_408 : i32
      %add3A_410 = arith.constant 32 : i32
      %add3A_411 = arith.addi %mul3A_409, %add3A_410 : i32
      %get3A_412 = arith.index_cast %add3A_411 : i32 to index
      %get3A_413 = tpu.vector_load %arg7[%get3A_412] {strides = array<i32>} : memref<2080xf32, #tpu.memory_space<vmem>>, vector<16xf32>,
      %get3A_414 = arith.index_cast %add3A_411 : i32 to index
      %get3A_415 = tpu.vector_load %arg6[%get3A_414] {strides = array<i32>} : memref<2080xf32, #tpu.memory_space<vmem>>, vector<16xf32>,
      %add3A_416 = arith.addf %get3A_413, %get3A_415 : vector<16xf32>
      %swap3A_417 = arith.index_cast %add3A_411 : i32 to index
      %swap3A_418 = tpu.vector_load %arg7[%swap3A_417] {strides = array<i32>} : memref<2080xf32, #tpu.memory_space<vmem>>, vector<16xf32>,
      tpu.vector_store %arg7[%swap3A_417], %add3A_416 {strides = array<i32>} : memref<2080xf32, #tpu.memory_space<vmem>>, vector<16xf32>,
      %mul3A_419 = arith.constant 80 : i32
      %mul3A_420 = arith.muli %scan3A_384, %mul3A_419 : i32
      %add3A_421 = arith.constant 48 : i32
      %add3A_422 = arith.addi %mul3A_420, %add3A_421 : i32
      %get3A_423 = arith.index_cast %add3A_422 : i32 to index
      %get3A_424 = tpu.vector_load %arg7[%get3A_423] {strides = array<i32>} : memref<2080xf32, #tpu.memory_space<vmem>>, vector<16xf32>,
      %get3A_425 = arith.index_cast %add3A_422 : i32 to index
      %get3A_426 = tpu.vector_load %arg6[%get3A_425] {strides = array<i32>} : memref<2080xf32, #tpu.memory_space<vmem>>, vector<16xf32>,
      %add3A_427 = arith.addf %get3A_424, %get3A_426 : vector<16xf32>
      %swap3A_428 = arith.index_cast %add3A_422 : i32 to index
      %swap3A_429 = tpu.vector_load %arg7[%swap3A_428] {strides = array<i32>} : memref<2080xf32, #tpu.memory_space<vmem>>, vector<16xf32>,
      tpu.vector_store %arg7[%swap3A_428], %add3A_427 {strides = array<i32>} : memref<2080xf32, #tpu.memory_space<vmem>>, vector<16xf32>,
      %mul3A_430 = arith.constant 80 : i32
      %mul3A_431 = arith.muli %scan3A_384, %mul3A_430 : i32
      %add3A_432 = arith.constant 64 : i32
      %add3A_433 = arith.addi %mul3A_431, %add3A_432 : i32
      %get3A_434 = arith.index_cast %add3A_433 : i32 to index
      %get3A_435 = tpu.vector_load %arg7[%get3A_434] {strides = array<i32>} : memref<2080xf32, #tpu.memory_space<vmem>>, vector<16xf32>,
      %get3A_436 = arith.index_cast %add3A_433 : i32 to index
      %get3A_437 = tpu.vector_load %arg6[%get3A_436] {strides = array<i32>} : memref<2080xf32, #tpu.memory_space<vmem>>, vector<16xf32>,
      %add3A_438 = arith.addf %get3A_435, %get3A_437 : vector<16xf32>
      %swap3A_439 = arith.index_cast %add3A_433 : i32 to index
      %swap3A_440 = tpu.vector_load %arg7[%swap3A_439] {strides = array<i32>} : memref<2080xf32, #tpu.memory_space<vmem>>, vector<16xf32>,
      tpu.vector_store %arg7[%swap3A_439], %add3A_438 {strides = array<i32>} : memref<2080xf32, #tpu.memory_space<vmem>>, vector<16xf32>,
      %scan3A_441 = arith.constant 0 : i32
      scf.yield %scan3A_441 : i32
    }
    %scan3A_141 = arith.constant 26 : i32
    %add3A_142 = arith.constant 33280 : i32
    %add3A_143 = arith.addi %mul3A_128, %add3A_142 : i32
    %add3A_144 = arith.addi %add3A_143, %mul3A_124 : i32
    "tpu.region"() ({
      %run_scoped3A = tpu.sem_alloc : memref<!tpu.dma_semaphore, #tpu.memory_space<semaphore_mem>>
      %dma_start3A_384 = tpu.memref_slice %arg18[%add3A_144] : memref<266240xf32, #tpu.memory_space<vmem_shared>> -> memref<2080xf32, #tpu.memory_space<vmem_shared>>
      %dma_start3A_385 = tpu.memref_slice %arg18[%add3A_144] : memref<266240xf32, #tpu.memory_space<vmem_shared>> -> memref<2080xf32, #tpu.memory_space<vmem_shared>>
      tpu.enqueue_dma source(%dma_start3A_385 : memref<2080xf32, #tpu.memory_space<vmem_shared>>) target(%arg6 : memref<2080xf32, #tpu.memory_space<vmem>>) target_semaphore(%run_scoped3A : memref<!tpu.dma_semaphore, #tpu.memory_space<semaphore_mem>>)
      %dma_wait3A_386 = tpu.memref_slice %arg18[%add3A_144] : memref<266240xf32, #tpu.memory_space<vmem_shared>> -> memref<2080xf32, #tpu.memory_space<vmem_shared>>
      %dma_wait3A_387 = tpu.memref_slice %arg18[%add3A_144] : memref<266240xf32, #tpu.memory_space<vmem_shared>> -> memref<2080xf32, #tpu.memory_space<vmem_shared>>
      tpu.wait_dma2 semaphore(%run_scoped3A : memref<!tpu.dma_semaphore, #tpu.memory_space<semaphore_mem>>) src(%dma_wait3A_387 : memref<2080xf32, #tpu.memory_space<vmem_shared>>) dst(%arg6 : memref<2080xf32, #tpu.memory_space<vmem>>)
      tpu.yield
    }) : () -> ()
    %scan3A_145 = arith.constant 0 : i32
    %scan3A_146 = arith.constant 0 : i32
    %scan3A_147 = arith.constant 26 : i32
    %scan3A_148 = arith.addi %scan3A_146, %scan3A_147 : i32
    %scan3A_149 = arith.constant 1 : i32
    %scan3A_150 = scf.for %scan3A_384 = %scan3A_146 to %scan3A_148 step %scan3A_149 iter_args(%scan3A_385 = %scan3A_145) -> (i32)  : i32 {
      %mul3A_386 = arith.constant 80 : i32
      %mul3A_387 = arith.muli %scan3A_384, %mul3A_386 : i32
      %add3A_388 = arith.constant 0 : i32
      %add3A_389 = arith.addi %mul3A_387, %add3A_388 : i32
      %get3A_390 = arith.index_cast %add3A_389 : i32 to index
      %get3A_391 = tpu.vector_load %arg7[%get3A_390] {strides = array<i32>} : memref<2080xf32, #tpu.memory_space<vmem>>, vector<16xf32>,
      %get3A_392 = arith.index_cast %add3A_389 : i32 to index
      %get3A_393 = tpu.vector_load %arg6[%get3A_392] {strides = array<i32>} : memref<2080xf32, #tpu.memory_space<vmem>>, vector<16xf32>,
      %add3A_394 = arith.addf %get3A_391, %get3A_393 : vector<16xf32>
      %swap3A_395 = arith.index_cast %add3A_389 : i32 to index
      %swap3A_396 = tpu.vector_load %arg7[%swap3A_395] {strides = array<i32>} : memref<2080xf32, #tpu.memory_space<vmem>>, vector<16xf32>,
      tpu.vector_store %arg7[%swap3A_395], %add3A_394 {strides = array<i32>} : memref<2080xf32, #tpu.memory_space<vmem>>, vector<16xf32>,
      %mul3A_397 = arith.constant 80 : i32
      %mul3A_398 = arith.muli %scan3A_384, %mul3A_397 : i32
      %add3A_399 = arith.constant 16 : i32
      %add3A_400 = arith.addi %mul3A_398, %add3A_399 : i32
      %get3A_401 = arith.index_cast %add3A_400 : i32 to index
      %get3A_402 = tpu.vector_load %arg7[%get3A_401] {strides = array<i32>} : memref<2080xf32, #tpu.memory_space<vmem>>, vector<16xf32>,
      %get3A_403 = arith.index_cast %add3A_400 : i32 to index
      %get3A_404 = tpu.vector_load %arg6[%get3A_403] {strides = array<i32>} : memref<2080xf32, #tpu.memory_space<vmem>>, vector<16xf32>,
      %add3A_405 = arith.addf %get3A_402, %get3A_404 : vector<16xf32>
      %swap3A_406 = arith.index_cast %add3A_400 : i32 to index
      %swap3A_407 = tpu.vector_load %arg7[%swap3A_406] {strides = array<i32>} : memref<2080xf32, #tpu.memory_space<vmem>>, vector<16xf32>,
      tpu.vector_store %arg7[%swap3A_406], %add3A_405 {strides = array<i32>} : memref<2080xf32, #tpu.memory_space<vmem>>, vector<16xf32>,
      %mul3A_408 = arith.constant 80 : i32
      %mul3A_409 = arith.muli %scan3A_384, %mul3A_408 : i32
      %add3A_410 = arith.constant 32 : i32
      %add3A_411 = arith.addi %mul3A_409, %add3A_410 : i32
      %get3A_412 = arith.index_cast %add3A_411 : i32 to index
      %get3A_413 = tpu.vector_load %arg7[%get3A_412] {strides = array<i32>} : memref<2080xf32, #tpu.memory_space<vmem>>, vector<16xf32>,
      %get3A_414 = arith.index_cast %add3A_411 : i32 to index
      %get3A_415 = tpu.vector_load %arg6[%get3A_414] {strides = array<i32>} : memref<2080xf32, #tpu.memory_space<vmem>>, vector<16xf32>,
      %add3A_416 = arith.addf %get3A_413, %get3A_415 : vector<16xf32>
      %swap3A_417 = arith.index_cast %add3A_411 : i32 to index
      %swap3A_418 = tpu.vector_load %arg7[%swap3A_417] {strides = array<i32>} : memref<2080xf32, #tpu.memory_space<vmem>>, vector<16xf32>,
      tpu.vector_store %arg7[%swap3A_417], %add3A_416 {strides = array<i32>} : memref<2080xf32, #tpu.memory_space<vmem>>, vector<16xf32>,
      %mul3A_419 = arith.constant 80 : i32
      %mul3A_420 = arith.muli %scan3A_384, %mul3A_419 : i32
      %add3A_421 = arith.constant 48 : i32
      %add3A_422 = arith.addi %mul3A_420, %add3A_421 : i32
      %get3A_423 = arith.index_cast %add3A_422 : i32 to index
      %get3A_424 = tpu.vector_load %arg7[%get3A_423] {strides = array<i32>} : memref<2080xf32, #tpu.memory_space<vmem>>, vector<16xf32>,
      %get3A_425 = arith.index_cast %add3A_422 : i32 to index
      %get3A_426 = tpu.vector_load %arg6[%get3A_425] {strides = array<i32>} : memref<2080xf32, #tpu.memory_space<vmem>>, vector<16xf32>,
      %add3A_427 = arith.addf %get3A_424, %get3A_426 : vector<16xf32>
      %swap3A_428 = arith.index_cast %add3A_422 : i32 to index
      %swap3A_429 = tpu.vector_load %arg7[%swap3A_428] {strides = array<i32>} : memref<2080xf32, #tpu.memory_space<vmem>>, vector<16xf32>,
      tpu.vector_store %arg7[%swap3A_428], %add3A_427 {strides = array<i32>} : memref<2080xf32, #tpu.memory_space<vmem>>, vector<16xf32>,
      %mul3A_430 = arith.constant 80 : i32
      %mul3A_431 = arith.muli %scan3A_384, %mul3A_430 : i32
      %add3A_432 = arith.constant 64 : i32
      %add3A_433 = arith.addi %mul3A_431, %add3A_432 : i32
      %get3A_434 = arith.index_cast %add3A_433 : i32 to index
      %get3A_435 = tpu.vector_load %arg7[%get3A_434] {strides = array<i32>} : memref<2080xf32, #tpu.memory_space<vmem>>, vector<16xf32>,
      %get3A_436 = arith.index_cast %add3A_433 : i32 to index
      %get3A_437 = tpu.vector_load %arg6[%get3A_436] {strides = array<i32>} : memref<2080xf32, #tpu.memory_space<vmem>>, vector<16xf32>,
      %add3A_438 = arith.addf %get3A_435, %get3A_437 : vector<16xf32>
      %swap3A_439 = arith.index_cast %add3A_433 : i32 to index
      %swap3A_440 = tpu.vector_load %arg7[%swap3A_439] {strides = array<i32>} : memref<2080xf32, #tpu.memory_space<vmem>>, vector<16xf32>,
      tpu.vector_store %arg7[%swap3A_439], %add3A_438 {strides = array<i32>} : memref<2080xf32, #tpu.memory_space<vmem>>, vector<16xf32>,
      %scan3A_441 = arith.constant 0 : i32
      scf.yield %scan3A_441 : i32
    }
    %scan3A_151 = arith.constant 26 : i32
    %add3A_152 = arith.constant 49920 : i32
    %add3A_153 = arith.addi %mul3A_128, %add3A_152 : i32
    %add3A_154 = arith.addi %add3A_153, %mul3A_124 : i32
    "tpu.region"() ({
      %run_scoped3A = tpu.sem_alloc : memref<!tpu.dma_semaphore, #tpu.memory_space<semaphore_mem>>
      %dma_start3A_384 = tpu.memref_slice %arg18[%add3A_154] : memref<266240xf32, #tpu.memory_space<vmem_shared>> -> memref<2080xf32, #tpu.memory_space<vmem_shared>>
      %dma_start3A_385 = tpu.memref_slice %arg18[%add3A_154] : memref<266240xf32, #tpu.memory_space<vmem_shared>> -> memref<2080xf32, #tpu.memory_space<vmem_shared>>
      tpu.enqueue_dma source(%dma_start3A_385 : memref<2080xf32, #tpu.memory_space<vmem_shared>>) target(%arg6 : memref<2080xf32, #tpu.memory_space<vmem>>) target_semaphore(%run_scoped3A : memref<!tpu.dma_semaphore, #tpu.memory_space<semaphore_mem>>)
      %dma_wait3A_386 = tpu.memref_slice %arg18[%add3A_154] : memref<266240xf32, #tpu.memory_space<vmem_shared>> -> memref<2080xf32, #tpu.memory_space<vmem_shared>>
      %dma_wait3A_387 = tpu.memref_slice %arg18[%add3A_154] : memref<266240xf32, #tpu.memory_space<vmem_shared>> -> memref<2080xf32, #tpu.memory_space<vmem_shared>>
      tpu.wait_dma2 semaphore(%run_scoped3A : memref<!tpu.dma_semaphore, #tpu.memory_space<semaphore_mem>>) src(%dma_wait3A_387 : memref<2080xf32, #tpu.memory_space<vmem_shared>>) dst(%arg6 : memref<2080xf32, #tpu.memory_space<vmem>>)
      tpu.yield
    }) : () -> ()
    %scan3A_155 = arith.constant 0 : i32
    %scan3A_156 = arith.constant 0 : i32
    %scan3A_157 = arith.constant 26 : i32
    %scan3A_158 = arith.addi %scan3A_156, %scan3A_157 : i32
    %scan3A_159 = arith.constant 1 : i32
    %scan3A_160 = scf.for %scan3A_384 = %scan3A_156 to %scan3A_158 step %scan3A_159 iter_args(%scan3A_385 = %scan3A_155) -> (i32)  : i32 {
      %mul3A_386 = arith.constant 80 : i32
      %mul3A_387 = arith.muli %scan3A_384, %mul3A_386 : i32
      %add3A_388 = arith.constant 0 : i32
      %add3A_389 = arith.addi %mul3A_387, %add3A_388 : i32
      %get3A_390 = arith.index_cast %add3A_389 : i32 to index
      %get3A_391 = tpu.vector_load %arg7[%get3A_390] {strides = array<i32>} : memref<2080xf32, #tpu.memory_space<vmem>>, vector<16xf32>,
      %get3A_392 = arith.index_cast %add3A_389 : i32 to index
      %get3A_393 = tpu.vector_load %arg6[%get3A_392] {strides = array<i32>} : memref<2080xf32, #tpu.memory_space<vmem>>, vector<16xf32>,
      %add3A_394 = arith.addf %get3A_391, %get3A_393 : vector<16xf32>
      %swap3A_395 = arith.index_cast %add3A_389 : i32 to index
      %swap3A_396 = tpu.vector_load %arg7[%swap3A_395] {strides = array<i32>} : memref<2080xf32, #tpu.memory_space<vmem>>, vector<16xf32>,
      tpu.vector_store %arg7[%swap3A_395], %add3A_394 {strides = array<i32>} : memref<2080xf32, #tpu.memory_space<vmem>>, vector<16xf32>,
      %mul3A_397 = arith.constant 80 : i32
      %mul3A_398 = arith.muli %scan3A_384, %mul3A_397 : i32
      %add3A_399 = arith.constant 16 : i32
      %add3A_400 = arith.addi %mul3A_398, %add3A_399 : i32
      %get3A_401 = arith.index_cast %add3A_400 : i32 to index
      %get3A_402 = tpu.vector_load %arg7[%get3A_401] {strides = array<i32>} : memref<2080xf32, #tpu.memory_space<vmem>>, vector<16xf32>,
      %get3A_403 = arith.index_cast %add3A_400 : i32 to index
      %get3A_404 = tpu.vector_load %arg6[%get3A_403] {strides = array<i32>} : memref<2080xf32, #tpu.memory_space<vmem>>, vector<16xf32>,
      %add3A_405 = arith.addf %get3A_402, %get3A_404 : vector<16xf32>
      %swap3A_406 = arith.index_cast %add3A_400 : i32 to index
      %swap3A_407 = tpu.vector_load %arg7[%swap3A_406] {strides = array<i32>} : memref<2080xf32, #tpu.memory_space<vmem>>, vector<16xf32>,
      tpu.vector_store %arg7[%swap3A_406], %add3A_405 {strides = array<i32>} : memref<2080xf32, #tpu.memory_space<vmem>>, vector<16xf32>,
      %mul3A_408 = arith.constant 80 : i32
      %mul3A_409 = arith.muli %scan3A_384, %mul3A_408 : i32
      %add3A_410 = arith.constant 32 : i32
      %add3A_411 = arith.addi %mul3A_409, %add3A_410 : i32
      %get3A_412 = arith.index_cast %add3A_411 : i32 to index
      %get3A_413 = tpu.vector_load %arg7[%get3A_412] {strides = array<i32>} : memref<2080xf32, #tpu.memory_space<vmem>>, vector<16xf32>,
      %get3A_414 = arith.index_cast %add3A_411 : i32 to index
      %get3A_415 = tpu.vector_load %arg6[%get3A_414] {strides = array<i32>} : memref<2080xf32, #tpu.memory_space<vmem>>, vector<16xf32>,
      %add3A_416 = arith.addf %get3A_413, %get3A_415 : vector<16xf32>
      %swap3A_417 = arith.index_cast %add3A_411 : i32 to index
      %swap3A_418 = tpu.vector_load %arg7[%swap3A_417] {strides = array<i32>} : memref<2080xf32, #tpu.memory_space<vmem>>, vector<16xf32>,
      tpu.vector_store %arg7[%swap3A_417], %add3A_416 {strides = array<i32>} : memref<2080xf32, #tpu.memory_space<vmem>>, vector<16xf32>,
      %mul3A_419 = arith.constant 80 : i32
      %mul3A_420 = arith.muli %scan3A_384, %mul3A_419 : i32
      %add3A_421 = arith.constant 48 : i32
      %add3A_422 = arith.addi %mul3A_420, %add3A_421 : i32
      %get3A_423 = arith.index_cast %add3A_422 : i32 to index
      %get3A_424 = tpu.vector_load %arg7[%get3A_423] {strides = array<i32>} : memref<2080xf32, #tpu.memory_space<vmem>>, vector<16xf32>,
      %get3A_425 = arith.index_cast %add3A_422 : i32 to index
      %get3A_426 = tpu.vector_load %arg6[%get3A_425] {strides = array<i32>} : memref<2080xf32, #tpu.memory_space<vmem>>, vector<16xf32>,
      %add3A_427 = arith.addf %get3A_424, %get3A_426 : vector<16xf32>
      %swap3A_428 = arith.index_cast %add3A_422 : i32 to index
      %swap3A_429 = tpu.vector_load %arg7[%swap3A_428] {strides = array<i32>} : memref<2080xf32, #tpu.memory_space<vmem>>, vector<16xf32>,
      tpu.vector_store %arg7[%swap3A_428], %add3A_427 {strides = array<i32>} : memref<2080xf32, #tpu.memory_space<vmem>>, vector<16xf32>,
      %mul3A_430 = arith.constant 80 : i32
      %mul3A_431 = arith.muli %scan3A_384, %mul3A_430 : i32
      %add3A_432 = arith.constant 64 : i32
      %add3A_433 = arith.addi %mul3A_431, %add3A_432 : i32
      %get3A_434 = arith.index_cast %add3A_433 : i32 to index
      %get3A_435 = tpu.vector_load %arg7[%get3A_434] {strides = array<i32>} : memref<2080xf32, #tpu.memory_space<vmem>>, vector<16xf32>,
      %get3A_436 = arith.index_cast %add3A_433 : i32 to index
      %get3A_437 = tpu.vector_load %arg6[%get3A_436] {strides = array<i32>} : memref<2080xf32, #tpu.memory_space<vmem>>, vector<16xf32>,
      %add3A_438 = arith.addf %get3A_435, %get3A_437 : vector<16xf32>
      %swap3A_439 = arith.index_cast %add3A_433 : i32 to index
      %swap3A_440 = tpu.vector_load %arg7[%swap3A_439] {strides = array<i32>} : memref<2080xf32, #tpu.memory_space<vmem>>, vector<16xf32>,
      tpu.vector_store %arg7[%swap3A_439], %add3A_438 {strides = array<i32>} : memref<2080xf32, #tpu.memory_space<vmem>>, vector<16xf32>,
      %scan3A_441 = arith.constant 0 : i32
      scf.yield %scan3A_441 : i32
    }
    %scan3A_161 = arith.constant 26 : i32
    %add3A_162 = arith.constant 66560 : i32
    %add3A_163 = arith.addi %mul3A_128, %add3A_162 : i32
    %add3A_164 = arith.addi %add3A_163, %mul3A_124 : i32
    "tpu.region"() ({
      %run_scoped3A = tpu.sem_alloc : memref<!tpu.dma_semaphore, #tpu.memory_space<semaphore_mem>>
      %dma_start3A_384 = tpu.memref_slice %arg18[%add3A_164] : memref<266240xf32, #tpu.memory_space<vmem_shared>> -> memref<2080xf32, #tpu.memory_space<vmem_shared>>
      %dma_start3A_385 = tpu.memref_slice %arg18[%add3A_164] : memref<266240xf32, #tpu.memory_space<vmem_shared>> -> memref<2080xf32, #tpu.memory_space<vmem_shared>>
      tpu.enqueue_dma source(%dma_start3A_385 : memref<2080xf32, #tpu.memory_space<vmem_shared>>) target(%arg6 : memref<2080xf32, #tpu.memory_space<vmem>>) target_semaphore(%run_scoped3A : memref<!tpu.dma_semaphore, #tpu.memory_space<semaphore_mem>>)
      %dma_wait3A_386 = tpu.memref_slice %arg18[%add3A_164] : memref<266240xf32, #tpu.memory_space<vmem_shared>> -> memref<2080xf32, #tpu.memory_space<vmem_shared>>
      %dma_wait3A_387 = tpu.memref_slice %arg18[%add3A_164] : memref<266240xf32, #tpu.memory_space<vmem_shared>> -> memref<2080xf32, #tpu.memory_space<vmem_shared>>
      tpu.wait_dma2 semaphore(%run_scoped3A : memref<!tpu.dma_semaphore, #tpu.memory_space<semaphore_mem>>) src(%dma_wait3A_387 : memref<2080xf32, #tpu.memory_space<vmem_shared>>) dst(%arg6 : memref<2080xf32, #tpu.memory_space<vmem>>)
      tpu.yield
    }) : () -> ()
    %scan3A_165 = arith.constant 0 : i32
    %scan3A_166 = arith.constant 0 : i32
    %scan3A_167 = arith.constant 26 : i32
    %scan3A_168 = arith.addi %scan3A_166, %scan3A_167 : i32
    %scan3A_169 = arith.constant 1 : i32
    %scan3A_170 = scf.for %scan3A_384 = %scan3A_166 to %scan3A_168 step %scan3A_169 iter_args(%scan3A_385 = %scan3A_165) -> (i32)  : i32 {
      %mul3A_386 = arith.constant 80 : i32
      %mul3A_387 = arith.muli %scan3A_384, %mul3A_386 : i32
      %add3A_388 = arith.constant 0 : i32
      %add3A_389 = arith.addi %mul3A_387, %add3A_388 : i32
      %get3A_390 = arith.index_cast %add3A_389 : i32 to index
      %get3A_391 = tpu.vector_load %arg7[%get3A_390] {strides = array<i32>} : memref<2080xf32, #tpu.memory_space<vmem>>, vector<16xf32>,
      %get3A_392 = arith.index_cast %add3A_389 : i32 to index
      %get3A_393 = tpu.vector_load %arg6[%get3A_392] {strides = array<i32>} : memref<2080xf32, #tpu.memory_space<vmem>>, vector<16xf32>,
      %add3A_394 = arith.addf %get3A_391, %get3A_393 : vector<16xf32>
      %swap3A_395 = arith.index_cast %add3A_389 : i32 to index
      %swap3A_396 = tpu.vector_load %arg7[%swap3A_395] {strides = array<i32>} : memref<2080xf32, #tpu.memory_space<vmem>>, vector<16xf32>,
      tpu.vector_store %arg7[%swap3A_395], %add3A_394 {strides = array<i32>} : memref<2080xf32, #tpu.memory_space<vmem>>, vector<16xf32>,
      %mul3A_397 = arith.constant 80 : i32
      %mul3A_398 = arith.muli %scan3A_384, %mul3A_397 : i32
      %add3A_399 = arith.constant 16 : i32
      %add3A_400 = arith.addi %mul3A_398, %add3A_399 : i32
      %get3A_401 = arith.index_cast %add3A_400 : i32 to index
      %get3A_402 = tpu.vector_load %arg7[%get3A_401] {strides = array<i32>} : memref<2080xf32, #tpu.memory_space<vmem>>, vector<16xf32>,
      %get3A_403 = arith.index_cast %add3A_400 : i32 to index
      %get3A_404 = tpu.vector_load %arg6[%get3A_403] {strides = array<i32>} : memref<2080xf32, #tpu.memory_space<vmem>>, vector<16xf32>,
      %add3A_405 = arith.addf %get3A_402, %get3A_404 : vector<16xf32>
      %swap3A_406 = arith.index_cast %add3A_400 : i32 to index
      %swap3A_407 = tpu.vector_load %arg7[%swap3A_406] {strides = array<i32>} : memref<2080xf32, #tpu.memory_space<vmem>>, vector<16xf32>,
      tpu.vector_store %arg7[%swap3A_406], %add3A_405 {strides = array<i32>} : memref<2080xf32, #tpu.memory_space<vmem>>, vector<16xf32>,
      %mul3A_408 = arith.constant 80 : i32
      %mul3A_409 = arith.muli %scan3A_384, %mul3A_408 : i32
      %add3A_410 = arith.constant 32 : i32
      %add3A_411 = arith.addi %mul3A_409, %add3A_410 : i32
      %get3A_412 = arith.index_cast %add3A_411 : i32 to index
      %get3A_413 = tpu.vector_load %arg7[%get3A_412] {strides = array<i32>} : memref<2080xf32, #tpu.memory_space<vmem>>, vector<16xf32>,
      %get3A_414 = arith.index_cast %add3A_411 : i32 to index
      %get3A_415 = tpu.vector_load %arg6[%get3A_414] {strides = array<i32>} : memref<2080xf32, #tpu.memory_space<vmem>>, vector<16xf32>,
      %add3A_416 = arith.addf %get3A_413, %get3A_415 : vector<16xf32>
      %swap3A_417 = arith.index_cast %add3A_411 : i32 to index
      %swap3A_418 = tpu.vector_load %arg7[%swap3A_417] {strides = array<i32>} : memref<2080xf32, #tpu.memory_space<vmem>>, vector<16xf32>,
      tpu.vector_store %arg7[%swap3A_417], %add3A_416 {strides = array<i32>} : memref<2080xf32, #tpu.memory_space<vmem>>, vector<16xf32>,
      %mul3A_419 = arith.constant 80 : i32
      %mul3A_420 = arith.muli %scan3A_384, %mul3A_419 : i32
      %add3A_421 = arith.constant 48 : i32
      %add3A_422 = arith.addi %mul3A_420, %add3A_421 : i32
      %get3A_423 = arith.index_cast %add3A_422 : i32 to index
      %get3A_424 = tpu.vector_load %arg7[%get3A_423] {strides = array<i32>} : memref<2080xf32, #tpu.memory_space<vmem>>, vector<16xf32>,
      %get3A_425 = arith.index_cast %add3A_422 : i32 to index
      %get3A_426 = tpu.vector_load %arg6[%get3A_425] {strides = array<i32>} : memref<2080xf32, #tpu.memory_space<vmem>>, vector<16xf32>,
      %add3A_427 = arith.addf %get3A_424, %get3A_426 : vector<16xf32>
      %swap3A_428 = arith.index_cast %add3A_422 : i32 to index
      %swap3A_429 = tpu.vector_load %arg7[%swap3A_428] {strides = array<i32>} : memref<2080xf32, #tpu.memory_space<vmem>>, vector<16xf32>,
      tpu.vector_store %arg7[%swap3A_428], %add3A_427 {strides = array<i32>} : memref<2080xf32, #tpu.memory_space<vmem>>, vector<16xf32>,
      %mul3A_430 = arith.constant 80 : i32
      %mul3A_431 = arith.muli %scan3A_384, %mul3A_430 : i32
      %add3A_432 = arith.constant 64 : i32
      %add3A_433 = arith.addi %mul3A_431, %add3A_432 : i32
      %get3A_434 = arith.index_cast %add3A_433 : i32 to index
      %get3A_435 = tpu.vector_load %arg7[%get3A_434] {strides = array<i32>} : memref<2080xf32, #tpu.memory_space<vmem>>, vector<16xf32>,
      %get3A_436 = arith.index_cast %add3A_433 : i32 to index
      %get3A_437 = tpu.vector_load %arg6[%get3A_436] {strides = array<i32>} : memref<2080xf32, #tpu.memory_space<vmem>>, vector<16xf32>,
      %add3A_438 = arith.addf %get3A_435, %get3A_437 : vector<16xf32>
      %swap3A_439 = arith.index_cast %add3A_433 : i32 to index
      %swap3A_440 = tpu.vector_load %arg7[%swap3A_439] {strides = array<i32>} : memref<2080xf32, #tpu.memory_space<vmem>>, vector<16xf32>,
      tpu.vector_store %arg7[%swap3A_439], %add3A_438 {strides = array<i32>} : memref<2080xf32, #tpu.memory_space<vmem>>, vector<16xf32>,
      %scan3A_441 = arith.constant 0 : i32
      scf.yield %scan3A_441 : i32
    }
    %scan3A_171 = arith.constant 26 : i32
    %add3A_172 = arith.constant 83200 : i32
    %add3A_173 = arith.addi %mul3A_128, %add3A_172 : i32
    %add3A_174 = arith.addi %add3A_173, %mul3A_124 : i32
    "tpu.region"() ({
      %run_scoped3A = tpu.sem_alloc : memref<!tpu.dma_semaphore, #tpu.memory_space<semaphore_mem>>
      %dma_start3A_384 = tpu.memref_slice %arg18[%add3A_174] : memref<266240xf32, #tpu.memory_space<vmem_shared>> -> memref<2080xf32, #tpu.memory_space<vmem_shared>>
      %dma_start3A_385 = tpu.memref_slice %arg18[%add3A_174] : memref<266240xf32, #tpu.memory_space<vmem_shared>> -> memref<2080xf32, #tpu.memory_space<vmem_shared>>
      tpu.enqueue_dma source(%dma_start3A_385 : memref<2080xf32, #tpu.memory_space<vmem_shared>>) target(%arg6 : memref<2080xf32, #tpu.memory_space<vmem>>) target_semaphore(%run_scoped3A : memref<!tpu.dma_semaphore, #tpu.memory_space<semaphore_mem>>)
      %dma_wait3A_386 = tpu.memref_slice %arg18[%add3A_174] : memref<266240xf32, #tpu.memory_space<vmem_shared>> -> memref<2080xf32, #tpu.memory_space<vmem_shared>>
      %dma_wait3A_387 = tpu.memref_slice %arg18[%add3A_174] : memref<266240xf32, #tpu.memory_space<vmem_shared>> -> memref<2080xf32, #tpu.memory_space<vmem_shared>>
      tpu.wait_dma2 semaphore(%run_scoped3A : memref<!tpu.dma_semaphore, #tpu.memory_space<semaphore_mem>>) src(%dma_wait3A_387 : memref<2080xf32, #tpu.memory_space<vmem_shared>>) dst(%arg6 : memref<2080xf32, #tpu.memory_space<vmem>>)
      tpu.yield
    }) : () -> ()
    %scan3A_175 = arith.constant 0 : i32
    %scan3A_176 = arith.constant 0 : i32
    %scan3A_177 = arith.constant 26 : i32
    %scan3A_178 = arith.addi %scan3A_176, %scan3A_177 : i32
    %scan3A_179 = arith.constant 1 : i32
    %scan3A_180 = scf.for %scan3A_384 = %scan3A_176 to %scan3A_178 step %scan3A_179 iter_args(%scan3A_385 = %scan3A_175) -> (i32)  : i32 {
      %mul3A_386 = arith.constant 80 : i32
      %mul3A_387 = arith.muli %scan3A_384, %mul3A_386 : i32
      %add3A_388 = arith.constant 0 : i32
      %add3A_389 = arith.addi %mul3A_387, %add3A_388 : i32
      %get3A_390 = arith.index_cast %add3A_389 : i32 to index
      %get3A_391 = tpu.vector_load %arg7[%get3A_390] {strides = array<i32>} : memref<2080xf32, #tpu.memory_space<vmem>>, vector<16xf32>,
      %get3A_392 = arith.index_cast %add3A_389 : i32 to index
      %get3A_393 = tpu.vector_load %arg6[%get3A_392] {strides = array<i32>} : memref<2080xf32, #tpu.memory_space<vmem>>, vector<16xf32>,
      %add3A_394 = arith.addf %get3A_391, %get3A_393 : vector<16xf32>
      %swap3A_395 = arith.index_cast %add3A_389 : i32 to index
      %swap3A_396 = tpu.vector_load %arg7[%swap3A_395] {strides = array<i32>} : memref<2080xf32, #tpu.memory_space<vmem>>, vector<16xf32>,
      tpu.vector_store %arg7[%swap3A_395], %add3A_394 {strides = array<i32>} : memref<2080xf32, #tpu.memory_space<vmem>>, vector<16xf32>,
      %mul3A_397 = arith.constant 80 : i32
      %mul3A_398 = arith.muli %scan3A_384, %mul3A_397 : i32
      %add3A_399 = arith.constant 16 : i32
      %add3A_400 = arith.addi %mul3A_398, %add3A_399 : i32
      %get3A_401 = arith.index_cast %add3A_400 : i32 to index
      %get3A_402 = tpu.vector_load %arg7[%get3A_401] {strides = array<i32>} : memref<2080xf32, #tpu.memory_space<vmem>>, vector<16xf32>,
      %get3A_403 = arith.index_cast %add3A_400 : i32 to index
      %get3A_404 = tpu.vector_load %arg6[%get3A_403] {strides = array<i32>} : memref<2080xf32, #tpu.memory_space<vmem>>, vector<16xf32>,
      %add3A_405 = arith.addf %get3A_402, %get3A_404 : vector<16xf32>
      %swap3A_406 = arith.index_cast %add3A_400 : i32 to index
      %swap3A_407 = tpu.vector_load %arg7[%swap3A_406] {strides = array<i32>} : memref<2080xf32, #tpu.memory_space<vmem>>, vector<16xf32>,
      tpu.vector_store %arg7[%swap3A_406], %add3A_405 {strides = array<i32>} : memref<2080xf32, #tpu.memory_space<vmem>>, vector<16xf32>,
      %mul3A_408 = arith.constant 80 : i32
      %mul3A_409 = arith.muli %scan3A_384, %mul3A_408 : i32
      %add3A_410 = arith.constant 32 : i32
      %add3A_411 = arith.addi %mul3A_409, %add3A_410 : i32
      %get3A_412 = arith.index_cast %add3A_411 : i32 to index
      %get3A_413 = tpu.vector_load %arg7[%get3A_412] {strides = array<i32>} : memref<2080xf32, #tpu.memory_space<vmem>>, vector<16xf32>,
      %get3A_414 = arith.index_cast %add3A_411 : i32 to index
      %get3A_415 = tpu.vector_load %arg6[%get3A_414] {strides = array<i32>} : memref<2080xf32, #tpu.memory_space<vmem>>, vector<16xf32>,
      %add3A_416 = arith.addf %get3A_413, %get3A_415 : vector<16xf32>
      %swap3A_417 = arith.index_cast %add3A_411 : i32 to index
      %swap3A_418 = tpu.vector_load %arg7[%swap3A_417] {strides = array<i32>} : memref<2080xf32, #tpu.memory_space<vmem>>, vector<16xf32>,
      tpu.vector_store %arg7[%swap3A_417], %add3A_416 {strides = array<i32>} : memref<2080xf32, #tpu.memory_space<vmem>>, vector<16xf32>,
      %mul3A_419 = arith.constant 80 : i32
      %mul3A_420 = arith.muli %scan3A_384, %mul3A_419 : i32
      %add3A_421 = arith.constant 48 : i32
      %add3A_422 = arith.addi %mul3A_420, %add3A_421 : i32
      %get3A_423 = arith.index_cast %add3A_422 : i32 to index
      %get3A_424 = tpu.vector_load %arg7[%get3A_423] {strides = array<i32>} : memref<2080xf32, #tpu.memory_space<vmem>>, vector<16xf32>,
      %get3A_425 = arith.index_cast %add3A_422 : i32 to index
      %get3A_426 = tpu.vector_load %arg6[%get3A_425] {strides = array<i32>} : memref<2080xf32, #tpu.memory_space<vmem>>, vector<16xf32>,
      %add3A_427 = arith.addf %get3A_424, %get3A_426 : vector<16xf32>
      %swap3A_428 = arith.index_cast %add3A_422 : i32 to index
      %swap3A_429 = tpu.vector_load %arg7[%swap3A_428] {strides = array<i32>} : memref<2080xf32, #tpu.memory_space<vmem>>, vector<16xf32>,
      tpu.vector_store %arg7[%swap3A_428], %add3A_427 {strides = array<i32>} : memref<2080xf32, #tpu.memory_space<vmem>>, vector<16xf32>,
      %mul3A_430 = arith.constant 80 : i32
      %mul3A_431 = arith.muli %scan3A_384, %mul3A_430 : i32
      %add3A_432 = arith.constant 64 : i32
      %add3A_433 = arith.addi %mul3A_431, %add3A_432 : i32
      %get3A_434 = arith.index_cast %add3A_433 : i32 to index
      %get3A_435 = tpu.vector_load %arg7[%get3A_434] {strides = array<i32>} : memref<2080xf32, #tpu.memory_space<vmem>>, vector<16xf32>,
      %get3A_436 = arith.index_cast %add3A_433 : i32 to index
      %get3A_437 = tpu.vector_load %arg6[%get3A_436] {strides = array<i32>} : memref<2080xf32, #tpu.memory_space<vmem>>, vector<16xf32>,
      %add3A_438 = arith.addf %get3A_435, %get3A_437 : vector<16xf32>
      %swap3A_439 = arith.index_cast %add3A_433 : i32 to index
      %swap3A_440 = tpu.vector_load %arg7[%swap3A_439] {strides = array<i32>} : memref<2080xf32, #tpu.memory_space<vmem>>, vector<16xf32>,
      tpu.vector_store %arg7[%swap3A_439], %add3A_438 {strides = array<i32>} : memref<2080xf32, #tpu.memory_space<vmem>>, vector<16xf32>,
      %scan3A_441 = arith.constant 0 : i32
      scf.yield %scan3A_441 : i32
    }
    %scan3A_181 = arith.constant 26 : i32
    %add3A_182 = arith.constant 99840 : i32
    %add3A_183 = arith.addi %mul3A_128, %add3A_182 : i32
    %add3A_184 = arith.addi %add3A_183, %mul3A_124 : i32
    "tpu.region"() ({
      %run_scoped3A = tpu.sem_alloc : memref<!tpu.dma_semaphore, #tpu.memory_space<semaphore_mem>>
      %dma_start3A_384 = tpu.memref_slice %arg18[%add3A_184] : memref<266240xf32, #tpu.memory_space<vmem_shared>> -> memref<2080xf32, #tpu.memory_space<vmem_shared>>
      %dma_start3A_385 = tpu.memref_slice %arg18[%add3A_184] : memref<266240xf32, #tpu.memory_space<vmem_shared>> -> memref<2080xf32, #tpu.memory_space<vmem_shared>>
      tpu.enqueue_dma source(%dma_start3A_385 : memref<2080xf32, #tpu.memory_space<vmem_shared>>) target(%arg6 : memref<2080xf32, #tpu.memory_space<vmem>>) target_semaphore(%run_scoped3A : memref<!tpu.dma_semaphore, #tpu.memory_space<semaphore_mem>>)
      %dma_wait3A_386 = tpu.memref_slice %arg18[%add3A_184] : memref<266240xf32, #tpu.memory_space<vmem_shared>> -> memref<2080xf32, #tpu.memory_space<vmem_shared>>
      %dma_wait3A_387 = tpu.memref_slice %arg18[%add3A_184] : memref<266240xf32, #tpu.memory_space<vmem_shared>> -> memref<2080xf32, #tpu.memory_space<vmem_shared>>
      tpu.wait_dma2 semaphore(%run_scoped3A : memref<!tpu.dma_semaphore, #tpu.memory_space<semaphore_mem>>) src(%dma_wait3A_387 : memref<2080xf32, #tpu.memory_space<vmem_shared>>) dst(%arg6 : memref<2080xf32, #tpu.memory_space<vmem>>)
      tpu.yield
    }) : () -> ()
    %scan3A_185 = arith.constant 0 : i32
    %scan3A_186 = arith.constant 0 : i32
    %scan3A_187 = arith.constant 26 : i32
    %scan3A_188 = arith.addi %scan3A_186, %scan3A_187 : i32
    %scan3A_189 = arith.constant 1 : i32
    %scan3A_190 = scf.for %scan3A_384 = %scan3A_186 to %scan3A_188 step %scan3A_189 iter_args(%scan3A_385 = %scan3A_185) -> (i32)  : i32 {
      %mul3A_386 = arith.constant 80 : i32
      %mul3A_387 = arith.muli %scan3A_384, %mul3A_386 : i32
      %add3A_388 = arith.constant 0 : i32
      %add3A_389 = arith.addi %mul3A_387, %add3A_388 : i32
      %get3A_390 = arith.index_cast %add3A_389 : i32 to index
      %get3A_391 = tpu.vector_load %arg7[%get3A_390] {strides = array<i32>} : memref<2080xf32, #tpu.memory_space<vmem>>, vector<16xf32>,
      %get3A_392 = arith.index_cast %add3A_389 : i32 to index
      %get3A_393 = tpu.vector_load %arg6[%get3A_392] {strides = array<i32>} : memref<2080xf32, #tpu.memory_space<vmem>>, vector<16xf32>,
      %add3A_394 = arith.addf %get3A_391, %get3A_393 : vector<16xf32>
      %swap3A_395 = arith.index_cast %add3A_389 : i32 to index
      %swap3A_396 = tpu.vector_load %arg7[%swap3A_395] {strides = array<i32>} : memref<2080xf32, #tpu.memory_space<vmem>>, vector<16xf32>,
      tpu.vector_store %arg7[%swap3A_395], %add3A_394 {strides = array<i32>} : memref<2080xf32, #tpu.memory_space<vmem>>, vector<16xf32>,
      %mul3A_397 = arith.constant 80 : i32
      %mul3A_398 = arith.muli %scan3A_384, %mul3A_397 : i32
      %add3A_399 = arith.constant 16 : i32
      %add3A_400 = arith.addi %mul3A_398, %add3A_399 : i32
      %get3A_401 = arith.index_cast %add3A_400 : i32 to index
      %get3A_402 = tpu.vector_load %arg7[%get3A_401] {strides = array<i32>} : memref<2080xf32, #tpu.memory_space<vmem>>, vector<16xf32>,
      %get3A_403 = arith.index_cast %add3A_400 : i32 to index
      %get3A_404 = tpu.vector_load %arg6[%get3A_403] {strides = array<i32>} : memref<2080xf32, #tpu.memory_space<vmem>>, vector<16xf32>,
      %add3A_405 = arith.addf %get3A_402, %get3A_404 : vector<16xf32>
      %swap3A_406 = arith.index_cast %add3A_400 : i32 to index
      %swap3A_407 = tpu.vector_load %arg7[%swap3A_406] {strides = array<i32>} : memref<2080xf32, #tpu.memory_space<vmem>>, vector<16xf32>,
      tpu.vector_store %arg7[%swap3A_406], %add3A_405 {strides = array<i32>} : memref<2080xf32, #tpu.memory_space<vmem>>, vector<16xf32>,
      %mul3A_408 = arith.constant 80 : i32
      %mul3A_409 = arith.muli %scan3A_384, %mul3A_408 : i32
      %add3A_410 = arith.constant 32 : i32
      %add3A_411 = arith.addi %mul3A_409, %add3A_410 : i32
      %get3A_412 = arith.index_cast %add3A_411 : i32 to index
      %get3A_413 = tpu.vector_load %arg7[%get3A_412] {strides = array<i32>} : memref<2080xf32, #tpu.memory_space<vmem>>, vector<16xf32>,
      %get3A_414 = arith.index_cast %add3A_411 : i32 to index
      %get3A_415 = tpu.vector_load %arg6[%get3A_414] {strides = array<i32>} : memref<2080xf32, #tpu.memory_space<vmem>>, vector<16xf32>,
      %add3A_416 = arith.addf %get3A_413, %get3A_415 : vector<16xf32>
      %swap3A_417 = arith.index_cast %add3A_411 : i32 to index
      %swap3A_418 = tpu.vector_load %arg7[%swap3A_417] {strides = array<i32>} : memref<2080xf32, #tpu.memory_space<vmem>>, vector<16xf32>,
      tpu.vector_store %arg7[%swap3A_417], %add3A_416 {strides = array<i32>} : memref<2080xf32, #tpu.memory_space<vmem>>, vector<16xf32>,
      %mul3A_419 = arith.constant 80 : i32
      %mul3A_420 = arith.muli %scan3A_384, %mul3A_419 : i32
      %add3A_421 = arith.constant 48 : i32
      %add3A_422 = arith.addi %mul3A_420, %add3A_421 : i32
      %get3A_423 = arith.index_cast %add3A_422 : i32 to index
      %get3A_424 = tpu.vector_load %arg7[%get3A_423] {strides = array<i32>} : memref<2080xf32, #tpu.memory_space<vmem>>, vector<16xf32>,
      %get3A_425 = arith.index_cast %add3A_422 : i32 to index
      %get3A_426 = tpu.vector_load %arg6[%get3A_425] {strides = array<i32>} : memref<2080xf32, #tpu.memory_space<vmem>>, vector<16xf32>,
      %add3A_427 = arith.addf %get3A_424, %get3A_426 : vector<16xf32>
      %swap3A_428 = arith.index_cast %add3A_422 : i32 to index
      %swap3A_429 = tpu.vector_load %arg7[%swap3A_428] {strides = array<i32>} : memref<2080xf32, #tpu.memory_space<vmem>>, vector<16xf32>,
      tpu.vector_store %arg7[%swap3A_428], %add3A_427 {strides = array<i32>} : memref<2080xf32, #tpu.memory_space<vmem>>, vector<16xf32>,
      %mul3A_430 = arith.constant 80 : i32
      %mul3A_431 = arith.muli %scan3A_384, %mul3A_430 : i32
      %add3A_432 = arith.constant 64 : i32
      %add3A_433 = arith.addi %mul3A_431, %add3A_432 : i32
      %get3A_434 = arith.index_cast %add3A_433 : i32 to index
      %get3A_435 = tpu.vector_load %arg7[%get3A_434] {strides = array<i32>} : memref<2080xf32, #tpu.memory_space<vmem>>, vector<16xf32>,
      %get3A_436 = arith.index_cast %add3A_433 : i32 to index
      %get3A_437 = tpu.vector_load %arg6[%get3A_436] {strides = array<i32>} : memref<2080xf32, #tpu.memory_space<vmem>>, vector<16xf32>,
      %add3A_438 = arith.addf %get3A_435, %get3A_437 : vector<16xf32>
      %swap3A_439 = arith.index_cast %add3A_433 : i32 to index
      %swap3A_440 = tpu.vector_load %arg7[%swap3A_439] {strides = array<i32>} : memref<2080xf32, #tpu.memory_space<vmem>>, vector<16xf32>,
      tpu.vector_store %arg7[%swap3A_439], %add3A_438 {strides = array<i32>} : memref<2080xf32, #tpu.memory_space<vmem>>, vector<16xf32>,
      %scan3A_441 = arith.constant 0 : i32
      scf.yield %scan3A_441 : i32
    }
    %scan3A_191 = arith.constant 26 : i32
    %add3A_192 = arith.constant 116480 : i32
    %add3A_193 = arith.addi %mul3A_128, %add3A_192 : i32
    %add3A_194 = arith.addi %add3A_193, %mul3A_124 : i32
    "tpu.region"() ({
      %run_scoped3A = tpu.sem_alloc : memref<!tpu.dma_semaphore, #tpu.memory_space<semaphore_mem>>
      %dma_start3A_384 = tpu.memref_slice %arg18[%add3A_194] : memref<266240xf32, #tpu.memory_space<vmem_shared>> -> memref<2080xf32, #tpu.memory_space<vmem_shared>>
      %dma_start3A_385 = tpu.memref_slice %arg18[%add3A_194] : memref<266240xf32, #tpu.memory_space<vmem_shared>> -> memref<2080xf32, #tpu.memory_space<vmem_shared>>
      tpu.enqueue_dma source(%dma_start3A_385 : memref<2080xf32, #tpu.memory_space<vmem_shared>>) target(%arg6 : memref<2080xf32, #tpu.memory_space<vmem>>) target_semaphore(%run_scoped3A : memref<!tpu.dma_semaphore, #tpu.memory_space<semaphore_mem>>)
      %dma_wait3A_386 = tpu.memref_slice %arg18[%add3A_194] : memref<266240xf32, #tpu.memory_space<vmem_shared>> -> memref<2080xf32, #tpu.memory_space<vmem_shared>>
      %dma_wait3A_387 = tpu.memref_slice %arg18[%add3A_194] : memref<266240xf32, #tpu.memory_space<vmem_shared>> -> memref<2080xf32, #tpu.memory_space<vmem_shared>>
      tpu.wait_dma2 semaphore(%run_scoped3A : memref<!tpu.dma_semaphore, #tpu.memory_space<semaphore_mem>>) src(%dma_wait3A_387 : memref<2080xf32, #tpu.memory_space<vmem_shared>>) dst(%arg6 : memref<2080xf32, #tpu.memory_space<vmem>>)
      tpu.yield
    }) : () -> ()
    %scan3A_195 = arith.constant 0 : i32
    %scan3A_196 = arith.constant 0 : i32
    %scan3A_197 = arith.constant 26 : i32
    %scan3A_198 = arith.addi %scan3A_196, %scan3A_197 : i32
    %scan3A_199 = arith.constant 1 : i32
    %scan3A_200 = scf.for %scan3A_384 = %scan3A_196 to %scan3A_198 step %scan3A_199 iter_args(%scan3A_385 = %scan3A_195) -> (i32)  : i32 {
      %mul3A_386 = arith.constant 80 : i32
      %mul3A_387 = arith.muli %scan3A_384, %mul3A_386 : i32
      %add3A_388 = arith.constant 0 : i32
      %add3A_389 = arith.addi %mul3A_387, %add3A_388 : i32
      %get3A_390 = arith.index_cast %add3A_389 : i32 to index
      %get3A_391 = tpu.vector_load %arg7[%get3A_390] {strides = array<i32>} : memref<2080xf32, #tpu.memory_space<vmem>>, vector<16xf32>,
      %get3A_392 = arith.index_cast %add3A_389 : i32 to index
      %get3A_393 = tpu.vector_load %arg6[%get3A_392] {strides = array<i32>} : memref<2080xf32, #tpu.memory_space<vmem>>, vector<16xf32>,
      %add3A_394 = arith.addf %get3A_391, %get3A_393 : vector<16xf32>
      %swap3A_395 = arith.index_cast %add3A_389 : i32 to index
      %swap3A_396 = tpu.vector_load %arg7[%swap3A_395] {strides = array<i32>} : memref<2080xf32, #tpu.memory_space<vmem>>, vector<16xf32>,
      tpu.vector_store %arg7[%swap3A_395], %add3A_394 {strides = array<i32>} : memref<2080xf32, #tpu.memory_space<vmem>>, vector<16xf32>,
      %mul3A_397 = arith.constant 80 : i32
      %mul3A_398 = arith.muli %scan3A_384, %mul3A_397 : i32
      %add3A_399 = arith.constant 16 : i32
      %add3A_400 = arith.addi %mul3A_398, %add3A_399 : i32
      %get3A_401 = arith.index_cast %add3A_400 : i32 to index
      %get3A_402 = tpu.vector_load %arg7[%get3A_401] {strides = array<i32>} : memref<2080xf32, #tpu.memory_space<vmem>>, vector<16xf32>,
      %get3A_403 = arith.index_cast %add3A_400 : i32 to index
      %get3A_404 = tpu.vector_load %arg6[%get3A_403] {strides = array<i32>} : memref<2080xf32, #tpu.memory_space<vmem>>, vector<16xf32>,
      %add3A_405 = arith.addf %get3A_402, %get3A_404 : vector<16xf32>
      %swap3A_406 = arith.index_cast %add3A_400 : i32 to index
      %swap3A_407 = tpu.vector_load %arg7[%swap3A_406] {strides = array<i32>} : memref<2080xf32, #tpu.memory_space<vmem>>, vector<16xf32>,
      tpu.vector_store %arg7[%swap3A_406], %add3A_405 {strides = array<i32>} : memref<2080xf32, #tpu.memory_space<vmem>>, vector<16xf32>,
      %mul3A_408 = arith.constant 80 : i32
      %mul3A_409 = arith.muli %scan3A_384, %mul3A_408 : i32
      %add3A_410 = arith.constant 32 : i32
      %add3A_411 = arith.addi %mul3A_409, %add3A_410 : i32
      %get3A_412 = arith.index_cast %add3A_411 : i32 to index
      %get3A_413 = tpu.vector_load %arg7[%get3A_412] {strides = array<i32>} : memref<2080xf32, #tpu.memory_space<vmem>>, vector<16xf32>,
      %get3A_414 = arith.index_cast %add3A_411 : i32 to index
      %get3A_415 = tpu.vector_load %arg6[%get3A_414] {strides = array<i32>} : memref<2080xf32, #tpu.memory_space<vmem>>, vector<16xf32>,
      %add3A_416 = arith.addf %get3A_413, %get3A_415 : vector<16xf32>
      %swap3A_417 = arith.index_cast %add3A_411 : i32 to index
      %swap3A_418 = tpu.vector_load %arg7[%swap3A_417] {strides = array<i32>} : memref<2080xf32, #tpu.memory_space<vmem>>, vector<16xf32>,
      tpu.vector_store %arg7[%swap3A_417], %add3A_416 {strides = array<i32>} : memref<2080xf32, #tpu.memory_space<vmem>>, vector<16xf32>,
      %mul3A_419 = arith.constant 80 : i32
      %mul3A_420 = arith.muli %scan3A_384, %mul3A_419 : i32
      %add3A_421 = arith.constant 48 : i32
      %add3A_422 = arith.addi %mul3A_420, %add3A_421 : i32
      %get3A_423 = arith.index_cast %add3A_422 : i32 to index
      %get3A_424 = tpu.vector_load %arg7[%get3A_423] {strides = array<i32>} : memref<2080xf32, #tpu.memory_space<vmem>>, vector<16xf32>,
      %get3A_425 = arith.index_cast %add3A_422 : i32 to index
      %get3A_426 = tpu.vector_load %arg6[%get3A_425] {strides = array<i32>} : memref<2080xf32, #tpu.memory_space<vmem>>, vector<16xf32>,
      %add3A_427 = arith.addf %get3A_424, %get3A_426 : vector<16xf32>
      %swap3A_428 = arith.index_cast %add3A_422 : i32 to index
      %swap3A_429 = tpu.vector_load %arg7[%swap3A_428] {strides = array<i32>} : memref<2080xf32, #tpu.memory_space<vmem>>, vector<16xf32>,
      tpu.vector_store %arg7[%swap3A_428], %add3A_427 {strides = array<i32>} : memref<2080xf32, #tpu.memory_space<vmem>>, vector<16xf32>,
      %mul3A_430 = arith.constant 80 : i32
      %mul3A_431 = arith.muli %scan3A_384, %mul3A_430 : i32
      %add3A_432 = arith.constant 64 : i32
      %add3A_433 = arith.addi %mul3A_431, %add3A_432 : i32
      %get3A_434 = arith.index_cast %add3A_433 : i32 to index
      %get3A_435 = tpu.vector_load %arg7[%get3A_434] {strides = array<i32>} : memref<2080xf32, #tpu.memory_space<vmem>>, vector<16xf32>,
      %get3A_436 = arith.index_cast %add3A_433 : i32 to index
      %get3A_437 = tpu.vector_load %arg6[%get3A_436] {strides = array<i32>} : memref<2080xf32, #tpu.memory_space<vmem>>, vector<16xf32>,
      %add3A_438 = arith.addf %get3A_435, %get3A_437 : vector<16xf32>
      %swap3A_439 = arith.index_cast %add3A_433 : i32 to index
      %swap3A_440 = tpu.vector_load %arg7[%swap3A_439] {strides = array<i32>} : memref<2080xf32, #tpu.memory_space<vmem>>, vector<16xf32>,
      tpu.vector_store %arg7[%swap3A_439], %add3A_438 {strides = array<i32>} : memref<2080xf32, #tpu.memory_space<vmem>>, vector<16xf32>,
      %scan3A_441 = arith.constant 0 : i32
      scf.yield %scan3A_441 : i32
    }
    %scan3A_201 = arith.constant 26 : i32
    %mul3A_202 = arith.constant 33280 : i32
    %mul3A_203 = arith.muli %select_n3A, %mul3A_202 : i32
    %add3A_204 = arith.constant 0 : i32
    %add3A_205 = arith.addi %mul3A_203, %add3A_204 : i32
    %add3A_206 = arith.addi %add3A_205, %mul3A_124 : i32
    "tpu.region"() ({
      %run_scoped3A = tpu.sem_alloc : memref<!tpu.dma_semaphore, #tpu.memory_space<semaphore_mem>>
      %dma_start3A_384 = tpu.memref_slice %arg20[%add3A_206] : memref<66560xf32, #tpu.memory_space<vmem_shared>> -> memref<2080xf32, #tpu.memory_space<vmem_shared>>
      %dma_start3A_385 = tpu.memref_slice %arg20[%add3A_206] : memref<66560xf32, #tpu.memory_space<vmem_shared>> -> memref<2080xf32, #tpu.memory_space<vmem_shared>>
      tpu.enqueue_dma source(%arg7 : memref<2080xf32, #tpu.memory_space<vmem>>) target(%dma_start3A_385 : memref<2080xf32, #tpu.memory_space<vmem_shared>>) target_semaphore(%run_scoped3A : memref<!tpu.dma_semaphore, #tpu.memory_space<semaphore_mem>>)
      %dma_wait3A_386 = tpu.memref_slice %arg20[%add3A_206] : memref<66560xf32, #tpu.memory_space<vmem_shared>> -> memref<2080xf32, #tpu.memory_space<vmem_shared>>
      %dma_wait3A_387 = tpu.memref_slice %arg20[%add3A_206] : memref<66560xf32, #tpu.memory_space<vmem_shared>> -> memref<2080xf32, #tpu.memory_space<vmem_shared>>
      tpu.wait_dma2 semaphore(%run_scoped3A : memref<!tpu.dma_semaphore, #tpu.memory_space<semaphore_mem>>) src(%arg7 : memref<2080xf32, #tpu.memory_space<vmem>>) dst(%dma_wait3A_387 : memref<2080xf32, #tpu.memory_space<vmem_shared>>)
      tpu.yield
    }) : () -> ()
    %barrier3A_207 = arith.constant 0 : index
    tpu.barrier barrier_id(%barrier3A_207)
    %mul3A_208 = arith.constant 16640 : i32
    %mul3A_209 = arith.muli %arg1, %mul3A_208 : i32
    "tpu.region"() ({
      %run_scoped3A = tpu.sem_alloc : memref<!tpu.dma_semaphore, #tpu.memory_space<semaphore_mem>>
      %dma_start3A_384 = arith.constant 16640 : i32
      %dma_start3A_385 = tpu.memref_slice %arg5[%dma_start3A_384] : memref<33280xf32, #tpu.memory_space<vmem>> -> memref<16640xf32, #tpu.memory_space<vmem>>
      %dma_start3A_386 = tpu.memref_slice %arg18[%mul3A_209] : memref<266240xf32, #tpu.memory_space<vmem_shared>> -> memref<16640xf32, #tpu.memory_space<vmem_shared>>
      %dma_start3A_387 = tpu.memref_slice %arg18[%mul3A_209] : memref<266240xf32, #tpu.memory_space<vmem_shared>> -> memref<16640xf32, #tpu.memory_space<vmem_shared>>
      %dma_start3A_388 = arith.constant 16640 : i32
      %dma_start3A_389 = tpu.memref_slice %arg5[%dma_start3A_388] : memref<33280xf32, #tpu.memory_space<vmem>> -> memref<16640xf32, #tpu.memory_space<vmem>>
      tpu.enqueue_dma source(%dma_start3A_389 : memref<16640xf32, #tpu.memory_space<vmem>>) target(%dma_start3A_387 : memref<16640xf32, #tpu.memory_space<vmem_shared>>) target_semaphore(%run_scoped3A : memref<!tpu.dma_semaphore, #tpu.memory_space<semaphore_mem>>)
      %dma_wait3A_390 = arith.constant 16640 : i32
      %dma_wait3A_391 = tpu.memref_slice %arg5[%dma_wait3A_390] : memref<33280xf32, #tpu.memory_space<vmem>> -> memref<16640xf32, #tpu.memory_space<vmem>>
      %dma_wait3A_392 = tpu.memref_slice %arg18[%mul3A_209] : memref<266240xf32, #tpu.memory_space<vmem_shared>> -> memref<16640xf32, #tpu.memory_space<vmem_shared>>
      %dma_wait3A_393 = tpu.memref_slice %arg18[%mul3A_209] : memref<266240xf32, #tpu.memory_space<vmem_shared>> -> memref<16640xf32, #tpu.memory_space<vmem_shared>>
      %dma_wait3A_394 = arith.constant 16640 : i32
      %dma_wait3A_395 = tpu.memref_slice %arg5[%dma_wait3A_394] : memref<33280xf32, #tpu.memory_space<vmem>> -> memref<16640xf32, #tpu.memory_space<vmem>>
      tpu.wait_dma2 semaphore(%run_scoped3A : memref<!tpu.dma_semaphore, #tpu.memory_space<semaphore_mem>>) src(%dma_wait3A_395 : memref<16640xf32, #tpu.memory_space<vmem>>) dst(%dma_wait3A_393 : memref<16640xf32, #tpu.memory_space<vmem_shared>>)
      tpu.yield
    }) : () -> ()
    %barrier3A_210 = arith.constant 0 : index
    tpu.barrier barrier_id(%barrier3A_210)
    %add3A_211 = arith.addi %mul3A_128, %mul3A_124 : i32
    "tpu.region"() ({
      %run_scoped3A = tpu.sem_alloc : memref<!tpu.dma_semaphore, #tpu.memory_space<semaphore_mem>>
      %dma_start3A_384 = tpu.memref_slice %arg18[%add3A_211] : memref<266240xf32, #tpu.memory_space<vmem_shared>> -> memref<2080xf32, #tpu.memory_space<vmem_shared>>
      %dma_start3A_385 = tpu.memref_slice %arg18[%add3A_211] : memref<266240xf32, #tpu.memory_space<vmem_shared>> -> memref<2080xf32, #tpu.memory_space<vmem_shared>>
      tpu.enqueue_dma source(%dma_start3A_385 : memref<2080xf32, #tpu.memory_space<vmem_shared>>) target(%arg7 : memref<2080xf32, #tpu.memory_space<vmem>>) target_semaphore(%run_scoped3A : memref<!tpu.dma_semaphore, #tpu.memory_space<semaphore_mem>>)
      %dma_wait3A_386 = tpu.memref_slice %arg18[%add3A_211] : memref<266240xf32, #tpu.memory_space<vmem_shared>> -> memref<2080xf32, #tpu.memory_space<vmem_shared>>
      %dma_wait3A_387 = tpu.memref_slice %arg18[%add3A_211] : memref<266240xf32, #tpu.memory_space<vmem_shared>> -> memref<2080xf32, #tpu.memory_space<vmem_shared>>
      tpu.wait_dma2 semaphore(%run_scoped3A : memref<!tpu.dma_semaphore, #tpu.memory_space<semaphore_mem>>) src(%dma_wait3A_387 : memref<2080xf32, #tpu.memory_space<vmem_shared>>) dst(%arg7 : memref<2080xf32, #tpu.memory_space<vmem>>)
      tpu.yield
    }) : () -> ()
    %add3A_212 = arith.constant 16640 : i32
    %add3A_213 = arith.addi %mul3A_128, %add3A_212 : i32
    %add3A_214 = arith.addi %add3A_213, %mul3A_124 : i32
    "tpu.region"() ({
      %run_scoped3A = tpu.sem_alloc : memref<!tpu.dma_semaphore, #tpu.memory_space<semaphore_mem>>
      %dma_start3A_384 = tpu.memref_slice %arg18[%add3A_214] : memref<266240xf32, #tpu.memory_space<vmem_shared>> -> memref<2080xf32, #tpu.memory_space<vmem_shared>>
      %dma_start3A_385 = tpu.memref_slice %arg18[%add3A_214] : memref<266240xf32, #tpu.memory_space<vmem_shared>> -> memref<2080xf32, #tpu.memory_space<vmem_shared>>
      tpu.enqueue_dma source(%dma_start3A_385 : memref<2080xf32, #tpu.memory_space<vmem_shared>>) target(%arg6 : memref<2080xf32, #tpu.memory_space<vmem>>) target_semaphore(%run_scoped3A : memref<!tpu.dma_semaphore, #tpu.memory_space<semaphore_mem>>)
      %dma_wait3A_386 = tpu.memref_slice %arg18[%add3A_214] : memref<266240xf32, #tpu.memory_space<vmem_shared>> -> memref<2080xf32, #tpu.memory_space<vmem_shared>>
      %dma_wait3A_387 = tpu.memref_slice %arg18[%add3A_214] : memref<266240xf32, #tpu.memory_space<vmem_shared>> -> memref<2080xf32, #tpu.memory_space<vmem_shared>>
      tpu.wait_dma2 semaphore(%run_scoped3A : memref<!tpu.dma_semaphore, #tpu.memory_space<semaphore_mem>>) src(%dma_wait3A_387 : memref<2080xf32, #tpu.memory_space<vmem_shared>>) dst(%arg6 : memref<2080xf32, #tpu.memory_space<vmem>>)
      tpu.yield
    }) : () -> ()
    %scan3A_215 = arith.constant 0 : i32
    %scan3A_216 = arith.constant 0 : i32
    %scan3A_217 = arith.constant 26 : i32
    %scan3A_218 = arith.addi %scan3A_216, %scan3A_217 : i32
    %scan3A_219 = arith.constant 1 : i32
    %scan3A_220 = scf.for %scan3A_384 = %scan3A_216 to %scan3A_218 step %scan3A_219 iter_args(%scan3A_385 = %scan3A_215) -> (i32)  : i32 {
      %mul3A_386 = arith.constant 80 : i32
      %mul3A_387 = arith.muli %scan3A_384, %mul3A_386 : i32
      %add3A_388 = arith.constant 0 : i32
      %add3A_389 = arith.addi %mul3A_387, %add3A_388 : i32
      %get3A_390 = arith.index_cast %add3A_389 : i32 to index
      %get3A_391 = tpu.vector_load %arg7[%get3A_390] {strides = array<i32>} : memref<2080xf32, #tpu.memory_space<vmem>>, vector<16xf32>,
      %get3A_392 = arith.index_cast %add3A_389 : i32 to index
      %get3A_393 = tpu.vector_load %arg6[%get3A_392] {strides = array<i32>} : memref<2080xf32, #tpu.memory_space<vmem>>, vector<16xf32>,
      %add3A_394 = arith.addf %get3A_391, %get3A_393 : vector<16xf32>
      %swap3A_395 = arith.index_cast %add3A_389 : i32 to index
      %swap3A_396 = tpu.vector_load %arg7[%swap3A_395] {strides = array<i32>} : memref<2080xf32, #tpu.memory_space<vmem>>, vector<16xf32>,
      tpu.vector_store %arg7[%swap3A_395], %add3A_394 {strides = array<i32>} : memref<2080xf32, #tpu.memory_space<vmem>>, vector<16xf32>,
      %mul3A_397 = arith.constant 80 : i32
      %mul3A_398 = arith.muli %scan3A_384, %mul3A_397 : i32
      %add3A_399 = arith.constant 16 : i32
      %add3A_400 = arith.addi %mul3A_398, %add3A_399 : i32
      %get3A_401 = arith.index_cast %add3A_400 : i32 to index
      %get3A_402 = tpu.vector_load %arg7[%get3A_401] {strides = array<i32>} : memref<2080xf32, #tpu.memory_space<vmem>>, vector<16xf32>,
      %get3A_403 = arith.index_cast %add3A_400 : i32 to index
      %get3A_404 = tpu.vector_load %arg6[%get3A_403] {strides = array<i32>} : memref<2080xf32, #tpu.memory_space<vmem>>, vector<16xf32>,
      %add3A_405 = arith.addf %get3A_402, %get3A_404 : vector<16xf32>
      %swap3A_406 = arith.index_cast %add3A_400 : i32 to index
      %swap3A_407 = tpu.vector_load %arg7[%swap3A_406] {strides = array<i32>} : memref<2080xf32, #tpu.memory_space<vmem>>, vector<16xf32>,
      tpu.vector_store %arg7[%swap3A_406], %add3A_405 {strides = array<i32>} : memref<2080xf32, #tpu.memory_space<vmem>>, vector<16xf32>,
      %mul3A_408 = arith.constant 80 : i32
      %mul3A_409 = arith.muli %scan3A_384, %mul3A_408 : i32
      %add3A_410 = arith.constant 32 : i32
      %add3A_411 = arith.addi %mul3A_409, %add3A_410 : i32
      %get3A_412 = arith.index_cast %add3A_411 : i32 to index
      %get3A_413 = tpu.vector_load %arg7[%get3A_412] {strides = array<i32>} : memref<2080xf32, #tpu.memory_space<vmem>>, vector<16xf32>,
      %get3A_414 = arith.index_cast %add3A_411 : i32 to index
      %get3A_415 = tpu.vector_load %arg6[%get3A_414] {strides = array<i32>} : memref<2080xf32, #tpu.memory_space<vmem>>, vector<16xf32>,
      %add3A_416 = arith.addf %get3A_413, %get3A_415 : vector<16xf32>
      %swap3A_417 = arith.index_cast %add3A_411 : i32 to index
      %swap3A_418 = tpu.vector_load %arg7[%swap3A_417] {strides = array<i32>} : memref<2080xf32, #tpu.memory_space<vmem>>, vector<16xf32>,
      tpu.vector_store %arg7[%swap3A_417], %add3A_416 {strides = array<i32>} : memref<2080xf32, #tpu.memory_space<vmem>>, vector<16xf32>,
      %mul3A_419 = arith.constant 80 : i32
      %mul3A_420 = arith.muli %scan3A_384, %mul3A_419 : i32
      %add3A_421 = arith.constant 48 : i32
      %add3A_422 = arith.addi %mul3A_420, %add3A_421 : i32
      %get3A_423 = arith.index_cast %add3A_422 : i32 to index
      %get3A_424 = tpu.vector_load %arg7[%get3A_423] {strides = array<i32>} : memref<2080xf32, #tpu.memory_space<vmem>>, vector<16xf32>,
      %get3A_425 = arith.index_cast %add3A_422 : i32 to index
      %get3A_426 = tpu.vector_load %arg6[%get3A_425] {strides = array<i32>} : memref<2080xf32, #tpu.memory_space<vmem>>, vector<16xf32>,
      %add3A_427 = arith.addf %get3A_424, %get3A_426 : vector<16xf32>
      %swap3A_428 = arith.index_cast %add3A_422 : i32 to index
      %swap3A_429 = tpu.vector_load %arg7[%swap3A_428] {strides = array<i32>} : memref<2080xf32, #tpu.memory_space<vmem>>, vector<16xf32>,
      tpu.vector_store %arg7[%swap3A_428], %add3A_427 {strides = array<i32>} : memref<2080xf32, #tpu.memory_space<vmem>>, vector<16xf32>,
      %mul3A_430 = arith.constant 80 : i32
      %mul3A_431 = arith.muli %scan3A_384, %mul3A_430 : i32
      %add3A_432 = arith.constant 64 : i32
      %add3A_433 = arith.addi %mul3A_431, %add3A_432 : i32
      %get3A_434 = arith.index_cast %add3A_433 : i32 to index
      %get3A_435 = tpu.vector_load %arg7[%get3A_434] {strides = array<i32>} : memref<2080xf32, #tpu.memory_space<vmem>>, vector<16xf32>,
      %get3A_436 = arith.index_cast %add3A_433 : i32 to index
      %get3A_437 = tpu.vector_load %arg6[%get3A_436] {strides = array<i32>} : memref<2080xf32, #tpu.memory_space<vmem>>, vector<16xf32>,
      %add3A_438 = arith.addf %get3A_435, %get3A_437 : vector<16xf32>
      %swap3A_439 = arith.index_cast %add3A_433 : i32 to index
      %swap3A_440 = tpu.vector_load %arg7[%swap3A_439] {strides = array<i32>} : memref<2080xf32, #tpu.memory_space<vmem>>, vector<16xf32>,
      tpu.vector_store %arg7[%swap3A_439], %add3A_438 {strides = array<i32>} : memref<2080xf32, #tpu.memory_space<vmem>>, vector<16xf32>,
      %scan3A_441 = arith.constant 0 : i32
      scf.yield %scan3A_441 : i32
    }
    %scan3A_221 = arith.constant 26 : i32
    %add3A_222 = arith.constant 33280 : i32
    %add3A_223 = arith.addi %mul3A_128, %add3A_222 : i32
    %add3A_224 = arith.addi %add3A_223, %mul3A_124 : i32
    "tpu.region"() ({
      %run_scoped3A = tpu.sem_alloc : memref<!tpu.dma_semaphore, #tpu.memory_space<semaphore_mem>>
      %dma_start3A_384 = tpu.memref_slice %arg18[%add3A_224] : memref<266240xf32, #tpu.memory_space<vmem_shared>> -> memref<2080xf32, #tpu.memory_space<vmem_shared>>
      %dma_start3A_385 = tpu.memref_slice %arg18[%add3A_224] : memref<266240xf32, #tpu.memory_space<vmem_shared>> -> memref<2080xf32, #tpu.memory_space<vmem_shared>>
      tpu.enqueue_dma source(%dma_start3A_385 : memref<2080xf32, #tpu.memory_space<vmem_shared>>) target(%arg6 : memref<2080xf32, #tpu.memory_space<vmem>>) target_semaphore(%run_scoped3A : memref<!tpu.dma_semaphore, #tpu.memory_space<semaphore_mem>>)
      %dma_wait3A_386 = tpu.memref_slice %arg18[%add3A_224] : memref<266240xf32, #tpu.memory_space<vmem_shared>> -> memref<2080xf32, #tpu.memory_space<vmem_shared>>
      %dma_wait3A_387 = tpu.memref_slice %arg18[%add3A_224] : memref<266240xf32, #tpu.memory_space<vmem_shared>> -> memref<2080xf32, #tpu.memory_space<vmem_shared>>
      tpu.wait_dma2 semaphore(%run_scoped3A : memref<!tpu.dma_semaphore, #tpu.memory_space<semaphore_mem>>) src(%dma_wait3A_387 : memref<2080xf32, #tpu.memory_space<vmem_shared>>) dst(%arg6 : memref<2080xf32, #tpu.memory_space<vmem>>)
      tpu.yield
    }) : () -> ()
    %scan3A_225 = arith.constant 0 : i32
    %scan3A_226 = arith.constant 0 : i32
    %scan3A_227 = arith.constant 26 : i32
    %scan3A_228 = arith.addi %scan3A_226, %scan3A_227 : i32
    %scan3A_229 = arith.constant 1 : i32
    %scan3A_230 = scf.for %scan3A_384 = %scan3A_226 to %scan3A_228 step %scan3A_229 iter_args(%scan3A_385 = %scan3A_225) -> (i32)  : i32 {
      %mul3A_386 = arith.constant 80 : i32
      %mul3A_387 = arith.muli %scan3A_384, %mul3A_386 : i32
      %add3A_388 = arith.constant 0 : i32
      %add3A_389 = arith.addi %mul3A_387, %add3A_388 : i32
      %get3A_390 = arith.index_cast %add3A_389 : i32 to index
      %get3A_391 = tpu.vector_load %arg7[%get3A_390] {strides = array<i32>} : memref<2080xf32, #tpu.memory_space<vmem>>, vector<16xf32>,
      %get3A_392 = arith.index_cast %add3A_389 : i32 to index
      %get3A_393 = tpu.vector_load %arg6[%get3A_392] {strides = array<i32>} : memref<2080xf32, #tpu.memory_space<vmem>>, vector<16xf32>,
      %add3A_394 = arith.addf %get3A_391, %get3A_393 : vector<16xf32>
      %swap3A_395 = arith.index_cast %add3A_389 : i32 to index
      %swap3A_396 = tpu.vector_load %arg7[%swap3A_395] {strides = array<i32>} : memref<2080xf32, #tpu.memory_space<vmem>>, vector<16xf32>,
      tpu.vector_store %arg7[%swap3A_395], %add3A_394 {strides = array<i32>} : memref<2080xf32, #tpu.memory_space<vmem>>, vector<16xf32>,
      %mul3A_397 = arith.constant 80 : i32
      %mul3A_398 = arith.muli %scan3A_384, %mul3A_397 : i32
      %add3A_399 = arith.constant 16 : i32
      %add3A_400 = arith.addi %mul3A_398, %add3A_399 : i32
      %get3A_401 = arith.index_cast %add3A_400 : i32 to index
      %get3A_402 = tpu.vector_load %arg7[%get3A_401] {strides = array<i32>} : memref<2080xf32, #tpu.memory_space<vmem>>, vector<16xf32>,
      %get3A_403 = arith.index_cast %add3A_400 : i32 to index
      %get3A_404 = tpu.vector_load %arg6[%get3A_403] {strides = array<i32>} : memref<2080xf32, #tpu.memory_space<vmem>>, vector<16xf32>,
      %add3A_405 = arith.addf %get3A_402, %get3A_404 : vector<16xf32>
      %swap3A_406 = arith.index_cast %add3A_400 : i32 to index
      %swap3A_407 = tpu.vector_load %arg7[%swap3A_406] {strides = array<i32>} : memref<2080xf32, #tpu.memory_space<vmem>>, vector<16xf32>,
      tpu.vector_store %arg7[%swap3A_406], %add3A_405 {strides = array<i32>} : memref<2080xf32, #tpu.memory_space<vmem>>, vector<16xf32>,
      %mul3A_408 = arith.constant 80 : i32
      %mul3A_409 = arith.muli %scan3A_384, %mul3A_408 : i32
      %add3A_410 = arith.constant 32 : i32
      %add3A_411 = arith.addi %mul3A_409, %add3A_410 : i32
      %get3A_412 = arith.index_cast %add3A_411 : i32 to index
      %get3A_413 = tpu.vector_load %arg7[%get3A_412] {strides = array<i32>} : memref<2080xf32, #tpu.memory_space<vmem>>, vector<16xf32>,
      %get3A_414 = arith.index_cast %add3A_411 : i32 to index
      %get3A_415 = tpu.vector_load %arg6[%get3A_414] {strides = array<i32>} : memref<2080xf32, #tpu.memory_space<vmem>>, vector<16xf32>,
      %add3A_416 = arith.addf %get3A_413, %get3A_415 : vector<16xf32>
      %swap3A_417 = arith.index_cast %add3A_411 : i32 to index
      %swap3A_418 = tpu.vector_load %arg7[%swap3A_417] {strides = array<i32>} : memref<2080xf32, #tpu.memory_space<vmem>>, vector<16xf32>,
      tpu.vector_store %arg7[%swap3A_417], %add3A_416 {strides = array<i32>} : memref<2080xf32, #tpu.memory_space<vmem>>, vector<16xf32>,
      %mul3A_419 = arith.constant 80 : i32
      %mul3A_420 = arith.muli %scan3A_384, %mul3A_419 : i32
      %add3A_421 = arith.constant 48 : i32
      %add3A_422 = arith.addi %mul3A_420, %add3A_421 : i32
      %get3A_423 = arith.index_cast %add3A_422 : i32 to index
      %get3A_424 = tpu.vector_load %arg7[%get3A_423] {strides = array<i32>} : memref<2080xf32, #tpu.memory_space<vmem>>, vector<16xf32>,
      %get3A_425 = arith.index_cast %add3A_422 : i32 to index
      %get3A_426 = tpu.vector_load %arg6[%get3A_425] {strides = array<i32>} : memref<2080xf32, #tpu.memory_space<vmem>>, vector<16xf32>,
      %add3A_427 = arith.addf %get3A_424, %get3A_426 : vector<16xf32>
      %swap3A_428 = arith.index_cast %add3A_422 : i32 to index
      %swap3A_429 = tpu.vector_load %arg7[%swap3A_428] {strides = array<i32>} : memref<2080xf32, #tpu.memory_space<vmem>>, vector<16xf32>,
      tpu.vector_store %arg7[%swap3A_428], %add3A_427 {strides = array<i32>} : memref<2080xf32, #tpu.memory_space<vmem>>, vector<16xf32>,
      %mul3A_430 = arith.constant 80 : i32
      %mul3A_431 = arith.muli %scan3A_384, %mul3A_430 : i32
      %add3A_432 = arith.constant 64 : i32
      %add3A_433 = arith.addi %mul3A_431, %add3A_432 : i32
      %get3A_434 = arith.index_cast %add3A_433 : i32 to index
      %get3A_435 = tpu.vector_load %arg7[%get3A_434] {strides = array<i32>} : memref<2080xf32, #tpu.memory_space<vmem>>, vector<16xf32>,
      %get3A_436 = arith.index_cast %add3A_433 : i32 to index
      %get3A_437 = tpu.vector_load %arg6[%get3A_436] {strides = array<i32>} : memref<2080xf32, #tpu.memory_space<vmem>>, vector<16xf32>,
      %add3A_438 = arith.addf %get3A_435, %get3A_437 : vector<16xf32>
      %swap3A_439 = arith.index_cast %add3A_433 : i32 to index
      %swap3A_440 = tpu.vector_load %arg7[%swap3A_439] {strides = array<i32>} : memref<2080xf32, #tpu.memory_space<vmem>>, vector<16xf32>,
      tpu.vector_store %arg7[%swap3A_439], %add3A_438 {strides = array<i32>} : memref<2080xf32, #tpu.memory_space<vmem>>, vector<16xf32>,
      %scan3A_441 = arith.constant 0 : i32
      scf.yield %scan3A_441 : i32
    }
    %scan3A_231 = arith.constant 26 : i32
    %add3A_232 = arith.constant 49920 : i32
    %add3A_233 = arith.addi %mul3A_128, %add3A_232 : i32
    %add3A_234 = arith.addi %add3A_233, %mul3A_124 : i32
    "tpu.region"() ({
      %run_scoped3A = tpu.sem_alloc : memref<!tpu.dma_semaphore, #tpu.memory_space<semaphore_mem>>
      %dma_start3A_384 = tpu.memref_slice %arg18[%add3A_234] : memref<266240xf32, #tpu.memory_space<vmem_shared>> -> memref<2080xf32, #tpu.memory_space<vmem_shared>>
      %dma_start3A_385 = tpu.memref_slice %arg18[%add3A_234] : memref<266240xf32, #tpu.memory_space<vmem_shared>> -> memref<2080xf32, #tpu.memory_space<vmem_shared>>
      tpu.enqueue_dma source(%dma_start3A_385 : memref<2080xf32, #tpu.memory_space<vmem_shared>>) target(%arg6 : memref<2080xf32, #tpu.memory_space<vmem>>) target_semaphore(%run_scoped3A : memref<!tpu.dma_semaphore, #tpu.memory_space<semaphore_mem>>)
      %dma_wait3A_386 = tpu.memref_slice %arg18[%add3A_234] : memref<266240xf32, #tpu.memory_space<vmem_shared>> -> memref<2080xf32, #tpu.memory_space<vmem_shared>>
      %dma_wait3A_387 = tpu.memref_slice %arg18[%add3A_234] : memref<266240xf32, #tpu.memory_space<vmem_shared>> -> memref<2080xf32, #tpu.memory_space<vmem_shared>>
      tpu.wait_dma2 semaphore(%run_scoped3A : memref<!tpu.dma_semaphore, #tpu.memory_space<semaphore_mem>>) src(%dma_wait3A_387 : memref<2080xf32, #tpu.memory_space<vmem_shared>>) dst(%arg6 : memref<2080xf32, #tpu.memory_space<vmem>>)
      tpu.yield
    }) : () -> ()
    %scan3A_235 = arith.constant 0 : i32
    %scan3A_236 = arith.constant 0 : i32
    %scan3A_237 = arith.constant 26 : i32
    %scan3A_238 = arith.addi %scan3A_236, %scan3A_237 : i32
    %scan3A_239 = arith.constant 1 : i32
    %scan3A_240 = scf.for %scan3A_384 = %scan3A_236 to %scan3A_238 step %scan3A_239 iter_args(%scan3A_385 = %scan3A_235) -> (i32)  : i32 {
      %mul3A_386 = arith.constant 80 : i32
      %mul3A_387 = arith.muli %scan3A_384, %mul3A_386 : i32
      %add3A_388 = arith.constant 0 : i32
      %add3A_389 = arith.addi %mul3A_387, %add3A_388 : i32
      %get3A_390 = arith.index_cast %add3A_389 : i32 to index
      %get3A_391 = tpu.vector_load %arg7[%get3A_390] {strides = array<i32>} : memref<2080xf32, #tpu.memory_space<vmem>>, vector<16xf32>,
      %get3A_392 = arith.index_cast %add3A_389 : i32 to index
      %get3A_393 = tpu.vector_load %arg6[%get3A_392] {strides = array<i32>} : memref<2080xf32, #tpu.memory_space<vmem>>, vector<16xf32>,
      %add3A_394 = arith.addf %get3A_391, %get3A_393 : vector<16xf32>
      %swap3A_395 = arith.index_cast %add3A_389 : i32 to index
      %swap3A_396 = tpu.vector_load %arg7[%swap3A_395] {strides = array<i32>} : memref<2080xf32, #tpu.memory_space<vmem>>, vector<16xf32>,
      tpu.vector_store %arg7[%swap3A_395], %add3A_394 {strides = array<i32>} : memref<2080xf32, #tpu.memory_space<vmem>>, vector<16xf32>,
      %mul3A_397 = arith.constant 80 : i32
      %mul3A_398 = arith.muli %scan3A_384, %mul3A_397 : i32
      %add3A_399 = arith.constant 16 : i32
      %add3A_400 = arith.addi %mul3A_398, %add3A_399 : i32
      %get3A_401 = arith.index_cast %add3A_400 : i32 to index
      %get3A_402 = tpu.vector_load %arg7[%get3A_401] {strides = array<i32>} : memref<2080xf32, #tpu.memory_space<vmem>>, vector<16xf32>,
      %get3A_403 = arith.index_cast %add3A_400 : i32 to index
      %get3A_404 = tpu.vector_load %arg6[%get3A_403] {strides = array<i32>} : memref<2080xf32, #tpu.memory_space<vmem>>, vector<16xf32>,
      %add3A_405 = arith.addf %get3A_402, %get3A_404 : vector<16xf32>
      %swap3A_406 = arith.index_cast %add3A_400 : i32 to index
      %swap3A_407 = tpu.vector_load %arg7[%swap3A_406] {strides = array<i32>} : memref<2080xf32, #tpu.memory_space<vmem>>, vector<16xf32>,
      tpu.vector_store %arg7[%swap3A_406], %add3A_405 {strides = array<i32>} : memref<2080xf32, #tpu.memory_space<vmem>>, vector<16xf32>,
      %mul3A_408 = arith.constant 80 : i32
      %mul3A_409 = arith.muli %scan3A_384, %mul3A_408 : i32
      %add3A_410 = arith.constant 32 : i32
      %add3A_411 = arith.addi %mul3A_409, %add3A_410 : i32
      %get3A_412 = arith.index_cast %add3A_411 : i32 to index
      %get3A_413 = tpu.vector_load %arg7[%get3A_412] {strides = array<i32>} : memref<2080xf32, #tpu.memory_space<vmem>>, vector<16xf32>,
      %get3A_414 = arith.index_cast %add3A_411 : i32 to index
      %get3A_415 = tpu.vector_load %arg6[%get3A_414] {strides = array<i32>} : memref<2080xf32, #tpu.memory_space<vmem>>, vector<16xf32>,
      %add3A_416 = arith.addf %get3A_413, %get3A_415 : vector<16xf32>
      %swap3A_417 = arith.index_cast %add3A_411 : i32 to index
      %swap3A_418 = tpu.vector_load %arg7[%swap3A_417] {strides = array<i32>} : memref<2080xf32, #tpu.memory_space<vmem>>, vector<16xf32>,
      tpu.vector_store %arg7[%swap3A_417], %add3A_416 {strides = array<i32>} : memref<2080xf32, #tpu.memory_space<vmem>>, vector<16xf32>,
      %mul3A_419 = arith.constant 80 : i32
      %mul3A_420 = arith.muli %scan3A_384, %mul3A_419 : i32
      %add3A_421 = arith.constant 48 : i32
      %add3A_422 = arith.addi %mul3A_420, %add3A_421 : i32
      %get3A_423 = arith.index_cast %add3A_422 : i32 to index
      %get3A_424 = tpu.vector_load %arg7[%get3A_423] {strides = array<i32>} : memref<2080xf32, #tpu.memory_space<vmem>>, vector<16xf32>,
      %get3A_425 = arith.index_cast %add3A_422 : i32 to index
      %get3A_426 = tpu.vector_load %arg6[%get3A_425] {strides = array<i32>} : memref<2080xf32, #tpu.memory_space<vmem>>, vector<16xf32>,
      %add3A_427 = arith.addf %get3A_424, %get3A_426 : vector<16xf32>
      %swap3A_428 = arith.index_cast %add3A_422 : i32 to index
      %swap3A_429 = tpu.vector_load %arg7[%swap3A_428] {strides = array<i32>} : memref<2080xf32, #tpu.memory_space<vmem>>, vector<16xf32>,
      tpu.vector_store %arg7[%swap3A_428], %add3A_427 {strides = array<i32>} : memref<2080xf32, #tpu.memory_space<vmem>>, vector<16xf32>,
      %mul3A_430 = arith.constant 80 : i32
      %mul3A_431 = arith.muli %scan3A_384, %mul3A_430 : i32
      %add3A_432 = arith.constant 64 : i32
      %add3A_433 = arith.addi %mul3A_431, %add3A_432 : i32
      %get3A_434 = arith.index_cast %add3A_433 : i32 to index
      %get3A_435 = tpu.vector_load %arg7[%get3A_434] {strides = array<i32>} : memref<2080xf32, #tpu.memory_space<vmem>>, vector<16xf32>,
      %get3A_436 = arith.index_cast %add3A_433 : i32 to index
      %get3A_437 = tpu.vector_load %arg6[%get3A_436] {strides = array<i32>} : memref<2080xf32, #tpu.memory_space<vmem>>, vector<16xf32>,
      %add3A_438 = arith.addf %get3A_435, %get3A_437 : vector<16xf32>
      %swap3A_439 = arith.index_cast %add3A_433 : i32 to index
      %swap3A_440 = tpu.vector_load %arg7[%swap3A_439] {strides = array<i32>} : memref<2080xf32, #tpu.memory_space<vmem>>, vector<16xf32>,
      tpu.vector_store %arg7[%swap3A_439], %add3A_438 {strides = array<i32>} : memref<2080xf32, #tpu.memory_space<vmem>>, vector<16xf32>,
      %scan3A_441 = arith.constant 0 : i32
      scf.yield %scan3A_441 : i32
    }
    %scan3A_241 = arith.constant 26 : i32
    %add3A_242 = arith.constant 66560 : i32
    %add3A_243 = arith.addi %mul3A_128, %add3A_242 : i32
    %add3A_244 = arith.addi %add3A_243, %mul3A_124 : i32
    "tpu.region"() ({
      %run_scoped3A = tpu.sem_alloc : memref<!tpu.dma_semaphore, #tpu.memory_space<semaphore_mem>>
      %dma_start3A_384 = tpu.memref_slice %arg18[%add3A_244] : memref<266240xf32, #tpu.memory_space<vmem_shared>> -> memref<2080xf32, #tpu.memory_space<vmem_shared>>
      %dma_start3A_385 = tpu.memref_slice %arg18[%add3A_244] : memref<266240xf32, #tpu.memory_space<vmem_shared>> -> memref<2080xf32, #tpu.memory_space<vmem_shared>>
      tpu.enqueue_dma source(%dma_start3A_385 : memref<2080xf32, #tpu.memory_space<vmem_shared>>) target(%arg6 : memref<2080xf32, #tpu.memory_space<vmem>>) target_semaphore(%run_scoped3A : memref<!tpu.dma_semaphore, #tpu.memory_space<semaphore_mem>>)
      %dma_wait3A_386 = tpu.memref_slice %arg18[%add3A_244] : memref<266240xf32, #tpu.memory_space<vmem_shared>> -> memref<2080xf32, #tpu.memory_space<vmem_shared>>
      %dma_wait3A_387 = tpu.memref_slice %arg18[%add3A_244] : memref<266240xf32, #tpu.memory_space<vmem_shared>> -> memref<2080xf32, #tpu.memory_space<vmem_shared>>
      tpu.wait_dma2 semaphore(%run_scoped3A : memref<!tpu.dma_semaphore, #tpu.memory_space<semaphore_mem>>) src(%dma_wait3A_387 : memref<2080xf32, #tpu.memory_space<vmem_shared>>) dst(%arg6 : memref<2080xf32, #tpu.memory_space<vmem>>)
      tpu.yield
    }) : () -> ()
    %scan3A_245 = arith.constant 0 : i32
    %scan3A_246 = arith.constant 0 : i32
    %scan3A_247 = arith.constant 26 : i32
    %scan3A_248 = arith.addi %scan3A_246, %scan3A_247 : i32
    %scan3A_249 = arith.constant 1 : i32
    %scan3A_250 = scf.for %scan3A_384 = %scan3A_246 to %scan3A_248 step %scan3A_249 iter_args(%scan3A_385 = %scan3A_245) -> (i32)  : i32 {
      %mul3A_386 = arith.constant 80 : i32
      %mul3A_387 = arith.muli %scan3A_384, %mul3A_386 : i32
      %add3A_388 = arith.constant 0 : i32
      %add3A_389 = arith.addi %mul3A_387, %add3A_388 : i32
      %get3A_390 = arith.index_cast %add3A_389 : i32 to index
      %get3A_391 = tpu.vector_load %arg7[%get3A_390] {strides = array<i32>} : memref<2080xf32, #tpu.memory_space<vmem>>, vector<16xf32>,
      %get3A_392 = arith.index_cast %add3A_389 : i32 to index
      %get3A_393 = tpu.vector_load %arg6[%get3A_392] {strides = array<i32>} : memref<2080xf32, #tpu.memory_space<vmem>>, vector<16xf32>,
      %add3A_394 = arith.addf %get3A_391, %get3A_393 : vector<16xf32>
      %swap3A_395 = arith.index_cast %add3A_389 : i32 to index
      %swap3A_396 = tpu.vector_load %arg7[%swap3A_395] {strides = array<i32>} : memref<2080xf32, #tpu.memory_space<vmem>>, vector<16xf32>,
      tpu.vector_store %arg7[%swap3A_395], %add3A_394 {strides = array<i32>} : memref<2080xf32, #tpu.memory_space<vmem>>, vector<16xf32>,
      %mul3A_397 = arith.constant 80 : i32
      %mul3A_398 = arith.muli %scan3A_384, %mul3A_397 : i32
      %add3A_399 = arith.constant 16 : i32
      %add3A_400 = arith.addi %mul3A_398, %add3A_399 : i32
      %get3A_401 = arith.index_cast %add3A_400 : i32 to index
      %get3A_402 = tpu.vector_load %arg7[%get3A_401] {strides = array<i32>} : memref<2080xf32, #tpu.memory_space<vmem>>, vector<16xf32>,
      %get3A_403 = arith.index_cast %add3A_400 : i32 to index
      %get3A_404 = tpu.vector_load %arg6[%get3A_403] {strides = array<i32>} : memref<2080xf32, #tpu.memory_space<vmem>>, vector<16xf32>,
      %add3A_405 = arith.addf %get3A_402, %get3A_404 : vector<16xf32>
      %swap3A_406 = arith.index_cast %add3A_400 : i32 to index
      %swap3A_407 = tpu.vector_load %arg7[%swap3A_406] {strides = array<i32>} : memref<2080xf32, #tpu.memory_space<vmem>>, vector<16xf32>,
      tpu.vector_store %arg7[%swap3A_406], %add3A_405 {strides = array<i32>} : memref<2080xf32, #tpu.memory_space<vmem>>, vector<16xf32>,
      %mul3A_408 = arith.constant 80 : i32
      %mul3A_409 = arith.muli %scan3A_384, %mul3A_408 : i32
      %add3A_410 = arith.constant 32 : i32
      %add3A_411 = arith.addi %mul3A_409, %add3A_410 : i32
      %get3A_412 = arith.index_cast %add3A_411 : i32 to index
      %get3A_413 = tpu.vector_load %arg7[%get3A_412] {strides = array<i32>} : memref<2080xf32, #tpu.memory_space<vmem>>, vector<16xf32>,
      %get3A_414 = arith.index_cast %add3A_411 : i32 to index
      %get3A_415 = tpu.vector_load %arg6[%get3A_414] {strides = array<i32>} : memref<2080xf32, #tpu.memory_space<vmem>>, vector<16xf32>,
      %add3A_416 = arith.addf %get3A_413, %get3A_415 : vector<16xf32>
      %swap3A_417 = arith.index_cast %add3A_411 : i32 to index
      %swap3A_418 = tpu.vector_load %arg7[%swap3A_417] {strides = array<i32>} : memref<2080xf32, #tpu.memory_space<vmem>>, vector<16xf32>,
      tpu.vector_store %arg7[%swap3A_417], %add3A_416 {strides = array<i32>} : memref<2080xf32, #tpu.memory_space<vmem>>, vector<16xf32>,
      %mul3A_419 = arith.constant 80 : i32
      %mul3A_420 = arith.muli %scan3A_384, %mul3A_419 : i32
      %add3A_421 = arith.constant 48 : i32
      %add3A_422 = arith.addi %mul3A_420, %add3A_421 : i32
      %get3A_423 = arith.index_cast %add3A_422 : i32 to index
      %get3A_424 = tpu.vector_load %arg7[%get3A_423] {strides = array<i32>} : memref<2080xf32, #tpu.memory_space<vmem>>, vector<16xf32>,
      %get3A_425 = arith.index_cast %add3A_422 : i32 to index
      %get3A_426 = tpu.vector_load %arg6[%get3A_425] {strides = array<i32>} : memref<2080xf32, #tpu.memory_space<vmem>>, vector<16xf32>,
      %add3A_427 = arith.addf %get3A_424, %get3A_426 : vector<16xf32>
      %swap3A_428 = arith.index_cast %add3A_422 : i32 to index
      %swap3A_429 = tpu.vector_load %arg7[%swap3A_428] {strides = array<i32>} : memref<2080xf32, #tpu.memory_space<vmem>>, vector<16xf32>,
      tpu.vector_store %arg7[%swap3A_428], %add3A_427 {strides = array<i32>} : memref<2080xf32, #tpu.memory_space<vmem>>, vector<16xf32>,
      %mul3A_430 = arith.constant 80 : i32
      %mul3A_431 = arith.muli %scan3A_384, %mul3A_430 : i32
      %add3A_432 = arith.constant 64 : i32
      %add3A_433 = arith.addi %mul3A_431, %add3A_432 : i32
      %get3A_434 = arith.index_cast %add3A_433 : i32 to index
      %get3A_435 = tpu.vector_load %arg7[%get3A_434] {strides = array<i32>} : memref<2080xf32, #tpu.memory_space<vmem>>, vector<16xf32>,
      %get3A_436 = arith.index_cast %add3A_433 : i32 to index
      %get3A_437 = tpu.vector_load %arg6[%get3A_436] {strides = array<i32>} : memref<2080xf32, #tpu.memory_space<vmem>>, vector<16xf32>,
      %add3A_438 = arith.addf %get3A_435, %get3A_437 : vector<16xf32>
      %swap3A_439 = arith.index_cast %add3A_433 : i32 to index
      %swap3A_440 = tpu.vector_load %arg7[%swap3A_439] {strides = array<i32>} : memref<2080xf32, #tpu.memory_space<vmem>>, vector<16xf32>,
      tpu.vector_store %arg7[%swap3A_439], %add3A_438 {strides = array<i32>} : memref<2080xf32, #tpu.memory_space<vmem>>, vector<16xf32>,
      %scan3A_441 = arith.constant 0 : i32
      scf.yield %scan3A_441 : i32
    }
    %scan3A_251 = arith.constant 26 : i32
    %add3A_252 = arith.constant 83200 : i32
    %add3A_253 = arith.addi %mul3A_128, %add3A_252 : i32
    %add3A_254 = arith.addi %add3A_253, %mul3A_124 : i32
    "tpu.region"() ({
      %run_scoped3A = tpu.sem_alloc : memref<!tpu.dma_semaphore, #tpu.memory_space<semaphore_mem>>
      %dma_start3A_384 = tpu.memref_slice %arg18[%add3A_254] : memref<266240xf32, #tpu.memory_space<vmem_shared>> -> memref<2080xf32, #tpu.memory_space<vmem_shared>>
      %dma_start3A_385 = tpu.memref_slice %arg18[%add3A_254] : memref<266240xf32, #tpu.memory_space<vmem_shared>> -> memref<2080xf32, #tpu.memory_space<vmem_shared>>
      tpu.enqueue_dma source(%dma_start3A_385 : memref<2080xf32, #tpu.memory_space<vmem_shared>>) target(%arg6 : memref<2080xf32, #tpu.memory_space<vmem>>) target_semaphore(%run_scoped3A : memref<!tpu.dma_semaphore, #tpu.memory_space<semaphore_mem>>)
      %dma_wait3A_386 = tpu.memref_slice %arg18[%add3A_254] : memref<266240xf32, #tpu.memory_space<vmem_shared>> -> memref<2080xf32, #tpu.memory_space<vmem_shared>>
      %dma_wait3A_387 = tpu.memref_slice %arg18[%add3A_254] : memref<266240xf32, #tpu.memory_space<vmem_shared>> -> memref<2080xf32, #tpu.memory_space<vmem_shared>>
      tpu.wait_dma2 semaphore(%run_scoped3A : memref<!tpu.dma_semaphore, #tpu.memory_space<semaphore_mem>>) src(%dma_wait3A_387 : memref<2080xf32, #tpu.memory_space<vmem_shared>>) dst(%arg6 : memref<2080xf32, #tpu.memory_space<vmem>>)
      tpu.yield
    }) : () -> ()
    %scan3A_255 = arith.constant 0 : i32
    %scan3A_256 = arith.constant 0 : i32
    %scan3A_257 = arith.constant 26 : i32
    %scan3A_258 = arith.addi %scan3A_256, %scan3A_257 : i32
    %scan3A_259 = arith.constant 1 : i32
    %scan3A_260 = scf.for %scan3A_384 = %scan3A_256 to %scan3A_258 step %scan3A_259 iter_args(%scan3A_385 = %scan3A_255) -> (i32)  : i32 {
      %mul3A_386 = arith.constant 80 : i32
      %mul3A_387 = arith.muli %scan3A_384, %mul3A_386 : i32
      %add3A_388 = arith.constant 0 : i32
      %add3A_389 = arith.addi %mul3A_387, %add3A_388 : i32
      %get3A_390 = arith.index_cast %add3A_389 : i32 to index
      %get3A_391 = tpu.vector_load %arg7[%get3A_390] {strides = array<i32>} : memref<2080xf32, #tpu.memory_space<vmem>>, vector<16xf32>,
      %get3A_392 = arith.index_cast %add3A_389 : i32 to index
      %get3A_393 = tpu.vector_load %arg6[%get3A_392] {strides = array<i32>} : memref<2080xf32, #tpu.memory_space<vmem>>, vector<16xf32>,
      %add3A_394 = arith.addf %get3A_391, %get3A_393 : vector<16xf32>
      %swap3A_395 = arith.index_cast %add3A_389 : i32 to index
      %swap3A_396 = tpu.vector_load %arg7[%swap3A_395] {strides = array<i32>} : memref<2080xf32, #tpu.memory_space<vmem>>, vector<16xf32>,
      tpu.vector_store %arg7[%swap3A_395], %add3A_394 {strides = array<i32>} : memref<2080xf32, #tpu.memory_space<vmem>>, vector<16xf32>,
      %mul3A_397 = arith.constant 80 : i32
      %mul3A_398 = arith.muli %scan3A_384, %mul3A_397 : i32
      %add3A_399 = arith.constant 16 : i32
      %add3A_400 = arith.addi %mul3A_398, %add3A_399 : i32
      %get3A_401 = arith.index_cast %add3A_400 : i32 to index
      %get3A_402 = tpu.vector_load %arg7[%get3A_401] {strides = array<i32>} : memref<2080xf32, #tpu.memory_space<vmem>>, vector<16xf32>,
      %get3A_403 = arith.index_cast %add3A_400 : i32 to index
      %get3A_404 = tpu.vector_load %arg6[%get3A_403] {strides = array<i32>} : memref<2080xf32, #tpu.memory_space<vmem>>, vector<16xf32>,
      %add3A_405 = arith.addf %get3A_402, %get3A_404 : vector<16xf32>
      %swap3A_406 = arith.index_cast %add3A_400 : i32 to index
      %swap3A_407 = tpu.vector_load %arg7[%swap3A_406] {strides = array<i32>} : memref<2080xf32, #tpu.memory_space<vmem>>, vector<16xf32>,
      tpu.vector_store %arg7[%swap3A_406], %add3A_405 {strides = array<i32>} : memref<2080xf32, #tpu.memory_space<vmem>>, vector<16xf32>,
      %mul3A_408 = arith.constant 80 : i32
      %mul3A_409 = arith.muli %scan3A_384, %mul3A_408 : i32
      %add3A_410 = arith.constant 32 : i32
      %add3A_411 = arith.addi %mul3A_409, %add3A_410 : i32
      %get3A_412 = arith.index_cast %add3A_411 : i32 to index
      %get3A_413 = tpu.vector_load %arg7[%get3A_412] {strides = array<i32>} : memref<2080xf32, #tpu.memory_space<vmem>>, vector<16xf32>,
      %get3A_414 = arith.index_cast %add3A_411 : i32 to index
      %get3A_415 = tpu.vector_load %arg6[%get3A_414] {strides = array<i32>} : memref<2080xf32, #tpu.memory_space<vmem>>, vector<16xf32>,
      %add3A_416 = arith.addf %get3A_413, %get3A_415 : vector<16xf32>
      %swap3A_417 = arith.index_cast %add3A_411 : i32 to index
      %swap3A_418 = tpu.vector_load %arg7[%swap3A_417] {strides = array<i32>} : memref<2080xf32, #tpu.memory_space<vmem>>, vector<16xf32>,
      tpu.vector_store %arg7[%swap3A_417], %add3A_416 {strides = array<i32>} : memref<2080xf32, #tpu.memory_space<vmem>>, vector<16xf32>,
      %mul3A_419 = arith.constant 80 : i32
      %mul3A_420 = arith.muli %scan3A_384, %mul3A_419 : i32
      %add3A_421 = arith.constant 48 : i32
      %add3A_422 = arith.addi %mul3A_420, %add3A_421 : i32
      %get3A_423 = arith.index_cast %add3A_422 : i32 to index
      %get3A_424 = tpu.vector_load %arg7[%get3A_423] {strides = array<i32>} : memref<2080xf32, #tpu.memory_space<vmem>>, vector<16xf32>,
      %get3A_425 = arith.index_cast %add3A_422 : i32 to index
      %get3A_426 = tpu.vector_load %arg6[%get3A_425] {strides = array<i32>} : memref<2080xf32, #tpu.memory_space<vmem>>, vector<16xf32>,
      %add3A_427 = arith.addf %get3A_424, %get3A_426 : vector<16xf32>
      %swap3A_428 = arith.index_cast %add3A_422 : i32 to index
      %swap3A_429 = tpu.vector_load %arg7[%swap3A_428] {strides = array<i32>} : memref<2080xf32, #tpu.memory_space<vmem>>, vector<16xf32>,
      tpu.vector_store %arg7[%swap3A_428], %add3A_427 {strides = array<i32>} : memref<2080xf32, #tpu.memory_space<vmem>>, vector<16xf32>,
      %mul3A_430 = arith.constant 80 : i32
      %mul3A_431 = arith.muli %scan3A_384, %mul3A_430 : i32
      %add3A_432 = arith.constant 64 : i32
      %add3A_433 = arith.addi %mul3A_431, %add3A_432 : i32
      %get3A_434 = arith.index_cast %add3A_433 : i32 to index
      %get3A_435 = tpu.vector_load %arg7[%get3A_434] {strides = array<i32>} : memref<2080xf32, #tpu.memory_space<vmem>>, vector<16xf32>,
      %get3A_436 = arith.index_cast %add3A_433 : i32 to index
      %get3A_437 = tpu.vector_load %arg6[%get3A_436] {strides = array<i32>} : memref<2080xf32, #tpu.memory_space<vmem>>, vector<16xf32>,
      %add3A_438 = arith.addf %get3A_435, %get3A_437 : vector<16xf32>
      %swap3A_439 = arith.index_cast %add3A_433 : i32 to index
      %swap3A_440 = tpu.vector_load %arg7[%swap3A_439] {strides = array<i32>} : memref<2080xf32, #tpu.memory_space<vmem>>, vector<16xf32>,
      tpu.vector_store %arg7[%swap3A_439], %add3A_438 {strides = array<i32>} : memref<2080xf32, #tpu.memory_space<vmem>>, vector<16xf32>,
      %scan3A_441 = arith.constant 0 : i32
      scf.yield %scan3A_441 : i32
    }
    %scan3A_261 = arith.constant 26 : i32
    %add3A_262 = arith.constant 99840 : i32
    %add3A_263 = arith.addi %mul3A_128, %add3A_262 : i32
    %add3A_264 = arith.addi %add3A_263, %mul3A_124 : i32
    "tpu.region"() ({
      %run_scoped3A = tpu.sem_alloc : memref<!tpu.dma_semaphore, #tpu.memory_space<semaphore_mem>>
      %dma_start3A_384 = tpu.memref_slice %arg18[%add3A_264] : memref<266240xf32, #tpu.memory_space<vmem_shared>> -> memref<2080xf32, #tpu.memory_space<vmem_shared>>
      %dma_start3A_385 = tpu.memref_slice %arg18[%add3A_264] : memref<266240xf32, #tpu.memory_space<vmem_shared>> -> memref<2080xf32, #tpu.memory_space<vmem_shared>>
      tpu.enqueue_dma source(%dma_start3A_385 : memref<2080xf32, #tpu.memory_space<vmem_shared>>) target(%arg6 : memref<2080xf32, #tpu.memory_space<vmem>>) target_semaphore(%run_scoped3A : memref<!tpu.dma_semaphore, #tpu.memory_space<semaphore_mem>>)
      %dma_wait3A_386 = tpu.memref_slice %arg18[%add3A_264] : memref<266240xf32, #tpu.memory_space<vmem_shared>> -> memref<2080xf32, #tpu.memory_space<vmem_shared>>
      %dma_wait3A_387 = tpu.memref_slice %arg18[%add3A_264] : memref<266240xf32, #tpu.memory_space<vmem_shared>> -> memref<2080xf32, #tpu.memory_space<vmem_shared>>
      tpu.wait_dma2 semaphore(%run_scoped3A : memref<!tpu.dma_semaphore, #tpu.memory_space<semaphore_mem>>) src(%dma_wait3A_387 : memref<2080xf32, #tpu.memory_space<vmem_shared>>) dst(%arg6 : memref<2080xf32, #tpu.memory_space<vmem>>)
      tpu.yield
    }) : () -> ()
    %scan3A_265 = arith.constant 0 : i32
    %scan3A_266 = arith.constant 0 : i32
    %scan3A_267 = arith.constant 26 : i32
    %scan3A_268 = arith.addi %scan3A_266, %scan3A_267 : i32
    %scan3A_269 = arith.constant 1 : i32
    %scan3A_270 = scf.for %scan3A_384 = %scan3A_266 to %scan3A_268 step %scan3A_269 iter_args(%scan3A_385 = %scan3A_265) -> (i32)  : i32 {
      %mul3A_386 = arith.constant 80 : i32
      %mul3A_387 = arith.muli %scan3A_384, %mul3A_386 : i32
      %add3A_388 = arith.constant 0 : i32
      %add3A_389 = arith.addi %mul3A_387, %add3A_388 : i32
      %get3A_390 = arith.index_cast %add3A_389 : i32 to index
      %get3A_391 = tpu.vector_load %arg7[%get3A_390] {strides = array<i32>} : memref<2080xf32, #tpu.memory_space<vmem>>, vector<16xf32>,
      %get3A_392 = arith.index_cast %add3A_389 : i32 to index
      %get3A_393 = tpu.vector_load %arg6[%get3A_392] {strides = array<i32>} : memref<2080xf32, #tpu.memory_space<vmem>>, vector<16xf32>,
      %add3A_394 = arith.addf %get3A_391, %get3A_393 : vector<16xf32>
      %swap3A_395 = arith.index_cast %add3A_389 : i32 to index
      %swap3A_396 = tpu.vector_load %arg7[%swap3A_395] {strides = array<i32>} : memref<2080xf32, #tpu.memory_space<vmem>>, vector<16xf32>,
      tpu.vector_store %arg7[%swap3A_395], %add3A_394 {strides = array<i32>} : memref<2080xf32, #tpu.memory_space<vmem>>, vector<16xf32>,
      %mul3A_397 = arith.constant 80 : i32
      %mul3A_398 = arith.muli %scan3A_384, %mul3A_397 : i32
      %add3A_399 = arith.constant 16 : i32
      %add3A_400 = arith.addi %mul3A_398, %add3A_399 : i32
      %get3A_401 = arith.index_cast %add3A_400 : i32 to index
      %get3A_402 = tpu.vector_load %arg7[%get3A_401] {strides = array<i32>} : memref<2080xf32, #tpu.memory_space<vmem>>, vector<16xf32>,
      %get3A_403 = arith.index_cast %add3A_400 : i32 to index
      %get3A_404 = tpu.vector_load %arg6[%get3A_403] {strides = array<i32>} : memref<2080xf32, #tpu.memory_space<vmem>>, vector<16xf32>,
      %add3A_405 = arith.addf %get3A_402, %get3A_404 : vector<16xf32>
      %swap3A_406 = arith.index_cast %add3A_400 : i32 to index
      %swap3A_407 = tpu.vector_load %arg7[%swap3A_406] {strides = array<i32>} : memref<2080xf32, #tpu.memory_space<vmem>>, vector<16xf32>,
      tpu.vector_store %arg7[%swap3A_406], %add3A_405 {strides = array<i32>} : memref<2080xf32, #tpu.memory_space<vmem>>, vector<16xf32>,
      %mul3A_408 = arith.constant 80 : i32
      %mul3A_409 = arith.muli %scan3A_384, %mul3A_408 : i32
      %add3A_410 = arith.constant 32 : i32
      %add3A_411 = arith.addi %mul3A_409, %add3A_410 : i32
      %get3A_412 = arith.index_cast %add3A_411 : i32 to index
      %get3A_413 = tpu.vector_load %arg7[%get3A_412] {strides = array<i32>} : memref<2080xf32, #tpu.memory_space<vmem>>, vector<16xf32>,
      %get3A_414 = arith.index_cast %add3A_411 : i32 to index
      %get3A_415 = tpu.vector_load %arg6[%get3A_414] {strides = array<i32>} : memref<2080xf32, #tpu.memory_space<vmem>>, vector<16xf32>,
      %add3A_416 = arith.addf %get3A_413, %get3A_415 : vector<16xf32>
      %swap3A_417 = arith.index_cast %add3A_411 : i32 to index
      %swap3A_418 = tpu.vector_load %arg7[%swap3A_417] {strides = array<i32>} : memref<2080xf32, #tpu.memory_space<vmem>>, vector<16xf32>,
      tpu.vector_store %arg7[%swap3A_417], %add3A_416 {strides = array<i32>} : memref<2080xf32, #tpu.memory_space<vmem>>, vector<16xf32>,
      %mul3A_419 = arith.constant 80 : i32
      %mul3A_420 = arith.muli %scan3A_384, %mul3A_419 : i32
      %add3A_421 = arith.constant 48 : i32
      %add3A_422 = arith.addi %mul3A_420, %add3A_421 : i32
      %get3A_423 = arith.index_cast %add3A_422 : i32 to index
      %get3A_424 = tpu.vector_load %arg7[%get3A_423] {strides = array<i32>} : memref<2080xf32, #tpu.memory_space<vmem>>, vector<16xf32>,
      %get3A_425 = arith.index_cast %add3A_422 : i32 to index
      %get3A_426 = tpu.vector_load %arg6[%get3A_425] {strides = array<i32>} : memref<2080xf32, #tpu.memory_space<vmem>>, vector<16xf32>,
      %add3A_427 = arith.addf %get3A_424, %get3A_426 : vector<16xf32>
      %swap3A_428 = arith.index_cast %add3A_422 : i32 to index
      %swap3A_429 = tpu.vector_load %arg7[%swap3A_428] {strides = array<i32>} : memref<2080xf32, #tpu.memory_space<vmem>>, vector<16xf32>,
      tpu.vector_store %arg7[%swap3A_428], %add3A_427 {strides = array<i32>} : memref<2080xf32, #tpu.memory_space<vmem>>, vector<16xf32>,
      %mul3A_430 = arith.constant 80 : i32
      %mul3A_431 = arith.muli %scan3A_384, %mul3A_430 : i32
      %add3A_432 = arith.constant 64 : i32
      %add3A_433 = arith.addi %mul3A_431, %add3A_432 : i32
      %get3A_434 = arith.index_cast %add3A_433 : i32 to index
      %get3A_435 = tpu.vector_load %arg7[%get3A_434] {strides = array<i32>} : memref<2080xf32, #tpu.memory_space<vmem>>, vector<16xf32>,
      %get3A_436 = arith.index_cast %add3A_433 : i32 to index
      %get3A_437 = tpu.vector_load %arg6[%get3A_436] {strides = array<i32>} : memref<2080xf32, #tpu.memory_space<vmem>>, vector<16xf32>,
      %add3A_438 = arith.addf %get3A_435, %get3A_437 : vector<16xf32>
      %swap3A_439 = arith.index_cast %add3A_433 : i32 to index
      %swap3A_440 = tpu.vector_load %arg7[%swap3A_439] {strides = array<i32>} : memref<2080xf32, #tpu.memory_space<vmem>>, vector<16xf32>,
      tpu.vector_store %arg7[%swap3A_439], %add3A_438 {strides = array<i32>} : memref<2080xf32, #tpu.memory_space<vmem>>, vector<16xf32>,
      %scan3A_441 = arith.constant 0 : i32
      scf.yield %scan3A_441 : i32
    }
    %scan3A_271 = arith.constant 26 : i32
    %add3A_272 = arith.constant 116480 : i32
    %add3A_273 = arith.addi %mul3A_128, %add3A_272 : i32
    %add3A_274 = arith.addi %add3A_273, %mul3A_124 : i32
    "tpu.region"() ({
      %run_scoped3A = tpu.sem_alloc : memref<!tpu.dma_semaphore, #tpu.memory_space<semaphore_mem>>
      %dma_start3A_384 = tpu.memref_slice %arg18[%add3A_274] : memref<266240xf32, #tpu.memory_space<vmem_shared>> -> memref<2080xf32, #tpu.memory_space<vmem_shared>>
      %dma_start3A_385 = tpu.memref_slice %arg18[%add3A_274] : memref<266240xf32, #tpu.memory_space<vmem_shared>> -> memref<2080xf32, #tpu.memory_space<vmem_shared>>
      tpu.enqueue_dma source(%dma_start3A_385 : memref<2080xf32, #tpu.memory_space<vmem_shared>>) target(%arg6 : memref<2080xf32, #tpu.memory_space<vmem>>) target_semaphore(%run_scoped3A : memref<!tpu.dma_semaphore, #tpu.memory_space<semaphore_mem>>)
      %dma_wait3A_386 = tpu.memref_slice %arg18[%add3A_274] : memref<266240xf32, #tpu.memory_space<vmem_shared>> -> memref<2080xf32, #tpu.memory_space<vmem_shared>>
      %dma_wait3A_387 = tpu.memref_slice %arg18[%add3A_274] : memref<266240xf32, #tpu.memory_space<vmem_shared>> -> memref<2080xf32, #tpu.memory_space<vmem_shared>>
      tpu.wait_dma2 semaphore(%run_scoped3A : memref<!tpu.dma_semaphore, #tpu.memory_space<semaphore_mem>>) src(%dma_wait3A_387 : memref<2080xf32, #tpu.memory_space<vmem_shared>>) dst(%arg6 : memref<2080xf32, #tpu.memory_space<vmem>>)
      tpu.yield
    }) : () -> ()
    %scan3A_275 = arith.constant 0 : i32
    %scan3A_276 = arith.constant 0 : i32
    %scan3A_277 = arith.constant 26 : i32
    %scan3A_278 = arith.addi %scan3A_276, %scan3A_277 : i32
    %scan3A_279 = arith.constant 1 : i32
    %scan3A_280 = scf.for %scan3A_384 = %scan3A_276 to %scan3A_278 step %scan3A_279 iter_args(%scan3A_385 = %scan3A_275) -> (i32)  : i32 {
      %mul3A_386 = arith.constant 80 : i32
      %mul3A_387 = arith.muli %scan3A_384, %mul3A_386 : i32
      %add3A_388 = arith.constant 0 : i32
      %add3A_389 = arith.addi %mul3A_387, %add3A_388 : i32
      %get3A_390 = arith.index_cast %add3A_389 : i32 to index
      %get3A_391 = tpu.vector_load %arg7[%get3A_390] {strides = array<i32>} : memref<2080xf32, #tpu.memory_space<vmem>>, vector<16xf32>,
      %get3A_392 = arith.index_cast %add3A_389 : i32 to index
      %get3A_393 = tpu.vector_load %arg6[%get3A_392] {strides = array<i32>} : memref<2080xf32, #tpu.memory_space<vmem>>, vector<16xf32>,
      %add3A_394 = arith.addf %get3A_391, %get3A_393 : vector<16xf32>
      %swap3A_395 = arith.index_cast %add3A_389 : i32 to index
      %swap3A_396 = tpu.vector_load %arg7[%swap3A_395] {strides = array<i32>} : memref<2080xf32, #tpu.memory_space<vmem>>, vector<16xf32>,
      tpu.vector_store %arg7[%swap3A_395], %add3A_394 {strides = array<i32>} : memref<2080xf32, #tpu.memory_space<vmem>>, vector<16xf32>,
      %mul3A_397 = arith.constant 80 : i32
      %mul3A_398 = arith.muli %scan3A_384, %mul3A_397 : i32
      %add3A_399 = arith.constant 16 : i32
      %add3A_400 = arith.addi %mul3A_398, %add3A_399 : i32
      %get3A_401 = arith.index_cast %add3A_400 : i32 to index
      %get3A_402 = tpu.vector_load %arg7[%get3A_401] {strides = array<i32>} : memref<2080xf32, #tpu.memory_space<vmem>>, vector<16xf32>,
      %get3A_403 = arith.index_cast %add3A_400 : i32 to index
      %get3A_404 = tpu.vector_load %arg6[%get3A_403] {strides = array<i32>} : memref<2080xf32, #tpu.memory_space<vmem>>, vector<16xf32>,
      %add3A_405 = arith.addf %get3A_402, %get3A_404 : vector<16xf32>
      %swap3A_406 = arith.index_cast %add3A_400 : i32 to index
      %swap3A_407 = tpu.vector_load %arg7[%swap3A_406] {strides = array<i32>} : memref<2080xf32, #tpu.memory_space<vmem>>, vector<16xf32>,
      tpu.vector_store %arg7[%swap3A_406], %add3A_405 {strides = array<i32>} : memref<2080xf32, #tpu.memory_space<vmem>>, vector<16xf32>,
      %mul3A_408 = arith.constant 80 : i32
      %mul3A_409 = arith.muli %scan3A_384, %mul3A_408 : i32
      %add3A_410 = arith.constant 32 : i32
      %add3A_411 = arith.addi %mul3A_409, %add3A_410 : i32
      %get3A_412 = arith.index_cast %add3A_411 : i32 to index
      %get3A_413 = tpu.vector_load %arg7[%get3A_412] {strides = array<i32>} : memref<2080xf32, #tpu.memory_space<vmem>>, vector<16xf32>,
      %get3A_414 = arith.index_cast %add3A_411 : i32 to index
      %get3A_415 = tpu.vector_load %arg6[%get3A_414] {strides = array<i32>} : memref<2080xf32, #tpu.memory_space<vmem>>, vector<16xf32>,
      %add3A_416 = arith.addf %get3A_413, %get3A_415 : vector<16xf32>
      %swap3A_417 = arith.index_cast %add3A_411 : i32 to index
      %swap3A_418 = tpu.vector_load %arg7[%swap3A_417] {strides = array<i32>} : memref<2080xf32, #tpu.memory_space<vmem>>, vector<16xf32>,
      tpu.vector_store %arg7[%swap3A_417], %add3A_416 {strides = array<i32>} : memref<2080xf32, #tpu.memory_space<vmem>>, vector<16xf32>,
      %mul3A_419 = arith.constant 80 : i32
      %mul3A_420 = arith.muli %scan3A_384, %mul3A_419 : i32
      %add3A_421 = arith.constant 48 : i32
      %add3A_422 = arith.addi %mul3A_420, %add3A_421 : i32
      %get3A_423 = arith.index_cast %add3A_422 : i32 to index
      %get3A_424 = tpu.vector_load %arg7[%get3A_423] {strides = array<i32>} : memref<2080xf32, #tpu.memory_space<vmem>>, vector<16xf32>,
      %get3A_425 = arith.index_cast %add3A_422 : i32 to index
      %get3A_426 = tpu.vector_load %arg6[%get3A_425] {strides = array<i32>} : memref<2080xf32, #tpu.memory_space<vmem>>, vector<16xf32>,
      %add3A_427 = arith.addf %get3A_424, %get3A_426 : vector<16xf32>
      %swap3A_428 = arith.index_cast %add3A_422 : i32 to index
      %swap3A_429 = tpu.vector_load %arg7[%swap3A_428] {strides = array<i32>} : memref<2080xf32, #tpu.memory_space<vmem>>, vector<16xf32>,
      tpu.vector_store %arg7[%swap3A_428], %add3A_427 {strides = array<i32>} : memref<2080xf32, #tpu.memory_space<vmem>>, vector<16xf32>,
      %mul3A_430 = arith.constant 80 : i32
      %mul3A_431 = arith.muli %scan3A_384, %mul3A_430 : i32
      %add3A_432 = arith.constant 64 : i32
      %add3A_433 = arith.addi %mul3A_431, %add3A_432 : i32
      %get3A_434 = arith.index_cast %add3A_433 : i32 to index
      %get3A_435 = tpu.vector_load %arg7[%get3A_434] {strides = array<i32>} : memref<2080xf32, #tpu.memory_space<vmem>>, vector<16xf32>,
      %get3A_436 = arith.index_cast %add3A_433 : i32 to index
      %get3A_437 = tpu.vector_load %arg6[%get3A_436] {strides = array<i32>} : memref<2080xf32, #tpu.memory_space<vmem>>, vector<16xf32>,
      %add3A_438 = arith.addf %get3A_435, %get3A_437 : vector<16xf32>
      %swap3A_439 = arith.index_cast %add3A_433 : i32 to index
      %swap3A_440 = tpu.vector_load %arg7[%swap3A_439] {strides = array<i32>} : memref<2080xf32, #tpu.memory_space<vmem>>, vector<16xf32>,
      tpu.vector_store %arg7[%swap3A_439], %add3A_438 {strides = array<i32>} : memref<2080xf32, #tpu.memory_space<vmem>>, vector<16xf32>,
      %scan3A_441 = arith.constant 0 : i32
      scf.yield %scan3A_441 : i32
    }
    %scan3A_281 = arith.constant 26 : i32
    %mul3A_282 = arith.constant 33280 : i32
    %mul3A_283 = arith.muli %select_n3A, %mul3A_282 : i32
    %add3A_284 = arith.constant 16640 : i32
    %add3A_285 = arith.addi %mul3A_283, %add3A_284 : i32
    %add3A_286 = arith.addi %add3A_285, %mul3A_124 : i32
    "tpu.region"() ({
      %run_scoped3A = tpu.sem_alloc : memref<!tpu.dma_semaphore, #tpu.memory_space<semaphore_mem>>
      %dma_start3A_384 = tpu.memref_slice %arg20[%add3A_286] : memref<66560xf32, #tpu.memory_space<vmem_shared>> -> memref<2080xf32, #tpu.memory_space<vmem_shared>>
      %dma_start3A_385 = tpu.memref_slice %arg20[%add3A_286] : memref<66560xf32, #tpu.memory_space<vmem_shared>> -> memref<2080xf32, #tpu.memory_space<vmem_shared>>
      tpu.enqueue_dma source(%arg7 : memref<2080xf32, #tpu.memory_space<vmem>>) target(%dma_start3A_385 : memref<2080xf32, #tpu.memory_space<vmem_shared>>) target_semaphore(%run_scoped3A : memref<!tpu.dma_semaphore, #tpu.memory_space<semaphore_mem>>)
      %dma_wait3A_386 = tpu.memref_slice %arg20[%add3A_286] : memref<66560xf32, #tpu.memory_space<vmem_shared>> -> memref<2080xf32, #tpu.memory_space<vmem_shared>>
      %dma_wait3A_387 = tpu.memref_slice %arg20[%add3A_286] : memref<66560xf32, #tpu.memory_space<vmem_shared>> -> memref<2080xf32, #tpu.memory_space<vmem_shared>>
      tpu.wait_dma2 semaphore(%run_scoped3A : memref<!tpu.dma_semaphore, #tpu.memory_space<semaphore_mem>>) src(%arg7 : memref<2080xf32, #tpu.memory_space<vmem>>) dst(%dma_wait3A_387 : memref<2080xf32, #tpu.memory_space<vmem_shared>>)
      tpu.yield
    }) : () -> ()
    %barrier3A_287 = arith.constant 0 : index
    tpu.barrier barrier_id(%barrier3A_287)
    %eq3A_288 = arith.constant 0 : i32
    %eq3A_289 = arith.cmpi eq, %select_n3A_30, %eq3A_288 : i32
    %convert_element_type3A = arith.extui %eq3A_289 : i1 to i32
    %cond3A = arith.constant 0 : i32
    %cond3A_290 = arith.cmpi ne, %convert_element_type3A, %cond3A : i32
    scf.if %cond3A_290 {
      %mul3A_384 = arith.constant 33280 : i32
      %mul3A_385 = arith.muli %select_n3A, %mul3A_384 : i32
      "tpu.region"() ({
        %run_scoped3A = tpu.sem_alloc : memref<!tpu.dma_semaphore, #tpu.memory_space<semaphore_mem>>
        %dma_start3A_1183 = tpu.memref_slice %arg20[%mul3A_385] : memref<66560xf32, #tpu.memory_space<vmem_shared>> -> memref<33280xf32, #tpu.memory_space<vmem_shared>>
        %dma_start3A_1184 = tpu.memref_slice %arg20[%mul3A_385] : memref<66560xf32, #tpu.memory_space<vmem_shared>> -> memref<33280xf32, #tpu.memory_space<vmem_shared>>
        tpu.enqueue_dma source(%dma_start3A_1184 : memref<33280xf32, #tpu.memory_space<vmem_shared>>) target(%arg5 : memref<33280xf32, #tpu.memory_space<vmem>>) target_semaphore(%run_scoped3A : memref<!tpu.dma_semaphore, #tpu.memory_space<semaphore_mem>>)
        %dma_wait3A_1185 = tpu.memref_slice %arg20[%mul3A_385] : memref<66560xf32, #tpu.memory_space<vmem_shared>> -> memref<33280xf32, #tpu.memory_space<vmem_shared>>
        %dma_wait3A_1186 = tpu.memref_slice %arg20[%mul3A_385] : memref<66560xf32, #tpu.memory_space<vmem_shared>> -> memref<33280xf32, #tpu.memory_space<vmem_shared>>
        tpu.wait_dma2 semaphore(%run_scoped3A : memref<!tpu.dma_semaphore, #tpu.memory_space<semaphore_mem>>) src(%dma_wait3A_1186 : memref<33280xf32, #tpu.memory_space<vmem_shared>>) dst(%arg5 : memref<33280xf32, #tpu.memory_space<vmem>>)
        tpu.yield
      }) : () -> ()
      %broadcast_in_dim3A_386 = arith.constant 0 : i32
      %broadcast_in_dim3A_387 = vector.broadcast %broadcast_in_dim3A_386 : i32 to vector<16xi32>
      %swap3A_388 = arith.constant 0 : index
      %swap3A_389 = tpu.vector_load %arg8[%swap3A_388] {strides = array<i32>} : memref<144xi32, #tpu.memory_space<vmem>>, vector<16xi32>,
      tpu.vector_store %arg8[%swap3A_388], %broadcast_in_dim3A_387 {strides = array<i32>} : memref<144xi32, #tpu.memory_space<vmem>>, vector<16xi32>,
      %broadcast_in_dim3A_390 = arith.constant 0 : i32
      %broadcast_in_dim3A_391 = vector.broadcast %broadcast_in_dim3A_390 : i32 to vector<16xi32>
      %swap3A_392 = arith.constant 16 : index
      %swap3A_393 = tpu.vector_load %arg8[%swap3A_392] {strides = array<i32>} : memref<144xi32, #tpu.memory_space<vmem>>, vector<16xi32>,
      tpu.vector_store %arg8[%swap3A_392], %broadcast_in_dim3A_391 {strides = array<i32>} : memref<144xi32, #tpu.memory_space<vmem>>, vector<16xi32>,
      %broadcast_in_dim3A_394 = arith.constant 0 : i32
      %broadcast_in_dim3A_395 = vector.broadcast %broadcast_in_dim3A_394 : i32 to vector<16xi32>
      %swap3A_396 = arith.constant 32 : index
      %swap3A_397 = tpu.vector_load %arg8[%swap3A_396] {strides = array<i32>} : memref<144xi32, #tpu.memory_space<vmem>>, vector<16xi32>,
      tpu.vector_store %arg8[%swap3A_396], %broadcast_in_dim3A_395 {strides = array<i32>} : memref<144xi32, #tpu.memory_space<vmem>>, vector<16xi32>,
      %broadcast_in_dim3A_398 = arith.constant 0 : i32
      %broadcast_in_dim3A_399 = vector.broadcast %broadcast_in_dim3A_398 : i32 to vector<16xi32>
      %swap3A_400 = arith.constant 48 : index
      %swap3A_401 = tpu.vector_load %arg8[%swap3A_400] {strides = array<i32>} : memref<144xi32, #tpu.memory_space<vmem>>, vector<16xi32>,
      tpu.vector_store %arg8[%swap3A_400], %broadcast_in_dim3A_399 {strides = array<i32>} : memref<144xi32, #tpu.memory_space<vmem>>, vector<16xi32>,
      %broadcast_in_dim3A_402 = arith.constant 0 : i32
      %broadcast_in_dim3A_403 = vector.broadcast %broadcast_in_dim3A_402 : i32 to vector<16xi32>
      %swap3A_404 = arith.constant 64 : index
      %swap3A_405 = tpu.vector_load %arg8[%swap3A_404] {strides = array<i32>} : memref<144xi32, #tpu.memory_space<vmem>>, vector<16xi32>,
      tpu.vector_store %arg8[%swap3A_404], %broadcast_in_dim3A_403 {strides = array<i32>} : memref<144xi32, #tpu.memory_space<vmem>>, vector<16xi32>,
      %broadcast_in_dim3A_406 = arith.constant 0 : i32
      %broadcast_in_dim3A_407 = vector.broadcast %broadcast_in_dim3A_406 : i32 to vector<16xi32>
      %swap3A_408 = arith.constant 80 : index
      %swap3A_409 = tpu.vector_load %arg8[%swap3A_408] {strides = array<i32>} : memref<144xi32, #tpu.memory_space<vmem>>, vector<16xi32>,
      tpu.vector_store %arg8[%swap3A_408], %broadcast_in_dim3A_407 {strides = array<i32>} : memref<144xi32, #tpu.memory_space<vmem>>, vector<16xi32>,
      %broadcast_in_dim3A_410 = arith.constant 0 : i32
      %broadcast_in_dim3A_411 = vector.broadcast %broadcast_in_dim3A_410 : i32 to vector<16xi32>
      %swap3A_412 = arith.constant 96 : index
      %swap3A_413 = tpu.vector_load %arg8[%swap3A_412] {strides = array<i32>} : memref<144xi32, #tpu.memory_space<vmem>>, vector<16xi32>,
      tpu.vector_store %arg8[%swap3A_412], %broadcast_in_dim3A_411 {strides = array<i32>} : memref<144xi32, #tpu.memory_space<vmem>>, vector<16xi32>,
      %broadcast_in_dim3A_414 = arith.constant 0 : i32
      %broadcast_in_dim3A_415 = vector.broadcast %broadcast_in_dim3A_414 : i32 to vector<16xi32>
      %swap3A_416 = arith.constant 112 : index
      %swap3A_417 = tpu.vector_load %arg8[%swap3A_416] {strides = array<i32>} : memref<144xi32, #tpu.memory_space<vmem>>, vector<16xi32>,
      tpu.vector_store %arg8[%swap3A_416], %broadcast_in_dim3A_415 {strides = array<i32>} : memref<144xi32, #tpu.memory_space<vmem>>, vector<16xi32>,
      %broadcast_in_dim3A_418 = arith.constant 0 : i32
      %broadcast_in_dim3A_419 = vector.broadcast %broadcast_in_dim3A_418 : i32 to vector<16xi32>
      %swap3A_420 = arith.constant 128 : index
      %swap3A_421 = tpu.vector_load %arg8[%swap3A_420] {strides = array<i32>} : memref<144xi32, #tpu.memory_space<vmem>>, vector<16xi32>,
      tpu.vector_store %arg8[%swap3A_420], %broadcast_in_dim3A_419 {strides = array<i32>} : memref<144xi32, #tpu.memory_space<vmem>>, vector<16xi32>,
      %broadcast_in_dim3A_422 = arith.constant -1 : i32
      %broadcast_in_dim3A_423 = vector.broadcast %broadcast_in_dim3A_422 : i32 to vector<16xi32>
      %swap3A_424 = arith.constant 0 : index
      %swap3A_425 = tpu.vector_load %arg10[%swap3A_424] {strides = array<i32>} : memref<512xi32, #tpu.memory_space<vmem>>, vector<16xi32>,
      tpu.vector_store %arg10[%swap3A_424], %broadcast_in_dim3A_423 {strides = array<i32>} : memref<512xi32, #tpu.memory_space<vmem>>, vector<16xi32>,
      %broadcast_in_dim3A_426 = arith.constant -1 : i32
      %broadcast_in_dim3A_427 = vector.broadcast %broadcast_in_dim3A_426 : i32 to vector<16xi32>
      %swap3A_428 = arith.constant 16 : index
      %swap3A_429 = tpu.vector_load %arg10[%swap3A_428] {strides = array<i32>} : memref<512xi32, #tpu.memory_space<vmem>>, vector<16xi32>,
      tpu.vector_store %arg10[%swap3A_428], %broadcast_in_dim3A_427 {strides = array<i32>} : memref<512xi32, #tpu.memory_space<vmem>>, vector<16xi32>,
      %broadcast_in_dim3A_430 = arith.constant -1 : i32
      %broadcast_in_dim3A_431 = vector.broadcast %broadcast_in_dim3A_430 : i32 to vector<16xi32>
      %swap3A_432 = arith.constant 32 : index
      %swap3A_433 = tpu.vector_load %arg10[%swap3A_432] {strides = array<i32>} : memref<512xi32, #tpu.memory_space<vmem>>, vector<16xi32>,
      tpu.vector_store %arg10[%swap3A_432], %broadcast_in_dim3A_431 {strides = array<i32>} : memref<512xi32, #tpu.memory_space<vmem>>, vector<16xi32>,
      %broadcast_in_dim3A_434 = arith.constant -1 : i32
      %broadcast_in_dim3A_435 = vector.broadcast %broadcast_in_dim3A_434 : i32 to vector<16xi32>
      %swap3A_436 = arith.constant 48 : index
      %swap3A_437 = tpu.vector_load %arg10[%swap3A_436] {strides = array<i32>} : memref<512xi32, #tpu.memory_space<vmem>>, vector<16xi32>,
      tpu.vector_store %arg10[%swap3A_436], %broadcast_in_dim3A_435 {strides = array<i32>} : memref<512xi32, #tpu.memory_space<vmem>>, vector<16xi32>,
      %broadcast_in_dim3A_438 = arith.constant -1 : i32
      %broadcast_in_dim3A_439 = vector.broadcast %broadcast_in_dim3A_438 : i32 to vector<16xi32>
      %swap3A_440 = arith.constant 64 : index
      %swap3A_441 = tpu.vector_load %arg10[%swap3A_440] {strides = array<i32>} : memref<512xi32, #tpu.memory_space<vmem>>, vector<16xi32>,
      tpu.vector_store %arg10[%swap3A_440], %broadcast_in_dim3A_439 {strides = array<i32>} : memref<512xi32, #tpu.memory_space<vmem>>, vector<16xi32>,
      %broadcast_in_dim3A_442 = arith.constant -1 : i32
      %broadcast_in_dim3A_443 = vector.broadcast %broadcast_in_dim3A_442 : i32 to vector<16xi32>
      %swap3A_444 = arith.constant 80 : index
      %swap3A_445 = tpu.vector_load %arg10[%swap3A_444] {strides = array<i32>} : memref<512xi32, #tpu.memory_space<vmem>>, vector<16xi32>,
      tpu.vector_store %arg10[%swap3A_444], %broadcast_in_dim3A_443 {strides = array<i32>} : memref<512xi32, #tpu.memory_space<vmem>>, vector<16xi32>,
      %broadcast_in_dim3A_446 = arith.constant -1 : i32
      %broadcast_in_dim3A_447 = vector.broadcast %broadcast_in_dim3A_446 : i32 to vector<16xi32>
      %swap3A_448 = arith.constant 96 : index
      %swap3A_449 = tpu.vector_load %arg10[%swap3A_448] {strides = array<i32>} : memref<512xi32, #tpu.memory_space<vmem>>, vector<16xi32>,
      tpu.vector_store %arg10[%swap3A_448], %broadcast_in_dim3A_447 {strides = array<i32>} : memref<512xi32, #tpu.memory_space<vmem>>, vector<16xi32>,
      %broadcast_in_dim3A_450 = arith.constant -1 : i32
      %broadcast_in_dim3A_451 = vector.broadcast %broadcast_in_dim3A_450 : i32 to vector<16xi32>
      %swap3A_452 = arith.constant 112 : index
      %swap3A_453 = tpu.vector_load %arg10[%swap3A_452] {strides = array<i32>} : memref<512xi32, #tpu.memory_space<vmem>>, vector<16xi32>,
      tpu.vector_store %arg10[%swap3A_452], %broadcast_in_dim3A_451 {strides = array<i32>} : memref<512xi32, #tpu.memory_space<vmem>>, vector<16xi32>,
      %broadcast_in_dim3A_454 = arith.constant -1 : i32
      %broadcast_in_dim3A_455 = vector.broadcast %broadcast_in_dim3A_454 : i32 to vector<16xi32>
      %swap3A_456 = arith.constant 128 : index
      %swap3A_457 = tpu.vector_load %arg10[%swap3A_456] {strides = array<i32>} : memref<512xi32, #tpu.memory_space<vmem>>, vector<16xi32>,
      tpu.vector_store %arg10[%swap3A_456], %broadcast_in_dim3A_455 {strides = array<i32>} : memref<512xi32, #tpu.memory_space<vmem>>, vector<16xi32>,
      %broadcast_in_dim3A_458 = arith.constant -1 : i32
      %broadcast_in_dim3A_459 = vector.broadcast %broadcast_in_dim3A_458 : i32 to vector<16xi32>
      %swap3A_460 = arith.constant 144 : index
      %swap3A_461 = tpu.vector_load %arg10[%swap3A_460] {strides = array<i32>} : memref<512xi32, #tpu.memory_space<vmem>>, vector<16xi32>,
      tpu.vector_store %arg10[%swap3A_460], %broadcast_in_dim3A_459 {strides = array<i32>} : memref<512xi32, #tpu.memory_space<vmem>>, vector<16xi32>,
      %broadcast_in_dim3A_462 = arith.constant -1 : i32
      %broadcast_in_dim3A_463 = vector.broadcast %broadcast_in_dim3A_462 : i32 to vector<16xi32>
      %swap3A_464 = arith.constant 160 : index
      %swap3A_465 = tpu.vector_load %arg10[%swap3A_464] {strides = array<i32>} : memref<512xi32, #tpu.memory_space<vmem>>, vector<16xi32>,
      tpu.vector_store %arg10[%swap3A_464], %broadcast_in_dim3A_463 {strides = array<i32>} : memref<512xi32, #tpu.memory_space<vmem>>, vector<16xi32>,
      %broadcast_in_dim3A_466 = arith.constant -1 : i32
      %broadcast_in_dim3A_467 = vector.broadcast %broadcast_in_dim3A_466 : i32 to vector<16xi32>
      %swap3A_468 = arith.constant 176 : index
      %swap3A_469 = tpu.vector_load %arg10[%swap3A_468] {strides = array<i32>} : memref<512xi32, #tpu.memory_space<vmem>>, vector<16xi32>,
      tpu.vector_store %arg10[%swap3A_468], %broadcast_in_dim3A_467 {strides = array<i32>} : memref<512xi32, #tpu.memory_space<vmem>>, vector<16xi32>,
      %broadcast_in_dim3A_470 = arith.constant -1 : i32
      %broadcast_in_dim3A_471 = vector.broadcast %broadcast_in_dim3A_470 : i32 to vector<16xi32>
      %swap3A_472 = arith.constant 192 : index
      %swap3A_473 = tpu.vector_load %arg10[%swap3A_472] {strides = array<i32>} : memref<512xi32, #tpu.memory_space<vmem>>, vector<16xi32>,
      tpu.vector_store %arg10[%swap3A_472], %broadcast_in_dim3A_471 {strides = array<i32>} : memref<512xi32, #tpu.memory_space<vmem>>, vector<16xi32>,
      %broadcast_in_dim3A_474 = arith.constant -1 : i32
      %broadcast_in_dim3A_475 = vector.broadcast %broadcast_in_dim3A_474 : i32 to vector<16xi32>
      %swap3A_476 = arith.constant 208 : index
      %swap3A_477 = tpu.vector_load %arg10[%swap3A_476] {strides = array<i32>} : memref<512xi32, #tpu.memory_space<vmem>>, vector<16xi32>,
      tpu.vector_store %arg10[%swap3A_476], %broadcast_in_dim3A_475 {strides = array<i32>} : memref<512xi32, #tpu.memory_space<vmem>>, vector<16xi32>,
      %broadcast_in_dim3A_478 = arith.constant -1 : i32
      %broadcast_in_dim3A_479 = vector.broadcast %broadcast_in_dim3A_478 : i32 to vector<16xi32>
      %swap3A_480 = arith.constant 224 : index
      %swap3A_481 = tpu.vector_load %arg10[%swap3A_480] {strides = array<i32>} : memref<512xi32, #tpu.memory_space<vmem>>, vector<16xi32>,
      tpu.vector_store %arg10[%swap3A_480], %broadcast_in_dim3A_479 {strides = array<i32>} : memref<512xi32, #tpu.memory_space<vmem>>, vector<16xi32>,
      %broadcast_in_dim3A_482 = arith.constant -1 : i32
      %broadcast_in_dim3A_483 = vector.broadcast %broadcast_in_dim3A_482 : i32 to vector<16xi32>
      %swap3A_484 = arith.constant 240 : index
      %swap3A_485 = tpu.vector_load %arg10[%swap3A_484] {strides = array<i32>} : memref<512xi32, #tpu.memory_space<vmem>>, vector<16xi32>,
      tpu.vector_store %arg10[%swap3A_484], %broadcast_in_dim3A_483 {strides = array<i32>} : memref<512xi32, #tpu.memory_space<vmem>>, vector<16xi32>,
      %broadcast_in_dim3A_486 = arith.constant -1 : i32
      %broadcast_in_dim3A_487 = vector.broadcast %broadcast_in_dim3A_486 : i32 to vector<16xi32>
      %swap3A_488 = arith.constant 256 : index
      %swap3A_489 = tpu.vector_load %arg10[%swap3A_488] {strides = array<i32>} : memref<512xi32, #tpu.memory_space<vmem>>, vector<16xi32>,
      tpu.vector_store %arg10[%swap3A_488], %broadcast_in_dim3A_487 {strides = array<i32>} : memref<512xi32, #tpu.memory_space<vmem>>, vector<16xi32>,
      %broadcast_in_dim3A_490 = arith.constant -1 : i32
      %broadcast_in_dim3A_491 = vector.broadcast %broadcast_in_dim3A_490 : i32 to vector<16xi32>
      %swap3A_492 = arith.constant 272 : index
      %swap3A_493 = tpu.vector_load %arg10[%swap3A_492] {strides = array<i32>} : memref<512xi32, #tpu.memory_space<vmem>>, vector<16xi32>,
      tpu.vector_store %arg10[%swap3A_492], %broadcast_in_dim3A_491 {strides = array<i32>} : memref<512xi32, #tpu.memory_space<vmem>>, vector<16xi32>,
      %broadcast_in_dim3A_494 = arith.constant -1 : i32
      %broadcast_in_dim3A_495 = vector.broadcast %broadcast_in_dim3A_494 : i32 to vector<16xi32>
      %swap3A_496 = arith.constant 288 : index
      %swap3A_497 = tpu.vector_load %arg10[%swap3A_496] {strides = array<i32>} : memref<512xi32, #tpu.memory_space<vmem>>, vector<16xi32>,
      tpu.vector_store %arg10[%swap3A_496], %broadcast_in_dim3A_495 {strides = array<i32>} : memref<512xi32, #tpu.memory_space<vmem>>, vector<16xi32>,
      %broadcast_in_dim3A_498 = arith.constant -1 : i32
      %broadcast_in_dim3A_499 = vector.broadcast %broadcast_in_dim3A_498 : i32 to vector<16xi32>
      %swap3A_500 = arith.constant 304 : index
      %swap3A_501 = tpu.vector_load %arg10[%swap3A_500] {strides = array<i32>} : memref<512xi32, #tpu.memory_space<vmem>>, vector<16xi32>,
      tpu.vector_store %arg10[%swap3A_500], %broadcast_in_dim3A_499 {strides = array<i32>} : memref<512xi32, #tpu.memory_space<vmem>>, vector<16xi32>,
      %broadcast_in_dim3A_502 = arith.constant -1 : i32
      %broadcast_in_dim3A_503 = vector.broadcast %broadcast_in_dim3A_502 : i32 to vector<16xi32>
      %swap3A_504 = arith.constant 320 : index
      %swap3A_505 = tpu.vector_load %arg10[%swap3A_504] {strides = array<i32>} : memref<512xi32, #tpu.memory_space<vmem>>, vector<16xi32>,
      tpu.vector_store %arg10[%swap3A_504], %broadcast_in_dim3A_503 {strides = array<i32>} : memref<512xi32, #tpu.memory_space<vmem>>, vector<16xi32>,
      %broadcast_in_dim3A_506 = arith.constant -1 : i32
      %broadcast_in_dim3A_507 = vector.broadcast %broadcast_in_dim3A_506 : i32 to vector<16xi32>
      %swap3A_508 = arith.constant 336 : index
      %swap3A_509 = tpu.vector_load %arg10[%swap3A_508] {strides = array<i32>} : memref<512xi32, #tpu.memory_space<vmem>>, vector<16xi32>,
      tpu.vector_store %arg10[%swap3A_508], %broadcast_in_dim3A_507 {strides = array<i32>} : memref<512xi32, #tpu.memory_space<vmem>>, vector<16xi32>,
      %broadcast_in_dim3A_510 = arith.constant -1 : i32
      %broadcast_in_dim3A_511 = vector.broadcast %broadcast_in_dim3A_510 : i32 to vector<16xi32>
      %swap3A_512 = arith.constant 352 : index
      %swap3A_513 = tpu.vector_load %arg10[%swap3A_512] {strides = array<i32>} : memref<512xi32, #tpu.memory_space<vmem>>, vector<16xi32>,
      tpu.vector_store %arg10[%swap3A_512], %broadcast_in_dim3A_511 {strides = array<i32>} : memref<512xi32, #tpu.memory_space<vmem>>, vector<16xi32>,
      %broadcast_in_dim3A_514 = arith.constant -1 : i32
      %broadcast_in_dim3A_515 = vector.broadcast %broadcast_in_dim3A_514 : i32 to vector<16xi32>
      %swap3A_516 = arith.constant 368 : index
      %swap3A_517 = tpu.vector_load %arg10[%swap3A_516] {strides = array<i32>} : memref<512xi32, #tpu.memory_space<vmem>>, vector<16xi32>,
      tpu.vector_store %arg10[%swap3A_516], %broadcast_in_dim3A_515 {strides = array<i32>} : memref<512xi32, #tpu.memory_space<vmem>>, vector<16xi32>,
      %broadcast_in_dim3A_518 = arith.constant -1 : i32
      %broadcast_in_dim3A_519 = vector.broadcast %broadcast_in_dim3A_518 : i32 to vector<16xi32>
      %swap3A_520 = arith.constant 384 : index
      %swap3A_521 = tpu.vector_load %arg10[%swap3A_520] {strides = array<i32>} : memref<512xi32, #tpu.memory_space<vmem>>, vector<16xi32>,
      tpu.vector_store %arg10[%swap3A_520], %broadcast_in_dim3A_519 {strides = array<i32>} : memref<512xi32, #tpu.memory_space<vmem>>, vector<16xi32>,
      %broadcast_in_dim3A_522 = arith.constant -1 : i32
      %broadcast_in_dim3A_523 = vector.broadcast %broadcast_in_dim3A_522 : i32 to vector<16xi32>
      %swap3A_524 = arith.constant 400 : index
      %swap3A_525 = tpu.vector_load %arg10[%swap3A_524] {strides = array<i32>} : memref<512xi32, #tpu.memory_space<vmem>>, vector<16xi32>,
      tpu.vector_store %arg10[%swap3A_524], %broadcast_in_dim3A_523 {strides = array<i32>} : memref<512xi32, #tpu.memory_space<vmem>>, vector<16xi32>,
      %broadcast_in_dim3A_526 = arith.constant -1 : i32
      %broadcast_in_dim3A_527 = vector.broadcast %broadcast_in_dim3A_526 : i32 to vector<16xi32>
      %swap3A_528 = arith.constant 416 : index
      %swap3A_529 = tpu.vector_load %arg10[%swap3A_528] {strides = array<i32>} : memref<512xi32, #tpu.memory_space<vmem>>, vector<16xi32>,
      tpu.vector_store %arg10[%swap3A_528], %broadcast_in_dim3A_527 {strides = array<i32>} : memref<512xi32, #tpu.memory_space<vmem>>, vector<16xi32>,
      %broadcast_in_dim3A_530 = arith.constant -1 : i32
      %broadcast_in_dim3A_531 = vector.broadcast %broadcast_in_dim3A_530 : i32 to vector<16xi32>
      %swap3A_532 = arith.constant 432 : index
      %swap3A_533 = tpu.vector_load %arg10[%swap3A_532] {strides = array<i32>} : memref<512xi32, #tpu.memory_space<vmem>>, vector<16xi32>,
      tpu.vector_store %arg10[%swap3A_532], %broadcast_in_dim3A_531 {strides = array<i32>} : memref<512xi32, #tpu.memory_space<vmem>>, vector<16xi32>,
      %broadcast_in_dim3A_534 = arith.constant -1 : i32
      %broadcast_in_dim3A_535 = vector.broadcast %broadcast_in_dim3A_534 : i32 to vector<16xi32>
      %swap3A_536 = arith.constant 448 : index
      %swap3A_537 = tpu.vector_load %arg10[%swap3A_536] {strides = array<i32>} : memref<512xi32, #tpu.memory_space<vmem>>, vector<16xi32>,
      tpu.vector_store %arg10[%swap3A_536], %broadcast_in_dim3A_535 {strides = array<i32>} : memref<512xi32, #tpu.memory_space<vmem>>, vector<16xi32>,
      %broadcast_in_dim3A_538 = arith.constant -1 : i32
      %broadcast_in_dim3A_539 = vector.broadcast %broadcast_in_dim3A_538 : i32 to vector<16xi32>
      %swap3A_540 = arith.constant 464 : index
      %swap3A_541 = tpu.vector_load %arg10[%swap3A_540] {strides = array<i32>} : memref<512xi32, #tpu.memory_space<vmem>>, vector<16xi32>,
      tpu.vector_store %arg10[%swap3A_540], %broadcast_in_dim3A_539 {strides = array<i32>} : memref<512xi32, #tpu.memory_space<vmem>>, vector<16xi32>,
      %broadcast_in_dim3A_542 = arith.constant -1 : i32
      %broadcast_in_dim3A_543 = vector.broadcast %broadcast_in_dim3A_542 : i32 to vector<16xi32>
      %swap3A_544 = arith.constant 480 : index
      %swap3A_545 = tpu.vector_load %arg10[%swap3A_544] {strides = array<i32>} : memref<512xi32, #tpu.memory_space<vmem>>, vector<16xi32>,
      tpu.vector_store %arg10[%swap3A_544], %broadcast_in_dim3A_543 {strides = array<i32>} : memref<512xi32, #tpu.memory_space<vmem>>, vector<16xi32>,
      %broadcast_in_dim3A_546 = arith.constant -1 : i32
      %broadcast_in_dim3A_547 = vector.broadcast %broadcast_in_dim3A_546 : i32 to vector<16xi32>
      %swap3A_548 = arith.constant 496 : index
      %swap3A_549 = tpu.vector_load %arg10[%swap3A_548] {strides = array<i32>} : memref<512xi32, #tpu.memory_space<vmem>>, vector<16xi32>,
      tpu.vector_store %arg10[%swap3A_548], %broadcast_in_dim3A_547 {strides = array<i32>} : memref<512xi32, #tpu.memory_space<vmem>>, vector<16xi32>,
      %scan3A_550 = arith.constant 0 : i32
      %scan3A_551 = arith.constant 0 : i32
      %scan3A_552 = arith.constant 32 : i32
      %scan3A_553 = arith.addi %scan3A_551, %scan3A_552 : i32
      %scan3A_554 = arith.constant 1 : i32
      %scan3A_555 = scf.for %scan3A_1183 = %scan3A_551 to %scan3A_553 step %scan3A_554 iter_args(%scan3A_1184 = %scan3A_550) -> (i32)  : i32 {
        %mul3A_1185 = arith.constant 16 : i32
        %mul3A_1186 = arith.muli %scan3A_1183, %mul3A_1185 : i32
        %add3A_1187 = arith.constant 2560 : i32
        %add3A_1188 = arith.addi %add3A_1187, %mul3A_1186 : i32
        %swap3A_1189 = arith.index_cast %add3A_1188 : i32 to index
        %swap3A_1190 = tpu.vector_load %arg16[%swap3A_1189] {strides = array<i32>} : memref<4096xf32, #tpu.memory_space<vmem>>, vector<16xf32>,
        tpu.vector_store %arg16[%swap3A_1189], %broadcast_in_dim3A_33 {strides = array<i32>} : memref<4096xf32, #tpu.memory_space<vmem>>, vector<16xf32>,
        %scan3A_1191 = arith.constant 0 : i32
        scf.yield %scan3A_1191 : i32
      }
      %scan3A_556 = arith.constant 32 : i32
      %scan3A_557 = arith.constant 0 : i32
      %scan3A_558 = arith.constant 0 : i32
      %scan3A_559 = arith.constant 32 : i32
      %scan3A_560 = arith.addi %scan3A_558, %scan3A_559 : i32
      %scan3A_561 = arith.constant 1 : i32
      %scan3A_562 = scf.for %scan3A_1183 = %scan3A_558 to %scan3A_560 step %scan3A_561 iter_args(%scan3A_1184 = %scan3A_557) -> (i32)  : i32 {
        %mul3A_1185 = arith.constant 16 : i32
        %mul3A_1186 = arith.muli %scan3A_1183, %mul3A_1185 : i32
        %add3A_1187 = arith.constant 3072 : i32
        %add3A_1188 = arith.addi %add3A_1187, %mul3A_1186 : i32
        %swap3A_1189 = arith.index_cast %add3A_1188 : i32 to index
        %swap3A_1190 = tpu.vector_load %arg16[%swap3A_1189] {strides = array<i32>} : memref<4096xf32, #tpu.memory_space<vmem>>, vector<16xf32>,
        tpu.vector_store %arg16[%swap3A_1189], %broadcast_in_dim3A_33 {strides = array<i32>} : memref<4096xf32, #tpu.memory_space<vmem>>, vector<16xf32>,
        %scan3A_1191 = arith.constant 0 : i32
        scf.yield %scan3A_1191 : i32
      }
      %scan3A_563 = arith.constant 32 : i32
      %scan3A_564 = arith.constant 0 : i32
      %scan3A_565 = arith.constant 0 : i32
      %scan3A_566 = arith.constant 32 : i32
      %scan3A_567 = arith.addi %scan3A_565, %scan3A_566 : i32
      %scan3A_568 = arith.constant 1 : i32
      %scan3A_569 = scf.for %scan3A_1183 = %scan3A_565 to %scan3A_567 step %scan3A_568 iter_args(%scan3A_1184 = %scan3A_564) -> (i32)  : i32 {
        %mul3A_1185 = arith.constant 16 : i32
        %mul3A_1186 = arith.muli %scan3A_1183, %mul3A_1185 : i32
        %add3A_1187 = arith.constant 3584 : i32
        %add3A_1188 = arith.addi %add3A_1187, %mul3A_1186 : i32
        %swap3A_1189 = arith.index_cast %add3A_1188 : i32 to index
        %swap3A_1190 = tpu.vector_load %arg16[%swap3A_1189] {strides = array<i32>} : memref<4096xf32, #tpu.memory_space<vmem>>, vector<16xf32>,
        tpu.vector_store %arg16[%swap3A_1189], %broadcast_in_dim3A_33 {strides = array<i32>} : memref<4096xf32, #tpu.memory_space<vmem>>, vector<16xf32>,
        %scan3A_1191 = arith.constant 0 : i32
        scf.yield %scan3A_1191 : i32
      }
      %scan3A_570 = arith.constant 32 : i32
      %scan3A_571 = arith.constant 0 : i32
      %scan3A_572 = arith.constant 0 : i32
      %scan3A_573 = arith.constant 208 : i32
      %scan3A_574 = arith.addi %scan3A_572, %scan3A_573 : i32
      %scan3A_575 = arith.constant 1 : i32
      %scan3A_576 = scf.for %scan3A_1183 = %scan3A_572 to %scan3A_574 step %scan3A_575 iter_args(%scan3A_1184 = %scan3A_571) -> (i32)  : i32 {
        %mul3A_1185 = arith.constant 32 : i32
        %mul3A_1186 = arith.muli %scan3A_1183, %mul3A_1185 : i32
        %add3A_1187 = arith.constant 0 : i32
        %add3A_1188 = arith.addi %mul3A_1186, %add3A_1187 : i32
        %get3A_1189 = arith.index_cast %add3A_1188 : i32 to index
        %get3A_1190 = tpu.vector_load %arg5[%get3A_1189] {strides = array<i32>} : memref<33280xf32, #tpu.memory_space<vmem>>, vector<16xf32>,
        %convert_element_type3A_1191 = arith.fptosi %get3A_1190 : vector<16xf32> to vector<16xi32>
        %min3A = arith.constant 128 : i32
        %min3A_1192 = vector.broadcast %min3A : i32 to vector<16xi32>
        %min3A_1193 = arith.minsi %convert_element_type3A_1191, %min3A_1192 : vector<16xi32>
        %mul3A_1194 = arith.constant 32 : i32
        %mul3A_1195 = arith.muli %scan3A_1183, %mul3A_1194 : i32
        %add3A_1196 = arith.constant 0 : i32
        %add3A_1197 = arith.addi %mul3A_1195, %add3A_1196 : i32
        %add3A_1198 = vector.broadcast %add3A_1197 : i32 to vector<16xi32>
        %add3A_1199 = arith.addi %add3A_1198, %iota3A : vector<16xi32>
        %broadcast_in_dim3A_1200 = arith.constant 1 : i32
        %broadcast_in_dim3A_1201 = vector.broadcast %broadcast_in_dim3A_1200 : i32 to vector<16xi32>
        %lt3A_1202 = arith.constant 6561 : i32
        %lt3A_1203 = vector.broadcast %lt3A_1202 : i32 to vector<16xi32>
        %lt3A_1204 = arith.cmpi slt, %add3A_1199, %lt3A_1203 : vector<16xi32>
        tpu.vector_store_idx %arg8[%min3A_1193], %broadcast_in_dim3A_1201 masked %lt3A_1204 {add = true} : memref<144xi32, #tpu.memory_space<vmem>>[vector<16xi32>], vector<16xi32>, vector<16xi1>
        %mul3A_1205 = arith.constant 32 : i32
        %mul3A_1206 = arith.muli %scan3A_1183, %mul3A_1205 : i32
        %add3A_1207 = arith.constant 16 : i32
        %add3A_1208 = arith.addi %mul3A_1206, %add3A_1207 : i32
        %get3A_1209 = arith.index_cast %add3A_1208 : i32 to index
        %get3A_1210 = tpu.vector_load %arg5[%get3A_1209] {strides = array<i32>} : memref<33280xf32, #tpu.memory_space<vmem>>, vector<16xf32>,
        %convert_element_type3A_1211 = arith.fptosi %get3A_1210 : vector<16xf32> to vector<16xi32>
        %min3A_1212 = arith.constant 128 : i32
        %min3A_1213 = vector.broadcast %min3A_1212 : i32 to vector<16xi32>
        %min3A_1214 = arith.minsi %convert_element_type3A_1211, %min3A_1213 : vector<16xi32>
        %mul3A_1215 = arith.constant 32 : i32
        %mul3A_1216 = arith.muli %scan3A_1183, %mul3A_1215 : i32
        %add3A_1217 = arith.constant 16 : i32
        %add3A_1218 = arith.addi %mul3A_1216, %add3A_1217 : i32
        %add3A_1219 = vector.broadcast %add3A_1218 : i32 to vector<16xi32>
        %add3A_1220 = arith.addi %add3A_1219, %iota3A : vector<16xi32>
        %broadcast_in_dim3A_1221 = arith.constant 1 : i32
        %broadcast_in_dim3A_1222 = vector.broadcast %broadcast_in_dim3A_1221 : i32 to vector<16xi32>
        %lt3A_1223 = arith.constant 6561 : i32
        %lt3A_1224 = vector.broadcast %lt3A_1223 : i32 to vector<16xi32>
        %lt3A_1225 = arith.cmpi slt, %add3A_1220, %lt3A_1224 : vector<16xi32>
        tpu.vector_store_idx %arg8[%min3A_1214], %broadcast_in_dim3A_1222 masked %lt3A_1225 {add = true} : memref<144xi32, #tpu.memory_space<vmem>>[vector<16xi32>], vector<16xi32>, vector<16xi1>
        %scan3A_1226 = arith.constant 0 : i32
        scf.yield %scan3A_1226 : i32
      }
      %scan3A_577 = arith.constant 208 : i32
      %broadcast_in_dim3A_578 = arith.constant 0 : i32
      %broadcast_in_dim3A_579 = vector.broadcast %broadcast_in_dim3A_578 : i32 to vector<16xi32>
      %get3A_580 = arith.constant 128 : index
      %get3A_581 = tpu.vector_load %arg8[%get3A_580] {strides = array<i32>} : memref<144xi32, #tpu.memory_space<vmem>>, vector<16xi32>,
      %rev3A = arith.constant 15 : i32
      %rev3A_582 = vector.broadcast %rev3A : i32 to vector<16xi32>
      %rev3A_583 = tpu.iota {dimensions = array<i32: 0>} : vector<16xi32>
      %rev3A_584 = arith.subi %rev3A_582, %rev3A_583 : vector<16xi32>
      %rev3A_585 = tpu.dynamic_gather %get3A_581[%rev3A_584] in [0] : vector<16xi32>, vector<16xi32> -> vector<16xi32>
      %broadcast_in_dim3A_586 = arith.constant true
      %broadcast_in_dim3A_587 = vector.broadcast %broadcast_in_dim3A_586 : i1 to vector<16xi1>
      %masked_cumsum3A = tpu.scan <sum>, %rev3A_585 masked %broadcast_in_dim3A_587 : vector<16xi32>, vector<16xi1> -> vector<16xi32>
      %rev3A_588 = arith.constant 15 : i32
      %rev3A_589 = vector.broadcast %rev3A_588 : i32 to vector<16xi32>
      %rev3A_590 = tpu.iota {dimensions = array<i32: 0>} : vector<16xi32>
      %rev3A_591 = arith.subi %rev3A_589, %rev3A_590 : vector<16xi32>
      %rev3A_592 = tpu.dynamic_gather %masked_cumsum3A[%rev3A_591] in [0] : vector<16xi32>, vector<16xi32> -> vector<16xi32>
      %add3A_593 = arith.addi %rev3A_592, %broadcast_in_dim3A_579 : vector<16xi32>
      %swap3A_594 = arith.constant 128 : index
      %swap3A_595 = tpu.vector_load %arg9[%swap3A_594] {strides = array<i32>} : memref<144xi32, #tpu.memory_space<vmem>>, vector<16xi32>,
      tpu.vector_store %arg9[%swap3A_594], %add3A_593 {strides = array<i32>} : memref<144xi32, #tpu.memory_space<vmem>>, vector<16xi32>,
      %reduce_sum3A = arith.constant true
      %reduce_sum3A_596 = vector.broadcast %reduce_sum3A : i1 to vector<16xi1>
      %reduce_sum3A_597 = tpu.scan <sum>, %get3A_581 masked %reduce_sum3A_596 : vector<16xi32>, vector<16xi1> -> vector<16xi32>
      %reduce_sum3A_598 = vector.extract %reduce_sum3A_597[15] : i32 from vector<16xi32>
      %broadcast_in_dim3A_599 = vector.broadcast %reduce_sum3A_598 : i32 to vector<16xi32>
      %add3A_600 = arith.addi %broadcast_in_dim3A_579, %broadcast_in_dim3A_599 : vector<16xi32>
      %get3A_601 = arith.constant 112 : index
      %get3A_602 = tpu.vector_load %arg8[%get3A_601] {strides = array<i32>} : memref<144xi32, #tpu.memory_space<vmem>>, vector<16xi32>,
      %rev3A_603 = arith.constant 15 : i32
      %rev3A_604 = vector.broadcast %rev3A_603 : i32 to vector<16xi32>
      %rev3A_605 = tpu.iota {dimensions = array<i32: 0>} : vector<16xi32>
      %rev3A_606 = arith.subi %rev3A_604, %rev3A_605 : vector<16xi32>
      %rev3A_607 = tpu.dynamic_gather %get3A_602[%rev3A_606] in [0] : vector<16xi32>, vector<16xi32> -> vector<16xi32>
      %broadcast_in_dim3A_608 = arith.constant true
      %broadcast_in_dim3A_609 = vector.broadcast %broadcast_in_dim3A_608 : i1 to vector<16xi1>
      %masked_cumsum3A_610 = tpu.scan <sum>, %rev3A_607 masked %broadcast_in_dim3A_609 : vector<16xi32>, vector<16xi1> -> vector<16xi32>
      %rev3A_611 = arith.constant 15 : i32
      %rev3A_612 = vector.broadcast %rev3A_611 : i32 to vector<16xi32>
      %rev3A_613 = tpu.iota {dimensions = array<i32: 0>} : vector<16xi32>
      %rev3A_614 = arith.subi %rev3A_612, %rev3A_613 : vector<16xi32>
      %rev3A_615 = tpu.dynamic_gather %masked_cumsum3A_610[%rev3A_614] in [0] : vector<16xi32>, vector<16xi32> -> vector<16xi32>
      %add3A_616 = arith.addi %rev3A_615, %add3A_600 : vector<16xi32>
      %swap3A_617 = arith.constant 112 : index
      %swap3A_618 = tpu.vector_load %arg9[%swap3A_617] {strides = array<i32>} : memref<144xi32, #tpu.memory_space<vmem>>, vector<16xi32>,
      tpu.vector_store %arg9[%swap3A_617], %add3A_616 {strides = array<i32>} : memref<144xi32, #tpu.memory_space<vmem>>, vector<16xi32>,
      %reduce_sum3A_619 = arith.constant true
      %reduce_sum3A_620 = vector.broadcast %reduce_sum3A_619 : i1 to vector<16xi1>
      %reduce_sum3A_621 = tpu.scan <sum>, %get3A_602 masked %reduce_sum3A_620 : vector<16xi32>, vector<16xi1> -> vector<16xi32>
      %reduce_sum3A_622 = vector.extract %reduce_sum3A_621[15] : i32 from vector<16xi32>
      %broadcast_in_dim3A_623 = vector.broadcast %reduce_sum3A_622 : i32 to vector<16xi32>
      %add3A_624 = arith.addi %add3A_600, %broadcast_in_dim3A_623 : vector<16xi32>
      %get3A_625 = arith.constant 96 : index
      %get3A_626 = tpu.vector_load %arg8[%get3A_625] {strides = array<i32>} : memref<144xi32, #tpu.memory_space<vmem>>, vector<16xi32>,
      %rev3A_627 = arith.constant 15 : i32
      %rev3A_628 = vector.broadcast %rev3A_627 : i32 to vector<16xi32>
      %rev3A_629 = tpu.iota {dimensions = array<i32: 0>} : vector<16xi32>
      %rev3A_630 = arith.subi %rev3A_628, %rev3A_629 : vector<16xi32>
      %rev3A_631 = tpu.dynamic_gather %get3A_626[%rev3A_630] in [0] : vector<16xi32>, vector<16xi32> -> vector<16xi32>
      %broadcast_in_dim3A_632 = arith.constant true
      %broadcast_in_dim3A_633 = vector.broadcast %broadcast_in_dim3A_632 : i1 to vector<16xi1>
      %masked_cumsum3A_634 = tpu.scan <sum>, %rev3A_631 masked %broadcast_in_dim3A_633 : vector<16xi32>, vector<16xi1> -> vector<16xi32>
      %rev3A_635 = arith.constant 15 : i32
      %rev3A_636 = vector.broadcast %rev3A_635 : i32 to vector<16xi32>
      %rev3A_637 = tpu.iota {dimensions = array<i32: 0>} : vector<16xi32>
      %rev3A_638 = arith.subi %rev3A_636, %rev3A_637 : vector<16xi32>
      %rev3A_639 = tpu.dynamic_gather %masked_cumsum3A_634[%rev3A_638] in [0] : vector<16xi32>, vector<16xi32> -> vector<16xi32>
      %add3A_640 = arith.addi %rev3A_639, %add3A_624 : vector<16xi32>
      %swap3A_641 = arith.constant 96 : index
      %swap3A_642 = tpu.vector_load %arg9[%swap3A_641] {strides = array<i32>} : memref<144xi32, #tpu.memory_space<vmem>>, vector<16xi32>,
      tpu.vector_store %arg9[%swap3A_641], %add3A_640 {strides = array<i32>} : memref<144xi32, #tpu.memory_space<vmem>>, vector<16xi32>,
      %reduce_sum3A_643 = arith.constant true
      %reduce_sum3A_644 = vector.broadcast %reduce_sum3A_643 : i1 to vector<16xi1>
      %reduce_sum3A_645 = tpu.scan <sum>, %get3A_626 masked %reduce_sum3A_644 : vector<16xi32>, vector<16xi1> -> vector<16xi32>
      %reduce_sum3A_646 = vector.extract %reduce_sum3A_645[15] : i32 from vector<16xi32>
      %broadcast_in_dim3A_647 = vector.broadcast %reduce_sum3A_646 : i32 to vector<16xi32>
      %add3A_648 = arith.addi %add3A_624, %broadcast_in_dim3A_647 : vector<16xi32>
      %get3A_649 = arith.constant 80 : index
      %get3A_650 = tpu.vector_load %arg8[%get3A_649] {strides = array<i32>} : memref<144xi32, #tpu.memory_space<vmem>>, vector<16xi32>,
      %rev3A_651 = arith.constant 15 : i32
      %rev3A_652 = vector.broadcast %rev3A_651 : i32 to vector<16xi32>
      %rev3A_653 = tpu.iota {dimensions = array<i32: 0>} : vector<16xi32>
      %rev3A_654 = arith.subi %rev3A_652, %rev3A_653 : vector<16xi32>
      %rev3A_655 = tpu.dynamic_gather %get3A_650[%rev3A_654] in [0] : vector<16xi32>, vector<16xi32> -> vector<16xi32>
      %broadcast_in_dim3A_656 = arith.constant true
      %broadcast_in_dim3A_657 = vector.broadcast %broadcast_in_dim3A_656 : i1 to vector<16xi1>
      %masked_cumsum3A_658 = tpu.scan <sum>, %rev3A_655 masked %broadcast_in_dim3A_657 : vector<16xi32>, vector<16xi1> -> vector<16xi32>
      %rev3A_659 = arith.constant 15 : i32
      %rev3A_660 = vector.broadcast %rev3A_659 : i32 to vector<16xi32>
      %rev3A_661 = tpu.iota {dimensions = array<i32: 0>} : vector<16xi32>
      %rev3A_662 = arith.subi %rev3A_660, %rev3A_661 : vector<16xi32>
      %rev3A_663 = tpu.dynamic_gather %masked_cumsum3A_658[%rev3A_662] in [0] : vector<16xi32>, vector<16xi32> -> vector<16xi32>
      %add3A_664 = arith.addi %rev3A_663, %add3A_648 : vector<16xi32>
      %swap3A_665 = arith.constant 80 : index
      %swap3A_666 = tpu.vector_load %arg9[%swap3A_665] {strides = array<i32>} : memref<144xi32, #tpu.memory_space<vmem>>, vector<16xi32>,
      tpu.vector_store %arg9[%swap3A_665], %add3A_664 {strides = array<i32>} : memref<144xi32, #tpu.memory_space<vmem>>, vector<16xi32>,
      %reduce_sum3A_667 = arith.constant true
      %reduce_sum3A_668 = vector.broadcast %reduce_sum3A_667 : i1 to vector<16xi1>
      %reduce_sum3A_669 = tpu.scan <sum>, %get3A_650 masked %reduce_sum3A_668 : vector<16xi32>, vector<16xi1> -> vector<16xi32>
      %reduce_sum3A_670 = vector.extract %reduce_sum3A_669[15] : i32 from vector<16xi32>
      %broadcast_in_dim3A_671 = vector.broadcast %reduce_sum3A_670 : i32 to vector<16xi32>
      %add3A_672 = arith.addi %add3A_648, %broadcast_in_dim3A_671 : vector<16xi32>
      %get3A_673 = arith.constant 64 : index
      %get3A_674 = tpu.vector_load %arg8[%get3A_673] {strides = array<i32>} : memref<144xi32, #tpu.memory_space<vmem>>, vector<16xi32>,
      %rev3A_675 = arith.constant 15 : i32
      %rev3A_676 = vector.broadcast %rev3A_675 : i32 to vector<16xi32>
      %rev3A_677 = tpu.iota {dimensions = array<i32: 0>} : vector<16xi32>
      %rev3A_678 = arith.subi %rev3A_676, %rev3A_677 : vector<16xi32>
      %rev3A_679 = tpu.dynamic_gather %get3A_674[%rev3A_678] in [0] : vector<16xi32>, vector<16xi32> -> vector<16xi32>
      %broadcast_in_dim3A_680 = arith.constant true
      %broadcast_in_dim3A_681 = vector.broadcast %broadcast_in_dim3A_680 : i1 to vector<16xi1>
      %masked_cumsum3A_682 = tpu.scan <sum>, %rev3A_679 masked %broadcast_in_dim3A_681 : vector<16xi32>, vector<16xi1> -> vector<16xi32>
      %rev3A_683 = arith.constant 15 : i32
      %rev3A_684 = vector.broadcast %rev3A_683 : i32 to vector<16xi32>
      %rev3A_685 = tpu.iota {dimensions = array<i32: 0>} : vector<16xi32>
      %rev3A_686 = arith.subi %rev3A_684, %rev3A_685 : vector<16xi32>
      %rev3A_687 = tpu.dynamic_gather %masked_cumsum3A_682[%rev3A_686] in [0] : vector<16xi32>, vector<16xi32> -> vector<16xi32>
      %add3A_688 = arith.addi %rev3A_687, %add3A_672 : vector<16xi32>
      %swap3A_689 = arith.constant 64 : index
      %swap3A_690 = tpu.vector_load %arg9[%swap3A_689] {strides = array<i32>} : memref<144xi32, #tpu.memory_space<vmem>>, vector<16xi32>,
      tpu.vector_store %arg9[%swap3A_689], %add3A_688 {strides = array<i32>} : memref<144xi32, #tpu.memory_space<vmem>>, vector<16xi32>,
      %reduce_sum3A_691 = arith.constant true
      %reduce_sum3A_692 = vector.broadcast %reduce_sum3A_691 : i1 to vector<16xi1>
      %reduce_sum3A_693 = tpu.scan <sum>, %get3A_674 masked %reduce_sum3A_692 : vector<16xi32>, vector<16xi1> -> vector<16xi32>
      %reduce_sum3A_694 = vector.extract %reduce_sum3A_693[15] : i32 from vector<16xi32>
      %broadcast_in_dim3A_695 = vector.broadcast %reduce_sum3A_694 : i32 to vector<16xi32>
      %add3A_696 = arith.addi %add3A_672, %broadcast_in_dim3A_695 : vector<16xi32>
      %get3A_697 = arith.constant 48 : index
      %get3A_698 = tpu.vector_load %arg8[%get3A_697] {strides = array<i32>} : memref<144xi32, #tpu.memory_space<vmem>>, vector<16xi32>,
      %rev3A_699 = arith.constant 15 : i32
      %rev3A_700 = vector.broadcast %rev3A_699 : i32 to vector<16xi32>
      %rev3A_701 = tpu.iota {dimensions = array<i32: 0>} : vector<16xi32>
      %rev3A_702 = arith.subi %rev3A_700, %rev3A_701 : vector<16xi32>
      %rev3A_703 = tpu.dynamic_gather %get3A_698[%rev3A_702] in [0] : vector<16xi32>, vector<16xi32> -> vector<16xi32>
      %broadcast_in_dim3A_704 = arith.constant true
      %broadcast_in_dim3A_705 = vector.broadcast %broadcast_in_dim3A_704 : i1 to vector<16xi1>
      %masked_cumsum3A_706 = tpu.scan <sum>, %rev3A_703 masked %broadcast_in_dim3A_705 : vector<16xi32>, vector<16xi1> -> vector<16xi32>
      %rev3A_707 = arith.constant 15 : i32
      %rev3A_708 = vector.broadcast %rev3A_707 : i32 to vector<16xi32>
      %rev3A_709 = tpu.iota {dimensions = array<i32: 0>} : vector<16xi32>
      %rev3A_710 = arith.subi %rev3A_708, %rev3A_709 : vector<16xi32>
      %rev3A_711 = tpu.dynamic_gather %masked_cumsum3A_706[%rev3A_710] in [0] : vector<16xi32>, vector<16xi32> -> vector<16xi32>
      %add3A_712 = arith.addi %rev3A_711, %add3A_696 : vector<16xi32>
      %swap3A_713 = arith.constant 48 : index
      %swap3A_714 = tpu.vector_load %arg9[%swap3A_713] {strides = array<i32>} : memref<144xi32, #tpu.memory_space<vmem>>, vector<16xi32>,
      tpu.vector_store %arg9[%swap3A_713], %add3A_712 {strides = array<i32>} : memref<144xi32, #tpu.memory_space<vmem>>, vector<16xi32>,
      %reduce_sum3A_715 = arith.constant true
      %reduce_sum3A_716 = vector.broadcast %reduce_sum3A_715 : i1 to vector<16xi1>
      %reduce_sum3A_717 = tpu.scan <sum>, %get3A_698 masked %reduce_sum3A_716 : vector<16xi32>, vector<16xi1> -> vector<16xi32>
      %reduce_sum3A_718 = vector.extract %reduce_sum3A_717[15] : i32 from vector<16xi32>
      %broadcast_in_dim3A_719 = vector.broadcast %reduce_sum3A_718 : i32 to vector<16xi32>
      %add3A_720 = arith.addi %add3A_696, %broadcast_in_dim3A_719 : vector<16xi32>
      %get3A_721 = arith.constant 32 : index
      %get3A_722 = tpu.vector_load %arg8[%get3A_721] {strides = array<i32>} : memref<144xi32, #tpu.memory_space<vmem>>, vector<16xi32>,
      %rev3A_723 = arith.constant 15 : i32
      %rev3A_724 = vector.broadcast %rev3A_723 : i32 to vector<16xi32>
      %rev3A_725 = tpu.iota {dimensions = array<i32: 0>} : vector<16xi32>
      %rev3A_726 = arith.subi %rev3A_724, %rev3A_725 : vector<16xi32>
      %rev3A_727 = tpu.dynamic_gather %get3A_722[%rev3A_726] in [0] : vector<16xi32>, vector<16xi32> -> vector<16xi32>
      %broadcast_in_dim3A_728 = arith.constant true
      %broadcast_in_dim3A_729 = vector.broadcast %broadcast_in_dim3A_728 : i1 to vector<16xi1>
      %masked_cumsum3A_730 = tpu.scan <sum>, %rev3A_727 masked %broadcast_in_dim3A_729 : vector<16xi32>, vector<16xi1> -> vector<16xi32>
      %rev3A_731 = arith.constant 15 : i32
      %rev3A_732 = vector.broadcast %rev3A_731 : i32 to vector<16xi32>
      %rev3A_733 = tpu.iota {dimensions = array<i32: 0>} : vector<16xi32>
      %rev3A_734 = arith.subi %rev3A_732, %rev3A_733 : vector<16xi32>
      %rev3A_735 = tpu.dynamic_gather %masked_cumsum3A_730[%rev3A_734] in [0] : vector<16xi32>, vector<16xi32> -> vector<16xi32>
      %add3A_736 = arith.addi %rev3A_735, %add3A_720 : vector<16xi32>
      %swap3A_737 = arith.constant 32 : index
      %swap3A_738 = tpu.vector_load %arg9[%swap3A_737] {strides = array<i32>} : memref<144xi32, #tpu.memory_space<vmem>>, vector<16xi32>,
      tpu.vector_store %arg9[%swap3A_737], %add3A_736 {strides = array<i32>} : memref<144xi32, #tpu.memory_space<vmem>>, vector<16xi32>,
      %reduce_sum3A_739 = arith.constant true
      %reduce_sum3A_740 = vector.broadcast %reduce_sum3A_739 : i1 to vector<16xi1>
      %reduce_sum3A_741 = tpu.scan <sum>, %get3A_722 masked %reduce_sum3A_740 : vector<16xi32>, vector<16xi1> -> vector<16xi32>
      %reduce_sum3A_742 = vector.extract %reduce_sum3A_741[15] : i32 from vector<16xi32>
      %broadcast_in_dim3A_743 = vector.broadcast %reduce_sum3A_742 : i32 to vector<16xi32>
      %add3A_744 = arith.addi %add3A_720, %broadcast_in_dim3A_743 : vector<16xi32>
      %get3A_745 = arith.constant 16 : index
      %get3A_746 = tpu.vector_load %arg8[%get3A_745] {strides = array<i32>} : memref<144xi32, #tpu.memory_space<vmem>>, vector<16xi32>,
      %rev3A_747 = arith.constant 15 : i32
      %rev3A_748 = vector.broadcast %rev3A_747 : i32 to vector<16xi32>
      %rev3A_749 = tpu.iota {dimensions = array<i32: 0>} : vector<16xi32>
      %rev3A_750 = arith.subi %rev3A_748, %rev3A_749 : vector<16xi32>
      %rev3A_751 = tpu.dynamic_gather %get3A_746[%rev3A_750] in [0] : vector<16xi32>, vector<16xi32> -> vector<16xi32>
      %broadcast_in_dim3A_752 = arith.constant true
      %broadcast_in_dim3A_753 = vector.broadcast %broadcast_in_dim3A_752 : i1 to vector<16xi1>
      %masked_cumsum3A_754 = tpu.scan <sum>, %rev3A_751 masked %broadcast_in_dim3A_753 : vector<16xi32>, vector<16xi1> -> vector<16xi32>
      %rev3A_755 = arith.constant 15 : i32
      %rev3A_756 = vector.broadcast %rev3A_755 : i32 to vector<16xi32>
      %rev3A_757 = tpu.iota {dimensions = array<i32: 0>} : vector<16xi32>
      %rev3A_758 = arith.subi %rev3A_756, %rev3A_757 : vector<16xi32>
      %rev3A_759 = tpu.dynamic_gather %masked_cumsum3A_754[%rev3A_758] in [0] : vector<16xi32>, vector<16xi32> -> vector<16xi32>
      %add3A_760 = arith.addi %rev3A_759, %add3A_744 : vector<16xi32>
      %swap3A_761 = arith.constant 16 : index
      %swap3A_762 = tpu.vector_load %arg9[%swap3A_761] {strides = array<i32>} : memref<144xi32, #tpu.memory_space<vmem>>, vector<16xi32>,
      tpu.vector_store %arg9[%swap3A_761], %add3A_760 {strides = array<i32>} : memref<144xi32, #tpu.memory_space<vmem>>, vector<16xi32>,
      %reduce_sum3A_763 = arith.constant true
      %reduce_sum3A_764 = vector.broadcast %reduce_sum3A_763 : i1 to vector<16xi1>
      %reduce_sum3A_765 = tpu.scan <sum>, %get3A_746 masked %reduce_sum3A_764 : vector<16xi32>, vector<16xi1> -> vector<16xi32>
      %reduce_sum3A_766 = vector.extract %reduce_sum3A_765[15] : i32 from vector<16xi32>
      %broadcast_in_dim3A_767 = vector.broadcast %reduce_sum3A_766 : i32 to vector<16xi32>
      %add3A_768 = arith.addi %add3A_744, %broadcast_in_dim3A_767 : vector<16xi32>
      %get3A_769 = arith.constant 0 : index
      %get3A_770 = tpu.vector_load %arg8[%get3A_769] {strides = array<i32>} : memref<144xi32, #tpu.memory_space<vmem>>, vector<16xi32>,
      %rev3A_771 = arith.constant 15 : i32
      %rev3A_772 = vector.broadcast %rev3A_771 : i32 to vector<16xi32>
      %rev3A_773 = tpu.iota {dimensions = array<i32: 0>} : vector<16xi32>
      %rev3A_774 = arith.subi %rev3A_772, %rev3A_773 : vector<16xi32>
      %rev3A_775 = tpu.dynamic_gather %get3A_770[%rev3A_774] in [0] : vector<16xi32>, vector<16xi32> -> vector<16xi32>
      %broadcast_in_dim3A_776 = arith.constant true
      %broadcast_in_dim3A_777 = vector.broadcast %broadcast_in_dim3A_776 : i1 to vector<16xi1>
      %masked_cumsum3A_778 = tpu.scan <sum>, %rev3A_775 masked %broadcast_in_dim3A_777 : vector<16xi32>, vector<16xi1> -> vector<16xi32>
      %rev3A_779 = arith.constant 15 : i32
      %rev3A_780 = vector.broadcast %rev3A_779 : i32 to vector<16xi32>
      %rev3A_781 = tpu.iota {dimensions = array<i32: 0>} : vector<16xi32>
      %rev3A_782 = arith.subi %rev3A_780, %rev3A_781 : vector<16xi32>
      %rev3A_783 = tpu.dynamic_gather %masked_cumsum3A_778[%rev3A_782] in [0] : vector<16xi32>, vector<16xi32> -> vector<16xi32>
      %add3A_784 = arith.addi %rev3A_783, %add3A_768 : vector<16xi32>
      %swap3A_785 = arith.constant 0 : index
      %swap3A_786 = tpu.vector_load %arg9[%swap3A_785] {strides = array<i32>} : memref<144xi32, #tpu.memory_space<vmem>>, vector<16xi32>,
      tpu.vector_store %arg9[%swap3A_785], %add3A_784 {strides = array<i32>} : memref<144xi32, #tpu.memory_space<vmem>>, vector<16xi32>,
      %reduce_sum3A_787 = arith.constant true
      %reduce_sum3A_788 = vector.broadcast %reduce_sum3A_787 : i1 to vector<16xi1>
      %reduce_sum3A_789 = tpu.scan <sum>, %get3A_770 masked %reduce_sum3A_788 : vector<16xi32>, vector<16xi1> -> vector<16xi32>
      %reduce_sum3A_790 = vector.extract %reduce_sum3A_789[15] : i32 from vector<16xi32>
      %broadcast_in_dim3A_791 = vector.broadcast %reduce_sum3A_790 : i32 to vector<16xi32>
      %add3A_792 = arith.addi %add3A_768, %broadcast_in_dim3A_791 : vector<16xi32>
      %add3A_793 = arith.constant 0 : i32
      %add3A_794 = vector.broadcast %add3A_793 : i32 to vector<16xi32>
      %add3A_795 = arith.addi %iota3A, %add3A_794 : vector<16xi32>
      %get3A_796 = arith.constant 0 : index
      %get3A_797 = tpu.vector_load %arg9[%get3A_796] {strides = array<i32>} : memref<144xi32, #tpu.memory_space<vmem>>, vector<16xi32>,
      %ge3A = arith.constant 512 : i32
      %ge3A_798 = vector.broadcast %ge3A : i32 to vector<16xi32>
      %ge3A_799 = arith.cmpi sge, %get3A_797, %ge3A_798 : vector<16xi32>
      %jit3A_800 = arith.constant -1 : i32
      %broadcast_in_dim3A_801 = vector.broadcast %jit3A_800 : i32 to vector<16xi32>
      %select_n3A_802 = arith.select %ge3A_799, %add3A_795, %broadcast_in_dim3A_801 : vector<16xi1>, vector<16xi32>
      %reduce_max3A = arith.constant true
      %reduce_max3A_803 = vector.broadcast %reduce_max3A : i1 to vector<16xi1>
      %reduce_max3A_804 = arith.constant -2147483648 : i32
      %reduce_max3A_805 = vector.broadcast %reduce_max3A_804 : i32 to vector<16xi32>
      %reduce_max3A_806 = arith.xori %select_n3A_802, %reduce_max3A_805 : vector<16xi32>
      %reduce_max3A_807 = tpu.scan <max>, %reduce_max3A_806 masked %reduce_max3A_803 : vector<16xi32>, vector<16xi1> -> vector<16xi32>
      %reduce_max3A_808 = arith.xori %reduce_max3A_807, %reduce_max3A_805 : vector<16xi32>
      %reduce_max3A_809 = vector.extract %reduce_max3A_808[15] : i32 from vector<16xi32>
      %max3A = arith.constant -1 : i32
      %max3A_810 = arith.maxsi %max3A, %reduce_max3A_809 : i32
      %add3A_811 = arith.constant 16 : i32
      %add3A_812 = vector.broadcast %add3A_811 : i32 to vector<16xi32>
      %add3A_813 = arith.addi %iota3A, %add3A_812 : vector<16xi32>
      %get3A_814 = arith.constant 16 : index
      %get3A_815 = tpu.vector_load %arg9[%get3A_814] {strides = array<i32>} : memref<144xi32, #tpu.memory_space<vmem>>, vector<16xi32>,
      %ge3A_816 = arith.constant 512 : i32
      %ge3A_817 = vector.broadcast %ge3A_816 : i32 to vector<16xi32>
      %ge3A_818 = arith.cmpi sge, %get3A_815, %ge3A_817 : vector<16xi32>
      %jit3A_819 = arith.constant -1 : i32
      %broadcast_in_dim3A_820 = vector.broadcast %jit3A_819 : i32 to vector<16xi32>
      %select_n3A_821 = arith.select %ge3A_818, %add3A_813, %broadcast_in_dim3A_820 : vector<16xi1>, vector<16xi32>
      %reduce_max3A_822 = arith.constant true
      %reduce_max3A_823 = vector.broadcast %reduce_max3A_822 : i1 to vector<16xi1>
      %reduce_max3A_824 = arith.constant -2147483648 : i32
      %reduce_max3A_825 = vector.broadcast %reduce_max3A_824 : i32 to vector<16xi32>
      %reduce_max3A_826 = arith.xori %select_n3A_821, %reduce_max3A_825 : vector<16xi32>
      %reduce_max3A_827 = tpu.scan <max>, %reduce_max3A_826 masked %reduce_max3A_823 : vector<16xi32>, vector<16xi1> -> vector<16xi32>
      %reduce_max3A_828 = arith.xori %reduce_max3A_827, %reduce_max3A_825 : vector<16xi32>
      %reduce_max3A_829 = vector.extract %reduce_max3A_828[15] : i32 from vector<16xi32>
      %max3A_830 = arith.maxsi %max3A_810, %reduce_max3A_829 : i32
      %add3A_831 = arith.constant 32 : i32
      %add3A_832 = vector.broadcast %add3A_831 : i32 to vector<16xi32>
      %add3A_833 = arith.addi %iota3A, %add3A_832 : vector<16xi32>
      %get3A_834 = arith.constant 32 : index
      %get3A_835 = tpu.vector_load %arg9[%get3A_834] {strides = array<i32>} : memref<144xi32, #tpu.memory_space<vmem>>, vector<16xi32>,
      %ge3A_836 = arith.constant 512 : i32
      %ge3A_837 = vector.broadcast %ge3A_836 : i32 to vector<16xi32>
      %ge3A_838 = arith.cmpi sge, %get3A_835, %ge3A_837 : vector<16xi32>
      %jit3A_839 = arith.constant -1 : i32
      %broadcast_in_dim3A_840 = vector.broadcast %jit3A_839 : i32 to vector<16xi32>
      %select_n3A_841 = arith.select %ge3A_838, %add3A_833, %broadcast_in_dim3A_840 : vector<16xi1>, vector<16xi32>
      %reduce_max3A_842 = arith.constant true
      %reduce_max3A_843 = vector.broadcast %reduce_max3A_842 : i1 to vector<16xi1>
      %reduce_max3A_844 = arith.constant -2147483648 : i32
      %reduce_max3A_845 = vector.broadcast %reduce_max3A_844 : i32 to vector<16xi32>
      %reduce_max3A_846 = arith.xori %select_n3A_841, %reduce_max3A_845 : vector<16xi32>
      %reduce_max3A_847 = tpu.scan <max>, %reduce_max3A_846 masked %reduce_max3A_843 : vector<16xi32>, vector<16xi1> -> vector<16xi32>
      %reduce_max3A_848 = arith.xori %reduce_max3A_847, %reduce_max3A_845 : vector<16xi32>
      %reduce_max3A_849 = vector.extract %reduce_max3A_848[15] : i32 from vector<16xi32>
      %max3A_850 = arith.maxsi %max3A_830, %reduce_max3A_849 : i32
      %add3A_851 = arith.constant 48 : i32
      %add3A_852 = vector.broadcast %add3A_851 : i32 to vector<16xi32>
      %add3A_853 = arith.addi %iota3A, %add3A_852 : vector<16xi32>
      %get3A_854 = arith.constant 48 : index
      %get3A_855 = tpu.vector_load %arg9[%get3A_854] {strides = array<i32>} : memref<144xi32, #tpu.memory_space<vmem>>, vector<16xi32>,
      %ge3A_856 = arith.constant 512 : i32
      %ge3A_857 = vector.broadcast %ge3A_856 : i32 to vector<16xi32>
      %ge3A_858 = arith.cmpi sge, %get3A_855, %ge3A_857 : vector<16xi32>
      %jit3A_859 = arith.constant -1 : i32
      %broadcast_in_dim3A_860 = vector.broadcast %jit3A_859 : i32 to vector<16xi32>
      %select_n3A_861 = arith.select %ge3A_858, %add3A_853, %broadcast_in_dim3A_860 : vector<16xi1>, vector<16xi32>
      %reduce_max3A_862 = arith.constant true
      %reduce_max3A_863 = vector.broadcast %reduce_max3A_862 : i1 to vector<16xi1>
      %reduce_max3A_864 = arith.constant -2147483648 : i32
      %reduce_max3A_865 = vector.broadcast %reduce_max3A_864 : i32 to vector<16xi32>
      %reduce_max3A_866 = arith.xori %select_n3A_861, %reduce_max3A_865 : vector<16xi32>
      %reduce_max3A_867 = tpu.scan <max>, %reduce_max3A_866 masked %reduce_max3A_863 : vector<16xi32>, vector<16xi1> -> vector<16xi32>
      %reduce_max3A_868 = arith.xori %reduce_max3A_867, %reduce_max3A_865 : vector<16xi32>
      %reduce_max3A_869 = vector.extract %reduce_max3A_868[15] : i32 from vector<16xi32>
      %max3A_870 = arith.maxsi %max3A_850, %reduce_max3A_869 : i32
      %add3A_871 = arith.constant 64 : i32
      %add3A_872 = vector.broadcast %add3A_871 : i32 to vector<16xi32>
      %add3A_873 = arith.addi %iota3A, %add3A_872 : vector<16xi32>
      %get3A_874 = arith.constant 64 : index
      %get3A_875 = tpu.vector_load %arg9[%get3A_874] {strides = array<i32>} : memref<144xi32, #tpu.memory_space<vmem>>, vector<16xi32>,
      %ge3A_876 = arith.constant 512 : i32
      %ge3A_877 = vector.broadcast %ge3A_876 : i32 to vector<16xi32>
      %ge3A_878 = arith.cmpi sge, %get3A_875, %ge3A_877 : vector<16xi32>
      %jit3A_879 = arith.constant -1 : i32
      %broadcast_in_dim3A_880 = vector.broadcast %jit3A_879 : i32 to vector<16xi32>
      %select_n3A_881 = arith.select %ge3A_878, %add3A_873, %broadcast_in_dim3A_880 : vector<16xi1>, vector<16xi32>
      %reduce_max3A_882 = arith.constant true
      %reduce_max3A_883 = vector.broadcast %reduce_max3A_882 : i1 to vector<16xi1>
      %reduce_max3A_884 = arith.constant -2147483648 : i32
      %reduce_max3A_885 = vector.broadcast %reduce_max3A_884 : i32 to vector<16xi32>
      %reduce_max3A_886 = arith.xori %select_n3A_881, %reduce_max3A_885 : vector<16xi32>
      %reduce_max3A_887 = tpu.scan <max>, %reduce_max3A_886 masked %reduce_max3A_883 : vector<16xi32>, vector<16xi1> -> vector<16xi32>
      %reduce_max3A_888 = arith.xori %reduce_max3A_887, %reduce_max3A_885 : vector<16xi32>
      %reduce_max3A_889 = vector.extract %reduce_max3A_888[15] : i32 from vector<16xi32>
      %max3A_890 = arith.maxsi %max3A_870, %reduce_max3A_889 : i32
      %add3A_891 = arith.constant 80 : i32
      %add3A_892 = vector.broadcast %add3A_891 : i32 to vector<16xi32>
      %add3A_893 = arith.addi %iota3A, %add3A_892 : vector<16xi32>
      %get3A_894 = arith.constant 80 : index
      %get3A_895 = tpu.vector_load %arg9[%get3A_894] {strides = array<i32>} : memref<144xi32, #tpu.memory_space<vmem>>, vector<16xi32>,
      %ge3A_896 = arith.constant 512 : i32
      %ge3A_897 = vector.broadcast %ge3A_896 : i32 to vector<16xi32>
      %ge3A_898 = arith.cmpi sge, %get3A_895, %ge3A_897 : vector<16xi32>
      %jit3A_899 = arith.constant -1 : i32
      %broadcast_in_dim3A_900 = vector.broadcast %jit3A_899 : i32 to vector<16xi32>
      %select_n3A_901 = arith.select %ge3A_898, %add3A_893, %broadcast_in_dim3A_900 : vector<16xi1>, vector<16xi32>
      %reduce_max3A_902 = arith.constant true
      %reduce_max3A_903 = vector.broadcast %reduce_max3A_902 : i1 to vector<16xi1>
      %reduce_max3A_904 = arith.constant -2147483648 : i32
      %reduce_max3A_905 = vector.broadcast %reduce_max3A_904 : i32 to vector<16xi32>
      %reduce_max3A_906 = arith.xori %select_n3A_901, %reduce_max3A_905 : vector<16xi32>
      %reduce_max3A_907 = tpu.scan <max>, %reduce_max3A_906 masked %reduce_max3A_903 : vector<16xi32>, vector<16xi1> -> vector<16xi32>
      %reduce_max3A_908 = arith.xori %reduce_max3A_907, %reduce_max3A_905 : vector<16xi32>
      %reduce_max3A_909 = vector.extract %reduce_max3A_908[15] : i32 from vector<16xi32>
      %max3A_910 = arith.maxsi %max3A_890, %reduce_max3A_909 : i32
      %add3A_911 = arith.constant 96 : i32
      %add3A_912 = vector.broadcast %add3A_911 : i32 to vector<16xi32>
      %add3A_913 = arith.addi %iota3A, %add3A_912 : vector<16xi32>
      %get3A_914 = arith.constant 96 : index
      %get3A_915 = tpu.vector_load %arg9[%get3A_914] {strides = array<i32>} : memref<144xi32, #tpu.memory_space<vmem>>, vector<16xi32>,
      %ge3A_916 = arith.constant 512 : i32
      %ge3A_917 = vector.broadcast %ge3A_916 : i32 to vector<16xi32>
      %ge3A_918 = arith.cmpi sge, %get3A_915, %ge3A_917 : vector<16xi32>
      %jit3A_919 = arith.constant -1 : i32
      %broadcast_in_dim3A_920 = vector.broadcast %jit3A_919 : i32 to vector<16xi32>
      %select_n3A_921 = arith.select %ge3A_918, %add3A_913, %broadcast_in_dim3A_920 : vector<16xi1>, vector<16xi32>
      %reduce_max3A_922 = arith.constant true
      %reduce_max3A_923 = vector.broadcast %reduce_max3A_922 : i1 to vector<16xi1>
      %reduce_max3A_924 = arith.constant -2147483648 : i32
      %reduce_max3A_925 = vector.broadcast %reduce_max3A_924 : i32 to vector<16xi32>
      %reduce_max3A_926 = arith.xori %select_n3A_921, %reduce_max3A_925 : vector<16xi32>
      %reduce_max3A_927 = tpu.scan <max>, %reduce_max3A_926 masked %reduce_max3A_923 : vector<16xi32>, vector<16xi1> -> vector<16xi32>
      %reduce_max3A_928 = arith.xori %reduce_max3A_927, %reduce_max3A_925 : vector<16xi32>
      %reduce_max3A_929 = vector.extract %reduce_max3A_928[15] : i32 from vector<16xi32>
      %max3A_930 = arith.maxsi %max3A_910, %reduce_max3A_929 : i32
      %add3A_931 = arith.constant 112 : i32
      %add3A_932 = vector.broadcast %add3A_931 : i32 to vector<16xi32>
      %add3A_933 = arith.addi %iota3A, %add3A_932 : vector<16xi32>
      %get3A_934 = arith.constant 112 : index
      %get3A_935 = tpu.vector_load %arg9[%get3A_934] {strides = array<i32>} : memref<144xi32, #tpu.memory_space<vmem>>, vector<16xi32>,
      %ge3A_936 = arith.constant 512 : i32
      %ge3A_937 = vector.broadcast %ge3A_936 : i32 to vector<16xi32>
      %ge3A_938 = arith.cmpi sge, %get3A_935, %ge3A_937 : vector<16xi32>
      %jit3A_939 = arith.constant -1 : i32
      %broadcast_in_dim3A_940 = vector.broadcast %jit3A_939 : i32 to vector<16xi32>
      %select_n3A_941 = arith.select %ge3A_938, %add3A_933, %broadcast_in_dim3A_940 : vector<16xi1>, vector<16xi32>
      %reduce_max3A_942 = arith.constant true
      %reduce_max3A_943 = vector.broadcast %reduce_max3A_942 : i1 to vector<16xi1>
      %reduce_max3A_944 = arith.constant -2147483648 : i32
      %reduce_max3A_945 = vector.broadcast %reduce_max3A_944 : i32 to vector<16xi32>
      %reduce_max3A_946 = arith.xori %select_n3A_941, %reduce_max3A_945 : vector<16xi32>
      %reduce_max3A_947 = tpu.scan <max>, %reduce_max3A_946 masked %reduce_max3A_943 : vector<16xi32>, vector<16xi1> -> vector<16xi32>
      %reduce_max3A_948 = arith.xori %reduce_max3A_947, %reduce_max3A_945 : vector<16xi32>
      %reduce_max3A_949 = vector.extract %reduce_max3A_948[15] : i32 from vector<16xi32>
      %max3A_950 = arith.maxsi %max3A_930, %reduce_max3A_949 : i32
      %add3A_951 = arith.constant 128 : i32
      %add3A_952 = vector.broadcast %add3A_951 : i32 to vector<16xi32>
      %add3A_953 = arith.addi %iota3A, %add3A_952 : vector<16xi32>
      %get3A_954 = arith.constant 128 : index
      %get3A_955 = tpu.vector_load %arg9[%get3A_954] {strides = array<i32>} : memref<144xi32, #tpu.memory_space<vmem>>, vector<16xi32>,
      %ge3A_956 = arith.constant 512 : i32
      %ge3A_957 = vector.broadcast %ge3A_956 : i32 to vector<16xi32>
      %ge3A_958 = arith.cmpi sge, %get3A_955, %ge3A_957 : vector<16xi32>
      %jit3A_959 = arith.constant -1 : i32
      %broadcast_in_dim3A_960 = vector.broadcast %jit3A_959 : i32 to vector<16xi32>
      %select_n3A_961 = arith.select %ge3A_958, %add3A_953, %broadcast_in_dim3A_960 : vector<16xi1>, vector<16xi32>
      %reduce_max3A_962 = arith.constant true
      %reduce_max3A_963 = vector.broadcast %reduce_max3A_962 : i1 to vector<16xi1>
      %reduce_max3A_964 = arith.constant -2147483648 : i32
      %reduce_max3A_965 = vector.broadcast %reduce_max3A_964 : i32 to vector<16xi32>
      %reduce_max3A_966 = arith.xori %select_n3A_961, %reduce_max3A_965 : vector<16xi32>
      %reduce_max3A_967 = tpu.scan <max>, %reduce_max3A_966 masked %reduce_max3A_963 : vector<16xi32>, vector<16xi1> -> vector<16xi32>
      %reduce_max3A_968 = arith.xori %reduce_max3A_967, %reduce_max3A_965 : vector<16xi32>
      %reduce_max3A_969 = vector.extract %reduce_max3A_968[15] : i32 from vector<16xi32>
      %max3A_970 = arith.maxsi %max3A_950, %reduce_max3A_969 : i32
      %add3A_971 = arith.constant 0 : i32
      %add3A_972 = vector.broadcast %add3A_971 : i32 to vector<16xi32>
      %add3A_973 = arith.addi %iota3A, %add3A_972 : vector<16xi32>
      %get3A_974 = arith.constant 0 : index
      %get3A_975 = tpu.vector_load %arg9[%get3A_974] {strides = array<i32>} : memref<144xi32, #tpu.memory_space<vmem>>, vector<16xi32>,
      %add3A_976 = arith.constant 1 : i32
      %add3A_977 = arith.addi %max3A_970, %add3A_976 : i32
      %eq3A_978 = vector.broadcast %add3A_977 : i32 to vector<16xi32>
      %eq3A_979 = arith.cmpi eq, %add3A_973, %eq3A_978 : vector<16xi32>
      %jit3A_980 = arith.constant 0 : i32
      %broadcast_in_dim3A_981 = vector.broadcast %jit3A_980 : i32 to vector<16xi32>
      %select_n3A_982 = arith.select %eq3A_979, %get3A_975, %broadcast_in_dim3A_981 : vector<16xi1>, vector<16xi32>
      %reduce_max3A_983 = arith.constant true
      %reduce_max3A_984 = vector.broadcast %reduce_max3A_983 : i1 to vector<16xi1>
      %reduce_max3A_985 = arith.constant -2147483648 : i32
      %reduce_max3A_986 = vector.broadcast %reduce_max3A_985 : i32 to vector<16xi32>
      %reduce_max3A_987 = arith.xori %select_n3A_982, %reduce_max3A_986 : vector<16xi32>
      %reduce_max3A_988 = tpu.scan <max>, %reduce_max3A_987 masked %reduce_max3A_984 : vector<16xi32>, vector<16xi1> -> vector<16xi32>
      %reduce_max3A_989 = arith.xori %reduce_max3A_988, %reduce_max3A_986 : vector<16xi32>
      %reduce_max3A_990 = vector.extract %reduce_max3A_989[15] : i32 from vector<16xi32>
      %max3A_991 = arith.constant 0 : i32
      %max3A_992 = arith.maxsi %max3A_991, %reduce_max3A_990 : i32
      %add3A_993 = arith.constant 16 : i32
      %add3A_994 = vector.broadcast %add3A_993 : i32 to vector<16xi32>
      %add3A_995 = arith.addi %iota3A, %add3A_994 : vector<16xi32>
      %get3A_996 = arith.constant 16 : index
      %get3A_997 = tpu.vector_load %arg9[%get3A_996] {strides = array<i32>} : memref<144xi32, #tpu.memory_space<vmem>>, vector<16xi32>,
      %add3A_998 = arith.constant 1 : i32
      %add3A_999 = arith.addi %max3A_970, %add3A_998 : i32
      %eq3A_1000 = vector.broadcast %add3A_999 : i32 to vector<16xi32>
      %eq3A_1001 = arith.cmpi eq, %add3A_995, %eq3A_1000 : vector<16xi32>
      %jit3A_1002 = arith.constant 0 : i32
      %broadcast_in_dim3A_1003 = vector.broadcast %jit3A_1002 : i32 to vector<16xi32>
      %select_n3A_1004 = arith.select %eq3A_1001, %get3A_997, %broadcast_in_dim3A_1003 : vector<16xi1>, vector<16xi32>
      %reduce_max3A_1005 = arith.constant true
      %reduce_max3A_1006 = vector.broadcast %reduce_max3A_1005 : i1 to vector<16xi1>
      %reduce_max3A_1007 = arith.constant -2147483648 : i32
      %reduce_max3A_1008 = vector.broadcast %reduce_max3A_1007 : i32 to vector<16xi32>
      %reduce_max3A_1009 = arith.xori %select_n3A_1004, %reduce_max3A_1008 : vector<16xi32>
      %reduce_max3A_1010 = tpu.scan <max>, %reduce_max3A_1009 masked %reduce_max3A_1006 : vector<16xi32>, vector<16xi1> -> vector<16xi32>
      %reduce_max3A_1011 = arith.xori %reduce_max3A_1010, %reduce_max3A_1008 : vector<16xi32>
      %reduce_max3A_1012 = vector.extract %reduce_max3A_1011[15] : i32 from vector<16xi32>
      %max3A_1013 = arith.maxsi %max3A_992, %reduce_max3A_1012 : i32
      %add3A_1014 = arith.constant 32 : i32
      %add3A_1015 = vector.broadcast %add3A_1014 : i32 to vector<16xi32>
      %add3A_1016 = arith.addi %iota3A, %add3A_1015 : vector<16xi32>
      %get3A_1017 = arith.constant 32 : index
      %get3A_1018 = tpu.vector_load %arg9[%get3A_1017] {strides = array<i32>} : memref<144xi32, #tpu.memory_space<vmem>>, vector<16xi32>,
      %add3A_1019 = arith.constant 1 : i32
      %add3A_1020 = arith.addi %max3A_970, %add3A_1019 : i32
      %eq3A_1021 = vector.broadcast %add3A_1020 : i32 to vector<16xi32>
      %eq3A_1022 = arith.cmpi eq, %add3A_1016, %eq3A_1021 : vector<16xi32>
      %jit3A_1023 = arith.constant 0 : i32
      %broadcast_in_dim3A_1024 = vector.broadcast %jit3A_1023 : i32 to vector<16xi32>
      %select_n3A_1025 = arith.select %eq3A_1022, %get3A_1018, %broadcast_in_dim3A_1024 : vector<16xi1>, vector<16xi32>
      %reduce_max3A_1026 = arith.constant true
      %reduce_max3A_1027 = vector.broadcast %reduce_max3A_1026 : i1 to vector<16xi1>
      %reduce_max3A_1028 = arith.constant -2147483648 : i32
      %reduce_max3A_1029 = vector.broadcast %reduce_max3A_1028 : i32 to vector<16xi32>
      %reduce_max3A_1030 = arith.xori %select_n3A_1025, %reduce_max3A_1029 : vector<16xi32>
      %reduce_max3A_1031 = tpu.scan <max>, %reduce_max3A_1030 masked %reduce_max3A_1027 : vector<16xi32>, vector<16xi1> -> vector<16xi32>
      %reduce_max3A_1032 = arith.xori %reduce_max3A_1031, %reduce_max3A_1029 : vector<16xi32>
      %reduce_max3A_1033 = vector.extract %reduce_max3A_1032[15] : i32 from vector<16xi32>
      %max3A_1034 = arith.maxsi %max3A_1013, %reduce_max3A_1033 : i32
      %add3A_1035 = arith.constant 48 : i32
      %add3A_1036 = vector.broadcast %add3A_1035 : i32 to vector<16xi32>
      %add3A_1037 = arith.addi %iota3A, %add3A_1036 : vector<16xi32>
      %get3A_1038 = arith.constant 48 : index
      %get3A_1039 = tpu.vector_load %arg9[%get3A_1038] {strides = array<i32>} : memref<144xi32, #tpu.memory_space<vmem>>, vector<16xi32>,
      %add3A_1040 = arith.constant 1 : i32
      %add3A_1041 = arith.addi %max3A_970, %add3A_1040 : i32
      %eq3A_1042 = vector.broadcast %add3A_1041 : i32 to vector<16xi32>
      %eq3A_1043 = arith.cmpi eq, %add3A_1037, %eq3A_1042 : vector<16xi32>
      %jit3A_1044 = arith.constant 0 : i32
      %broadcast_in_dim3A_1045 = vector.broadcast %jit3A_1044 : i32 to vector<16xi32>
      %select_n3A_1046 = arith.select %eq3A_1043, %get3A_1039, %broadcast_in_dim3A_1045 : vector<16xi1>, vector<16xi32>
      %reduce_max3A_1047 = arith.constant true
      %reduce_max3A_1048 = vector.broadcast %reduce_max3A_1047 : i1 to vector<16xi1>
      %reduce_max3A_1049 = arith.constant -2147483648 : i32
      %reduce_max3A_1050 = vector.broadcast %reduce_max3A_1049 : i32 to vector<16xi32>
      %reduce_max3A_1051 = arith.xori %select_n3A_1046, %reduce_max3A_1050 : vector<16xi32>
      %reduce_max3A_1052 = tpu.scan <max>, %reduce_max3A_1051 masked %reduce_max3A_1048 : vector<16xi32>, vector<16xi1> -> vector<16xi32>
      %reduce_max3A_1053 = arith.xori %reduce_max3A_1052, %reduce_max3A_1050 : vector<16xi32>
      %reduce_max3A_1054 = vector.extract %reduce_max3A_1053[15] : i32 from vector<16xi32>
      %max3A_1055 = arith.maxsi %max3A_1034, %reduce_max3A_1054 : i32
      %add3A_1056 = arith.constant 64 : i32
      %add3A_1057 = vector.broadcast %add3A_1056 : i32 to vector<16xi32>
      %add3A_1058 = arith.addi %iota3A, %add3A_1057 : vector<16xi32>
      %get3A_1059 = arith.constant 64 : index
      %get3A_1060 = tpu.vector_load %arg9[%get3A_1059] {strides = array<i32>} : memref<144xi32, #tpu.memory_space<vmem>>, vector<16xi32>,
      %add3A_1061 = arith.constant 1 : i32
      %add3A_1062 = arith.addi %max3A_970, %add3A_1061 : i32
      %eq3A_1063 = vector.broadcast %add3A_1062 : i32 to vector<16xi32>
      %eq3A_1064 = arith.cmpi eq, %add3A_1058, %eq3A_1063 : vector<16xi32>
      %jit3A_1065 = arith.constant 0 : i32
      %broadcast_in_dim3A_1066 = vector.broadcast %jit3A_1065 : i32 to vector<16xi32>
      %select_n3A_1067 = arith.select %eq3A_1064, %get3A_1060, %broadcast_in_dim3A_1066 : vector<16xi1>, vector<16xi32>
      %reduce_max3A_1068 = arith.constant true
      %reduce_max3A_1069 = vector.broadcast %reduce_max3A_1068 : i1 to vector<16xi1>
      %reduce_max3A_1070 = arith.constant -2147483648 : i32
      %reduce_max3A_1071 = vector.broadcast %reduce_max3A_1070 : i32 to vector<16xi32>
      %reduce_max3A_1072 = arith.xori %select_n3A_1067, %reduce_max3A_1071 : vector<16xi32>
      %reduce_max3A_1073 = tpu.scan <max>, %reduce_max3A_1072 masked %reduce_max3A_1069 : vector<16xi32>, vector<16xi1> -> vector<16xi32>
      %reduce_max3A_1074 = arith.xori %reduce_max3A_1073, %reduce_max3A_1071 : vector<16xi32>
      %reduce_max3A_1075 = vector.extract %reduce_max3A_1074[15] : i32 from vector<16xi32>
      %max3A_1076 = arith.maxsi %max3A_1055, %reduce_max3A_1075 : i32
      %add3A_1077 = arith.constant 80 : i32
      %add3A_1078 = vector.broadcast %add3A_1077 : i32 to vector<16xi32>
      %add3A_1079 = arith.addi %iota3A, %add3A_1078 : vector<16xi32>
      %get3A_1080 = arith.constant 80 : index
      %get3A_1081 = tpu.vector_load %arg9[%get3A_1080] {strides = array<i32>} : memref<144xi32, #tpu.memory_space<vmem>>, vector<16xi32>,
      %add3A_1082 = arith.constant 1 : i32
      %add3A_1083 = arith.addi %max3A_970, %add3A_1082 : i32
      %eq3A_1084 = vector.broadcast %add3A_1083 : i32 to vector<16xi32>
      %eq3A_1085 = arith.cmpi eq, %add3A_1079, %eq3A_1084 : vector<16xi32>
      %jit3A_1086 = arith.constant 0 : i32
      %broadcast_in_dim3A_1087 = vector.broadcast %jit3A_1086 : i32 to vector<16xi32>
      %select_n3A_1088 = arith.select %eq3A_1085, %get3A_1081, %broadcast_in_dim3A_1087 : vector<16xi1>, vector<16xi32>
      %reduce_max3A_1089 = arith.constant true
      %reduce_max3A_1090 = vector.broadcast %reduce_max3A_1089 : i1 to vector<16xi1>
      %reduce_max3A_1091 = arith.constant -2147483648 : i32
      %reduce_max3A_1092 = vector.broadcast %reduce_max3A_1091 : i32 to vector<16xi32>
      %reduce_max3A_1093 = arith.xori %select_n3A_1088, %reduce_max3A_1092 : vector<16xi32>
      %reduce_max3A_1094 = tpu.scan <max>, %reduce_max3A_1093 masked %reduce_max3A_1090 : vector<16xi32>, vector<16xi1> -> vector<16xi32>
      %reduce_max3A_1095 = arith.xori %reduce_max3A_1094, %reduce_max3A_1092 : vector<16xi32>
      %reduce_max3A_1096 = vector.extract %reduce_max3A_1095[15] : i32 from vector<16xi32>
      %max3A_1097 = arith.maxsi %max3A_1076, %reduce_max3A_1096 : i32
      %add3A_1098 = arith.constant 96 : i32
      %add3A_1099 = vector.broadcast %add3A_1098 : i32 to vector<16xi32>
      %add3A_1100 = arith.addi %iota3A, %add3A_1099 : vector<16xi32>
      %get3A_1101 = arith.constant 96 : index
      %get3A_1102 = tpu.vector_load %arg9[%get3A_1101] {strides = array<i32>} : memref<144xi32, #tpu.memory_space<vmem>>, vector<16xi32>,
      %add3A_1103 = arith.constant 1 : i32
      %add3A_1104 = arith.addi %max3A_970, %add3A_1103 : i32
      %eq3A_1105 = vector.broadcast %add3A_1104 : i32 to vector<16xi32>
      %eq3A_1106 = arith.cmpi eq, %add3A_1100, %eq3A_1105 : vector<16xi32>
      %jit3A_1107 = arith.constant 0 : i32
      %broadcast_in_dim3A_1108 = vector.broadcast %jit3A_1107 : i32 to vector<16xi32>
      %select_n3A_1109 = arith.select %eq3A_1106, %get3A_1102, %broadcast_in_dim3A_1108 : vector<16xi1>, vector<16xi32>
      %reduce_max3A_1110 = arith.constant true
      %reduce_max3A_1111 = vector.broadcast %reduce_max3A_1110 : i1 to vector<16xi1>
      %reduce_max3A_1112 = arith.constant -2147483648 : i32
      %reduce_max3A_1113 = vector.broadcast %reduce_max3A_1112 : i32 to vector<16xi32>
      %reduce_max3A_1114 = arith.xori %select_n3A_1109, %reduce_max3A_1113 : vector<16xi32>
      %reduce_max3A_1115 = tpu.scan <max>, %reduce_max3A_1114 masked %reduce_max3A_1111 : vector<16xi32>, vector<16xi1> -> vector<16xi32>
      %reduce_max3A_1116 = arith.xori %reduce_max3A_1115, %reduce_max3A_1113 : vector<16xi32>
      %reduce_max3A_1117 = vector.extract %reduce_max3A_1116[15] : i32 from vector<16xi32>
      %max3A_1118 = arith.maxsi %max3A_1097, %reduce_max3A_1117 : i32
      %add3A_1119 = arith.constant 112 : i32
      %add3A_1120 = vector.broadcast %add3A_1119 : i32 to vector<16xi32>
      %add3A_1121 = arith.addi %iota3A, %add3A_1120 : vector<16xi32>
      %get3A_1122 = arith.constant 112 : index
      %get3A_1123 = tpu.vector_load %arg9[%get3A_1122] {strides = array<i32>} : memref<144xi32, #tpu.memory_space<vmem>>, vector<16xi32>,
      %add3A_1124 = arith.constant 1 : i32
      %add3A_1125 = arith.addi %max3A_970, %add3A_1124 : i32
      %eq3A_1126 = vector.broadcast %add3A_1125 : i32 to vector<16xi32>
      %eq3A_1127 = arith.cmpi eq, %add3A_1121, %eq3A_1126 : vector<16xi32>
      %jit3A_1128 = arith.constant 0 : i32
      %broadcast_in_dim3A_1129 = vector.broadcast %jit3A_1128 : i32 to vector<16xi32>
      %select_n3A_1130 = arith.select %eq3A_1127, %get3A_1123, %broadcast_in_dim3A_1129 : vector<16xi1>, vector<16xi32>
      %reduce_max3A_1131 = arith.constant true
      %reduce_max3A_1132 = vector.broadcast %reduce_max3A_1131 : i1 to vector<16xi1>
      %reduce_max3A_1133 = arith.constant -2147483648 : i32
      %reduce_max3A_1134 = vector.broadcast %reduce_max3A_1133 : i32 to vector<16xi32>
      %reduce_max3A_1135 = arith.xori %select_n3A_1130, %reduce_max3A_1134 : vector<16xi32>
      %reduce_max3A_1136 = tpu.scan <max>, %reduce_max3A_1135 masked %reduce_max3A_1132 : vector<16xi32>, vector<16xi1> -> vector<16xi32>
      %reduce_max3A_1137 = arith.xori %reduce_max3A_1136, %reduce_max3A_1134 : vector<16xi32>
      %reduce_max3A_1138 = vector.extract %reduce_max3A_1137[15] : i32 from vector<16xi32>
      %max3A_1139 = arith.maxsi %max3A_1118, %reduce_max3A_1138 : i32
      %add3A_1140 = arith.constant 128 : i32
      %add3A_1141 = vector.broadcast %add3A_1140 : i32 to vector<16xi32>
      %add3A_1142 = arith.addi %iota3A, %add3A_1141 : vector<16xi32>
      %get3A_1143 = arith.constant 128 : index
      %get3A_1144 = tpu.vector_load %arg9[%get3A_1143] {strides = array<i32>} : memref<144xi32, #tpu.memory_space<vmem>>, vector<16xi32>,
      %add3A_1145 = arith.constant 1 : i32
      %add3A_1146 = arith.addi %max3A_970, %add3A_1145 : i32
      %eq3A_1147 = vector.broadcast %add3A_1146 : i32 to vector<16xi32>
      %eq3A_1148 = arith.cmpi eq, %add3A_1142, %eq3A_1147 : vector<16xi32>
      %jit3A_1149 = arith.constant 0 : i32
      %broadcast_in_dim3A_1150 = vector.broadcast %jit3A_1149 : i32 to vector<16xi32>
      %select_n3A_1151 = arith.select %eq3A_1148, %get3A_1144, %broadcast_in_dim3A_1150 : vector<16xi1>, vector<16xi32>
      %reduce_max3A_1152 = arith.constant true
      %reduce_max3A_1153 = vector.broadcast %reduce_max3A_1152 : i1 to vector<16xi1>
      %reduce_max3A_1154 = arith.constant -2147483648 : i32
      %reduce_max3A_1155 = vector.broadcast %reduce_max3A_1154 : i32 to vector<16xi32>
      %reduce_max3A_1156 = arith.xori %select_n3A_1151, %reduce_max3A_1155 : vector<16xi32>
      %reduce_max3A_1157 = tpu.scan <max>, %reduce_max3A_1156 masked %reduce_max3A_1153 : vector<16xi32>, vector<16xi1> -> vector<16xi32>
      %reduce_max3A_1158 = arith.xori %reduce_max3A_1157, %reduce_max3A_1155 : vector<16xi32>
      %reduce_max3A_1159 = vector.extract %reduce_max3A_1158[15] : i32 from vector<16xi32>
      %max3A_1160 = arith.maxsi %max3A_1139, %reduce_max3A_1159 : i32
      %broadcast_in_dim3A_1161 = arith.constant 0 : i32
      %broadcast_in_dim3A_1162 = vector.broadcast %broadcast_in_dim3A_1161 : i32 to vector<16xi32>
      %broadcast_in_dim3A_1163 = arith.constant 0 : i32
      %broadcast_in_dim3A_1164 = vector.broadcast %broadcast_in_dim3A_1163 : i32 to vector<16xi32>
      %scan3A_1165 = arith.constant 0 : i32
      %scan3A_1166 = arith.constant 208 : i32
      %scan3A_1167 = arith.addi %scan3A_1165, %scan3A_1166 : i32
      %scan3A_1168 = arith.constant 1 : i32
      %scan3A_1169:2 = scf.for %scan3A_1183 = %scan3A_1165 to %scan3A_1167 step %scan3A_1168 iter_args(%scan3A_1184 = %broadcast_in_dim3A_1162, %scan3A_1185 = %broadcast_in_dim3A_1164) -> (vector<16xi32>, vector<16xi32>)  : i32 {
        %mul3A_1186 = arith.constant 32 : i32
        %mul3A_1187 = arith.muli %scan3A_1183, %mul3A_1186 : i32
        %add3A_1188 = arith.constant 0 : i32
        %add3A_1189 = arith.addi %mul3A_1187, %add3A_1188 : i32
        %get3A_1190 = arith.index_cast %add3A_1189 : i32 to index
        %get3A_1191 = tpu.vector_load %arg5[%get3A_1190] {strides = array<i32>} : memref<33280xf32, #tpu.memory_space<vmem>>, vector<16xf32>,
        %convert_element_type3A_1192 = arith.fptosi %get3A_1191 : vector<16xf32> to vector<16xi32>
        %mul3A_1193 = arith.constant 32 : i32
        %mul3A_1194 = arith.muli %scan3A_1183, %mul3A_1193 : i32
        %add3A_1195 = arith.constant 0 : i32
        %add3A_1196 = arith.addi %mul3A_1194, %add3A_1195 : i32
        %add3A_1197 = vector.broadcast %add3A_1196 : i32 to vector<16xi32>
        %add3A_1198 = arith.addi %add3A_1197, %iota3A : vector<16xi32>
        %lt3A_1199 = arith.constant 6561 : i32
        %lt3A_1200 = vector.broadcast %lt3A_1199 : i32 to vector<16xi32>
        %lt3A_1201 = arith.cmpi slt, %add3A_1198, %lt3A_1200 : vector<16xi32>
        %gt3A = vector.broadcast %max3A_970 : i32 to vector<16xi32>
        %gt3A_1202 = arith.cmpi sgt, %convert_element_type3A_1192, %gt3A : vector<16xi32>
        %and3A_1203 = arith.andi %gt3A_1202, %lt3A_1201 : vector<16xi1>
        %eq3A_1204 = vector.broadcast %max3A_970 : i32 to vector<16xi32>
        %eq3A_1205 = arith.cmpi eq, %convert_element_type3A_1192, %eq3A_1204 : vector<16xi32>
        %and3A_1206 = arith.andi %eq3A_1205, %lt3A_1201 : vector<16xi1>
        %mul3A_1207 = arith.constant 8192 : i32
        %mul3A_1208 = vector.broadcast %mul3A_1207 : i32 to vector<16xi32>
        %mul3A_1209 = arith.muli %convert_element_type3A_1192, %mul3A_1208 : vector<16xi32>
        %sub3A_1210 = arith.constant 8191 : i32
        %sub3A_1211 = vector.broadcast %sub3A_1210 : i32 to vector<16xi32>
        %sub3A_1212 = arith.subi %sub3A_1211, %add3A_1198 : vector<16xi32>
        %add3A_1213 = arith.addi %mul3A_1209, %sub3A_1212 : vector<16xi32>
        %convert_element_type3A_1214 = arith.extui %and3A_1203 : vector<16xi1> to vector<16xi32>
        %broadcast_in_dim3A_1215 = arith.constant true
        %broadcast_in_dim3A_1216 = vector.broadcast %broadcast_in_dim3A_1215 : i1 to vector<16xi1>
        %masked_cumsum3A_1217 = tpu.scan <sum>, %convert_element_type3A_1214 masked %broadcast_in_dim3A_1216 : vector<16xi32>, vector<16xi1> -> vector<16xi32>
        %add3A_1218 = arith.addi %scan3A_1184, %masked_cumsum3A_1217 : vector<16xi32>
        %sub3A_1219 = arith.constant 1 : i32
        %sub3A_1220 = vector.broadcast %sub3A_1219 : i32 to vector<16xi32>
        %sub3A_1221 = arith.subi %add3A_1218, %sub3A_1220 : vector<16xi32>
        tpu.vector_store_idx %arg10[%sub3A_1221], %add3A_1213 masked %and3A_1203 : memref<512xi32, #tpu.memory_space<vmem>>[vector<16xi32>], vector<16xi32>, vector<16xi1>
        %convert_element_type3A_1222 = arith.extui %and3A_1206 : vector<16xi1> to vector<16xi32>
        %broadcast_in_dim3A_1223 = arith.constant true
        %broadcast_in_dim3A_1224 = vector.broadcast %broadcast_in_dim3A_1223 : i1 to vector<16xi1>
        %masked_cumsum3A_1225 = tpu.scan <sum>, %convert_element_type3A_1222 masked %broadcast_in_dim3A_1224 : vector<16xi32>, vector<16xi1> -> vector<16xi32>
        %add3A_1226 = arith.addi %scan3A_1185, %masked_cumsum3A_1225 : vector<16xi32>
        %sub3A_1227 = arith.constant 1 : i32
        %sub3A_1228 = vector.broadcast %sub3A_1227 : i32 to vector<16xi32>
        %sub3A_1229 = arith.subi %add3A_1226, %sub3A_1228 : vector<16xi32>
        tpu.vector_store_idx %arg11[%sub3A_1229], %add3A_1198 masked %and3A_1206 : memref<6656xi32, #tpu.memory_space<vmem>>[vector<16xi32>], vector<16xi32>, vector<16xi1>
        %all_reduce_population_count3A = tpu.all_reduce %and3A_1203 {dim = 0 : i64, kind = #tpu.reduction_kind<sum>} : vector<16xi1> -> vector<16xi32>
        %all_reduce_population_count3A_1230 = tpu.all_reduce %and3A_1206 {dim = 0 : i64, kind = #tpu.reduction_kind<sum>} : vector<16xi1> -> vector<16xi32>
        %add3A_1231 = arith.addi %scan3A_1184, %all_reduce_population_count3A : vector<16xi32>
        %add3A_1232 = arith.addi %scan3A_1185, %all_reduce_population_count3A_1230 : vector<16xi32>
        %mul3A_1233 = arith.constant 32 : i32
        %mul3A_1234 = arith.muli %scan3A_1183, %mul3A_1233 : i32
        %add3A_1235 = arith.constant 16 : i32
        %add3A_1236 = arith.addi %mul3A_1234, %add3A_1235 : i32
        %get3A_1237 = arith.index_cast %add3A_1236 : i32 to index
        %get3A_1238 = tpu.vector_load %arg5[%get3A_1237] {strides = array<i32>} : memref<33280xf32, #tpu.memory_space<vmem>>, vector<16xf32>,
        %convert_element_type3A_1239 = arith.fptosi %get3A_1238 : vector<16xf32> to vector<16xi32>
        %mul3A_1240 = arith.constant 32 : i32
        %mul3A_1241 = arith.muli %scan3A_1183, %mul3A_1240 : i32
        %add3A_1242 = arith.constant 16 : i32
        %add3A_1243 = arith.addi %mul3A_1241, %add3A_1242 : i32
        %add3A_1244 = vector.broadcast %add3A_1243 : i32 to vector<16xi32>
        %add3A_1245 = arith.addi %add3A_1244, %iota3A : vector<16xi32>
        %lt3A_1246 = arith.constant 6561 : i32
        %lt3A_1247 = vector.broadcast %lt3A_1246 : i32 to vector<16xi32>
        %lt3A_1248 = arith.cmpi slt, %add3A_1245, %lt3A_1247 : vector<16xi32>
        %gt3A_1249 = vector.broadcast %max3A_970 : i32 to vector<16xi32>
        %gt3A_1250 = arith.cmpi sgt, %convert_element_type3A_1239, %gt3A_1249 : vector<16xi32>
        %and3A_1251 = arith.andi %gt3A_1250, %lt3A_1248 : vector<16xi1>
        %eq3A_1252 = vector.broadcast %max3A_970 : i32 to vector<16xi32>
        %eq3A_1253 = arith.cmpi eq, %convert_element_type3A_1239, %eq3A_1252 : vector<16xi32>
        %and3A_1254 = arith.andi %eq3A_1253, %lt3A_1248 : vector<16xi1>
        %mul3A_1255 = arith.constant 8192 : i32
        %mul3A_1256 = vector.broadcast %mul3A_1255 : i32 to vector<16xi32>
        %mul3A_1257 = arith.muli %convert_element_type3A_1239, %mul3A_1256 : vector<16xi32>
        %sub3A_1258 = arith.constant 8191 : i32
        %sub3A_1259 = vector.broadcast %sub3A_1258 : i32 to vector<16xi32>
        %sub3A_1260 = arith.subi %sub3A_1259, %add3A_1245 : vector<16xi32>
        %add3A_1261 = arith.addi %mul3A_1257, %sub3A_1260 : vector<16xi32>
        %convert_element_type3A_1262 = arith.extui %and3A_1251 : vector<16xi1> to vector<16xi32>
        %broadcast_in_dim3A_1263 = arith.constant true
        %broadcast_in_dim3A_1264 = vector.broadcast %broadcast_in_dim3A_1263 : i1 to vector<16xi1>
        %masked_cumsum3A_1265 = tpu.scan <sum>, %convert_element_type3A_1262 masked %broadcast_in_dim3A_1264 : vector<16xi32>, vector<16xi1> -> vector<16xi32>
        %add3A_1266 = arith.addi %add3A_1231, %masked_cumsum3A_1265 : vector<16xi32>
        %sub3A_1267 = arith.constant 1 : i32
        %sub3A_1268 = vector.broadcast %sub3A_1267 : i32 to vector<16xi32>
        %sub3A_1269 = arith.subi %add3A_1266, %sub3A_1268 : vector<16xi32>
        tpu.vector_store_idx %arg10[%sub3A_1269], %add3A_1261 masked %and3A_1251 : memref<512xi32, #tpu.memory_space<vmem>>[vector<16xi32>], vector<16xi32>, vector<16xi1>
        %convert_element_type3A_1270 = arith.extui %and3A_1254 : vector<16xi1> to vector<16xi32>
        %broadcast_in_dim3A_1271 = arith.constant true
        %broadcast_in_dim3A_1272 = vector.broadcast %broadcast_in_dim3A_1271 : i1 to vector<16xi1>
        %masked_cumsum3A_1273 = tpu.scan <sum>, %convert_element_type3A_1270 masked %broadcast_in_dim3A_1272 : vector<16xi32>, vector<16xi1> -> vector<16xi32>
        %add3A_1274 = arith.addi %add3A_1232, %masked_cumsum3A_1273 : vector<16xi32>
        %sub3A_1275 = arith.constant 1 : i32
        %sub3A_1276 = vector.broadcast %sub3A_1275 : i32 to vector<16xi32>
        %sub3A_1277 = arith.subi %add3A_1274, %sub3A_1276 : vector<16xi32>
        tpu.vector_store_idx %arg11[%sub3A_1277], %add3A_1245 masked %and3A_1254 : memref<6656xi32, #tpu.memory_space<vmem>>[vector<16xi32>], vector<16xi32>, vector<16xi1>
        %all_reduce_population_count3A_1278 = tpu.all_reduce %and3A_1251 {dim = 0 : i64, kind = #tpu.reduction_kind<sum>} : vector<16xi1> -> vector<16xi32>
        %all_reduce_population_count3A_1279 = tpu.all_reduce %and3A_1254 {dim = 0 : i64, kind = #tpu.reduction_kind<sum>} : vector<16xi1> -> vector<16xi32>
        %add3A_1280 = arith.addi %add3A_1231, %all_reduce_population_count3A_1278 : vector<16xi32>
        %add3A_1281 = arith.addi %add3A_1232, %all_reduce_population_count3A_1279 : vector<16xi32>
        scf.yield %add3A_1280, %add3A_1281 : vector<16xi32>, vector<16xi32>
      }
      %scan3A_1170 = arith.constant 208 : i32
      %mul3A_1171 = arith.constant 2048 : i32
      %mul3A_1172 = arith.muli %select_n3A, %mul3A_1171 : i32
      "tpu.region"() ({
        %run_scoped3A = tpu.sem_alloc : memref<!tpu.dma_semaphore, #tpu.memory_space<semaphore_mem>>
        %dma_start3A_1183 = tpu.memref_slice %arg19[%mul3A_1172] : memref<4096xi32, #tpu.memory_space<vmem_shared>> -> memref<512xi32, #tpu.memory_space<vmem_shared>>
        %dma_start3A_1184 = tpu.memref_slice %arg19[%mul3A_1172] : memref<4096xi32, #tpu.memory_space<vmem_shared>> -> memref<512xi32, #tpu.memory_space<vmem_shared>>
        tpu.enqueue_dma source(%arg10 : memref<512xi32, #tpu.memory_space<vmem>>) target(%dma_start3A_1184 : memref<512xi32, #tpu.memory_space<vmem_shared>>) target_semaphore(%run_scoped3A : memref<!tpu.dma_semaphore, #tpu.memory_space<semaphore_mem>>)
        %dma_wait3A_1185 = tpu.memref_slice %arg19[%mul3A_1172] : memref<4096xi32, #tpu.memory_space<vmem_shared>> -> memref<512xi32, #tpu.memory_space<vmem_shared>>
        %dma_wait3A_1186 = tpu.memref_slice %arg19[%mul3A_1172] : memref<4096xi32, #tpu.memory_space<vmem_shared>> -> memref<512xi32, #tpu.memory_space<vmem_shared>>
        tpu.wait_dma2 semaphore(%run_scoped3A : memref<!tpu.dma_semaphore, #tpu.memory_space<semaphore_mem>>) src(%arg10 : memref<512xi32, #tpu.memory_space<vmem>>) dst(%dma_wait3A_1186 : memref<512xi32, #tpu.memory_space<vmem_shared>>)
        tpu.yield
      }) : () -> ()
      %broadcast_in_dim3A_1173 = vector.broadcast %max3A_1160 : i32 to vector<16xi32>
      %swap3A_1174 = arith.constant 0 : index
      %swap3A_1175 = tpu.vector_load %arg15[%swap3A_1174] {strides = array<i32>} : memref<64xi32, #tpu.memory_space<vmem>>, vector<16xi32>,
      tpu.vector_store %arg15[%swap3A_1174], %broadcast_in_dim3A_1173 {strides = array<i32>} : memref<64xi32, #tpu.memory_space<vmem>>, vector<16xi32>,
      %broadcast_in_dim3A_1176 = vector.broadcast %max3A_970 : i32 to vector<16xi32>
      %swap3A_1177 = arith.constant 16 : index
      %swap3A_1178 = tpu.vector_load %arg15[%swap3A_1177] {strides = array<i32>} : memref<64xi32, #tpu.memory_space<vmem>>, vector<16xi32>,
      tpu.vector_store %arg15[%swap3A_1177], %broadcast_in_dim3A_1176 {strides = array<i32>} : memref<64xi32, #tpu.memory_space<vmem>>, vector<16xi32>,
      %mul3A_1179 = arith.constant 2048 : i32
      %mul3A_1180 = arith.muli %select_n3A, %mul3A_1179 : i32
      %add3A_1181 = arith.constant 512 : i32
      %add3A_1182 = arith.addi %mul3A_1180, %add3A_1181 : i32
      "tpu.region"() ({
        %run_scoped3A = tpu.sem_alloc : memref<!tpu.dma_semaphore, #tpu.memory_space<semaphore_mem>>
        %dma_start3A_1183 = arith.constant 0 : i32
        %dma_start3A_1184 = tpu.memref_slice %arg15[%dma_start3A_1183] : memref<64xi32, #tpu.memory_space<vmem>> -> memref<32xi32, #tpu.memory_space<vmem>>
        %dma_start3A_1185 = tpu.memref_slice %arg19[%add3A_1182] : memref<4096xi32, #tpu.memory_space<vmem_shared>> -> memref<32xi32, #tpu.memory_space<vmem_shared>>
        %dma_start3A_1186 = tpu.memref_slice %arg19[%add3A_1182] : memref<4096xi32, #tpu.memory_space<vmem_shared>> -> memref<32xi32, #tpu.memory_space<vmem_shared>>
        %dma_start3A_1187 = arith.constant 0 : i32
        %dma_start3A_1188 = tpu.memref_slice %arg15[%dma_start3A_1187] : memref<64xi32, #tpu.memory_space<vmem>> -> memref<32xi32, #tpu.memory_space<vmem>>
        tpu.enqueue_dma source(%dma_start3A_1188 : memref<32xi32, #tpu.memory_space<vmem>>) target(%dma_start3A_1186 : memref<32xi32, #tpu.memory_space<vmem_shared>>) target_semaphore(%run_scoped3A : memref<!tpu.dma_semaphore, #tpu.memory_space<semaphore_mem>>)
        %dma_wait3A_1189 = arith.constant 0 : i32
        %dma_wait3A_1190 = tpu.memref_slice %arg15[%dma_wait3A_1189] : memref<64xi32, #tpu.memory_space<vmem>> -> memref<32xi32, #tpu.memory_space<vmem>>
        %dma_wait3A_1191 = tpu.memref_slice %arg19[%add3A_1182] : memref<4096xi32, #tpu.memory_space<vmem_shared>> -> memref<32xi32, #tpu.memory_space<vmem_shared>>
        %dma_wait3A_1192 = tpu.memref_slice %arg19[%add3A_1182] : memref<4096xi32, #tpu.memory_space<vmem_shared>> -> memref<32xi32, #tpu.memory_space<vmem_shared>>
        %dma_wait3A_1193 = arith.constant 0 : i32
        %dma_wait3A_1194 = tpu.memref_slice %arg15[%dma_wait3A_1193] : memref<64xi32, #tpu.memory_space<vmem>> -> memref<32xi32, #tpu.memory_space<vmem>>
        tpu.wait_dma2 semaphore(%run_scoped3A : memref<!tpu.dma_semaphore, #tpu.memory_space<semaphore_mem>>) src(%dma_wait3A_1194 : memref<32xi32, #tpu.memory_space<vmem>>) dst(%dma_wait3A_1192 : memref<32xi32, #tpu.memory_space<vmem_shared>>)
        tpu.yield
      }) : () -> ()
    } else {
    }
    %barrier3A_291 = arith.constant 0 : index
    tpu.barrier barrier_id(%barrier3A_291)
    %mul3A_292 = arith.constant 2048 : i32
    %mul3A_293 = arith.muli %select_n3A, %mul3A_292 : i32
    "tpu.region"() ({
      %run_scoped3A = tpu.sem_alloc : memref<!tpu.dma_semaphore, #tpu.memory_space<semaphore_mem>>
      %dma_start3A_384 = tpu.memref_slice %arg19[%mul3A_293] : memref<4096xi32, #tpu.memory_space<vmem_shared>> -> memref<512xi32, #tpu.memory_space<vmem_shared>>
      %dma_start3A_385 = tpu.memref_slice %arg19[%mul3A_293] : memref<4096xi32, #tpu.memory_space<vmem_shared>> -> memref<512xi32, #tpu.memory_space<vmem_shared>>
      tpu.enqueue_dma source(%dma_start3A_385 : memref<512xi32, #tpu.memory_space<vmem_shared>>) target(%arg10 : memref<512xi32, #tpu.memory_space<vmem>>) target_semaphore(%run_scoped3A : memref<!tpu.dma_semaphore, #tpu.memory_space<semaphore_mem>>)
      %dma_wait3A_386 = tpu.memref_slice %arg19[%mul3A_293] : memref<4096xi32, #tpu.memory_space<vmem_shared>> -> memref<512xi32, #tpu.memory_space<vmem_shared>>
      %dma_wait3A_387 = tpu.memref_slice %arg19[%mul3A_293] : memref<4096xi32, #tpu.memory_space<vmem_shared>> -> memref<512xi32, #tpu.memory_space<vmem_shared>>
      tpu.wait_dma2 semaphore(%run_scoped3A : memref<!tpu.dma_semaphore, #tpu.memory_space<semaphore_mem>>) src(%dma_wait3A_387 : memref<512xi32, #tpu.memory_space<vmem_shared>>) dst(%arg10 : memref<512xi32, #tpu.memory_space<vmem>>)
      tpu.yield
    }) : () -> ()
    %scan3A_294 = arith.constant 0 : i32
    %scan3A_295 = arith.constant 0 : i32
    %scan3A_296 = arith.constant 32 : i32
    %scan3A_297 = arith.addi %scan3A_295, %scan3A_296 : i32
    %scan3A_298 = arith.constant 1 : i32
    %scan3A_299 = scf.for %scan3A_384 = %scan3A_295 to %scan3A_297 step %scan3A_298 iter_args(%scan3A_385 = %scan3A_294) -> (i32)  : i32 {
      %mul3A_386 = arith.constant 16 : i32
      %mul3A_387 = arith.muli %scan3A_384, %mul3A_386 : i32
      %get3A_388 = arith.index_cast %mul3A_387 : i32 to index
      %get3A_389 = tpu.vector_load %arg10[%get3A_388] {strides = array<i32>} : memref<512xi32, #tpu.memory_space<vmem>>, vector<16xi32>,
      %eq3A_390 = arith.constant 0 : i32
      %eq3A_391 = vector.broadcast %eq3A_390 : i32 to vector<16xi32>
      %eq3A_392 = arith.cmpi eq, %iota3A, %eq3A_391 : vector<16xi32>
      %jit3A_393 = arith.constant -2147483647 : i32
      %broadcast_in_dim3A_394 = vector.broadcast %jit3A_393 : i32 to vector<16xi32>
      %select_n3A_395 = arith.select %eq3A_392, %get3A_389, %broadcast_in_dim3A_394 : vector<16xi1>, vector<16xi32>
      %reduce_max3A = arith.constant true
      %reduce_max3A_396 = vector.broadcast %reduce_max3A : i1 to vector<16xi1>
      %reduce_max3A_397 = arith.constant -2147483648 : i32
      %reduce_max3A_398 = vector.broadcast %reduce_max3A_397 : i32 to vector<16xi32>
      %reduce_max3A_399 = arith.xori %select_n3A_395, %reduce_max3A_398 : vector<16xi32>
      %reduce_max3A_400 = tpu.scan <max>, %reduce_max3A_399 masked %reduce_max3A_396 : vector<16xi32>, vector<16xi1> -> vector<16xi32>
      %reduce_max3A_401 = arith.xori %reduce_max3A_400, %reduce_max3A_398 : vector<16xi32>
      %reduce_max3A_402 = vector.extract %reduce_max3A_401[15] : i32 from vector<16xi32>
      %broadcast_in_dim3A_403 = vector.broadcast %reduce_max3A_402 : i32 to vector<16xi32>
      %mul3A_404 = arith.constant 16 : i32
      %mul3A_405 = arith.muli %scan3A_384, %mul3A_404 : i32
      %add3A_406 = arith.constant 0 : i32
      %add3A_407 = arith.addi %mul3A_405, %add3A_406 : i32
      %mul3A_408 = arith.constant 16 : i32
      %mul3A_409 = arith.muli %add3A_407, %mul3A_408 : i32
      %swap3A_410 = arith.index_cast %mul3A_409 : i32 to index
      %swap3A_411 = tpu.vector_load %arg14[%swap3A_410] {strides = array<i32>} : memref<8192xi32, #tpu.memory_space<vmem>>, vector<16xi32>,
      tpu.vector_store %arg14[%swap3A_410], %broadcast_in_dim3A_403 {strides = array<i32>} : memref<8192xi32, #tpu.memory_space<vmem>>, vector<16xi32>,
      %eq3A_412 = arith.constant 1 : i32
      %eq3A_413 = vector.broadcast %eq3A_412 : i32 to vector<16xi32>
      %eq3A_414 = arith.cmpi eq, %iota3A, %eq3A_413 : vector<16xi32>
      %jit3A_415 = arith.constant -2147483647 : i32
      %broadcast_in_dim3A_416 = vector.broadcast %jit3A_415 : i32 to vector<16xi32>
      %select_n3A_417 = arith.select %eq3A_414, %get3A_389, %broadcast_in_dim3A_416 : vector<16xi1>, vector<16xi32>
      %reduce_max3A_418 = arith.constant true
      %reduce_max3A_419 = vector.broadcast %reduce_max3A_418 : i1 to vector<16xi1>
      %reduce_max3A_420 = arith.constant -2147483648 : i32
      %reduce_max3A_421 = vector.broadcast %reduce_max3A_420 : i32 to vector<16xi32>
      %reduce_max3A_422 = arith.xori %select_n3A_417, %reduce_max3A_421 : vector<16xi32>
      %reduce_max3A_423 = tpu.scan <max>, %reduce_max3A_422 masked %reduce_max3A_419 : vector<16xi32>, vector<16xi1> -> vector<16xi32>
      %reduce_max3A_424 = arith.xori %reduce_max3A_423, %reduce_max3A_421 : vector<16xi32>
      %reduce_max3A_425 = vector.extract %reduce_max3A_424[15] : i32 from vector<16xi32>
      %broadcast_in_dim3A_426 = vector.broadcast %reduce_max3A_425 : i32 to vector<16xi32>
      %mul3A_427 = arith.constant 16 : i32
      %mul3A_428 = arith.muli %scan3A_384, %mul3A_427 : i32
      %add3A_429 = arith.constant 1 : i32
      %add3A_430 = arith.addi %mul3A_428, %add3A_429 : i32
      %mul3A_431 = arith.constant 16 : i32
      %mul3A_432 = arith.muli %add3A_430, %mul3A_431 : i32
      %swap3A_433 = arith.index_cast %mul3A_432 : i32 to index
      %swap3A_434 = tpu.vector_load %arg14[%swap3A_433] {strides = array<i32>} : memref<8192xi32, #tpu.memory_space<vmem>>, vector<16xi32>,
      tpu.vector_store %arg14[%swap3A_433], %broadcast_in_dim3A_426 {strides = array<i32>} : memref<8192xi32, #tpu.memory_space<vmem>>, vector<16xi32>,
      %eq3A_435 = arith.constant 2 : i32
      %eq3A_436 = vector.broadcast %eq3A_435 : i32 to vector<16xi32>
      %eq3A_437 = arith.cmpi eq, %iota3A, %eq3A_436 : vector<16xi32>
      %jit3A_438 = arith.constant -2147483647 : i32
      %broadcast_in_dim3A_439 = vector.broadcast %jit3A_438 : i32 to vector<16xi32>
      %select_n3A_440 = arith.select %eq3A_437, %get3A_389, %broadcast_in_dim3A_439 : vector<16xi1>, vector<16xi32>
      %reduce_max3A_441 = arith.constant true
      %reduce_max3A_442 = vector.broadcast %reduce_max3A_441 : i1 to vector<16xi1>
      %reduce_max3A_443 = arith.constant -2147483648 : i32
      %reduce_max3A_444 = vector.broadcast %reduce_max3A_443 : i32 to vector<16xi32>
      %reduce_max3A_445 = arith.xori %select_n3A_440, %reduce_max3A_444 : vector<16xi32>
      %reduce_max3A_446 = tpu.scan <max>, %reduce_max3A_445 masked %reduce_max3A_442 : vector<16xi32>, vector<16xi1> -> vector<16xi32>
      %reduce_max3A_447 = arith.xori %reduce_max3A_446, %reduce_max3A_444 : vector<16xi32>
      %reduce_max3A_448 = vector.extract %reduce_max3A_447[15] : i32 from vector<16xi32>
      %broadcast_in_dim3A_449 = vector.broadcast %reduce_max3A_448 : i32 to vector<16xi32>
      %mul3A_450 = arith.constant 16 : i32
      %mul3A_451 = arith.muli %scan3A_384, %mul3A_450 : i32
      %add3A_452 = arith.constant 2 : i32
      %add3A_453 = arith.addi %mul3A_451, %add3A_452 : i32
      %mul3A_454 = arith.constant 16 : i32
      %mul3A_455 = arith.muli %add3A_453, %mul3A_454 : i32
      %swap3A_456 = arith.index_cast %mul3A_455 : i32 to index
      %swap3A_457 = tpu.vector_load %arg14[%swap3A_456] {strides = array<i32>} : memref<8192xi32, #tpu.memory_space<vmem>>, vector<16xi32>,
      tpu.vector_store %arg14[%swap3A_456], %broadcast_in_dim3A_449 {strides = array<i32>} : memref<8192xi32, #tpu.memory_space<vmem>>, vector<16xi32>,
      %eq3A_458 = arith.constant 3 : i32
      %eq3A_459 = vector.broadcast %eq3A_458 : i32 to vector<16xi32>
      %eq3A_460 = arith.cmpi eq, %iota3A, %eq3A_459 : vector<16xi32>
      %jit3A_461 = arith.constant -2147483647 : i32
      %broadcast_in_dim3A_462 = vector.broadcast %jit3A_461 : i32 to vector<16xi32>
      %select_n3A_463 = arith.select %eq3A_460, %get3A_389, %broadcast_in_dim3A_462 : vector<16xi1>, vector<16xi32>
      %reduce_max3A_464 = arith.constant true
      %reduce_max3A_465 = vector.broadcast %reduce_max3A_464 : i1 to vector<16xi1>
      %reduce_max3A_466 = arith.constant -2147483648 : i32
      %reduce_max3A_467 = vector.broadcast %reduce_max3A_466 : i32 to vector<16xi32>
      %reduce_max3A_468 = arith.xori %select_n3A_463, %reduce_max3A_467 : vector<16xi32>
      %reduce_max3A_469 = tpu.scan <max>, %reduce_max3A_468 masked %reduce_max3A_465 : vector<16xi32>, vector<16xi1> -> vector<16xi32>
      %reduce_max3A_470 = arith.xori %reduce_max3A_469, %reduce_max3A_467 : vector<16xi32>
      %reduce_max3A_471 = vector.extract %reduce_max3A_470[15] : i32 from vector<16xi32>
      %broadcast_in_dim3A_472 = vector.broadcast %reduce_max3A_471 : i32 to vector<16xi32>
      %mul3A_473 = arith.constant 16 : i32
      %mul3A_474 = arith.muli %scan3A_384, %mul3A_473 : i32
      %add3A_475 = arith.constant 3 : i32
      %add3A_476 = arith.addi %mul3A_474, %add3A_475 : i32
      %mul3A_477 = arith.constant 16 : i32
      %mul3A_478 = arith.muli %add3A_476, %mul3A_477 : i32
      %swap3A_479 = arith.index_cast %mul3A_478 : i32 to index
      %swap3A_480 = tpu.vector_load %arg14[%swap3A_479] {strides = array<i32>} : memref<8192xi32, #tpu.memory_space<vmem>>, vector<16xi32>,
      tpu.vector_store %arg14[%swap3A_479], %broadcast_in_dim3A_472 {strides = array<i32>} : memref<8192xi32, #tpu.memory_space<vmem>>, vector<16xi32>,
      %eq3A_481 = arith.constant 4 : i32
      %eq3A_482 = vector.broadcast %eq3A_481 : i32 to vector<16xi32>
      %eq3A_483 = arith.cmpi eq, %iota3A, %eq3A_482 : vector<16xi32>
      %jit3A_484 = arith.constant -2147483647 : i32
      %broadcast_in_dim3A_485 = vector.broadcast %jit3A_484 : i32 to vector<16xi32>
      %select_n3A_486 = arith.select %eq3A_483, %get3A_389, %broadcast_in_dim3A_485 : vector<16xi1>, vector<16xi32>
      %reduce_max3A_487 = arith.constant true
      %reduce_max3A_488 = vector.broadcast %reduce_max3A_487 : i1 to vector<16xi1>
      %reduce_max3A_489 = arith.constant -2147483648 : i32
      %reduce_max3A_490 = vector.broadcast %reduce_max3A_489 : i32 to vector<16xi32>
      %reduce_max3A_491 = arith.xori %select_n3A_486, %reduce_max3A_490 : vector<16xi32>
      %reduce_max3A_492 = tpu.scan <max>, %reduce_max3A_491 masked %reduce_max3A_488 : vector<16xi32>, vector<16xi1> -> vector<16xi32>
      %reduce_max3A_493 = arith.xori %reduce_max3A_492, %reduce_max3A_490 : vector<16xi32>
      %reduce_max3A_494 = vector.extract %reduce_max3A_493[15] : i32 from vector<16xi32>
      %broadcast_in_dim3A_495 = vector.broadcast %reduce_max3A_494 : i32 to vector<16xi32>
      %mul3A_496 = arith.constant 16 : i32
      %mul3A_497 = arith.muli %scan3A_384, %mul3A_496 : i32
      %add3A_498 = arith.constant 4 : i32
      %add3A_499 = arith.addi %mul3A_497, %add3A_498 : i32
      %mul3A_500 = arith.constant 16 : i32
      %mul3A_501 = arith.muli %add3A_499, %mul3A_500 : i32
      %swap3A_502 = arith.index_cast %mul3A_501 : i32 to index
      %swap3A_503 = tpu.vector_load %arg14[%swap3A_502] {strides = array<i32>} : memref<8192xi32, #tpu.memory_space<vmem>>, vector<16xi32>,
      tpu.vector_store %arg14[%swap3A_502], %broadcast_in_dim3A_495 {strides = array<i32>} : memref<8192xi32, #tpu.memory_space<vmem>>, vector<16xi32>,
      %eq3A_504 = arith.constant 5 : i32
      %eq3A_505 = vector.broadcast %eq3A_504 : i32 to vector<16xi32>
      %eq3A_506 = arith.cmpi eq, %iota3A, %eq3A_505 : vector<16xi32>
      %jit3A_507 = arith.constant -2147483647 : i32
      %broadcast_in_dim3A_508 = vector.broadcast %jit3A_507 : i32 to vector<16xi32>
      %select_n3A_509 = arith.select %eq3A_506, %get3A_389, %broadcast_in_dim3A_508 : vector<16xi1>, vector<16xi32>
      %reduce_max3A_510 = arith.constant true
      %reduce_max3A_511 = vector.broadcast %reduce_max3A_510 : i1 to vector<16xi1>
      %reduce_max3A_512 = arith.constant -2147483648 : i32
      %reduce_max3A_513 = vector.broadcast %reduce_max3A_512 : i32 to vector<16xi32>
      %reduce_max3A_514 = arith.xori %select_n3A_509, %reduce_max3A_513 : vector<16xi32>
      %reduce_max3A_515 = tpu.scan <max>, %reduce_max3A_514 masked %reduce_max3A_511 : vector<16xi32>, vector<16xi1> -> vector<16xi32>
      %reduce_max3A_516 = arith.xori %reduce_max3A_515, %reduce_max3A_513 : vector<16xi32>
      %reduce_max3A_517 = vector.extract %reduce_max3A_516[15] : i32 from vector<16xi32>
      %broadcast_in_dim3A_518 = vector.broadcast %reduce_max3A_517 : i32 to vector<16xi32>
      %mul3A_519 = arith.constant 16 : i32
      %mul3A_520 = arith.muli %scan3A_384, %mul3A_519 : i32
      %add3A_521 = arith.constant 5 : i32
      %add3A_522 = arith.addi %mul3A_520, %add3A_521 : i32
      %mul3A_523 = arith.constant 16 : i32
      %mul3A_524 = arith.muli %add3A_522, %mul3A_523 : i32
      %swap3A_525 = arith.index_cast %mul3A_524 : i32 to index
      %swap3A_526 = tpu.vector_load %arg14[%swap3A_525] {strides = array<i32>} : memref<8192xi32, #tpu.memory_space<vmem>>, vector<16xi32>,
      tpu.vector_store %arg14[%swap3A_525], %broadcast_in_dim3A_518 {strides = array<i32>} : memref<8192xi32, #tpu.memory_space<vmem>>, vector<16xi32>,
      %eq3A_527 = arith.constant 6 : i32
      %eq3A_528 = vector.broadcast %eq3A_527 : i32 to vector<16xi32>
      %eq3A_529 = arith.cmpi eq, %iota3A, %eq3A_528 : vector<16xi32>
      %jit3A_530 = arith.constant -2147483647 : i32
      %broadcast_in_dim3A_531 = vector.broadcast %jit3A_530 : i32 to vector<16xi32>
      %select_n3A_532 = arith.select %eq3A_529, %get3A_389, %broadcast_in_dim3A_531 : vector<16xi1>, vector<16xi32>
      %reduce_max3A_533 = arith.constant true
      %reduce_max3A_534 = vector.broadcast %reduce_max3A_533 : i1 to vector<16xi1>
      %reduce_max3A_535 = arith.constant -2147483648 : i32
      %reduce_max3A_536 = vector.broadcast %reduce_max3A_535 : i32 to vector<16xi32>
      %reduce_max3A_537 = arith.xori %select_n3A_532, %reduce_max3A_536 : vector<16xi32>
      %reduce_max3A_538 = tpu.scan <max>, %reduce_max3A_537 masked %reduce_max3A_534 : vector<16xi32>, vector<16xi1> -> vector<16xi32>
      %reduce_max3A_539 = arith.xori %reduce_max3A_538, %reduce_max3A_536 : vector<16xi32>
      %reduce_max3A_540 = vector.extract %reduce_max3A_539[15] : i32 from vector<16xi32>
      %broadcast_in_dim3A_541 = vector.broadcast %reduce_max3A_540 : i32 to vector<16xi32>
      %mul3A_542 = arith.constant 16 : i32
      %mul3A_543 = arith.muli %scan3A_384, %mul3A_542 : i32
      %add3A_544 = arith.constant 6 : i32
      %add3A_545 = arith.addi %mul3A_543, %add3A_544 : i32
      %mul3A_546 = arith.constant 16 : i32
      %mul3A_547 = arith.muli %add3A_545, %mul3A_546 : i32
      %swap3A_548 = arith.index_cast %mul3A_547 : i32 to index
      %swap3A_549 = tpu.vector_load %arg14[%swap3A_548] {strides = array<i32>} : memref<8192xi32, #tpu.memory_space<vmem>>, vector<16xi32>,
      tpu.vector_store %arg14[%swap3A_548], %broadcast_in_dim3A_541 {strides = array<i32>} : memref<8192xi32, #tpu.memory_space<vmem>>, vector<16xi32>,
      %eq3A_550 = arith.constant 7 : i32
      %eq3A_551 = vector.broadcast %eq3A_550 : i32 to vector<16xi32>
      %eq3A_552 = arith.cmpi eq, %iota3A, %eq3A_551 : vector<16xi32>
      %jit3A_553 = arith.constant -2147483647 : i32
      %broadcast_in_dim3A_554 = vector.broadcast %jit3A_553 : i32 to vector<16xi32>
      %select_n3A_555 = arith.select %eq3A_552, %get3A_389, %broadcast_in_dim3A_554 : vector<16xi1>, vector<16xi32>
      %reduce_max3A_556 = arith.constant true
      %reduce_max3A_557 = vector.broadcast %reduce_max3A_556 : i1 to vector<16xi1>
      %reduce_max3A_558 = arith.constant -2147483648 : i32
      %reduce_max3A_559 = vector.broadcast %reduce_max3A_558 : i32 to vector<16xi32>
      %reduce_max3A_560 = arith.xori %select_n3A_555, %reduce_max3A_559 : vector<16xi32>
      %reduce_max3A_561 = tpu.scan <max>, %reduce_max3A_560 masked %reduce_max3A_557 : vector<16xi32>, vector<16xi1> -> vector<16xi32>
      %reduce_max3A_562 = arith.xori %reduce_max3A_561, %reduce_max3A_559 : vector<16xi32>
      %reduce_max3A_563 = vector.extract %reduce_max3A_562[15] : i32 from vector<16xi32>
      %broadcast_in_dim3A_564 = vector.broadcast %reduce_max3A_563 : i32 to vector<16xi32>
      %mul3A_565 = arith.constant 16 : i32
      %mul3A_566 = arith.muli %scan3A_384, %mul3A_565 : i32
      %add3A_567 = arith.constant 7 : i32
      %add3A_568 = arith.addi %mul3A_566, %add3A_567 : i32
      %mul3A_569 = arith.constant 16 : i32
      %mul3A_570 = arith.muli %add3A_568, %mul3A_569 : i32
      %swap3A_571 = arith.index_cast %mul3A_570 : i32 to index
      %swap3A_572 = tpu.vector_load %arg14[%swap3A_571] {strides = array<i32>} : memref<8192xi32, #tpu.memory_space<vmem>>, vector<16xi32>,
      tpu.vector_store %arg14[%swap3A_571], %broadcast_in_dim3A_564 {strides = array<i32>} : memref<8192xi32, #tpu.memory_space<vmem>>, vector<16xi32>,
      %eq3A_573 = arith.constant 8 : i32
      %eq3A_574 = vector.broadcast %eq3A_573 : i32 to vector<16xi32>
      %eq3A_575 = arith.cmpi eq, %iota3A, %eq3A_574 : vector<16xi32>
      %jit3A_576 = arith.constant -2147483647 : i32
      %broadcast_in_dim3A_577 = vector.broadcast %jit3A_576 : i32 to vector<16xi32>
      %select_n3A_578 = arith.select %eq3A_575, %get3A_389, %broadcast_in_dim3A_577 : vector<16xi1>, vector<16xi32>
      %reduce_max3A_579 = arith.constant true
      %reduce_max3A_580 = vector.broadcast %reduce_max3A_579 : i1 to vector<16xi1>
      %reduce_max3A_581 = arith.constant -2147483648 : i32
      %reduce_max3A_582 = vector.broadcast %reduce_max3A_581 : i32 to vector<16xi32>
      %reduce_max3A_583 = arith.xori %select_n3A_578, %reduce_max3A_582 : vector<16xi32>
      %reduce_max3A_584 = tpu.scan <max>, %reduce_max3A_583 masked %reduce_max3A_580 : vector<16xi32>, vector<16xi1> -> vector<16xi32>
      %reduce_max3A_585 = arith.xori %reduce_max3A_584, %reduce_max3A_582 : vector<16xi32>
      %reduce_max3A_586 = vector.extract %reduce_max3A_585[15] : i32 from vector<16xi32>
      %broadcast_in_dim3A_587 = vector.broadcast %reduce_max3A_586 : i32 to vector<16xi32>
      %mul3A_588 = arith.constant 16 : i32
      %mul3A_589 = arith.muli %scan3A_384, %mul3A_588 : i32
      %add3A_590 = arith.constant 8 : i32
      %add3A_591 = arith.addi %mul3A_589, %add3A_590 : i32
      %mul3A_592 = arith.constant 16 : i32
      %mul3A_593 = arith.muli %add3A_591, %mul3A_592 : i32
      %swap3A_594 = arith.index_cast %mul3A_593 : i32 to index
      %swap3A_595 = tpu.vector_load %arg14[%swap3A_594] {strides = array<i32>} : memref<8192xi32, #tpu.memory_space<vmem>>, vector<16xi32>,
      tpu.vector_store %arg14[%swap3A_594], %broadcast_in_dim3A_587 {strides = array<i32>} : memref<8192xi32, #tpu.memory_space<vmem>>, vector<16xi32>,
      %eq3A_596 = arith.constant 9 : i32
      %eq3A_597 = vector.broadcast %eq3A_596 : i32 to vector<16xi32>
      %eq3A_598 = arith.cmpi eq, %iota3A, %eq3A_597 : vector<16xi32>
      %jit3A_599 = arith.constant -2147483647 : i32
      %broadcast_in_dim3A_600 = vector.broadcast %jit3A_599 : i32 to vector<16xi32>
      %select_n3A_601 = arith.select %eq3A_598, %get3A_389, %broadcast_in_dim3A_600 : vector<16xi1>, vector<16xi32>
      %reduce_max3A_602 = arith.constant true
      %reduce_max3A_603 = vector.broadcast %reduce_max3A_602 : i1 to vector<16xi1>
      %reduce_max3A_604 = arith.constant -2147483648 : i32
      %reduce_max3A_605 = vector.broadcast %reduce_max3A_604 : i32 to vector<16xi32>
      %reduce_max3A_606 = arith.xori %select_n3A_601, %reduce_max3A_605 : vector<16xi32>
      %reduce_max3A_607 = tpu.scan <max>, %reduce_max3A_606 masked %reduce_max3A_603 : vector<16xi32>, vector<16xi1> -> vector<16xi32>
      %reduce_max3A_608 = arith.xori %reduce_max3A_607, %reduce_max3A_605 : vector<16xi32>
      %reduce_max3A_609 = vector.extract %reduce_max3A_608[15] : i32 from vector<16xi32>
      %broadcast_in_dim3A_610 = vector.broadcast %reduce_max3A_609 : i32 to vector<16xi32>
      %mul3A_611 = arith.constant 16 : i32
      %mul3A_612 = arith.muli %scan3A_384, %mul3A_611 : i32
      %add3A_613 = arith.constant 9 : i32
      %add3A_614 = arith.addi %mul3A_612, %add3A_613 : i32
      %mul3A_615 = arith.constant 16 : i32
      %mul3A_616 = arith.muli %add3A_614, %mul3A_615 : i32
      %swap3A_617 = arith.index_cast %mul3A_616 : i32 to index
      %swap3A_618 = tpu.vector_load %arg14[%swap3A_617] {strides = array<i32>} : memref<8192xi32, #tpu.memory_space<vmem>>, vector<16xi32>,
      tpu.vector_store %arg14[%swap3A_617], %broadcast_in_dim3A_610 {strides = array<i32>} : memref<8192xi32, #tpu.memory_space<vmem>>, vector<16xi32>,
      %eq3A_619 = arith.constant 10 : i32
      %eq3A_620 = vector.broadcast %eq3A_619 : i32 to vector<16xi32>
      %eq3A_621 = arith.cmpi eq, %iota3A, %eq3A_620 : vector<16xi32>
      %jit3A_622 = arith.constant -2147483647 : i32
      %broadcast_in_dim3A_623 = vector.broadcast %jit3A_622 : i32 to vector<16xi32>
      %select_n3A_624 = arith.select %eq3A_621, %get3A_389, %broadcast_in_dim3A_623 : vector<16xi1>, vector<16xi32>
      %reduce_max3A_625 = arith.constant true
      %reduce_max3A_626 = vector.broadcast %reduce_max3A_625 : i1 to vector<16xi1>
      %reduce_max3A_627 = arith.constant -2147483648 : i32
      %reduce_max3A_628 = vector.broadcast %reduce_max3A_627 : i32 to vector<16xi32>
      %reduce_max3A_629 = arith.xori %select_n3A_624, %reduce_max3A_628 : vector<16xi32>
      %reduce_max3A_630 = tpu.scan <max>, %reduce_max3A_629 masked %reduce_max3A_626 : vector<16xi32>, vector<16xi1> -> vector<16xi32>
      %reduce_max3A_631 = arith.xori %reduce_max3A_630, %reduce_max3A_628 : vector<16xi32>
      %reduce_max3A_632 = vector.extract %reduce_max3A_631[15] : i32 from vector<16xi32>
      %broadcast_in_dim3A_633 = vector.broadcast %reduce_max3A_632 : i32 to vector<16xi32>
      %mul3A_634 = arith.constant 16 : i32
      %mul3A_635 = arith.muli %scan3A_384, %mul3A_634 : i32
      %add3A_636 = arith.constant 10 : i32
      %add3A_637 = arith.addi %mul3A_635, %add3A_636 : i32
      %mul3A_638 = arith.constant 16 : i32
      %mul3A_639 = arith.muli %add3A_637, %mul3A_638 : i32
      %swap3A_640 = arith.index_cast %mul3A_639 : i32 to index
      %swap3A_641 = tpu.vector_load %arg14[%swap3A_640] {strides = array<i32>} : memref<8192xi32, #tpu.memory_space<vmem>>, vector<16xi32>,
      tpu.vector_store %arg14[%swap3A_640], %broadcast_in_dim3A_633 {strides = array<i32>} : memref<8192xi32, #tpu.memory_space<vmem>>, vector<16xi32>,
      %eq3A_642 = arith.constant 11 : i32
      %eq3A_643 = vector.broadcast %eq3A_642 : i32 to vector<16xi32>
      %eq3A_644 = arith.cmpi eq, %iota3A, %eq3A_643 : vector<16xi32>
      %jit3A_645 = arith.constant -2147483647 : i32
      %broadcast_in_dim3A_646 = vector.broadcast %jit3A_645 : i32 to vector<16xi32>
      %select_n3A_647 = arith.select %eq3A_644, %get3A_389, %broadcast_in_dim3A_646 : vector<16xi1>, vector<16xi32>
      %reduce_max3A_648 = arith.constant true
      %reduce_max3A_649 = vector.broadcast %reduce_max3A_648 : i1 to vector<16xi1>
      %reduce_max3A_650 = arith.constant -2147483648 : i32
      %reduce_max3A_651 = vector.broadcast %reduce_max3A_650 : i32 to vector<16xi32>
      %reduce_max3A_652 = arith.xori %select_n3A_647, %reduce_max3A_651 : vector<16xi32>
      %reduce_max3A_653 = tpu.scan <max>, %reduce_max3A_652 masked %reduce_max3A_649 : vector<16xi32>, vector<16xi1> -> vector<16xi32>
      %reduce_max3A_654 = arith.xori %reduce_max3A_653, %reduce_max3A_651 : vector<16xi32>
      %reduce_max3A_655 = vector.extract %reduce_max3A_654[15] : i32 from vector<16xi32>
      %broadcast_in_dim3A_656 = vector.broadcast %reduce_max3A_655 : i32 to vector<16xi32>
      %mul3A_657 = arith.constant 16 : i32
      %mul3A_658 = arith.muli %scan3A_384, %mul3A_657 : i32
      %add3A_659 = arith.constant 11 : i32
      %add3A_660 = arith.addi %mul3A_658, %add3A_659 : i32
      %mul3A_661 = arith.constant 16 : i32
      %mul3A_662 = arith.muli %add3A_660, %mul3A_661 : i32
      %swap3A_663 = arith.index_cast %mul3A_662 : i32 to index
      %swap3A_664 = tpu.vector_load %arg14[%swap3A_663] {strides = array<i32>} : memref<8192xi32, #tpu.memory_space<vmem>>, vector<16xi32>,
      tpu.vector_store %arg14[%swap3A_663], %broadcast_in_dim3A_656 {strides = array<i32>} : memref<8192xi32, #tpu.memory_space<vmem>>, vector<16xi32>,
      %eq3A_665 = arith.constant 12 : i32
      %eq3A_666 = vector.broadcast %eq3A_665 : i32 to vector<16xi32>
      %eq3A_667 = arith.cmpi eq, %iota3A, %eq3A_666 : vector<16xi32>
      %jit3A_668 = arith.constant -2147483647 : i32
      %broadcast_in_dim3A_669 = vector.broadcast %jit3A_668 : i32 to vector<16xi32>
      %select_n3A_670 = arith.select %eq3A_667, %get3A_389, %broadcast_in_dim3A_669 : vector<16xi1>, vector<16xi32>
      %reduce_max3A_671 = arith.constant true
      %reduce_max3A_672 = vector.broadcast %reduce_max3A_671 : i1 to vector<16xi1>
      %reduce_max3A_673 = arith.constant -2147483648 : i32
      %reduce_max3A_674 = vector.broadcast %reduce_max3A_673 : i32 to vector<16xi32>
      %reduce_max3A_675 = arith.xori %select_n3A_670, %reduce_max3A_674 : vector<16xi32>
      %reduce_max3A_676 = tpu.scan <max>, %reduce_max3A_675 masked %reduce_max3A_672 : vector<16xi32>, vector<16xi1> -> vector<16xi32>
      %reduce_max3A_677 = arith.xori %reduce_max3A_676, %reduce_max3A_674 : vector<16xi32>
      %reduce_max3A_678 = vector.extract %reduce_max3A_677[15] : i32 from vector<16xi32>
      %broadcast_in_dim3A_679 = vector.broadcast %reduce_max3A_678 : i32 to vector<16xi32>
      %mul3A_680 = arith.constant 16 : i32
      %mul3A_681 = arith.muli %scan3A_384, %mul3A_680 : i32
      %add3A_682 = arith.constant 12 : i32
      %add3A_683 = arith.addi %mul3A_681, %add3A_682 : i32
      %mul3A_684 = arith.constant 16 : i32
      %mul3A_685 = arith.muli %add3A_683, %mul3A_684 : i32
      %swap3A_686 = arith.index_cast %mul3A_685 : i32 to index
      %swap3A_687 = tpu.vector_load %arg14[%swap3A_686] {strides = array<i32>} : memref<8192xi32, #tpu.memory_space<vmem>>, vector<16xi32>,
      tpu.vector_store %arg14[%swap3A_686], %broadcast_in_dim3A_679 {strides = array<i32>} : memref<8192xi32, #tpu.memory_space<vmem>>, vector<16xi32>,
      %eq3A_688 = arith.constant 13 : i32
      %eq3A_689 = vector.broadcast %eq3A_688 : i32 to vector<16xi32>
      %eq3A_690 = arith.cmpi eq, %iota3A, %eq3A_689 : vector<16xi32>
      %jit3A_691 = arith.constant -2147483647 : i32
      %broadcast_in_dim3A_692 = vector.broadcast %jit3A_691 : i32 to vector<16xi32>
      %select_n3A_693 = arith.select %eq3A_690, %get3A_389, %broadcast_in_dim3A_692 : vector<16xi1>, vector<16xi32>
      %reduce_max3A_694 = arith.constant true
      %reduce_max3A_695 = vector.broadcast %reduce_max3A_694 : i1 to vector<16xi1>
      %reduce_max3A_696 = arith.constant -2147483648 : i32
      %reduce_max3A_697 = vector.broadcast %reduce_max3A_696 : i32 to vector<16xi32>
      %reduce_max3A_698 = arith.xori %select_n3A_693, %reduce_max3A_697 : vector<16xi32>
      %reduce_max3A_699 = tpu.scan <max>, %reduce_max3A_698 masked %reduce_max3A_695 : vector<16xi32>, vector<16xi1> -> vector<16xi32>
      %reduce_max3A_700 = arith.xori %reduce_max3A_699, %reduce_max3A_697 : vector<16xi32>
      %reduce_max3A_701 = vector.extract %reduce_max3A_700[15] : i32 from vector<16xi32>
      %broadcast_in_dim3A_702 = vector.broadcast %reduce_max3A_701 : i32 to vector<16xi32>
      %mul3A_703 = arith.constant 16 : i32
      %mul3A_704 = arith.muli %scan3A_384, %mul3A_703 : i32
      %add3A_705 = arith.constant 13 : i32
      %add3A_706 = arith.addi %mul3A_704, %add3A_705 : i32
      %mul3A_707 = arith.constant 16 : i32
      %mul3A_708 = arith.muli %add3A_706, %mul3A_707 : i32
      %swap3A_709 = arith.index_cast %mul3A_708 : i32 to index
      %swap3A_710 = tpu.vector_load %arg14[%swap3A_709] {strides = array<i32>} : memref<8192xi32, #tpu.memory_space<vmem>>, vector<16xi32>,
      tpu.vector_store %arg14[%swap3A_709], %broadcast_in_dim3A_702 {strides = array<i32>} : memref<8192xi32, #tpu.memory_space<vmem>>, vector<16xi32>,
      %eq3A_711 = arith.constant 14 : i32
      %eq3A_712 = vector.broadcast %eq3A_711 : i32 to vector<16xi32>
      %eq3A_713 = arith.cmpi eq, %iota3A, %eq3A_712 : vector<16xi32>
      %jit3A_714 = arith.constant -2147483647 : i32
      %broadcast_in_dim3A_715 = vector.broadcast %jit3A_714 : i32 to vector<16xi32>
      %select_n3A_716 = arith.select %eq3A_713, %get3A_389, %broadcast_in_dim3A_715 : vector<16xi1>, vector<16xi32>
      %reduce_max3A_717 = arith.constant true
      %reduce_max3A_718 = vector.broadcast %reduce_max3A_717 : i1 to vector<16xi1>
      %reduce_max3A_719 = arith.constant -2147483648 : i32
      %reduce_max3A_720 = vector.broadcast %reduce_max3A_719 : i32 to vector<16xi32>
      %reduce_max3A_721 = arith.xori %select_n3A_716, %reduce_max3A_720 : vector<16xi32>
      %reduce_max3A_722 = tpu.scan <max>, %reduce_max3A_721 masked %reduce_max3A_718 : vector<16xi32>, vector<16xi1> -> vector<16xi32>
      %reduce_max3A_723 = arith.xori %reduce_max3A_722, %reduce_max3A_720 : vector<16xi32>
      %reduce_max3A_724 = vector.extract %reduce_max3A_723[15] : i32 from vector<16xi32>
      %broadcast_in_dim3A_725 = vector.broadcast %reduce_max3A_724 : i32 to vector<16xi32>
      %mul3A_726 = arith.constant 16 : i32
      %mul3A_727 = arith.muli %scan3A_384, %mul3A_726 : i32
      %add3A_728 = arith.constant 14 : i32
      %add3A_729 = arith.addi %mul3A_727, %add3A_728 : i32
      %mul3A_730 = arith.constant 16 : i32
      %mul3A_731 = arith.muli %add3A_729, %mul3A_730 : i32
      %swap3A_732 = arith.index_cast %mul3A_731 : i32 to index
      %swap3A_733 = tpu.vector_load %arg14[%swap3A_732] {strides = array<i32>} : memref<8192xi32, #tpu.memory_space<vmem>>, vector<16xi32>,
      tpu.vector_store %arg14[%swap3A_732], %broadcast_in_dim3A_725 {strides = array<i32>} : memref<8192xi32, #tpu.memory_space<vmem>>, vector<16xi32>,
      %eq3A_734 = arith.constant 15 : i32
      %eq3A_735 = vector.broadcast %eq3A_734 : i32 to vector<16xi32>
      %eq3A_736 = arith.cmpi eq, %iota3A, %eq3A_735 : vector<16xi32>
      %jit3A_737 = arith.constant -2147483647 : i32
      %broadcast_in_dim3A_738 = vector.broadcast %jit3A_737 : i32 to vector<16xi32>
      %select_n3A_739 = arith.select %eq3A_736, %get3A_389, %broadcast_in_dim3A_738 : vector<16xi1>, vector<16xi32>
      %reduce_max3A_740 = arith.constant true
      %reduce_max3A_741 = vector.broadcast %reduce_max3A_740 : i1 to vector<16xi1>
      %reduce_max3A_742 = arith.constant -2147483648 : i32
      %reduce_max3A_743 = vector.broadcast %reduce_max3A_742 : i32 to vector<16xi32>
      %reduce_max3A_744 = arith.xori %select_n3A_739, %reduce_max3A_743 : vector<16xi32>
      %reduce_max3A_745 = tpu.scan <max>, %reduce_max3A_744 masked %reduce_max3A_741 : vector<16xi32>, vector<16xi1> -> vector<16xi32>
      %reduce_max3A_746 = arith.xori %reduce_max3A_745, %reduce_max3A_743 : vector<16xi32>
      %reduce_max3A_747 = vector.extract %reduce_max3A_746[15] : i32 from vector<16xi32>
      %broadcast_in_dim3A_748 = vector.broadcast %reduce_max3A_747 : i32 to vector<16xi32>
      %mul3A_749 = arith.constant 16 : i32
      %mul3A_750 = arith.muli %scan3A_384, %mul3A_749 : i32
      %add3A_751 = arith.constant 15 : i32
      %add3A_752 = arith.addi %mul3A_750, %add3A_751 : i32
      %mul3A_753 = arith.constant 16 : i32
      %mul3A_754 = arith.muli %add3A_752, %mul3A_753 : i32
      %swap3A_755 = arith.index_cast %mul3A_754 : i32 to index
      %swap3A_756 = tpu.vector_load %arg14[%swap3A_755] {strides = array<i32>} : memref<8192xi32, #tpu.memory_space<vmem>>, vector<16xi32>,
      tpu.vector_store %arg14[%swap3A_755], %broadcast_in_dim3A_748 {strides = array<i32>} : memref<8192xi32, #tpu.memory_space<vmem>>, vector<16xi32>,
      %scan3A_757 = arith.constant 0 : i32
      scf.yield %scan3A_757 : i32
    }
    %scan3A_300 = arith.constant 32 : i32
    %mul3A_301 = arith.constant 4 : i32
    %mul3A_302 = arith.muli %select_n3A_30, %mul3A_301 : i32
    %add3A_303 = arith.constant 0 : i32
    %add3A_304 = arith.addi %mul3A_302, %add3A_303 : i32
    %mul3A_305 = arith.constant 16 : i32
    %mul3A_306 = arith.muli %add3A_304, %mul3A_305 : i32
    %get3A = arith.index_cast %mul3A_306 : i32 to index
    %get3A_307 = tpu.vector_load %arg10[%get3A] {strides = array<i32>} : memref<512xi32, #tpu.memory_space<vmem>>, vector<16xi32>,
    %broadcast_in_dim3A_308 = arith.constant 0 : i32
    %broadcast_in_dim3A_309 = vector.broadcast %broadcast_in_dim3A_308 : i32 to vector<16xi32>
    %scan3A_310 = arith.constant 0 : i32
    %scan3A_311 = arith.constant 64 : i32
    %scan3A_312 = arith.addi %scan3A_310, %scan3A_311 : i32
    %scan3A_313 = arith.constant 1 : i32
    %scan3A_314 = scf.for %scan3A_384 = %scan3A_310 to %scan3A_312 step %scan3A_313 iter_args(%scan3A_385 = %broadcast_in_dim3A_309) -> (vector<16xi32>)  : i32 {
      %mul3A_386 = arith.constant 128 : i32
      %mul3A_387 = arith.muli %scan3A_384, %mul3A_386 : i32
      %add3A_388 = arith.constant 0 : i32
      %add3A_389 = arith.addi %mul3A_387, %add3A_388 : i32
      %get3A_390 = arith.index_cast %add3A_389 : i32 to index
      %get3A_391 = tpu.vector_load %arg14[%get3A_390] {strides = array<i32>} : memref<8192xi32, #tpu.memory_space<vmem>>, vector<16xi32>,
      %gt3A = arith.cmpi sgt, %get3A_391, %get3A_307 : vector<16xi32>
      %convert_element_type3A_392 = arith.extui %gt3A : vector<16xi1> to vector<16xi32>
      %add3A_393 = arith.addi %scan3A_385, %convert_element_type3A_392 : vector<16xi32>
      %mul3A_394 = arith.constant 128 : i32
      %mul3A_395 = arith.muli %scan3A_384, %mul3A_394 : i32
      %add3A_396 = arith.constant 16 : i32
      %add3A_397 = arith.addi %mul3A_395, %add3A_396 : i32
      %get3A_398 = arith.index_cast %add3A_397 : i32 to index
      %get3A_399 = tpu.vector_load %arg14[%get3A_398] {strides = array<i32>} : memref<8192xi32, #tpu.memory_space<vmem>>, vector<16xi32>,
      %gt3A_400 = arith.cmpi sgt, %get3A_399, %get3A_307 : vector<16xi32>
      %convert_element_type3A_401 = arith.extui %gt3A_400 : vector<16xi1> to vector<16xi32>
      %add3A_402 = arith.addi %add3A_393, %convert_element_type3A_401 : vector<16xi32>
      %mul3A_403 = arith.constant 128 : i32
      %mul3A_404 = arith.muli %scan3A_384, %mul3A_403 : i32
      %add3A_405 = arith.constant 32 : i32
      %add3A_406 = arith.addi %mul3A_404, %add3A_405 : i32
      %get3A_407 = arith.index_cast %add3A_406 : i32 to index
      %get3A_408 = tpu.vector_load %arg14[%get3A_407] {strides = array<i32>} : memref<8192xi32, #tpu.memory_space<vmem>>, vector<16xi32>,
      %gt3A_409 = arith.cmpi sgt, %get3A_408, %get3A_307 : vector<16xi32>
      %convert_element_type3A_410 = arith.extui %gt3A_409 : vector<16xi1> to vector<16xi32>
      %add3A_411 = arith.addi %add3A_402, %convert_element_type3A_410 : vector<16xi32>
      %mul3A_412 = arith.constant 128 : i32
      %mul3A_413 = arith.muli %scan3A_384, %mul3A_412 : i32
      %add3A_414 = arith.constant 48 : i32
      %add3A_415 = arith.addi %mul3A_413, %add3A_414 : i32
      %get3A_416 = arith.index_cast %add3A_415 : i32 to index
      %get3A_417 = tpu.vector_load %arg14[%get3A_416] {strides = array<i32>} : memref<8192xi32, #tpu.memory_space<vmem>>, vector<16xi32>,
      %gt3A_418 = arith.cmpi sgt, %get3A_417, %get3A_307 : vector<16xi32>
      %convert_element_type3A_419 = arith.extui %gt3A_418 : vector<16xi1> to vector<16xi32>
      %add3A_420 = arith.addi %add3A_411, %convert_element_type3A_419 : vector<16xi32>
      %mul3A_421 = arith.constant 128 : i32
      %mul3A_422 = arith.muli %scan3A_384, %mul3A_421 : i32
      %add3A_423 = arith.constant 64 : i32
      %add3A_424 = arith.addi %mul3A_422, %add3A_423 : i32
      %get3A_425 = arith.index_cast %add3A_424 : i32 to index
      %get3A_426 = tpu.vector_load %arg14[%get3A_425] {strides = array<i32>} : memref<8192xi32, #tpu.memory_space<vmem>>, vector<16xi32>,
      %gt3A_427 = arith.cmpi sgt, %get3A_426, %get3A_307 : vector<16xi32>
      %convert_element_type3A_428 = arith.extui %gt3A_427 : vector<16xi1> to vector<16xi32>
      %add3A_429 = arith.addi %add3A_420, %convert_element_type3A_428 : vector<16xi32>
      %mul3A_430 = arith.constant 128 : i32
      %mul3A_431 = arith.muli %scan3A_384, %mul3A_430 : i32
      %add3A_432 = arith.constant 80 : i32
      %add3A_433 = arith.addi %mul3A_431, %add3A_432 : i32
      %get3A_434 = arith.index_cast %add3A_433 : i32 to index
      %get3A_435 = tpu.vector_load %arg14[%get3A_434] {strides = array<i32>} : memref<8192xi32, #tpu.memory_space<vmem>>, vector<16xi32>,
      %gt3A_436 = arith.cmpi sgt, %get3A_435, %get3A_307 : vector<16xi32>
      %convert_element_type3A_437 = arith.extui %gt3A_436 : vector<16xi1> to vector<16xi32>
      %add3A_438 = arith.addi %add3A_429, %convert_element_type3A_437 : vector<16xi32>
      %mul3A_439 = arith.constant 128 : i32
      %mul3A_440 = arith.muli %scan3A_384, %mul3A_439 : i32
      %add3A_441 = arith.constant 96 : i32
      %add3A_442 = arith.addi %mul3A_440, %add3A_441 : i32
      %get3A_443 = arith.index_cast %add3A_442 : i32 to index
      %get3A_444 = tpu.vector_load %arg14[%get3A_443] {strides = array<i32>} : memref<8192xi32, #tpu.memory_space<vmem>>, vector<16xi32>,
      %gt3A_445 = arith.cmpi sgt, %get3A_444, %get3A_307 : vector<16xi32>
      %convert_element_type3A_446 = arith.extui %gt3A_445 : vector<16xi1> to vector<16xi32>
      %add3A_447 = arith.addi %add3A_438, %convert_element_type3A_446 : vector<16xi32>
      %mul3A_448 = arith.constant 128 : i32
      %mul3A_449 = arith.muli %scan3A_384, %mul3A_448 : i32
      %add3A_450 = arith.constant 112 : i32
      %add3A_451 = arith.addi %mul3A_449, %add3A_450 : i32
      %get3A_452 = arith.index_cast %add3A_451 : i32 to index
      %get3A_453 = tpu.vector_load %arg14[%get3A_452] {strides = array<i32>} : memref<8192xi32, #tpu.memory_space<vmem>>, vector<16xi32>,
      %gt3A_454 = arith.cmpi sgt, %get3A_453, %get3A_307 : vector<16xi32>
      %convert_element_type3A_455 = arith.extui %gt3A_454 : vector<16xi1> to vector<16xi32>
      %add3A_456 = arith.addi %add3A_447, %convert_element_type3A_455 : vector<16xi32>
      scf.yield %add3A_456 : vector<16xi32>
    }
    %scan3A_315 = arith.constant 64 : i32
    %swap3A = arith.constant 0 : index
    %swap3A_316 = tpu.vector_load %arg15[%swap3A] {strides = array<i32>} : memref<64xi32, #tpu.memory_space<vmem>>, vector<16xi32>,
    tpu.vector_store %arg15[%swap3A], %scan3A_314 {strides = array<i32>} : memref<64xi32, #tpu.memory_space<vmem>>, vector<16xi32>,
    %mul3A_317 = arith.constant 4 : i32
    %mul3A_318 = arith.muli %select_n3A_30, %mul3A_317 : i32
    %add3A_319 = arith.constant 1 : i32
    %add3A_320 = arith.addi %mul3A_318, %add3A_319 : i32
    %mul3A_321 = arith.constant 16 : i32
    %mul3A_322 = arith.muli %add3A_320, %mul3A_321 : i32
    %get3A_323 = arith.index_cast %mul3A_322 : i32 to index
    %get3A_324 = tpu.vector_load %arg10[%get3A_323] {strides = array<i32>} : memref<512xi32, #tpu.memory_space<vmem>>, vector<16xi32>,
    %broadcast_in_dim3A_325 = arith.constant 0 : i32
    %broadcast_in_dim3A_326 = vector.broadcast %broadcast_in_dim3A_325 : i32 to vector<16xi32>
    %scan3A_327 = arith.constant 0 : i32
    %scan3A_328 = arith.constant 64 : i32
    %scan3A_329 = arith.addi %scan3A_327, %scan3A_328 : i32
    %scan3A_330 = arith.constant 1 : i32
    %scan3A_331 = scf.for %scan3A_384 = %scan3A_327 to %scan3A_329 step %scan3A_330 iter_args(%scan3A_385 = %broadcast_in_dim3A_326) -> (vector<16xi32>)  : i32 {
      %mul3A_386 = arith.constant 128 : i32
      %mul3A_387 = arith.muli %scan3A_384, %mul3A_386 : i32
      %add3A_388 = arith.constant 0 : i32
      %add3A_389 = arith.addi %mul3A_387, %add3A_388 : i32
      %get3A_390 = arith.index_cast %add3A_389 : i32 to index
      %get3A_391 = tpu.vector_load %arg14[%get3A_390] {strides = array<i32>} : memref<8192xi32, #tpu.memory_space<vmem>>, vector<16xi32>,
      %gt3A = arith.cmpi sgt, %get3A_391, %get3A_324 : vector<16xi32>
      %convert_element_type3A_392 = arith.extui %gt3A : vector<16xi1> to vector<16xi32>
      %add3A_393 = arith.addi %scan3A_385, %convert_element_type3A_392 : vector<16xi32>
      %mul3A_394 = arith.constant 128 : i32
      %mul3A_395 = arith.muli %scan3A_384, %mul3A_394 : i32
      %add3A_396 = arith.constant 16 : i32
      %add3A_397 = arith.addi %mul3A_395, %add3A_396 : i32
      %get3A_398 = arith.index_cast %add3A_397 : i32 to index
      %get3A_399 = tpu.vector_load %arg14[%get3A_398] {strides = array<i32>} : memref<8192xi32, #tpu.memory_space<vmem>>, vector<16xi32>,
      %gt3A_400 = arith.cmpi sgt, %get3A_399, %get3A_324 : vector<16xi32>
      %convert_element_type3A_401 = arith.extui %gt3A_400 : vector<16xi1> to vector<16xi32>
      %add3A_402 = arith.addi %add3A_393, %convert_element_type3A_401 : vector<16xi32>
      %mul3A_403 = arith.constant 128 : i32
      %mul3A_404 = arith.muli %scan3A_384, %mul3A_403 : i32
      %add3A_405 = arith.constant 32 : i32
      %add3A_406 = arith.addi %mul3A_404, %add3A_405 : i32
      %get3A_407 = arith.index_cast %add3A_406 : i32 to index
      %get3A_408 = tpu.vector_load %arg14[%get3A_407] {strides = array<i32>} : memref<8192xi32, #tpu.memory_space<vmem>>, vector<16xi32>,
      %gt3A_409 = arith.cmpi sgt, %get3A_408, %get3A_324 : vector<16xi32>
      %convert_element_type3A_410 = arith.extui %gt3A_409 : vector<16xi1> to vector<16xi32>
      %add3A_411 = arith.addi %add3A_402, %convert_element_type3A_410 : vector<16xi32>
      %mul3A_412 = arith.constant 128 : i32
      %mul3A_413 = arith.muli %scan3A_384, %mul3A_412 : i32
      %add3A_414 = arith.constant 48 : i32
      %add3A_415 = arith.addi %mul3A_413, %add3A_414 : i32
      %get3A_416 = arith.index_cast %add3A_415 : i32 to index
      %get3A_417 = tpu.vector_load %arg14[%get3A_416] {strides = array<i32>} : memref<8192xi32, #tpu.memory_space<vmem>>, vector<16xi32>,
      %gt3A_418 = arith.cmpi sgt, %get3A_417, %get3A_324 : vector<16xi32>
      %convert_element_type3A_419 = arith.extui %gt3A_418 : vector<16xi1> to vector<16xi32>
      %add3A_420 = arith.addi %add3A_411, %convert_element_type3A_419 : vector<16xi32>
      %mul3A_421 = arith.constant 128 : i32
      %mul3A_422 = arith.muli %scan3A_384, %mul3A_421 : i32
      %add3A_423 = arith.constant 64 : i32
      %add3A_424 = arith.addi %mul3A_422, %add3A_423 : i32
      %get3A_425 = arith.index_cast %add3A_424 : i32 to index
      %get3A_426 = tpu.vector_load %arg14[%get3A_425] {strides = array<i32>} : memref<8192xi32, #tpu.memory_space<vmem>>, vector<16xi32>,
      %gt3A_427 = arith.cmpi sgt, %get3A_426, %get3A_324 : vector<16xi32>
      %convert_element_type3A_428 = arith.extui %gt3A_427 : vector<16xi1> to vector<16xi32>
      %add3A_429 = arith.addi %add3A_420, %convert_element_type3A_428 : vector<16xi32>
      %mul3A_430 = arith.constant 128 : i32
      %mul3A_431 = arith.muli %scan3A_384, %mul3A_430 : i32
      %add3A_432 = arith.constant 80 : i32
      %add3A_433 = arith.addi %mul3A_431, %add3A_432 : i32
      %get3A_434 = arith.index_cast %add3A_433 : i32 to index
      %get3A_435 = tpu.vector_load %arg14[%get3A_434] {strides = array<i32>} : memref<8192xi32, #tpu.memory_space<vmem>>, vector<16xi32>,
      %gt3A_436 = arith.cmpi sgt, %get3A_435, %get3A_324 : vector<16xi32>
      %convert_element_type3A_437 = arith.extui %gt3A_436 : vector<16xi1> to vector<16xi32>
      %add3A_438 = arith.addi %add3A_429, %convert_element_type3A_437 : vector<16xi32>
      %mul3A_439 = arith.constant 128 : i32
      %mul3A_440 = arith.muli %scan3A_384, %mul3A_439 : i32
      %add3A_441 = arith.constant 96 : i32
      %add3A_442 = arith.addi %mul3A_440, %add3A_441 : i32
      %get3A_443 = arith.index_cast %add3A_442 : i32 to index
      %get3A_444 = tpu.vector_load %arg14[%get3A_443] {strides = array<i32>} : memref<8192xi32, #tpu.memory_space<vmem>>, vector<16xi32>,
      %gt3A_445 = arith.cmpi sgt, %get3A_444, %get3A_324 : vector<16xi32>
      %convert_element_type3A_446 = arith.extui %gt3A_445 : vector<16xi1> to vector<16xi32>
      %add3A_447 = arith.addi %add3A_438, %convert_element_type3A_446 : vector<16xi32>
      %mul3A_448 = arith.constant 128 : i32
      %mul3A_449 = arith.muli %scan3A_384, %mul3A_448 : i32
      %add3A_450 = arith.constant 112 : i32
      %add3A_451 = arith.addi %mul3A_449, %add3A_450 : i32
      %get3A_452 = arith.index_cast %add3A_451 : i32 to index
      %get3A_453 = tpu.vector_load %arg14[%get3A_452] {strides = array<i32>} : memref<8192xi32, #tpu.memory_space<vmem>>, vector<16xi32>,
      %gt3A_454 = arith.cmpi sgt, %get3A_453, %get3A_324 : vector<16xi32>
      %convert_element_type3A_455 = arith.extui %gt3A_454 : vector<16xi1> to vector<16xi32>
      %add3A_456 = arith.addi %add3A_447, %convert_element_type3A_455 : vector<16xi32>
      scf.yield %add3A_456 : vector<16xi32>
    }
    %scan3A_332 = arith.constant 64 : i32
    %swap3A_333 = arith.constant 16 : index
    %swap3A_334 = tpu.vector_load %arg15[%swap3A_333] {strides = array<i32>} : memref<64xi32, #tpu.memory_space<vmem>>, vector<16xi32>,
    tpu.vector_store %arg15[%swap3A_333], %scan3A_331 {strides = array<i32>} : memref<64xi32, #tpu.memory_space<vmem>>, vector<16xi32>,
    %mul3A_335 = arith.constant 4 : i32
    %mul3A_336 = arith.muli %select_n3A_30, %mul3A_335 : i32
    %add3A_337 = arith.constant 2 : i32
    %add3A_338 = arith.addi %mul3A_336, %add3A_337 : i32
    %mul3A_339 = arith.constant 16 : i32
    %mul3A_340 = arith.muli %add3A_338, %mul3A_339 : i32
    %get3A_341 = arith.index_cast %mul3A_340 : i32 to index
    %get3A_342 = tpu.vector_load %arg10[%get3A_341] {strides = array<i32>} : memref<512xi32, #tpu.memory_space<vmem>>, vector<16xi32>,
    %broadcast_in_dim3A_343 = arith.constant 0 : i32
    %broadcast_in_dim3A_344 = vector.broadcast %broadcast_in_dim3A_343 : i32 to vector<16xi32>
    %scan3A_345 = arith.constant 0 : i32
    %scan3A_346 = arith.constant 64 : i32
    %scan3A_347 = arith.addi %scan3A_345, %scan3A_346 : i32
    %scan3A_348 = arith.constant 1 : i32
    %scan3A_349 = scf.for %scan3A_384 = %scan3A_345 to %scan3A_347 step %scan3A_348 iter_args(%scan3A_385 = %broadcast_in_dim3A_344) -> (vector<16xi32>)  : i32 {
      %mul3A_386 = arith.constant 128 : i32
      %mul3A_387 = arith.muli %scan3A_384, %mul3A_386 : i32
      %add3A_388 = arith.constant 0 : i32
      %add3A_389 = arith.addi %mul3A_387, %add3A_388 : i32
      %get3A_390 = arith.index_cast %add3A_389 : i32 to index
      %get3A_391 = tpu.vector_load %arg14[%get3A_390] {strides = array<i32>} : memref<8192xi32, #tpu.memory_space<vmem>>, vector<16xi32>,
      %gt3A = arith.cmpi sgt, %get3A_391, %get3A_342 : vector<16xi32>
      %convert_element_type3A_392 = arith.extui %gt3A : vector<16xi1> to vector<16xi32>
      %add3A_393 = arith.addi %scan3A_385, %convert_element_type3A_392 : vector<16xi32>
      %mul3A_394 = arith.constant 128 : i32
      %mul3A_395 = arith.muli %scan3A_384, %mul3A_394 : i32
      %add3A_396 = arith.constant 16 : i32
      %add3A_397 = arith.addi %mul3A_395, %add3A_396 : i32
      %get3A_398 = arith.index_cast %add3A_397 : i32 to index
      %get3A_399 = tpu.vector_load %arg14[%get3A_398] {strides = array<i32>} : memref<8192xi32, #tpu.memory_space<vmem>>, vector<16xi32>,
      %gt3A_400 = arith.cmpi sgt, %get3A_399, %get3A_342 : vector<16xi32>
      %convert_element_type3A_401 = arith.extui %gt3A_400 : vector<16xi1> to vector<16xi32>
      %add3A_402 = arith.addi %add3A_393, %convert_element_type3A_401 : vector<16xi32>
      %mul3A_403 = arith.constant 128 : i32
      %mul3A_404 = arith.muli %scan3A_384, %mul3A_403 : i32
      %add3A_405 = arith.constant 32 : i32
      %add3A_406 = arith.addi %mul3A_404, %add3A_405 : i32
      %get3A_407 = arith.index_cast %add3A_406 : i32 to index
      %get3A_408 = tpu.vector_load %arg14[%get3A_407] {strides = array<i32>} : memref<8192xi32, #tpu.memory_space<vmem>>, vector<16xi32>,
      %gt3A_409 = arith.cmpi sgt, %get3A_408, %get3A_342 : vector<16xi32>
      %convert_element_type3A_410 = arith.extui %gt3A_409 : vector<16xi1> to vector<16xi32>
      %add3A_411 = arith.addi %add3A_402, %convert_element_type3A_410 : vector<16xi32>
      %mul3A_412 = arith.constant 128 : i32
      %mul3A_413 = arith.muli %scan3A_384, %mul3A_412 : i32
      %add3A_414 = arith.constant 48 : i32
      %add3A_415 = arith.addi %mul3A_413, %add3A_414 : i32
      %get3A_416 = arith.index_cast %add3A_415 : i32 to index
      %get3A_417 = tpu.vector_load %arg14[%get3A_416] {strides = array<i32>} : memref<8192xi32, #tpu.memory_space<vmem>>, vector<16xi32>,
      %gt3A_418 = arith.cmpi sgt, %get3A_417, %get3A_342 : vector<16xi32>
      %convert_element_type3A_419 = arith.extui %gt3A_418 : vector<16xi1> to vector<16xi32>
      %add3A_420 = arith.addi %add3A_411, %convert_element_type3A_419 : vector<16xi32>
      %mul3A_421 = arith.constant 128 : i32
      %mul3A_422 = arith.muli %scan3A_384, %mul3A_421 : i32
      %add3A_423 = arith.constant 64 : i32
      %add3A_424 = arith.addi %mul3A_422, %add3A_423 : i32
      %get3A_425 = arith.index_cast %add3A_424 : i32 to index
      %get3A_426 = tpu.vector_load %arg14[%get3A_425] {strides = array<i32>} : memref<8192xi32, #tpu.memory_space<vmem>>, vector<16xi32>,
      %gt3A_427 = arith.cmpi sgt, %get3A_426, %get3A_342 : vector<16xi32>
      %convert_element_type3A_428 = arith.extui %gt3A_427 : vector<16xi1> to vector<16xi32>
      %add3A_429 = arith.addi %add3A_420, %convert_element_type3A_428 : vector<16xi32>
      %mul3A_430 = arith.constant 128 : i32
      %mul3A_431 = arith.muli %scan3A_384, %mul3A_430 : i32
      %add3A_432 = arith.constant 80 : i32
      %add3A_433 = arith.addi %mul3A_431, %add3A_432 : i32
      %get3A_434 = arith.index_cast %add3A_433 : i32 to index
      %get3A_435 = tpu.vector_load %arg14[%get3A_434] {strides = array<i32>} : memref<8192xi32, #tpu.memory_space<vmem>>, vector<16xi32>,
      %gt3A_436 = arith.cmpi sgt, %get3A_435, %get3A_342 : vector<16xi32>
      %convert_element_type3A_437 = arith.extui %gt3A_436 : vector<16xi1> to vector<16xi32>
      %add3A_438 = arith.addi %add3A_429, %convert_element_type3A_437 : vector<16xi32>
      %mul3A_439 = arith.constant 128 : i32
      %mul3A_440 = arith.muli %scan3A_384, %mul3A_439 : i32
      %add3A_441 = arith.constant 96 : i32
      %add3A_442 = arith.addi %mul3A_440, %add3A_441 : i32
      %get3A_443 = arith.index_cast %add3A_442 : i32 to index
      %get3A_444 = tpu.vector_load %arg14[%get3A_443] {strides = array<i32>} : memref<8192xi32, #tpu.memory_space<vmem>>, vector<16xi32>,
      %gt3A_445 = arith.cmpi sgt, %get3A_444, %get3A_342 : vector<16xi32>
      %convert_element_type3A_446 = arith.extui %gt3A_445 : vector<16xi1> to vector<16xi32>
      %add3A_447 = arith.addi %add3A_438, %convert_element_type3A_446 : vector<16xi32>
      %mul3A_448 = arith.constant 128 : i32
      %mul3A_449 = arith.muli %scan3A_384, %mul3A_448 : i32
      %add3A_450 = arith.constant 112 : i32
      %add3A_451 = arith.addi %mul3A_449, %add3A_450 : i32
      %get3A_452 = arith.index_cast %add3A_451 : i32 to index
      %get3A_453 = tpu.vector_load %arg14[%get3A_452] {strides = array<i32>} : memref<8192xi32, #tpu.memory_space<vmem>>, vector<16xi32>,
      %gt3A_454 = arith.cmpi sgt, %get3A_453, %get3A_342 : vector<16xi32>
      %convert_element_type3A_455 = arith.extui %gt3A_454 : vector<16xi1> to vector<16xi32>
      %add3A_456 = arith.addi %add3A_447, %convert_element_type3A_455 : vector<16xi32>
      scf.yield %add3A_456 : vector<16xi32>
    }
    %scan3A_350 = arith.constant 64 : i32
    %swap3A_351 = arith.constant 32 : index
    %swap3A_352 = tpu.vector_load %arg15[%swap3A_351] {strides = array<i32>} : memref<64xi32, #tpu.memory_space<vmem>>, vector<16xi32>,
    tpu.vector_store %arg15[%swap3A_351], %scan3A_349 {strides = array<i32>} : memref<64xi32, #tpu.memory_space<vmem>>, vector<16xi32>,
    %mul3A_353 = arith.constant 4 : i32
    %mul3A_354 = arith.muli %select_n3A_30, %mul3A_353 : i32
    %add3A_355 = arith.constant 3 : i32
    %add3A_356 = arith.addi %mul3A_354, %add3A_355 : i32
    %mul3A_357 = arith.constant 16 : i32
    %mul3A_358 = arith.muli %add3A_356, %mul3A_357 : i32
    %get3A_359 = arith.index_cast %mul3A_358 : i32 to index
    %get3A_360 = tpu.vector_load %arg10[%get3A_359] {strides = array<i32>} : memref<512xi32, #tpu.memory_space<vmem>>, vector<16xi32>,
    %broadcast_in_dim3A_361 = arith.constant 0 : i32
    %broadcast_in_dim3A_362 = vector.broadcast %broadcast_in_dim3A_361 : i32 to vector<16xi32>
    %scan3A_363 = arith.constant 0 : i32
    %scan3A_364 = arith.constant 64 : i32
    %scan3A_365 = arith.addi %scan3A_363, %scan3A_364 : i32
    %scan3A_366 = arith.constant 1 : i32
    %scan3A_367 = scf.for %scan3A_384 = %scan3A_363 to %scan3A_365 step %scan3A_366 iter_args(%scan3A_385 = %broadcast_in_dim3A_362) -> (vector<16xi32>)  : i32 {
      %mul3A_386 = arith.constant 128 : i32
      %mul3A_387 = arith.muli %scan3A_384, %mul3A_386 : i32
      %add3A_388 = arith.constant 0 : i32
      %add3A_389 = arith.addi %mul3A_387, %add3A_388 : i32
      %get3A_390 = arith.index_cast %add3A_389 : i32 to index
      %get3A_391 = tpu.vector_load %arg14[%get3A_390] {strides = array<i32>} : memref<8192xi32, #tpu.memory_space<vmem>>, vector<16xi32>,
      %gt3A = arith.cmpi sgt, %get3A_391, %get3A_360 : vector<16xi32>
      %convert_element_type3A_392 = arith.extui %gt3A : vector<16xi1> to vector<16xi32>
      %add3A_393 = arith.addi %scan3A_385, %convert_element_type3A_392 : vector<16xi32>
      %mul3A_394 = arith.constant 128 : i32
      %mul3A_395 = arith.muli %scan3A_384, %mul3A_394 : i32
      %add3A_396 = arith.constant 16 : i32
      %add3A_397 = arith.addi %mul3A_395, %add3A_396 : i32
      %get3A_398 = arith.index_cast %add3A_397 : i32 to index
      %get3A_399 = tpu.vector_load %arg14[%get3A_398] {strides = array<i32>} : memref<8192xi32, #tpu.memory_space<vmem>>, vector<16xi32>,
      %gt3A_400 = arith.cmpi sgt, %get3A_399, %get3A_360 : vector<16xi32>
      %convert_element_type3A_401 = arith.extui %gt3A_400 : vector<16xi1> to vector<16xi32>
      %add3A_402 = arith.addi %add3A_393, %convert_element_type3A_401 : vector<16xi32>
      %mul3A_403 = arith.constant 128 : i32
      %mul3A_404 = arith.muli %scan3A_384, %mul3A_403 : i32
      %add3A_405 = arith.constant 32 : i32
      %add3A_406 = arith.addi %mul3A_404, %add3A_405 : i32
      %get3A_407 = arith.index_cast %add3A_406 : i32 to index
      %get3A_408 = tpu.vector_load %arg14[%get3A_407] {strides = array<i32>} : memref<8192xi32, #tpu.memory_space<vmem>>, vector<16xi32>,
      %gt3A_409 = arith.cmpi sgt, %get3A_408, %get3A_360 : vector<16xi32>
      %convert_element_type3A_410 = arith.extui %gt3A_409 : vector<16xi1> to vector<16xi32>
      %add3A_411 = arith.addi %add3A_402, %convert_element_type3A_410 : vector<16xi32>
      %mul3A_412 = arith.constant 128 : i32
      %mul3A_413 = arith.muli %scan3A_384, %mul3A_412 : i32
      %add3A_414 = arith.constant 48 : i32
      %add3A_415 = arith.addi %mul3A_413, %add3A_414 : i32
      %get3A_416 = arith.index_cast %add3A_415 : i32 to index
      %get3A_417 = tpu.vector_load %arg14[%get3A_416] {strides = array<i32>} : memref<8192xi32, #tpu.memory_space<vmem>>, vector<16xi32>,
      %gt3A_418 = arith.cmpi sgt, %get3A_417, %get3A_360 : vector<16xi32>
      %convert_element_type3A_419 = arith.extui %gt3A_418 : vector<16xi1> to vector<16xi32>
      %add3A_420 = arith.addi %add3A_411, %convert_element_type3A_419 : vector<16xi32>
      %mul3A_421 = arith.constant 128 : i32
      %mul3A_422 = arith.muli %scan3A_384, %mul3A_421 : i32
      %add3A_423 = arith.constant 64 : i32
      %add3A_424 = arith.addi %mul3A_422, %add3A_423 : i32
      %get3A_425 = arith.index_cast %add3A_424 : i32 to index
      %get3A_426 = tpu.vector_load %arg14[%get3A_425] {strides = array<i32>} : memref<8192xi32, #tpu.memory_space<vmem>>, vector<16xi32>,
      %gt3A_427 = arith.cmpi sgt, %get3A_426, %get3A_360 : vector<16xi32>
      %convert_element_type3A_428 = arith.extui %gt3A_427 : vector<16xi1> to vector<16xi32>
      %add3A_429 = arith.addi %add3A_420, %convert_element_type3A_428 : vector<16xi32>
      %mul3A_430 = arith.constant 128 : i32
      %mul3A_431 = arith.muli %scan3A_384, %mul3A_430 : i32
      %add3A_432 = arith.constant 80 : i32
      %add3A_433 = arith.addi %mul3A_431, %add3A_432 : i32
      %get3A_434 = arith.index_cast %add3A_433 : i32 to index
      %get3A_435 = tpu.vector_load %arg14[%get3A_434] {strides = array<i32>} : memref<8192xi32, #tpu.memory_space<vmem>>, vector<16xi32>,
      %gt3A_436 = arith.cmpi sgt, %get3A_435, %get3A_360 : vector<16xi32>
      %convert_element_type3A_437 = arith.extui %gt3A_436 : vector<16xi1> to vector<16xi32>
      %add3A_438 = arith.addi %add3A_429, %convert_element_type3A_437 : vector<16xi32>
      %mul3A_439 = arith.constant 128 : i32
      %mul3A_440 = arith.muli %scan3A_384, %mul3A_439 : i32
      %add3A_441 = arith.constant 96 : i32
      %add3A_442 = arith.addi %mul3A_440, %add3A_441 : i32
      %get3A_443 = arith.index_cast %add3A_442 : i32 to index
      %get3A_444 = tpu.vector_load %arg14[%get3A_443] {strides = array<i32>} : memref<8192xi32, #tpu.memory_space<vmem>>, vector<16xi32>,
      %gt3A_445 = arith.cmpi sgt, %get3A_444, %get3A_360 : vector<16xi32>
      %convert_element_type3A_446 = arith.extui %gt3A_445 : vector<16xi1> to vector<16xi32>
      %add3A_447 = arith.addi %add3A_438, %convert_element_type3A_446 : vector<16xi32>
      %mul3A_448 = arith.constant 128 : i32
      %mul3A_449 = arith.muli %scan3A_384, %mul3A_448 : i32
      %add3A_450 = arith.constant 112 : i32
      %add3A_451 = arith.addi %mul3A_449, %add3A_450 : i32
      %get3A_452 = arith.index_cast %add3A_451 : i32 to index
      %get3A_453 = tpu.vector_load %arg14[%get3A_452] {strides = array<i32>} : memref<8192xi32, #tpu.memory_space<vmem>>, vector<16xi32>,
      %gt3A_454 = arith.cmpi sgt, %get3A_453, %get3A_360 : vector<16xi32>
      %convert_element_type3A_455 = arith.extui %gt3A_454 : vector<16xi1> to vector<16xi32>
      %add3A_456 = arith.addi %add3A_447, %convert_element_type3A_455 : vector<16xi32>
      scf.yield %add3A_456 : vector<16xi32>
    }
    %scan3A_368 = arith.constant 64 : i32
    %swap3A_369 = arith.constant 48 : index
    %swap3A_370 = tpu.vector_load %arg15[%swap3A_369] {strides = array<i32>} : memref<64xi32, #tpu.memory_space<vmem>>, vector<16xi32>,
    tpu.vector_store %arg15[%swap3A_369], %scan3A_367 {strides = array<i32>} : memref<64xi32, #tpu.memory_space<vmem>>, vector<16xi32>,
    %mul3A_371 = arith.constant 2048 : i32
    %mul3A_372 = arith.muli %select_n3A, %mul3A_371 : i32
    %add3A_373 = arith.constant 1024 : i32
    %add3A_374 = arith.addi %mul3A_372, %add3A_373 : i32
    %mul3A_375 = arith.constant 64 : i32
    %mul3A_376 = arith.muli %select_n3A_30, %mul3A_375 : i32
    %add3A_377 = arith.addi %add3A_374, %mul3A_376 : i32
    "tpu.region"() ({
      %run_scoped3A = tpu.sem_alloc : memref<!tpu.dma_semaphore, #tpu.memory_space<semaphore_mem>>
      %dma_start3A_384 = tpu.memref_slice %arg19[%add3A_377] : memref<4096xi32, #tpu.memory_space<vmem_shared>> -> memref<64xi32, #tpu.memory_space<vmem_shared>>
      %dma_start3A_385 = tpu.memref_slice %arg19[%add3A_377] : memref<4096xi32, #tpu.memory_space<vmem_shared>> -> memref<64xi32, #tpu.memory_space<vmem_shared>>
      tpu.enqueue_dma source(%arg15 : memref<64xi32, #tpu.memory_space<vmem>>) target(%dma_start3A_385 : memref<64xi32, #tpu.memory_space<vmem_shared>>) target_semaphore(%run_scoped3A : memref<!tpu.dma_semaphore, #tpu.memory_space<semaphore_mem>>)
      %dma_wait3A_386 = tpu.memref_slice %arg19[%add3A_377] : memref<4096xi32, #tpu.memory_space<vmem_shared>> -> memref<64xi32, #tpu.memory_space<vmem_shared>>
      %dma_wait3A_387 = tpu.memref_slice %arg19[%add3A_377] : memref<4096xi32, #tpu.memory_space<vmem_shared>> -> memref<64xi32, #tpu.memory_space<vmem_shared>>
      tpu.wait_dma2 semaphore(%run_scoped3A : memref<!tpu.dma_semaphore, #tpu.memory_space<semaphore_mem>>) src(%arg15 : memref<64xi32, #tpu.memory_space<vmem>>) dst(%dma_wait3A_387 : memref<64xi32, #tpu.memory_space<vmem_shared>>)
      tpu.yield
    }) : () -> ()
    %barrier3A_378 = arith.constant 0 : index
    tpu.barrier barrier_id(%barrier3A_378)
    %eq3A_379 = arith.constant 0 : i32
    %eq3A_380 = arith.cmpi eq, %select_n3A_30, %eq3A_379 : i32
    %convert_element_type3A_381 = arith.extui %eq3A_380 : i1 to i32
    %cond3A_382 = arith.constant 0 : i32
    %cond3A_383 = arith.cmpi ne, %convert_element_type3A_381, %cond3A_382 : i32
    scf.if %cond3A_383 {
      %mul3A_384 = arith.constant 2048 : i32
      %mul3A_385 = arith.muli %select_n3A, %mul3A_384 : i32
      %add3A_386 = arith.constant 1024 : i32
      %add3A_387 = arith.addi %mul3A_385, %add3A_386 : i32
      "tpu.region"() ({
        %run_scoped3A = tpu.sem_alloc : memref<!tpu.dma_semaphore, #tpu.memory_space<semaphore_mem>>
        %dma_start3A_436 = arith.constant 0 : i32
        %dma_start3A_437 = tpu.memref_slice %arg14[%dma_start3A_436] : memref<8192xi32, #tpu.memory_space<vmem>> -> memref<512xi32, #tpu.memory_space<vmem>>
        %dma_start3A_438 = tpu.memref_slice %arg19[%add3A_387] : memref<4096xi32, #tpu.memory_space<vmem_shared>> -> memref<512xi32, #tpu.memory_space<vmem_shared>>
        %dma_start3A_439 = arith.constant 0 : i32
        %dma_start3A_440 = tpu.memref_slice %arg14[%dma_start3A_439] : memref<8192xi32, #tpu.memory_space<vmem>> -> memref<512xi32, #tpu.memory_space<vmem>>
        %dma_start3A_441 = tpu.memref_slice %arg19[%add3A_387] : memref<4096xi32, #tpu.memory_space<vmem_shared>> -> memref<512xi32, #tpu.memory_space<vmem_shared>>
        tpu.enqueue_dma source(%dma_start3A_441 : memref<512xi32, #tpu.memory_space<vmem_shared>>) target(%dma_start3A_440 : memref<512xi32, #tpu.memory_space<vmem>>) target_semaphore(%run_scoped3A : memref<!tpu.dma_semaphore, #tpu.memory_space<semaphore_mem>>)
        %dma_wait3A_442 = arith.constant 0 : i32
        %dma_wait3A_443 = tpu.memref_slice %arg14[%dma_wait3A_442] : memref<8192xi32, #tpu.memory_space<vmem>> -> memref<512xi32, #tpu.memory_space<vmem>>
        %dma_wait3A_444 = tpu.memref_slice %arg19[%add3A_387] : memref<4096xi32, #tpu.memory_space<vmem_shared>> -> memref<512xi32, #tpu.memory_space<vmem_shared>>
        %dma_wait3A_445 = arith.constant 0 : i32
        %dma_wait3A_446 = tpu.memref_slice %arg14[%dma_wait3A_445] : memref<8192xi32, #tpu.memory_space<vmem>> -> memref<512xi32, #tpu.memory_space<vmem>>
        %dma_wait3A_447 = tpu.memref_slice %arg19[%add3A_387] : memref<4096xi32, #tpu.memory_space<vmem_shared>> -> memref<512xi32, #tpu.memory_space<vmem_shared>>
        tpu.wait_dma2 semaphore(%run_scoped3A : memref<!tpu.dma_semaphore, #tpu.memory_space<semaphore_mem>>) src(%dma_wait3A_447 : memref<512xi32, #tpu.memory_space<vmem_shared>>) dst(%dma_wait3A_446 : memref<512xi32, #tpu.memory_space<vmem>>)
        tpu.yield
      }) : () -> ()
      %mul3A_388 = arith.constant 2048 : i32
      %mul3A_389 = arith.muli %select_n3A, %mul3A_388 : i32
      %add3A_390 = arith.constant 512 : i32
      %add3A_391 = arith.addi %mul3A_389, %add3A_390 : i32
      "tpu.region"() ({
        %run_scoped3A = tpu.sem_alloc : memref<!tpu.dma_semaphore, #tpu.memory_space<semaphore_mem>>
        %dma_start3A_436 = arith.constant 0 : i32
        %dma_start3A_437 = tpu.memref_slice %arg15[%dma_start3A_436] : memref<64xi32, #tpu.memory_space<vmem>> -> memref<32xi32, #tpu.memory_space<vmem>>
        %dma_start3A_438 = tpu.memref_slice %arg19[%add3A_391] : memref<4096xi32, #tpu.memory_space<vmem_shared>> -> memref<32xi32, #tpu.memory_space<vmem_shared>>
        %dma_start3A_439 = arith.constant 0 : i32
        %dma_start3A_440 = tpu.memref_slice %arg15[%dma_start3A_439] : memref<64xi32, #tpu.memory_space<vmem>> -> memref<32xi32, #tpu.memory_space<vmem>>
        %dma_start3A_441 = tpu.memref_slice %arg19[%add3A_391] : memref<4096xi32, #tpu.memory_space<vmem_shared>> -> memref<32xi32, #tpu.memory_space<vmem_shared>>
        tpu.enqueue_dma source(%dma_start3A_441 : memref<32xi32, #tpu.memory_space<vmem_shared>>) target(%dma_start3A_440 : memref<32xi32, #tpu.memory_space<vmem>>) target_semaphore(%run_scoped3A : memref<!tpu.dma_semaphore, #tpu.memory_space<semaphore_mem>>)
        %dma_wait3A_442 = arith.constant 0 : i32
        %dma_wait3A_443 = tpu.memref_slice %arg15[%dma_wait3A_442] : memref<64xi32, #tpu.memory_space<vmem>> -> memref<32xi32, #tpu.memory_space<vmem>>
        %dma_wait3A_444 = tpu.memref_slice %arg19[%add3A_391] : memref<4096xi32, #tpu.memory_space<vmem_shared>> -> memref<32xi32, #tpu.memory_space<vmem_shared>>
        %dma_wait3A_445 = arith.constant 0 : i32
        %dma_wait3A_446 = tpu.memref_slice %arg15[%dma_wait3A_445] : memref<64xi32, #tpu.memory_space<vmem>> -> memref<32xi32, #tpu.memory_space<vmem>>
        %dma_wait3A_447 = tpu.memref_slice %arg19[%add3A_391] : memref<4096xi32, #tpu.memory_space<vmem_shared>> -> memref<32xi32, #tpu.memory_space<vmem_shared>>
        tpu.wait_dma2 semaphore(%run_scoped3A : memref<!tpu.dma_semaphore, #tpu.memory_space<semaphore_mem>>) src(%dma_wait3A_447 : memref<32xi32, #tpu.memory_space<vmem_shared>>) dst(%dma_wait3A_446 : memref<32xi32, #tpu.memory_space<vmem>>)
        tpu.yield
      }) : () -> ()
      %get3A_392 = arith.constant 0 : index
      %get3A_393 = tpu.vector_load %arg15[%get3A_392] {strides = array<i32>} : memref<64xi32, #tpu.memory_space<vmem>>, vector<16xi32>,
      %reduce_max3A = arith.constant true
      %reduce_max3A_394 = vector.broadcast %reduce_max3A : i1 to vector<16xi1>
      %reduce_max3A_395 = arith.constant -2147483648 : i32
      %reduce_max3A_396 = vector.broadcast %reduce_max3A_395 : i32 to vector<16xi32>
      %reduce_max3A_397 = arith.xori %get3A_393, %reduce_max3A_396 : vector<16xi32>
      %reduce_max3A_398 = tpu.scan <max>, %reduce_max3A_397 masked %reduce_max3A_394 : vector<16xi32>, vector<16xi1> -> vector<16xi32>
      %reduce_max3A_399 = arith.xori %reduce_max3A_398, %reduce_max3A_396 : vector<16xi32>
      %reduce_max3A_400 = vector.extract %reduce_max3A_399[15] : i32 from vector<16xi32>
      %get3A_401 = arith.constant 16 : index
      %get3A_402 = tpu.vector_load %arg15[%get3A_401] {strides = array<i32>} : memref<64xi32, #tpu.memory_space<vmem>>, vector<16xi32>,
      %reduce_max3A_403 = arith.constant true
      %reduce_max3A_404 = vector.broadcast %reduce_max3A_403 : i1 to vector<16xi1>
      %reduce_max3A_405 = arith.constant -2147483648 : i32
      %reduce_max3A_406 = vector.broadcast %reduce_max3A_405 : i32 to vector<16xi32>
      %reduce_max3A_407 = arith.xori %get3A_402, %reduce_max3A_406 : vector<16xi32>
      %reduce_max3A_408 = tpu.scan <max>, %reduce_max3A_407 masked %reduce_max3A_404 : vector<16xi32>, vector<16xi1> -> vector<16xi32>
      %reduce_max3A_409 = arith.xori %reduce_max3A_408, %reduce_max3A_406 : vector<16xi32>
      %reduce_max3A_410 = vector.extract %reduce_max3A_409[15] : i32 from vector<16xi32>
      %scan3A_411 = arith.constant 0 : i32
      %scan3A_412 = arith.constant 0 : i32
      %scan3A_413 = arith.constant 32 : i32
      %scan3A_414 = arith.addi %scan3A_412, %scan3A_413 : i32
      %scan3A_415 = arith.constant 1 : i32
      %scan3A_416 = scf.for %scan3A_436 = %scan3A_412 to %scan3A_414 step %scan3A_415 iter_args(%scan3A_437 = %scan3A_411) -> (i32)  : i32 {
        %mul3A_438 = arith.constant 16 : i32
        %mul3A_439 = arith.muli %scan3A_436, %mul3A_438 : i32
        %get3A_440 = arith.index_cast %mul3A_439 : i32 to index
        %get3A_441 = tpu.vector_load %arg10[%get3A_440] {strides = array<i32>} : memref<512xi32, #tpu.memory_space<vmem>>, vector<16xi32>,
        %mul3A_442 = arith.constant 16 : i32
        %mul3A_443 = arith.muli %scan3A_436, %mul3A_442 : i32
        %get3A_444 = arith.index_cast %mul3A_443 : i32 to index
        %get3A_445 = tpu.vector_load %arg14[%get3A_444] {strides = array<i32>} : memref<8192xi32, #tpu.memory_space<vmem>>, vector<16xi32>,
        %mul3A_446 = arith.constant 16 : i32
        %mul3A_447 = arith.muli %scan3A_436, %mul3A_446 : i32
        %add3A_448 = vector.broadcast %mul3A_447 : i32 to vector<16xi32>
        %add3A_449 = arith.addi %add3A_448, %iota3A : vector<16xi32>
        %lt3A_450 = vector.broadcast %reduce_max3A_400 : i32 to vector<16xi32>
        %lt3A_451 = arith.cmpi slt, %add3A_449, %lt3A_450 : vector<16xi32>
        %and3A_452 = arith.constant 8191 : i32
        %and3A_453 = vector.broadcast %and3A_452 : i32 to vector<16xi32>
        %and3A_454 = arith.andi %get3A_441, %and3A_453 : vector<16xi32>
        %sub3A_455 = arith.constant 8191 : i32
        %sub3A_456 = vector.broadcast %sub3A_455 : i32 to vector<16xi32>
        %sub3A_457 = arith.subi %sub3A_456, %and3A_454 : vector<16xi32>
        %shift_right_arithmetic3A = arith.constant 13 : i32
        %shift_right_arithmetic3A_458 = vector.broadcast %shift_right_arithmetic3A : i32 to vector<16xi32>
        %shift_right_arithmetic3A_459 = arith.shrsi %get3A_441, %shift_right_arithmetic3A_458 : vector<16xi32>
        %convert_element_type3A_460 = arith.sitofp %shift_right_arithmetic3A_459 : vector<16xi32> to vector<16xf32>
        tpu.vector_store_idx %arg12[%get3A_445], %sub3A_457 masked %lt3A_451 : memref<512xi32, #tpu.memory_space<vmem>>[vector<16xi32>], vector<16xi32>, vector<16xi1>
        tpu.vector_store_idx %arg13[%get3A_445], %convert_element_type3A_460 masked %lt3A_451 : memref<512xf32, #tpu.memory_space<vmem>>[vector<16xi32>], vector<16xf32>, vector<16xi1>
        %scan3A_461 = arith.constant 0 : i32
        scf.yield %scan3A_461 : i32
      }
      %scan3A_417 = arith.constant 32 : i32
      %scan3A_418 = arith.constant 0 : i32
      %scan3A_419 = arith.constant 0 : i32
      %scan3A_420 = arith.constant 32 : i32
      %scan3A_421 = arith.addi %scan3A_419, %scan3A_420 : i32
      %scan3A_422 = arith.constant 1 : i32
      %scan3A_423 = scf.for %scan3A_436 = %scan3A_419 to %scan3A_421 step %scan3A_422 iter_args(%scan3A_437 = %scan3A_418) -> (i32)  : i32 {
        %mul3A_438 = arith.constant 16 : i32
        %mul3A_439 = arith.muli %scan3A_436, %mul3A_438 : i32
        %add3A_440 = vector.broadcast %mul3A_439 : i32 to vector<16xi32>
        %add3A_441 = arith.addi %add3A_440, %iota3A : vector<16xi32>
        %sub3A_442 = arith.constant 512 : i32
        %sub3A_443 = arith.subi %sub3A_442, %reduce_max3A_400 : i32
        %lt3A_444 = vector.broadcast %sub3A_443 : i32 to vector<16xi32>
        %lt3A_445 = arith.cmpi slt, %add3A_441, %lt3A_444 : vector<16xi32>
        %mul3A_446 = arith.constant 16 : i32
        %mul3A_447 = arith.muli %scan3A_436, %mul3A_446 : i32
        %get3A_448 = arith.index_cast %mul3A_447 : i32 to index
        %get3A_449 = tpu.vector_load %arg11[%get3A_448] {strides = array<i32>} : memref<6656xi32, #tpu.memory_space<vmem>>, vector<16xi32>,
        %add3A_450 = vector.broadcast %reduce_max3A_400 : i32 to vector<16xi32>
        %add3A_451 = arith.addi %add3A_450, %add3A_441 : vector<16xi32>
        tpu.vector_store_idx %arg12[%add3A_451], %get3A_449 masked %lt3A_445 : memref<512xi32, #tpu.memory_space<vmem>>[vector<16xi32>], vector<16xi32>, vector<16xi1>
        %add3A_452 = vector.broadcast %reduce_max3A_400 : i32 to vector<16xi32>
        %add3A_453 = arith.addi %add3A_452, %add3A_441 : vector<16xi32>
        %convert_element_type3A_454 = arith.sitofp %reduce_max3A_410 : i32 to f32
        %broadcast_in_dim3A_455 = vector.broadcast %convert_element_type3A_454 : f32 to vector<16xf32>
        tpu.vector_store_idx %arg13[%add3A_453], %broadcast_in_dim3A_455 masked %lt3A_445 : memref<512xf32, #tpu.memory_space<vmem>>[vector<16xi32>], vector<16xf32>, vector<16xi1>
        %scan3A_456 = arith.constant 0 : i32
        scf.yield %scan3A_456 : i32
      }
      %scan3A_424 = arith.constant 32 : i32
      %scan3A_425 = arith.constant 0 : i32
      %scan3A_426 = arith.constant 0 : i32
      %scan3A_427 = arith.constant 32 : i32
      %scan3A_428 = arith.addi %scan3A_426, %scan3A_427 : i32
      %scan3A_429 = arith.constant 1 : i32
      %scan3A_430 = scf.for %scan3A_436 = %scan3A_426 to %scan3A_428 step %scan3A_429 iter_args(%scan3A_437 = %scan3A_425) -> (i32)  : i32 {
        %mul3A_438 = arith.constant 16 : i32
        %mul3A_439 = arith.muli %scan3A_436, %mul3A_438 : i32
        %get3A_440 = arith.index_cast %mul3A_439 : i32 to index
        %get3A_441 = tpu.vector_load %arg12[%get3A_440] {strides = array<i32>} : memref<512xi32, #tpu.memory_space<vmem>>, vector<16xi32>,
        %get3A_442 = arith.index_cast %mul3A_439 : i32 to index
        %get3A_443 = tpu.vector_load %arg13[%get3A_442] {strides = array<i32>} : memref<512xf32, #tpu.memory_space<vmem>>, vector<16xf32>,
        %max3A = arith.constant 1.000000e+00 : f32
        %max3A_444 = vector.broadcast %max3A : f32 to vector<16xf32>
        %max3A_445 = arith.maximumf %get3A_443, %max3A_444 : vector<16xf32>
        %add3A_446 = arith.constant 6656 : i32
        %add3A_447 = vector.broadcast %add3A_446 : i32 to vector<16xi32>
        %add3A_448 = arith.addi %get3A_441, %add3A_447 : vector<16xi32>
        %gather3A = tpu.vector_load_idx %arg5[%add3A_448] : memref<33280xf32, #tpu.memory_space<vmem>>[vector<16xi32>], vector<16xf32>,
        %div3A_449 = arith.divf %gather3A, %max3A_445 : vector<16xf32>
        %add3A_450 = arith.constant 0 : i32
        %add3A_451 = arith.addi %add3A_450, %mul3A_439 : i32
        %swap3A_452 = arith.index_cast %add3A_451 : i32 to index
        %swap3A_453 = tpu.vector_load %arg16[%swap3A_452] {strides = array<i32>} : memref<4096xf32, #tpu.memory_space<vmem>>, vector<16xf32>,
        tpu.vector_store %arg16[%swap3A_452], %div3A_449 {strides = array<i32>} : memref<4096xf32, #tpu.memory_space<vmem>>, vector<16xf32>,
        %add3A_454 = arith.constant 13312 : i32
        %add3A_455 = vector.broadcast %add3A_454 : i32 to vector<16xi32>
        %add3A_456 = arith.addi %get3A_441, %add3A_455 : vector<16xi32>
        %gather3A_457 = tpu.vector_load_idx %arg5[%add3A_456] : memref<33280xf32, #tpu.memory_space<vmem>>[vector<16xi32>], vector<16xf32>,
        %div3A_458 = arith.divf %gather3A_457, %max3A_445 : vector<16xf32>
        %add3A_459 = arith.constant 512 : i32
        %add3A_460 = arith.addi %add3A_459, %mul3A_439 : i32
        %swap3A_461 = arith.index_cast %add3A_460 : i32 to index
        %swap3A_462 = tpu.vector_load %arg16[%swap3A_461] {strides = array<i32>} : memref<4096xf32, #tpu.memory_space<vmem>>, vector<16xf32>,
        tpu.vector_store %arg16[%swap3A_461], %div3A_458 {strides = array<i32>} : memref<4096xf32, #tpu.memory_space<vmem>>, vector<16xf32>,
        %add3A_463 = arith.constant 19968 : i32
        %add3A_464 = vector.broadcast %add3A_463 : i32 to vector<16xi32>
        %add3A_465 = arith.addi %get3A_441, %add3A_464 : vector<16xi32>
        %gather3A_466 = tpu.vector_load_idx %arg5[%add3A_465] : memref<33280xf32, #tpu.memory_space<vmem>>[vector<16xi32>], vector<16xf32>,
        %div3A_467 = arith.divf %gather3A_466, %max3A_445 : vector<16xf32>
        %add3A_468 = arith.constant 1024 : i32
        %add3A_469 = arith.addi %add3A_468, %mul3A_439 : i32
        %swap3A_470 = arith.index_cast %add3A_469 : i32 to index
        %swap3A_471 = tpu.vector_load %arg16[%swap3A_470] {strides = array<i32>} : memref<4096xf32, #tpu.memory_space<vmem>>, vector<16xf32>,
        tpu.vector_store %arg16[%swap3A_470], %div3A_467 {strides = array<i32>} : memref<4096xf32, #tpu.memory_space<vmem>>, vector<16xf32>,
        %add3A_472 = arith.constant 26624 : i32
        %add3A_473 = vector.broadcast %add3A_472 : i32 to vector<16xi32>
        %add3A_474 = arith.addi %get3A_441, %add3A_473 : vector<16xi32>
        %gather3A_475 = tpu.vector_load_idx %arg5[%add3A_474] : memref<33280xf32, #tpu.memory_space<vmem>>[vector<16xi32>], vector<16xf32>,
        %div3A_476 = arith.divf %gather3A_475, %max3A_445 : vector<16xf32>
        %add3A_477 = arith.constant 1536 : i32
        %add3A_478 = arith.addi %add3A_477, %mul3A_439 : i32
        %swap3A_479 = arith.index_cast %add3A_478 : i32 to index
        %swap3A_480 = tpu.vector_load %arg16[%swap3A_479] {strides = array<i32>} : memref<4096xf32, #tpu.memory_space<vmem>>, vector<16xf32>,
        tpu.vector_store %arg16[%swap3A_479], %div3A_476 {strides = array<i32>} : memref<4096xf32, #tpu.memory_space<vmem>>, vector<16xf32>,
        %add3A_481 = arith.constant 2048 : i32
        %add3A_482 = arith.addi %add3A_481, %mul3A_439 : i32
        %swap3A_483 = arith.index_cast %add3A_482 : i32 to index
        %swap3A_484 = tpu.vector_load %arg16[%swap3A_483] {strides = array<i32>} : memref<4096xf32, #tpu.memory_space<vmem>>, vector<16xf32>,
        tpu.vector_store %arg16[%swap3A_483], %get3A_443 {strides = array<i32>} : memref<4096xf32, #tpu.memory_space<vmem>>, vector<16xf32>,
        %scan3A_485 = arith.constant 0 : i32
        scf.yield %scan3A_485 : i32
      }
      %scan3A_431 = arith.constant 32 : i32
      %mul3A_432 = arith.constant 8 : i32
      %mul3A_433 = arith.muli %add3A, %mul3A_432 : i32
      %mul3A_434 = arith.constant 512 : i32
      %mul3A_435 = arith.muli %mul3A_433, %mul3A_434 : i32
      "tpu.region"() ({
        %run_scoped3A = tpu.sem_alloc : memref<!tpu.dma_semaphore, #tpu.memory_space<semaphore_mem>>
        %dma_start3A_436 = tpu.memref_slice %arg3[%mul3A_435] : memref<16384xf32, #tpu.memory_space<hbm>> -> memref<4096xf32, #tpu.memory_space<hbm>>
        %dma_start3A_437 = tpu.memref_slice %arg3[%mul3A_435] : memref<16384xf32, #tpu.memory_space<hbm>> -> memref<4096xf32, #tpu.memory_space<hbm>>
        tpu.enqueue_dma source(%arg16 : memref<4096xf32, #tpu.memory_space<vmem>>) target(%dma_start3A_437 : memref<4096xf32, #tpu.memory_space<hbm>>) target_semaphore(%run_scoped3A : memref<!tpu.dma_semaphore, #tpu.memory_space<semaphore_mem>>)
        %dma_wait3A_438 = tpu.memref_slice %arg3[%mul3A_435] : memref<16384xf32, #tpu.memory_space<hbm>> -> memref<4096xf32, #tpu.memory_space<hbm>>
        %dma_wait3A_439 = tpu.memref_slice %arg3[%mul3A_435] : memref<16384xf32, #tpu.memory_space<hbm>> -> memref<4096xf32, #tpu.memory_space<hbm>>
        tpu.wait_dma2 semaphore(%run_scoped3A : memref<!tpu.dma_semaphore, #tpu.memory_space<semaphore_mem>>) src(%arg16 : memref<4096xf32, #tpu.memory_space<vmem>>) dst(%dma_wait3A_439 : memref<4096xf32, #tpu.memory_space<hbm>>)
        tpu.yield
      }) : () -> ()
    } else {
    }
    return
  }
}

module attributes {stable_mosaic.version = 14 : i64} {
  func.func @_mlp_body(%arg0: i32, %arg1: memref<1x8x512xf32, #tpu.memory_space<vmem>>, %arg2: memref<1x512x1xf32, #tpu.memory_space<vmem>>, %arg3: memref<8x256xf32, #tpu.memory_space<vmem>>, %arg4: memref<1x256xf32, #tpu.memory_space<vmem>>, %arg5: memref<256x256xf32, #tpu.memory_space<vmem>>, %arg6: memref<1x256xf32, #tpu.memory_space<vmem>>, %arg7: memref<1x512x256xf32, #tpu.memory_space<vmem>>) attributes {dimension_semantics = [#tpu.dimension_semantics<arbitrary>], iteration_bounds = array<i64: 4>, scalar_prefetch = 0 : i64, scratch_operands = 0 : i64, tpu.core_type = #tpu.core_type<tc>, window_params = [{transform_indices = @transform_0, window_bounds = array<i64: 1, 8, 512>}, {transform_indices = @transform_1, window_bounds = array<i64: 1, 512, 1>}, {pipeline_mode = #tpu.pipeline_mode<synchronous>, transform_indices = @transform_2, window_bounds = array<i64: 8, 256>}, {pipeline_mode = #tpu.pipeline_mode<synchronous>, transform_indices = @transform_3, window_bounds = array<i64: 1, 256>}, {pipeline_mode = #tpu.pipeline_mode<synchronous>, transform_indices = @transform_4, window_bounds = array<i64: 256, 256>}, {pipeline_mode = #tpu.pipeline_mode<synchronous>, transform_indices = @transform_5, window_bounds = array<i64: 1, 256>}, {transform_indices = @transform_6, window_bounds = array<i64: 1, 512, 256>}]} {
    %get3A = arith.constant 0 : index
    %get3A_0 = arith.constant 0 : index
    %get3A_1 = arith.constant 0 : index
    %get3A_2 = vector.load %arg1[%get3A, %get3A_0, %get3A_1] : memref<1x8x512xf32, #tpu.memory_space<vmem>>, vector<1x8x512xf32>
    %get3A_3 = vector.shape_cast %get3A_2 : vector<1x8x512xf32> to vector<8x512xf32>
    %get3A_4 = arith.constant 0 : index
    %get3A_5 = arith.constant 0 : index
    %get3A_6 = vector.load %arg3[%get3A_4, %get3A_5] : memref<8x256xf32, #tpu.memory_space<vmem>>, vector<8x256xf32>
    %dot_general3A = arith.constant dense<0.000000e+00> : vector<512x256xf32>
    %dot_general3A_7 = tpu.matmul %get3A_3, %get3A_6, %dot_general3A {dimension_numbers = #tpu.dot_dimension_numbers<[0], [0], [1], [1], [0, 1, 1, 1], [], []>, transpose_lhs_hint = false} : vector<8x512xf32>, vector<8x256xf32>, vector<512x256xf32> -> vector<512x256xf32>
    %get3A_8 = arith.constant 0 : index
    %get3A_9 = arith.constant 0 : index
    %get3A_10 = vector.load %arg4[%get3A_8, %get3A_9] : memref<1x256xf32, #tpu.memory_space<vmem>>, vector<1x256xf32>
    %get3A_11 = vector.shape_cast %get3A_10 : vector<1x256xf32> to vector<256xf32>
    %broadcast_in_dim3A = vector.shape_cast %get3A_11 : vector<256xf32> to vector<1x256xf32>
    %add3A = vector.broadcast %broadcast_in_dim3A : vector<1x256xf32> to vector<512x256xf32>
    %add3A_12 = arith.addf %dot_general3A_7, %add3A : vector<512x256xf32>
    %max3A = arith.constant 0.000000e+00 : f32
    %max3A_13 = vector.broadcast %max3A : f32 to vector<512x256xf32>
    %max3A_14 = arith.maximumf %add3A_12, %max3A_13 : vector<512x256xf32>
    %get3A_15 = arith.constant 0 : index
    %get3A_16 = arith.constant 0 : index
    %get3A_17 = vector.load %arg5[%get3A_15, %get3A_16] : memref<256x256xf32, #tpu.memory_space<vmem>>, vector<256x256xf32>
    %dot_general3A_18 = arith.constant dense<0.000000e+00> : vector<512x256xf32>
    %dot_general3A_19 = tpu.matmul %max3A_14, %get3A_17, %dot_general3A_18 {dimension_numbers = #tpu.dot_dimension_numbers<[1], [0], [0], [1], [0, 0, 1, 1], [], []>, transpose_lhs_hint = false} : vector<512x256xf32>, vector<256x256xf32>, vector<512x256xf32> -> vector<512x256xf32>
    %get3A_20 = arith.constant 0 : index
    %get3A_21 = arith.constant 0 : index
    %get3A_22 = vector.load %arg6[%get3A_20, %get3A_21] : memref<1x256xf32, #tpu.memory_space<vmem>>, vector<1x256xf32>
    %get3A_23 = vector.shape_cast %get3A_22 : vector<1x256xf32> to vector<256xf32>
    %broadcast_in_dim3A_24 = vector.shape_cast %get3A_23 : vector<256xf32> to vector<1x256xf32>
    %add3A_25 = vector.broadcast %broadcast_in_dim3A_24 : vector<1x256xf32> to vector<512x256xf32>
    %add3A_26 = arith.addf %dot_general3A_19, %add3A_25 : vector<512x256xf32>
    %get3A_27 = arith.constant 0 : index
    %get3A_28 = arith.constant 0 : index
    %get3A_29 = arith.constant 0 : index
    %get3A_30 = vector.load %arg2[%get3A_27, %get3A_28, %get3A_29] : memref<1x512x1xf32, #tpu.memory_space<vmem>>, vector<1x512x1xf32>
    %get3A_31 = vector.shape_cast %get3A_30 : vector<1x512x1xf32> to vector<512x1xf32>
    %gt3A = arith.constant 0.000000e+00 : f32
    %gt3A_32 = vector.broadcast %gt3A : f32 to vector<512x1xf32>
    %gt3A_33 = arith.cmpf ogt, %get3A_31, %gt3A_32 : vector<512x1xf32>
    %jit3A = arith.constant 0.000000e+00 : f32
    %broadcast_in_dim3A_34 = vector.shape_cast %gt3A_33 : vector<512x1xi1> to vector<512x1xi1>
    %broadcast_in_dim3A_35 = vector.broadcast %broadcast_in_dim3A_34 : vector<512x1xi1> to vector<512x256xi1>
    %broadcast_in_dim3A_36 = vector.broadcast %jit3A : f32 to vector<512x256xf32>
    %select_n3A = arith.select %broadcast_in_dim3A_35, %add3A_26, %broadcast_in_dim3A_36 : vector<512x256xi1>, vector<512x256xf32>
    %swap3A = arith.constant 0 : index
    %swap3A_37 = arith.constant 0 : index
    %swap3A_38 = arith.constant 0 : index
    %swap3A_39 = vector.load %arg7[%swap3A, %swap3A_37, %swap3A_38] : memref<1x512x256xf32, #tpu.memory_space<vmem>>, vector<1x512x256xf32>
    %swap3A_40 = vector.shape_cast %swap3A_39 : vector<1x512x256xf32> to vector<512x256xf32>
    %swap3A_41 = vector.shape_cast %select_n3A : vector<512x256xf32> to vector<1x512x256xf32>
    tpu.vector_store %arg7[%swap3A, %swap3A_37, %swap3A_38], %swap3A_41 {strides = array<i32>} : memref<1x512x256xf32, #tpu.memory_space<vmem>>, vector<1x512x256xf32>,
    return
  }
  func.func @transform_0(%arg0: i32) -> (i32, i32, i32) {
    %c0_i32 = arith.constant 0 : i32
    %c0_i32_0 = arith.constant 0 : i32
    %c0_i32_1 = arith.constant 0 : i32
    return %arg0, %c0_i32, %c0_i32_0 : i32, i32, i32
  }
  func.func @transform_1(%arg0: i32) -> (i32, i32, i32) {
    %c0_i32 = arith.constant 0 : i32
    %c0_i32_0 = arith.constant 0 : i32
    %c0_i32_1 = arith.constant 0 : i32
    return %arg0, %c0_i32, %c0_i32_0 : i32, i32, i32
  }
  func.func @transform_2(%arg0: i32) -> (i32, i32) {
    %c0_i32 = arith.constant 0 : i32
    %c0_i32_0 = arith.constant 0 : i32
    %c0_i32_1 = arith.constant 0 : i32
    return %c0_i32, %c0_i32_0 : i32, i32
  }
  func.func @transform_3(%arg0: i32) -> (i32, i32) {
    %c0_i32 = arith.constant 0 : i32
    %c0_i32_0 = arith.constant 0 : i32
    %c0_i32_1 = arith.constant 0 : i32
    return %c0_i32, %c0_i32_0 : i32, i32
  }
  func.func @transform_4(%arg0: i32) -> (i32, i32) {
    %c0_i32 = arith.constant 0 : i32
    %c0_i32_0 = arith.constant 0 : i32
    %c0_i32_1 = arith.constant 0 : i32
    return %c0_i32, %c0_i32_0 : i32, i32
  }
  func.func @transform_5(%arg0: i32) -> (i32, i32) {
    %c0_i32 = arith.constant 0 : i32
    %c0_i32_0 = arith.constant 0 : i32
    %c0_i32_1 = arith.constant 0 : i32
    return %c0_i32, %c0_i32_0 : i32, i32
  }
  func.func @transform_6(%arg0: i32) -> (i32, i32, i32) {
    %c0_i32 = arith.constant 0 : i32
    %c0_i32_0 = arith.constant 0 : i32
    %c0_i32_1 = arith.constant 0 : i32
    return %arg0, %c0_i32, %c0_i32_0 : i32, i32, i32
  }
}

</mosaic_0001>

<sc_bundles>
// kernel: kernel.4.cloned.1.call-start
scs
__scs_entry_jumppad:
0x0: {  	(pc) =	sbr.rel $0x88, $3  }
0x1: {  	(tag) =	ssettag $0x0;
	lr =	simm.s32 $0x1  }
0x2: {  	[smem:$0x3F9B] =	sst lr;
	_ =	strace $0xD0000000  }
0x3: {  	_ = 	snop  }
0x4: {  	_ = 	snop  }
0x5: {  	_ = 	snop  }
0x6: {  	_ = 	snop  }
0x7: {  	_ = 	snop  }
__scs_overlays_trampoline_lowered:
0x8: {  	[smem:$0x3FAA] =	sst s0  }
0x9: {  	[smem:$0x3FAB] =	sst s1  }
0xa: {  	[smem:$0x3FAC] =	sst s2  }
0xb: {  	[smem:$0x3FAD] =	sst s3  }
0xc: {  	[smem:$0x3FAE] =	sst s4  }
0xd: {  	[smem:$0x3FAF] =	sst s5  }
0xe: {  	[smem:$0x3FB0] =	sst s6  }
0xf: {  	[smem:$0x3FB1] =	sst s7  }
0x10: {  	[smem:$0x3FB2] =	sst s8  }
0x11: {  	[smem:$0x3FB3] =	sst s9;
	s0 =	simm.s32 @!p0 $0x0  }
0x12: {  	s1 =	sld [smem:$0x3F99];
	s0 =	simm.s32 @p0 $0x1  }
0x13: {  	[smem:$0x3FB4] =	sst s0;
	s0 =	simm.s32 @!p1 $0x0  }
0x14: {  	s2 =	sld [smem:$0x3F98];
	s0 =	simm.s32 @p1 $0x1  }
0x15: {  	[smem:$0x3FB5] =	sst s0;
	s0 =	simm.s32 @!p2 $0x0  }
0x16: {  	s3 =	sld [smem:$0x3FDB];
	s0 =	simm.s32 @p2 $0x1  }
0x17: {  	s4 =	simm.s32 $0x1BF5;
	[smem:$0x3FB7] =	sst s0  }
0x18: {  	s0 =	sld [smem:$0x3F9A];
	_ =	swait.ge [sflag:s4], $0x0  }
0x19: {  	s7 =	sld [smem:$0x3F9B]  }
0x1a: {  	s8 =	sadd.s32 $0xFFFFE003, lr  }
0x1b: {  	s9 =	sadd.s32 $0xFFFFFEF7, lr;
	s5 =	simm.s32 $0xFFFFFFFF;
	p2 =	slt.u32 s8, $0xFFFFF086  }
0x1c: {  	p1 =	slt.u32 s9, $0xF7A;
	s5 =	simm.s32 @!p2 $0x0  }
0x1d: {  	s5 =	simm.s32 @p1 $0x1;
	p0 =	seq.s32 s7, s2  }
0x1e: {  	s7 =	smul.u32 @!p0 $0xF7A, s2;
	p2 =	seq.s32 @!p0 s5, $0x0  }
0x1f: {  	s9 =	smul.u32 $0xF7A, s1;
	s8 =	simm.s32 @!p0 $0x1BF5;
	p2 =	por !p2, p0  }
0x20: {  	[sflag:s8] =	ssyncset.s32 @!p0 $0xFFFFF086;
	s6 =	sadd.s32 @!p0 s3, s7;
	s7 =	simm.s32 @!p0 $0x108  }
0x21: {  	s3 =	sadd.s32 s3, s9;
	s6 =	sadd.s32 @!p0 $0x88, s6;
	s7 =	simm.s32 @p2 $0x1082  }
0x22: {  	[simem:s7], [sflag:s8] =	dma.local @!p0 [hbm:s6], $0xF7A  }
0x23: {  	s9 =	sor.u32 $0xD0000000, s2;
	s6 =	simm.s32 $0x108;
	_ =	swait.ge @!p0 [sflag:s8], $0x0  }
0x24: {  	s3 =	sadd.s32 $0x88, s3;
	s6 =	simm.s32 @!p1 $0x1082;
	[sflag:s4] =	ssyncset.s32 $0xFFFFF086  }
0x25: {  	[simem:s6], [sflag:s4] =	dma.local [hbm:s3], $0xF7A  }
0x26: {  	[smem:$0x3F9B] =	sst s1;
	(tag) =	ssettag s2;
	_ =	strace s9  }
0x27: {  	s1 =	sld [smem:$0x3FAB]  }
0x28: {  	s2 =	sld [smem:$0x3FAC]  }
0x29: {  	s4 =	sld [smem:$0x3FAE]  }
0x2a: {  	p0 =	seq.s32 s5, $0x0;
	s5 =	sld [smem:$0x3FAF]  }
0x2b: {  	s6 =	sld [smem:$0x3FB0]  }
0x2c: {  	s7 =	sld [smem:$0x3FB1]  }
0x2d: {  	s3 =	simm.s32 $0x108;
	s8 =	sld [smem:$0x3FB2]  }
0x2e: {  	s3 =	simm.s32 @!p0 $0x1082;
	s9 =	sld [smem:$0x3FB3]  }
0x2f: {  	lr =	sadd.s32 s0, s3;
	s0 =	sld [smem:$0x3FAA]  }
0x30: {  	s3 =	sld [smem:$0x3FAD]  }
0x31: {  	[smem:$0x3FB6] =	sst s10  }
0x32: {  	s10 =	sld [smem:$0x3FB4];
	_ =	sdelay $0x3  }
0x33: {  	p0 =	seq.s32 s10, $0x1;
	s10 =	sld [smem:$0x3FB6];
	_ =	sdelay $0x3  }
0x34: {  	[smem:$0x3FB6] =	sst s10  }
0x35: {  	s10 =	sld [smem:$0x3FB5];
	_ =	sdelay $0x3  }
0x36: {  	p1 =	seq.s32 s10, $0x1;
	s10 =	sld [smem:$0x3FB6];
	_ =	sdelay $0x3  }
0x37: {  	[smem:$0x3FB6] =	sst s10  }
0x38: {  	s10 =	sld [smem:$0x3FB7]  }
0x39: {  	_ = 	snop;
	(pc) =	sbr.ind lr, $3  }
0x3a: {  	_ = 	snop  }
0x3b: {  	_ = 	snop  }
0x3c: {  	p2 =	seq.s32 s10, $0x1;
	s10 =	sld [smem:$0x3FB6]  }
0x3d: {  	_ =	shalt  }
0x3e: {  	_ =	shalt  }
0x3f: {  	_ =	shalt  }
0x40: {  	_ =	shalt  }
0x41: {  	_ =	shalt  }
0x42: {  	_ =	shalt  }
0x43: {  	_ =	shalt  }
0x44: {  	_ =	shalt  }
0x45: {  	_ =	shalt  }
0x46: {  	_ =	shalt  }
0x47: {  	_ =	shalt  }
0x48: {  	_ =	shalt  }
0x49: {  	_ =	shalt  }
0x4a: {  	_ =	shalt  }
0x4b: {  	_ =	shalt  }
0x4c: {  	_ =	shalt  }
0x4d: {  	_ =	shalt  }
0x4e: {  	_ =	shalt  }
0x4f: {  	_ =	shalt  }
0x50: {  	_ =	shalt  }
0x51: {  	_ =	shalt  }
0x52: {  	_ =	shalt  }
0x53: {  	_ =	shalt  }
0x54: {  	_ =	shalt  }
0x55: {  	_ =	shalt  }
0x56: {  	_ =	shalt  }
0x57: {  	_ =	shalt  }
0x58: {  	_ =	shalt  }
0x59: {  	_ =	shalt  }
0x5a: {  	_ =	shalt  }
0x5b: {  	_ =	shalt  }
0x5c: {  	_ =	shalt  }
0x5d: {  	_ =	shalt  }
0x5e: {  	_ =	shalt  }
0x5f: {  	_ =	shalt  }
0x60: {  	_ =	shalt  }
0x61: {  	_ =	shalt  }
0x62: {  	_ =	shalt  }
0x63: {  	_ =	shalt  }
0x64: {  	_ =	shalt  }
0x65: {  	_ =	shalt  }
0x66: {  	_ =	shalt  }
0x67: {  	_ =	shalt  }
0x68: {  	_ =	shalt  }
0x69: {  	_ =	shalt  }
0x6a: {  	_ =	shalt  }
0x6b: {  	_ =	shalt  }
0x6c: {  	_ =	shalt  }
0x6d: {  	_ =	shalt  }
0x6e: {  	_ =	shalt  }
0x6f: {  	_ =	shalt  }
0x70: {  	_ =	shalt  }
0x71: {  	_ =	shalt  }
0x72: {  	_ =	shalt  }
0x73: {  	_ =	shalt  }
0x74: {  	_ =	shalt  }
0x75: {  	_ =	shalt  }
0x76: {  	_ =	shalt  }
0x77: {  	_ =	shalt  }
0x78: {  	_ =	shalt  }
0x79: {  	_ =	shalt  }
0x7a: {  	_ =	shalt  }
0x7b: {  	_ =	shalt  }
0x7c: {  	_ =	shalt  }
0x7d: {  	_ =	shalt  }
0x7e: {  	_ =	shalt  }
0x7f: {  	_ =	shalt  }
0x80: {  	_ =	shalt  }
0x81: {  	_ =	shalt  }
0x82: {  	_ =	shalt  }
0x83: {  	_ =	shalt  }
0x84: {  	_ =	shalt  }
0x85: {  	_ =	shalt  }
0x86: {  	_ =	shalt  }
0x87: {  	_ =	shalt  }
.Lfunc_end0:
.L_simem_size_0:
called_computation_lowered:
.L_overlay_start_0:
0x88: {  	s2 =	sld [smem:$0x3FD9]  }
0x89: {  	s3 =	sld [smem:$0x3FFE];
	_ =	sdelay $0x1  }
0x8a: {  	s1 =	srdreg.scid  }
0x8b: {  	s0 =	sand.u32 $0x1, s1  }
0x8c: {  	s14 =	sshll.u32 s0, $0xA;
	s2 =	sadd.s32 s3, s2  }
0x8d: {  	s2 =	sadd.s32 s2, s14  }
0x8e: {  	[smem:$0x3FC2] =	sst s2  }
0x8f: {  	_ = 	snop  }
0x90: {  	s2 =	sld [smem:$0x3FD0];
	_ =	sdelay $0x2  }
0x91: {  	s15 =	simm.s32 $0xA;
	s4 =	simm.s32 $0x10  }
0x92: {  	[smem:s4], [sflag:s15] =	dma.local [hbm:s2], $0x1  }
0x93: {  	_ =	swait.eq [sflag:s15], $0x1  }
0x94: {  	[sflag:s15] =	ssyncset.done $0x0  }
0x95: {  	[sflag:s15] =	ssyncadd.s32 $0xFFFFFFFF  }
0x96: {  	s16 =	sld [smem:$0x10];
	(tm) =	ssettm $0x1  }
0x97: {  	s17 =	sld [smem:$0x3FFB];
	_ =	sdelay $0x3  }
0x98: {  	_ =	strace s17  }
0x99: {  	s3 =	sld [smem:$0x3FFC];
	_ =	sdelay $0x3  }
0x9a: {  	_ =	strace s3  }
0x9b: {  	s3 =	sld [smem:$0x3FFD];
	_ =	sdelay $0x3  }
0x9c: {  	_ =	strace s3  }
0x9d: {  	_ =	strace $0x8FFFFFFF  }
0x9e: {  	s18 =	sld [smem:$0x3FDB];
	_ =	sdelay $0x1  }
0x9f: {  	s19 =	simm.s32 $_scs_section_size  }
0xa0: {  	s5 =	simm.s32 $_size__tile_overlayer_lowered;
	s6 =	simm.s32 $_tile_overlayer_lowered  }
0xa1: {  	s22 =	simm.s32 $0x1BFF;
	s21 =	sshll.u32 s6, $0x1;
	s3 =	sadd.s32 s19, s18  }
0xa2: {  	s7 =	simm.s32 $0x0;
	s20 =	sshll.u32 s5, $0x1;
	s5 =	sadd.s32 s21, s3  }
0xa3: {  	[timem:s7], [sflag:s22] =	dma.local [hbm:s5], s20  }
0xa4: {  	_ =	swait.ge [sflag:s22], s20  }
0xa5: {  	s4 =	ssub.s32 $0x0, s20;
	[sflag:s22] =	ssyncset.done $0x0  }
0xa6: {  	[sflag:s22] =	ssyncadd.s32 s4;
	_ =	sdelay $0x1  }
0xa7: {  	s23 =	simm.s32 $0x1B8B  }
0xa8: {  	_ =	swait.ge [sflag:s23], $0x1  }
0xa9: {  	[sflag:s23] =	ssyncset.done $0x0  }
0xaa: {  	s25 =	simm.s32 $0x1B8E;
	s24 =	sld [smem:$0x3FFE];
	[sflag:s23] =	ssyncadd.s32 $0xFFFFFFFF  }
0xab: {  	s26 =	simm.s32 $execute0_lowered;
	[smem:$0x3FD2] =	sst s25  }
0xac: {  	s5 =	sshll.u32 s26, $0x1;
	_ =	strace $0x80000046;
	[dreg:$0x1] =	wrdreg $0xFFFFFFFF  }
0xad: {  	s28 =	simm.s32 $_size_execute0_lowered;
	s3 =	sadd.s32 s3, s5;
	[dreg:$0x0] =	wrdreg $0x0  }
0xae: {  	s5 =	sshll.u32 s28, $0x1;
	[dreg:$0x2] =	wrdreg s3  }
0xaf: {  	[dreg:$0x3] =	wrdreg s5  }
0xb0: {  	[dreg:$0x4] =	wrdreg $0xC0  }
0xb1: {  	_ =	task [dreg:s7], $0x5FFFF  }
0xb2: {  	[dreg:$0x1] =	wrdreg $0xFFFFFFFF  }
0xb3: {  	[dreg:$0x0] =	wrdreg $0x60  }
0xb4: {  	[dreg:$0x2] =	wrdreg s24  }
0xb5: {  	[dreg:$0x3] =	wrdreg s16  }
0xb6: {  	[dreg:$0x4] =	wrdreg $0x165800  }
0xb7: {  	[dreg:$0x5] =	wrdreg $0x1A7800  }
0xb8: {  	[dreg:$0x6] =	wrdreg $0x1A6800  }
0xb9: {  	[dreg:$0x7] =	wrdreg $0x9  }
0xba: {  	_ =	task.clear_ibuf [dreg:s7], $0x8FFFF;
	_ =	strace $0x90000046  }
0xbb: {  	s29 =	simm.s32 $0x9;
	_ =	strace $0x80000048  }
0xbc: {  	_ =	swait.ge [sflag:s29], $0x1  }
0xbd: {  	[sflag:s29] =	ssyncadd.s32 $0xFFFFFFFF  }
0xbe: {  	_ =	strace $0x90000048  }
0xbf: {  	_ =	sfence  }
0xc0: {  	s30 =	sld [smem:$0x0];
	_ =	sdelay $0x2  }
0xc1: {  	s31 =	sshll.u32 s1, $0xD;
	s1 =	sshrl.u32 s1, $0x2  }
0xc2: {  	s3 =	sand.u32 $0x4000, s31;
	s1 =	sadd.s32 s1, s30  }
0xc3: {  	s0 =	sor.u32 s3, s0;
	s1 =	sshll.u32 s1, $0x11  }
0xc4: {  	s0 =	sor.u32 s1, s0  }
0xc5: {  	s0 =	sadd.s32 $0x8F2B, s0  }
0xc6: {  	[sflag:s0] =	ssyncadd.remote.s32 $0x1  }
0xc7: {  	_ =	sfence.sel $0xFFFF  }
0xc8: {  	[dreg:$0x0] =	wrdreg $0xFFFFFFFF;
	(pc) =	sbr.abs _section_cstart, $3  }
0xc9: {  	[dreg:$0x1] =	wrdreg $0xFFFFFFFF  }
0xca: {  	_ =	task.clear_ibuf [dreg:s7], $0x2FFFF;
	_ =	strace $0x9FFFFFFF  }
0xcb: {  	(tm) =	ssettm $0x7FFFFFFF  }
tec
execute0_lowered:
.L_overlay_start_1:
0x0: {  	(tag) =	ssettag $0x1  }
0x1: {  	s1 =	rddreg [dreg:$0x0]  }
0x2: {  	s0 =	rddreg [dreg:$0x1]  }
0x3: {  	s3 =	rddreg [dreg:$0x2]  }
0x4: {  	s4 =	rddreg [dreg:$0x3]  }
0x5: {  	s5 =	rddreg [dreg:$0x4]  }
0x6: {  	s2 =	srdreg.scid;
	s11 =	stileid.u32  }
0x7: {  	s17 =	simm.s32 $0x0;
	s28 =	simm.s32 $0x11300;
	s29 =	simm.s32 $0x11500  }
0x8: {  	s30 =	simm.s32 $0x11700;
	s6 =	sand.u32 $0x1, s2;
	s7 =	sshrl.u32 s11, $0x3  }
0x9: {  	[smem:$0x7FF] =	sst s17;
	s13 =	sand.u32 $0x7, s11;
	s21 =	smul.u32 $0x10400, s11  }
0xa: {  	s8 =	sshll.u32 s6, $0x1;
	s18 =	sshll.u32 s13, $0xA;
	s10 =	smul.u32 $0x82000, s7  }
0xb: {  	s6 =	ssub.s32 $0x2, s6;
	_ =	strace $0x80000047;
	s15 =	smul.u32 $0x820, s13  }
0xc: {  	s22 =	smul.u32 $0x20800, s7;
	s2 =	sshll.u32 s7, $0xB;
	s31 =	sshll.u32 s13, $0x6  }
0xd: {  	p0 =	sne.s32 s13, $0x0;
	s17 =	sor.u32 s7, s8;
	s19 =	sshrl.u32 s6, $0x1  }
0xe: {  	s23 =	sshrl.u32 s21, $0x2;
	s24 =	sadd.s32 s2, s5;
	s7 =	sadd.s32 $0x11500, s31  }
0xf: {  	s2 =	simm.s32 $0x0;
	s9 =	sshll.u32 s17, $0xF;
	s19 =	ssub.s32 s6, s19  }
0x10: {  	s20 =	sshrl.u32 s10, $0x2;
	s14 =	sshrl.u32 s22, $0x2;
	s5 =	sshll.u32 s17, $0x9  }
0x11: {  	v1 =	vimm.f32 $1.000000010e-01;
	s22 =	sadd.s32 s23, s3;
	s17 =	sadd.s32 $0x400, s24;
	s13 =	smov.u32 s7  }
0x12: {  	v0 =	vlaneseq.u32;
	v2 =	vimm.f32 $0.0e+00;
	vm2 =	vcmask $0x308;
	s8 =	sor.u32 s18, s9;
	s6 =	sadd.s32 s20, s3;
	s4 =	sadd.s32 s14, s4  }
0x13: {  	vm1 =	vcmask $0x70C;
	vm0 =	vcmask $0xB10;
	(erf) = vrcp.f32 v1;
	s0 =	sadd.s32 s0, s5;
	s3 =	smax.u32 s19, $0x1;
	[dreg:$0x8] =	wrdreg s17  }
0x14: {  	vm3 =	vcmask $0xF14;
	vm4 =	vcmask $0x1318;
	vm5 =	vcmask $0x171C;
	s23 =	sadd.s32 s31, s17;
	s19 =	simm.s32 $0x13100;
	[dreg:$0x6] =	wrdreg s4  }
0x15: {  	vm6 =	vcmask $0x1B20;
	vm7 =	vcmask $0x1F24;
	vm8 =	vcmask $0x2328;
	s1 =	sadd.s32 s8, s1;
	s6 =	sadd.s32 s15, s6;
	[dreg:$0x9] =	wrdreg s0  }
0x16: {  	vm9 =	vcmask $0x272C;
	vm10 =	vcmask $0x2B30;
	v9 =	vor.u32 $0x80000010, v0;
	s15 =	sadd.s32 s15, s4;
	s4 =	sadd.s32 $0x200, s24;
	[dreg:$0xb] =	wrdreg s23  }
0x17: {  	v3 =	vimm.f32 $1.000000000e+00;
	v10 =	vor.u32 $0x80000020, v0;
	v11 =	vor.u32 $0x80000030, v0;
	s0 =	simm.s32 $0x8000;
	s23 =	simm.s32 $0x13300;
	[dreg:$0xa] =	wrdreg s3  }
.Ltmp0:
0x18: {  	v4 =	vimm.s32 $0x0;
	vm11 =	vcmask $0x2F34;
	v12 =	vor.u32 $0x80000040, v0;
	s25 =	sadd.s32 $0xA00, s1;
	s26 =	sadd.s32 $0x2A00, s1;
	(pc) =	sbr.rel .LBB2_1-.Ltmp0, $4  }
0x19: {  	v8 =	vimm.s32 $0xFFFFFFFF;
	vm12 =	vcmask $0x3338;
	v13 =	vor.u32 $0x80000050, v0;
	s20 =	sadd.s32 $0x4A00, s1;
	s18 =	sadd.s32 $0x6A00, s1;
	s8 =	sadd.s32 $0x4100, s6  }
0x1a: {  	vm13 =	vcmask $0x373C;
	v15 =	vor.u32 $0x80000060, v0;
	v1 =	vmul.u32 $0xFFFFFFFF, v0;
	s9 =	sadd.s32 $0x8200, s6;
	s10 =	sadd.s32 $0xC300, s6;
	s11 =	sadd.s32 $0x10400, s6  }
0x1b: {  	v14 =	vimm.s32 $0x1;
	v7 =	vor.u32 $0x80000000, v0;
	v16 =	vor.u32 $0x80000070, v0;
	s12 =	sadd.s32 $0x14500, s6;
	s14 =	sadd.s32 $0x18600, s6;
	s16 =	sadd.s32 $0x1C700, s6  }
0x1c: {  	v17 =	vor.u32 $0x80000080, v0;
	v5 =	vadd.s32 $0x19A1, v1;
	v6 =	vadd.s32 $0xF, v1;
	s21 =	sadd.s32 $0x4100, s15;
	[dreg:$0x7] =	wrdreg s4;
	s1 =	simm.s32 $0x2;
	v18 =	vpop (erf)  }
.LBB2_62:
0x1d: {  	v21 =	vmax.f32 v19, $1.000000000e+00  }
0x1e: {  	v22 =	vadd.s32 $0x1A00, v20;
	(erf) = vrcp.f32 v21;
	_ =	sdelay $0x4  }
0x1f: {  	v61 =	vld.idx.msk [tilespmem:v22+s0+$0x0], $0xffff;
	_ =	sdelay $0x2  }
0x20: {  	v62 =	vadd.s32 $0x3400, v20  }
0x21: {  	v23 =	vpop (erf)  }
0x22: {  	v21 =	vmul.f32 v23, v61  }
0x23: {  	s4 =	sadd.s32 $0x10, s4  }
0x24: {  	[tilespmem:s4+$0x0] =	vst v21  }
0x25: {  	v21 =	vld.idx.msk [tilespmem:v62+s0+$0x0], $0xffff;
	_ =	sdelay $0x2  }
0x26: {  	v63 =	vadd.s32 $0x4E00, v20;
	_ =	sdelay $0x1  }
0x27: {  	v21 =	vmul.f32 v21, v23  }
0x28: {  	s17 =	sand.u32 $0x1F0, s5  }
0x29: {  	[tilespmem:s17+$0x15780] =	vst v21  }
0x2a: {  	v21 =	vld.idx.msk [tilespmem:v63+s0+$0x0], $0xffff;
	_ =	sdelay $0x2  }
0x2b: {  	v20 =	vadd.s32 $0x6800, v20;
	_ =	sdelay $0x1  }
0x2c: {  	v21 =	vmul.f32 v21, v23;
	_ =	sdelay $0x1  }
0x2d: {  	[tilespmem:s17+$0x15980] =	vst v21  }
0x2e: {  	v20 =	vld.idx.msk [tilespmem:v20+s0+$0x0], $0xffff;
	_ =	sdelay $0x4  }
0x2f: {  	v20 =	vmul.f32 v20, v23  }
0x30: {  	[tilespmem:s17+$0x15D80] =	vst v19  }
0x31: {  	s25 =	simm.s32 $0x0;
	s26 =	rddreg [dreg:$0x9];
	s7 =	simm.s32 $0x15580;
	[tilespmem:s17+$0x15B80] =	vst v20  }
0x32: {  	[hbm4b:s26+s25] =	stream.linear.scatter [tilespmem:s7], [sflag:$0x2], $0x1000, $0x38;
	[tilespmem:$0x1B7C0] =	vst v63  }
0x33: {  	s25 =	smov.u32 s15;
	s26 =	smov.u32 s20  }
0x34: {  	s20 =	smov.u32 s18;
	s18 =	smov.u32 s8;
	s8 =	smov.u32 s9  }
0x35: {  	s9 =	smov.u32 s10;
	s10 =	smov.u32 s11;
	s11 =	smov.u32 s12  }
0x36: {  	s12 =	smov.u32 s14;
	s14 =	smov.u32 s16;
	s15 =	smov.u32 s21  }
0x37: {  	s16 =	smov.u32 s24;
	s24 =	smov.u32 s6;
	s6 =	smov.u32 s22  }
0x38: {  	s22 =	smov.u32 s31;
	s31 =	smov.u32 s13;
	_ =	swait.ge [sflag:s1], $0x1000  }
0x39: {  	s13 =	smov.u32 s3;
	[sflag:s1] =	ssyncset.done $0x0;
	s3 =	rddreg [dreg:$0xa]  }
0x3a: {  	s21 =	smov.u32 s2;
	s2 =	rddreg [dreg:$0xc];
	[sflag:s1] =	ssyncadd.s32 $0xFFFFF000  }
.LBB2_63:
0x3b: {  	s2 =	sadd.s32 $0x1, s2  }
0x3c: {  	p1 =	sne.s32 s2, s3  }
.Ltmp1:
0x3d: {  	_ = 	snop;
	(pc) =	sbr.rel @!p1 .LBB2_64-.Ltmp1, $1  }
0x3e: {  	_ =	sdelay $0x3  }
.LBB2_1:
0x3f: {  	s5 =	simm.s32 $0x0  }
0x40: {  	[tilespmem:s5], [sflag:$0x1] =	stream.linear.gather [hbm4b:s25+s5], $0x2000, $0x38;
	[tilespmem:$0x1B7C0] =	vst v63  }
0x41: {  	s4 =	simm.s32 $0x2000  }
0x42: {  	[tilespmem:s4], [sflag:$0x1] =	stream.linear.gather [hbm4b:s26+s5], $0x2000, $0x38;
	[tilespmem:$0x1B7C0] =	vst v63  }
0x43: {  	s7 =	simm.s32 $0x4000  }
0x44: {  	[tilespmem:s7], [sflag:$0x1] =	stream.linear.gather [hbm4b:s20+s5], $0x2000, $0x38;
	[tilespmem:$0x1B7C0] =	vst v63  }
0x45: {  	s17 =	simm.s32 $0x6000  }
0x46: {  	[tilespmem:s17], [sflag:$0x1] =	stream.linear.gather [hbm4b:s18+s5], $0x2000, $0x38;
	[tilespmem:$0x1B7C0] =	vst v63  }
0x47: {  	[dreg:$0xc] =	wrdreg s2;
	s4 =	simm.s32 $0x0;
	s5 =	simm.s32 $0x200  }
.LBB2_2:
0x48: {  	p1 =	sne.s32 s5, $0x20600;
	[tilespmem:s4+$0x8070] =	vst v2  }
0x49: {  	[tilespmem:s4+$0x8000] =	vst v2  }
0x4a: {  	[tilespmem:s4+$0x8010] =	vst v2  }
.Ltmp2:
0x4b: {  	[tilespmem:s4+$0x8020] =	vst v2;
	(pc) =	sbr.rel @p1 .LBB2_2-.Ltmp2, $4  }
0x4c: {  	[tilespmem:s4+$0x8030] =	vst v2  }
0x4d: {  	[tilespmem:s4+$0x8040] =	vst v2  }
0x4e: {  	[tilespmem:s4+$0x8050] =	vst v2  }
0x4f: {  	[tilespmem:s4+$0x8060] =	vst v2;
	s4 =	sshra.s32 s5, $0x2;
	s5 =	sadd.s32 $0x200, s5  }
0x50: {  	[tilespmem:s4+$0x8070] =	vst v2  }
0x51: {  	[tilespmem:s4+$0x8000] =	vst v2  }
0x52: {  	[tilespmem:s4+$0x8010] =	vst v2  }
0x53: {  	[tilespmem:s4+$0x8020] =	vst v2  }
0x54: {  	[tilespmem:s4+$0x8030] =	vst v2  }
0x55: {  	[tilespmem:s4+$0x8040] =	vst v2  }
0x56: {  	[tilespmem:s4+$0x8050] =	vst v2  }
0x57: {  	[tilespmem:s4+$0x8060] =	vst v2;
	s2 =	simm.s32 $0x1  }
0x58: {  	_ =	swait.ge [sflag:s2], $0x2000  }
0x59: {  	[sflag:s2] =	ssyncset.done $0x0  }
0x5a: {  	[sflag:s2] =	ssyncadd.s32 $0xFFFFE000  }
0x5b: {  	_ =	swait.ge [sflag:s2], $0x2000  }
0x5c: {  	[sflag:s2] =	ssyncset.done $0x0  }
0x5d: {  	[sflag:s2] =	ssyncadd.s32 $0xFFFFE000  }
0x5e: {  	_ =	swait.ge [sflag:s2], $0x2000  }
0x5f: {  	[sflag:s2] =	ssyncset.done $0x0  }
0x60: {  	[sflag:s2] =	ssyncadd.s32 $0xFFFFE000  }
0x61: {  	_ =	swait.ge [sflag:s2], $0x2000  }
0x62: {  	[sflag:s2] =	ssyncset.done $0x0  }
0x63: {  	s4 =	simm.s32 $0x0;
	s5 =	simm.s32 $0x6010;
	[sflag:s2] =	ssyncadd.s32 $0xFFFFE000  }
.LBB2_4:
0x64: {  	v19 =	vld [tilespmem:s5+$0xFFFF9FF0]  }
0x65: {  	s7 =	sand.u32 $0x1FE0, s4  }
0x66: {  	v20 =	vld [tilespmem:s7+$0x2000];
	_ =	sdelay $0x2  }
0x67: {  	v21 =	vadd.f32 $4.000000000e+00, v19;
	_ =	sdelay $0x1  }
0x68: {  	v22 =	vadd.f32 $4.000000000e+00, v20;
	v21 =	vmul.f32 v21, v18;
	_ =	sdelay $0x1  }
0x69: {  	v22 =	vmul.f32 v22, v18;
	v21 =	vtrunc.f32 v21  }
0x6a: {  	v23 =	vld [tilespmem:s7+$0x4000];
	v21 =	vcvt.f32.s32 v21  }
0x6b: {  	v22 =	vtrunc.f32 v22  }
0x6c: {  	v22 =	vcvt.f32.s32 v22;
	vm14 =	vgt.s32 v21, $0x0  }
0x6d: {  	v24 =	vand.u32 $0x7FFFFFFF, v19;
	v21 =	vnsel vm14, $0x0, v21  }
0x6e: {  	v50 =	vand.u32 $0x7FFFFFFF, v20;
	vm15 =	vgt.s32 v22, $0x0;
	v21 =	vmin.u32 v21, $0x50  }
0x6f: {  	v51 =	vand.u32 $0x7FFFFFFF, v23;
	v22 =	vnsel vm15, $0x0, v22;
	v21 =	vmul.u32 $0x51, v21  }
0x70: {  	vm14 =	vle.f32 v24, $4.000000000e+00;
	vm15 =	vle.f32 v50, $4.000000000e+00;
	v22 =	vmin.u32 v22, $0x50  }
0x71: {  	vm14 =	vmand vm14, vm15;
	vm15 =	vle.f32 v51, $4.000000000e+00;
	v21 =	vadd.s32 v22, v21  }
0x72: {  	vm14 =	vmand vm14, vm15;
	v22 =	vadd.s32 $0x1A00, v21  }
0x73: {  	v52 =	vand.u32 $0x7F, v21;
	v25 =	vadd.s32 $0x3400, v21;
	v22 =	vand.u32 $0xFF80, v22  }
0x74: {  	v26 =	vadd.s32 $0x4E00, v21;
	v25 =	vand.u32 $0xFF80, v25;
	v22 =	vor.u32 v52, v22  }
0x75: {  	v27 =	vadd.s32 $0x6800, v21;
	v26 =	vand.u32 $0xFF80, v26;
	v25 =	vor.u32 v52, v25  }
0x76: {  	v27 =	vand.u32 $0xFF80, v27;
	v26 =	vor.u32 v52, v26  }
0x77: {  	v53 =	vld [tilespmem:s7+$0x6000];
	v24 =	vor.u32 v52, v27  }
0x78: {  	[tilespmem:v21+s0+$0x0] =	vst.idx.add.f32.msk vm14, v3  }
0x79: {  	[tilespmem:v22+s0+$0x0] =	vst.idx.add.f32.msk vm14, v19  }
0x7a: {  	[tilespmem:v25+s0+$0x0] =	vst.idx.add.f32.msk vm14, v20  }
0x7b: {  	[tilespmem:v26+s0+$0x0] =	vst.idx.add.f32.msk vm14, v23  }
0x7c: {  	[tilespmem:v24+s0+$0x0] =	vst.idx.add.f32.msk vm14, v53  }
0x7d: {  	v19 =	vld [tilespmem:s5+$0xFFFFA000];
	_ =	sdelay $0x1  }
0x7e: {  	v20 =	vld [tilespmem:s5+$0xFFFFC000];
	_ =	sdelay $0x2  }
0x7f: {  	v54 =	vadd.f32 $4.000000000e+00, v19;
	_ =	sdelay $0x1  }
0x80: {  	v55 =	vadd.f32 $4.000000000e+00, v20;
	v21 =	vmul.f32 v54, v18;
	_ =	sdelay $0x1  }
0x81: {  	v22 =	vmul.f32 v55, v18;
	v21 =	vtrunc.f32 v21  }
0x82: {  	v23 =	vld [tilespmem:s5+$0xFFFFE000];
	v21 =	vcvt.f32.s32 v21  }
0x83: {  	v22 =	vtrunc.f32 v22  }
0x84: {  	v22 =	vcvt.f32.s32 v22;
	vm14 =	vgt.s32 v21, $0x0  }
0x85: {  	v56 =	vand.u32 $0x7FFFFFFF, v19;
	v21 =	vnsel vm14, $0x0, v21  }
0x86: {  	v57 =	vand.u32 $0x7FFFFFFF, v20;
	vm15 =	vgt.s32 v22, $0x0;
	v21 =	vmin.u32 v21, $0x50  }
0x87: {  	v58 =	vand.u32 $0x7FFFFFFF, v23;
	v22 =	vnsel vm15, $0x0, v22;
	v21 =	vmul.u32 $0x51, v21  }
0x88: {  	vm14 =	vle.f32 v56, $4.000000000e+00;
	vm15 =	vle.f32 v57, $4.000000000e+00;
	v22 =	vmin.u32 v22, $0x50  }
0x89: {  	vm14 =	vmand vm14, vm15;
	vm15 =	vle.f32 v58, $4.000000000e+00;
	v21 =	vadd.s32 v22, v21  }
0x8a: {  	vm14 =	vmand vm14, vm15;
	v22 =	vadd.s32 $0x1A00, v21  }
0x8b: {  	v59 =	vand.u32 $0x7F, v21;
	v60 =	vadd.s32 $0x3400, v21;
	v22 =	vand.u32 $0xFF80, v22  }
0x8c: {  	v61 =	vadd.s32 $0x4E00, v21;
	v25 =	vand.u32 $0xFF80, v60;
	v22 =	vor.u32 v59, v22  }
0x8d: {  	v62 =	vadd.s32 $0x6800, v21;
	v26 =	vand.u32 $0xFF80, v61;
	v25 =	vor.u32 v59, v25  }
0x8e: {  	v27 =	vand.u32 $0xFF80, v62;
	v26 =	vor.u32 v59, v26  }
0x8f: {  	p1 =	sne.s32 s4, $0x1FE0;
	v63 =	vld [tilespmem:s5+$0x0];
	v24 =	vor.u32 v59, v27  }
.Ltmp3:
0x90: {  	[tilespmem:v21+s0+$0x0] =	vst.idx.add.f32.msk vm14, v3;
	(pc) =	sbr.rel @p1 .LBB2_4-.Ltmp3, $4  }
0x91: {  	[tilespmem:v22+s0+$0x0] =	vst.idx.add.f32.msk vm14, v19  }
0x92: {  	[tilespmem:v25+s0+$0x0] =	vst.idx.add.f32.msk vm14, v20  }
0x93: {  	[tilespmem:v26+s0+$0x0] =	vst.idx.add.f32.msk vm14, v23  }
0x94: {  	s4 =	sadd.s32 $0x20, s4;
	s5 =	sadd.s32 $0x20, s5;
	[tilespmem:v24+s0+$0x0] =	vst.idx.add.f32.msk vm14, v63  }
0x95: {  	[spmem:s22] =	stream.linear.scatter [tilespmem:s0], [sflag:$0x2], $0x4100, $0x38;
	[tilespmem:$0x1B7C0] =	vst v63  }
0x96: {  	_ =	swait.ge [sflag:s1], $0x4100  }
0x97: {  	[sflag:s1] =	ssyncset.done $0x0  }
0x98: {  	[sflag:s1] =	ssyncadd.s32 $0xFFFFBF00  }
0x99: {  	s2 =	simm.s32 $0x10A80;
	[bflag:$0x0] =	sbarrier.arrive $0xFFFF  }
0x9a: {  	[tilespmem:s2], [sflag:$0x2] =	stream.linear.gather [spmem:s6], $0x820, $0x38;
	[tilespmem:$0x1B7C0] =	vst v63  }
0x9b: {  	_ =	swait.ge [sflag:s1], $0x820  }
0x9c: {  	[sflag:s1] =	ssyncset.done $0x0  }
0x9d: {  	s2 =	simm.s32 $0x10200;
	[sflag:s1] =	ssyncadd.s32 $0xFFFFF7E0  }
0x9e: {  	[tilespmem:s2], [sflag:$0x2] =	stream.linear.gather [spmem:s8], $0x820, $0x38;
	[tilespmem:$0x1B7C0] =	vst v63  }
0x9f: {  	_ =	swait.ge [sflag:s1], $0x820  }
0xa0: {  	[sflag:s1] =	ssyncset.done $0x0  }
0xa1: {  	s4 =	simm.s32 $0x0;
	[sflag:s1] =	ssyncadd.s32 $0xFFFFF7E0  }
0xa2: {  	v22 =	vld [tilespmem:s4+$0x10200]  }
0xa3: {  	v23 =	vld [tilespmem:s4+$0x10210]  }
0xa4: {  	v21 =	vld [tilespmem:s4+$0x10220]  }
0xa5: {  	v20 =	vld [tilespmem:s4+$0x10230]  }
0xa6: {  	v19 =	vld [tilespmem:s4+$0x10240]  }
0xa7: {  	v26 =	vld [tilespmem:s4+$0x10A80]  }
0xa8: {  	v27 =	vld [tilespmem:s4+$0x10A90]  }
0xa9: {  	v25 =	vld [tilespmem:s4+$0x10AA0]  }
0xaa: {  	s5 =	simm.s32 $0x140;
	v24 =	vld [tilespmem:s4+$0x10AB0]  }
.LBB2_6:
0xab: {  	s7 =	sshra.s32 s5, $0x2;
	p1 =	sne.s32 s5, $0x1F40;
	v28 =	vld [tilespmem:s4+$0x10AC0]  }
0xac: {  	v26 =	vadd.f32 v22, v26;
	v22 =	vld [tilespmem:s7+$0x10200]  }
0xad: {  	v27 =	vadd.f32 v23, v27;
	v23 =	vld [tilespmem:s7+$0x10210]  }
0xae: {  	[tilespmem:s4+$0x10A80] =	vst v26;
	v25 =	vadd.f32 v21, v25;
	v21 =	vld [tilespmem:s7+$0x10220]  }
0xaf: {  	[tilespmem:s4+$0x10A90] =	vst v27;
	v24 =	vadd.f32 v20, v24;
	v20 =	vld [tilespmem:s7+$0x10230]  }
.Ltmp4:
0xb0: {  	[tilespmem:s4+$0x10AA0] =	vst v25;
	v25 =	vadd.f32 v19, v28;
	v19 =	vld [tilespmem:s7+$0x10240];
	(pc) =	sbr.rel @p1 .LBB2_6-.Ltmp4, $4  }
0xb1: {  	v26 =	vld [tilespmem:s7+$0x10A80];
	[tilespmem:s4+$0x10AB0] =	vst v24  }
0xb2: {  	v27 =	vld [tilespmem:s7+$0x10A90];
	[tilespmem:s4+$0x10AC0] =	vst v25;
	s4 =	smov.u32 s7  }
0xb3: {  	v25 =	vld [tilespmem:s4+$0x10AA0]  }
0xb4: {  	s5 =	sadd.s32 $0x140, s5;
	v24 =	vld [tilespmem:s4+$0x10AB0]  }
0xb5: {  	v28 =	vld [tilespmem:s4+$0x10AC0]  }
0xb6: {  	v22 =	vadd.f32 v22, v26  }
0xb7: {  	v23 =	vadd.f32 v23, v27  }
0xb8: {  	[tilespmem:s4+$0x10A80] =	vst v22;
	v21 =	vadd.f32 v21, v25  }
0xb9: {  	[tilespmem:s4+$0x10A90] =	vst v23;
	v20 =	vadd.f32 v20, v24  }
0xba: {  	[tilespmem:s4+$0x10AA0] =	vst v21;
	v19 =	vadd.f32 v19, v28  }
0xbb: {  	[tilespmem:s4+$0x10AB0] =	vst v20  }
0xbc: {  	[tilespmem:s4+$0x10AC0] =	vst v19  }
0xbd: {  	[tilespmem:s2], [sflag:$0x2] =	stream.linear.gather [spmem:s9], $0x820, $0x38;
	[tilespmem:$0x1B7C0] =	vst v63  }
0xbe: {  	_ =	swait.ge [sflag:s1], $0x820  }
0xbf: {  	[sflag:s1] =	ssyncset.done $0x0  }
0xc0: {  	s4 =	simm.s32 $0x0;
	[sflag:s1] =	ssyncadd.s32 $0xFFFFF7E0  }
0xc1: {  	v22 =	vld [tilespmem:s4+$0x10200]  }
0xc2: {  	v23 =	vld [tilespmem:s4+$0x10210]  }
0xc3: {  	v21 =	vld [tilespmem:s4+$0x10220]  }
0xc4: {  	v20 =	vld [tilespmem:s4+$0x10230]  }
0xc5: {  	v19 =	vld [tilespmem:s4+$0x10240]  }
0xc6: {  	v26 =	vld [tilespmem:s4+$0x10A80]  }
0xc7: {  	v27 =	vld [tilespmem:s4+$0x10A90]  }
0xc8: {  	v25 =	vld [tilespmem:s4+$0x10AA0]  }
0xc9: {  	s5 =	simm.s32 $0x140;
	v24 =	vld [tilespmem:s4+$0x10AB0]  }
.LBB2_8:
0xca: {  	s7 =	sshra.s32 s5, $0x2;
	p1 =	sne.s32 s5, $0x1F40;
	v28 =	vld [tilespmem:s4+$0x10AC0]  }
0xcb: {  	v26 =	vadd.f32 v22, v26;
	v22 =	vld [tilespmem:s7+$0x10200]  }
0xcc: {  	v27 =	vadd.f32 v23, v27;
	v23 =	vld [tilespmem:s7+$0x10210]  }
0xcd: {  	[tilespmem:s4+$0x10A80] =	vst v26;
	v25 =	vadd.f32 v21, v25;
	v21 =	vld [tilespmem:s7+$0x10220]  }
0xce: {  	[tilespmem:s4+$0x10A90] =	vst v27;
	v24 =	vadd.f32 v20, v24;
	v20 =	vld [tilespmem:s7+$0x10230]  }
.Ltmp5:
0xcf: {  	[tilespmem:s4+$0x10AA0] =	vst v25;
	v25 =	vadd.f32 v19, v28;
	v19 =	vld [tilespmem:s7+$0x10240];
	(pc) =	sbr.rel @p1 .LBB2_8-.Ltmp5, $4  }
0xd0: {  	v26 =	vld [tilespmem:s7+$0x10A80];
	[tilespmem:s4+$0x10AB0] =	vst v24  }
0xd1: {  	v27 =	vld [tilespmem:s7+$0x10A90];
	[tilespmem:s4+$0x10AC0] =	vst v25;
	s4 =	smov.u32 s7  }
0xd2: {  	v25 =	vld [tilespmem:s4+$0x10AA0]  }
0xd3: {  	s5 =	sadd.s32 $0x140, s5;
	v24 =	vld [tilespmem:s4+$0x10AB0]  }
0xd4: {  	v28 =	vld [tilespmem:s4+$0x10AC0]  }
0xd5: {  	v22 =	vadd.f32 v22, v26  }
0xd6: {  	v23 =	vadd.f32 v23, v27  }
0xd7: {  	[tilespmem:s4+$0x10A80] =	vst v22;
	v21 =	vadd.f32 v21, v25  }
0xd8: {  	[tilespmem:s4+$0x10A90] =	vst v23;
	v20 =	vadd.f32 v20, v24  }
0xd9: {  	[tilespmem:s4+$0x10AA0] =	vst v21;
	v19 =	vadd.f32 v19, v28  }
0xda: {  	[tilespmem:s4+$0x10AB0] =	vst v20  }
0xdb: {  	[tilespmem:s4+$0x10AC0] =	vst v19  }
0xdc: {  	[tilespmem:s2], [sflag:$0x2] =	stream.linear.gather [spmem:s10], $0x820, $0x38;
	[tilespmem:$0x1B7C0] =	vst v63  }
0xdd: {  	_ =	swait.ge [sflag:s1], $0x820  }
0xde: {  	[sflag:s1] =	ssyncset.done $0x0  }
0xdf: {  	s4 =	simm.s32 $0x0;
	[sflag:s1] =	ssyncadd.s32 $0xFFFFF7E0  }
0xe0: {  	v22 =	vld [tilespmem:s4+$0x10200]  }
0xe1: {  	v23 =	vld [tilespmem:s4+$0x10210]  }
0xe2: {  	v21 =	vld [tilespmem:s4+$0x10220]  }
0xe3: {  	v20 =	vld [tilespmem:s4+$0x10230]  }
0xe4: {  	v19 =	vld [tilespmem:s4+$0x10240]  }
0xe5: {  	v26 =	vld [tilespmem:s4+$0x10A80]  }
0xe6: {  	v27 =	vld [tilespmem:s4+$0x10A90]  }
0xe7: {  	v25 =	vld [tilespmem:s4+$0x10AA0]  }
0xe8: {  	s5 =	simm.s32 $0x140;
	v24 =	vld [tilespmem:s4+$0x10AB0]  }
.LBB2_10:
0xe9: {  	s7 =	sshra.s32 s5, $0x2;
	p1 =	sne.s32 s5, $0x1F40;
	v28 =	vld [tilespmem:s4+$0x10AC0]  }
0xea: {  	v26 =	vadd.f32 v22, v26;
	v22 =	vld [tilespmem:s7+$0x10200]  }
0xeb: {  	v27 =	vadd.f32 v23, v27;
	v23 =	vld [tilespmem:s7+$0x10210]  }
0xec: {  	[tilespmem:s4+$0x10A80] =	vst v26;
	v25 =	vadd.f32 v21, v25;
	v21 =	vld [tilespmem:s7+$0x10220]  }
0xed: {  	[tilespmem:s4+$0x10A90] =	vst v27;
	v24 =	vadd.f32 v20, v24;
	v20 =	vld [tilespmem:s7+$0x10230]  }
.Ltmp6:
0xee: {  	[tilespmem:s4+$0x10AA0] =	vst v25;
	v25 =	vadd.f32 v19, v28;
	v19 =	vld [tilespmem:s7+$0x10240];
	(pc) =	sbr.rel @p1 .LBB2_10-.Ltmp6, $4  }
0xef: {  	v26 =	vld [tilespmem:s7+$0x10A80];
	[tilespmem:s4+$0x10AB0] =	vst v24  }
0xf0: {  	v27 =	vld [tilespmem:s7+$0x10A90];
	[tilespmem:s4+$0x10AC0] =	vst v25;
	s4 =	smov.u32 s7  }
0xf1: {  	v25 =	vld [tilespmem:s4+$0x10AA0]  }
0xf2: {  	s5 =	sadd.s32 $0x140, s5;
	v24 =	vld [tilespmem:s4+$0x10AB0]  }
0xf3: {  	v28 =	vld [tilespmem:s4+$0x10AC0]  }
0xf4: {  	v22 =	vadd.f32 v22, v26  }
0xf5: {  	v23 =	vadd.f32 v23, v27  }
0xf6: {  	[tilespmem:s4+$0x10A80] =	vst v22;
	v21 =	vadd.f32 v21, v25  }
0xf7: {  	[tilespmem:s4+$0x10A90] =	vst v23;
	v20 =	vadd.f32 v20, v24  }
0xf8: {  	[tilespmem:s4+$0x10AA0] =	vst v21;
	v19 =	vadd.f32 v19, v28  }
0xf9: {  	[tilespmem:s4+$0x10AB0] =	vst v20  }
0xfa: {  	[tilespmem:s4+$0x10AC0] =	vst v19  }
0xfb: {  	[tilespmem:s2], [sflag:$0x2] =	stream.linear.gather [spmem:s11], $0x820, $0x38;
	[tilespmem:$0x1B7C0] =	vst v63  }
0xfc: {  	_ =	swait.ge [sflag:s1], $0x820  }
0xfd: {  	[sflag:s1] =	ssyncset.done $0x0  }
0xfe: {  	s4 =	simm.s32 $0x0;
	[sflag:s1] =	ssyncadd.s32 $0xFFFFF7E0  }
0xff: {  	v22 =	vld [tilespmem:s4+$0x10200]  }
0x100: {  	v23 =	vld [tilespmem:s4+$0x10210]  }
0x101: {  	v21 =	vld [tilespmem:s4+$0x10220]  }
0x102: {  	v20 =	vld [tilespmem:s4+$0x10230]  }
0x103: {  	v19 =	vld [tilespmem:s4+$0x10240]  }
0x104: {  	v26 =	vld [tilespmem:s4+$0x10A80]  }
0x105: {  	v27 =	vld [tilespmem:s4+$0x10A90]  }
0x106: {  	v25 =	vld [tilespmem:s4+$0x10AA0]  }
0x107: {  	s5 =	simm.s32 $0x140;
	v24 =	vld [tilespmem:s4+$0x10AB0]  }
.LBB2_12:
0x108: {  	s7 =	sshra.s32 s5, $0x2;
	p1 =	sne.s32 s5, $0x1F40;
	v28 =	vld [tilespmem:s4+$0x10AC0]  }
0x109: {  	v26 =	vadd.f32 v22, v26;
	v22 =	vld [tilespmem:s7+$0x10200]  }
0x10a: {  	v27 =	vadd.f32 v23, v27;
	v23 =	vld [tilespmem:s7+$0x10210]  }
0x10b: {  	[tilespmem:s4+$0x10A80] =	vst v26;
	v25 =	vadd.f32 v21, v25;
	v21 =	vld [tilespmem:s7+$0x10220]  }
0x10c: {  	[tilespmem:s4+$0x10A90] =	vst v27;
	v24 =	vadd.f32 v20, v24;
	v20 =	vld [tilespmem:s7+$0x10230]  }
.Ltmp7:
0x10d: {  	[tilespmem:s4+$0x10AA0] =	vst v25;
	v25 =	vadd.f32 v19, v28;
	v19 =	vld [tilespmem:s7+$0x10240];
	(pc) =	sbr.rel @p1 .LBB2_12-.Ltmp7, $4  }
0x10e: {  	v26 =	vld [tilespmem:s7+$0x10A80];
	[tilespmem:s4+$0x10AB0] =	vst v24  }
0x10f: {  	v27 =	vld [tilespmem:s7+$0x10A90];
	[tilespmem:s4+$0x10AC0] =	vst v25;
	s4 =	smov.u32 s7  }
0x110: {  	v25 =	vld [tilespmem:s4+$0x10AA0]  }
0x111: {  	s5 =	sadd.s32 $0x140, s5;
	v24 =	vld [tilespmem:s4+$0x10AB0]  }
0x112: {  	v28 =	vld [tilespmem:s4+$0x10AC0]  }
0x113: {  	v22 =	vadd.f32 v22, v26  }
0x114: {  	v23 =	vadd.f32 v23, v27  }
0x115: {  	[tilespmem:s4+$0x10A80] =	vst v22;
	v21 =	vadd.f32 v21, v25  }
0x116: {  	[tilespmem:s4+$0x10A90] =	vst v23;
	v20 =	vadd.f32 v20, v24  }
0x117: {  	[tilespmem:s4+$0x10AA0] =	vst v21;
	v19 =	vadd.f32 v19, v28  }
0x118: {  	[tilespmem:s4+$0x10AB0] =	vst v20  }
0x119: {  	[tilespmem:s4+$0x10AC0] =	vst v19  }
0x11a: {  	[tilespmem:s2], [sflag:$0x2] =	stream.linear.gather [spmem:s12], $0x820, $0x38;
	[tilespmem:$0x1B7C0] =	vst v63  }
0x11b: {  	_ =	swait.ge [sflag:s1], $0x820  }
0x11c: {  	[sflag:s1] =	ssyncset.done $0x0  }
0x11d: {  	s4 =	simm.s32 $0x0;
	[sflag:s1] =	ssyncadd.s32 $0xFFFFF7E0  }
0x11e: {  	v22 =	vld [tilespmem:s4+$0x10200]  }
0x11f: {  	v23 =	vld [tilespmem:s4+$0x10210]  }
0x120: {  	v21 =	vld [tilespmem:s4+$0x10220]  }
0x121: {  	v20 =	vld [tilespmem:s4+$0x10230]  }
0x122: {  	v19 =	vld [tilespmem:s4+$0x10240]  }
0x123: {  	v26 =	vld [tilespmem:s4+$0x10A80]  }
0x124: {  	v27 =	vld [tilespmem:s4+$0x10A90]  }
0x125: {  	v25 =	vld [tilespmem:s4+$0x10AA0]  }
0x126: {  	s5 =	simm.s32 $0x140;
	v24 =	vld [tilespmem:s4+$0x10AB0]  }
.LBB2_14:
0x127: {  	s7 =	sshra.s32 s5, $0x2;
	p1 =	sne.s32 s5, $0x1F40;
	v28 =	vld [tilespmem:s4+$0x10AC0]  }
0x128: {  	v26 =	vadd.f32 v22, v26;
	v22 =	vld [tilespmem:s7+$0x10200]  }
0x129: {  	v27 =	vadd.f32 v23, v27;
	v23 =	vld [tilespmem:s7+$0x10210]  }
0x12a: {  	[tilespmem:s4+$0x10A80] =	vst v26;
	v25 =	vadd.f32 v21, v25;
	v21 =	vld [tilespmem:s7+$0x10220]  }
0x12b: {  	[tilespmem:s4+$0x10A90] =	vst v27;
	v24 =	vadd.f32 v20, v24;
	v20 =	vld [tilespmem:s7+$0x10230]  }
.Ltmp8:
0x12c: {  	[tilespmem:s4+$0x10AA0] =	vst v25;
	v25 =	vadd.f32 v19, v28;
	v19 =	vld [tilespmem:s7+$0x10240];
	(pc) =	sbr.rel @p1 .LBB2_14-.Ltmp8, $4  }
0x12d: {  	v26 =	vld [tilespmem:s7+$0x10A80];
	[tilespmem:s4+$0x10AB0] =	vst v24  }
0x12e: {  	v27 =	vld [tilespmem:s7+$0x10A90];
	[tilespmem:s4+$0x10AC0] =	vst v25;
	s4 =	smov.u32 s7  }
0x12f: {  	v25 =	vld [tilespmem:s4+$0x10AA0]  }
0x130: {  	s5 =	sadd.s32 $0x140, s5;
	v24 =	vld [tilespmem:s4+$0x10AB0]  }
0x131: {  	v28 =	vld [tilespmem:s4+$0x10AC0]  }
0x132: {  	v22 =	vadd.f32 v22, v26  }
0x133: {  	v23 =	vadd.f32 v23, v27  }
0x134: {  	[tilespmem:s4+$0x10A80] =	vst v22;
	v21 =	vadd.f32 v21, v25  }
0x135: {  	[tilespmem:s4+$0x10A90] =	vst v23;
	v20 =	vadd.f32 v20, v24  }
0x136: {  	[tilespmem:s4+$0x10AA0] =	vst v21;
	v19 =	vadd.f32 v19, v28  }
0x137: {  	[tilespmem:s4+$0x10AB0] =	vst v20  }
0x138: {  	[tilespmem:s4+$0x10AC0] =	vst v19  }
0x139: {  	[tilespmem:s2], [sflag:$0x2] =	stream.linear.gather [spmem:s14], $0x820, $0x38;
	[tilespmem:$0x1B7C0] =	vst v63  }
0x13a: {  	_ =	swait.ge [sflag:s1], $0x820  }
0x13b: {  	[sflag:s1] =	ssyncset.done $0x0  }
0x13c: {  	s4 =	simm.s32 $0x0;
	[sflag:s1] =	ssyncadd.s32 $0xFFFFF7E0  }
0x13d: {  	v22 =	vld [tilespmem:s4+$0x10200]  }
0x13e: {  	v23 =	vld [tilespmem:s4+$0x10210]  }
0x13f: {  	v21 =	vld [tilespmem:s4+$0x10220]  }
0x140: {  	v20 =	vld [tilespmem:s4+$0x10230]  }
0x141: {  	v19 =	vld [tilespmem:s4+$0x10240]  }
0x142: {  	v26 =	vld [tilespmem:s4+$0x10A80]  }
0x143: {  	v27 =	vld [tilespmem:s4+$0x10A90]  }
0x144: {  	v25 =	vld [tilespmem:s4+$0x10AA0]  }
0x145: {  	s5 =	simm.s32 $0x140;
	v24 =	vld [tilespmem:s4+$0x10AB0]  }
.LBB2_16:
0x146: {  	s7 =	sshra.s32 s5, $0x2;
	p1 =	sne.s32 s5, $0x1F40;
	v28 =	vld [tilespmem:s4+$0x10AC0]  }
0x147: {  	v26 =	vadd.f32 v22, v26;
	v22 =	vld [tilespmem:s7+$0x10200]  }
0x148: {  	v27 =	vadd.f32 v23, v27;
	v23 =	vld [tilespmem:s7+$0x10210]  }
0x149: {  	[tilespmem:s4+$0x10A80] =	vst v26;
	v25 =	vadd.f32 v21, v25;
	v21 =	vld [tilespmem:s7+$0x10220]  }
0x14a: {  	[tilespmem:s4+$0x10A90] =	vst v27;
	v24 =	vadd.f32 v20, v24;
	v20 =	vld [tilespmem:s7+$0x10230]  }
.Ltmp9:
0x14b: {  	[tilespmem:s4+$0x10AA0] =	vst v25;
	v25 =	vadd.f32 v19, v28;
	v19 =	vld [tilespmem:s7+$0x10240];
	(pc) =	sbr.rel @p1 .LBB2_16-.Ltmp9, $4  }
0x14c: {  	v26 =	vld [tilespmem:s7+$0x10A80];
	[tilespmem:s4+$0x10AB0] =	vst v24  }
0x14d: {  	v27 =	vld [tilespmem:s7+$0x10A90];
	[tilespmem:s4+$0x10AC0] =	vst v25;
	s4 =	smov.u32 s7  }
0x14e: {  	v25 =	vld [tilespmem:s4+$0x10AA0]  }
0x14f: {  	s5 =	sadd.s32 $0x140, s5;
	v24 =	vld [tilespmem:s4+$0x10AB0]  }
0x150: {  	v28 =	vld [tilespmem:s4+$0x10AC0]  }
0x151: {  	v22 =	vadd.f32 v22, v26  }
0x152: {  	v23 =	vadd.f32 v23, v27  }
0x153: {  	[tilespmem:s4+$0x10A80] =	vst v22;
	v21 =	vadd.f32 v21, v25  }
0x154: {  	[tilespmem:s4+$0x10A90] =	vst v23;
	v20 =	vadd.f32 v20, v24  }
0x155: {  	[tilespmem:s4+$0x10AA0] =	vst v21;
	v19 =	vadd.f32 v19, v28  }
0x156: {  	[tilespmem:s4+$0x10AB0] =	vst v20  }
0x157: {  	[tilespmem:s4+$0x10AC0] =	vst v19  }
0x158: {  	[tilespmem:s2], [sflag:$0x2] =	stream.linear.gather [spmem:s16], $0x820, $0x38;
	[tilespmem:$0x1B7C0] =	vst v63  }
0x159: {  	_ =	swait.ge [sflag:s1], $0x820  }
0x15a: {  	[sflag:s1] =	ssyncset.done $0x0  }
0x15b: {  	s4 =	simm.s32 $0x0;
	[sflag:s1] =	ssyncadd.s32 $0xFFFFF7E0  }
0x15c: {  	v22 =	vld [tilespmem:s4+$0x10200]  }
0x15d: {  	v23 =	vld [tilespmem:s4+$0x10210]  }
0x15e: {  	v21 =	vld [tilespmem:s4+$0x10220]  }
0x15f: {  	v20 =	vld [tilespmem:s4+$0x10230]  }
0x160: {  	v19 =	vld [tilespmem:s4+$0x10240]  }
0x161: {  	v26 =	vld [tilespmem:s4+$0x10A80]  }
0x162: {  	v27 =	vld [tilespmem:s4+$0x10A90]  }
0x163: {  	v25 =	vld [tilespmem:s4+$0x10AA0]  }
0x164: {  	s5 =	simm.s32 $0x140;
	v24 =	vld [tilespmem:s4+$0x10AB0]  }
.LBB2_18:
0x165: {  	s7 =	sshra.s32 s5, $0x2;
	p1 =	sne.s32 s5, $0x1F40;
	v28 =	vld [tilespmem:s4+$0x10AC0]  }
0x166: {  	v26 =	vadd.f32 v22, v26;
	v22 =	vld [tilespmem:s7+$0x10200]  }
0x167: {  	v27 =	vadd.f32 v23, v27;
	v23 =	vld [tilespmem:s7+$0x10210]  }
0x168: {  	[tilespmem:s4+$0x10A80] =	vst v26;
	v25 =	vadd.f32 v21, v25;
	v21 =	vld [tilespmem:s7+$0x10220]  }
0x169: {  	[tilespmem:s4+$0x10A90] =	vst v27;
	v24 =	vadd.f32 v20, v24;
	v20 =	vld [tilespmem:s7+$0x10230]  }
.Ltmp10:
0x16a: {  	[tilespmem:s4+$0x10AA0] =	vst v25;
	v25 =	vadd.f32 v19, v28;
	v19 =	vld [tilespmem:s7+$0x10240];
	(pc) =	sbr.rel @p1 .LBB2_18-.Ltmp10, $4  }
0x16b: {  	v26 =	vld [tilespmem:s7+$0x10A80];
	[tilespmem:s4+$0x10AB0] =	vst v24  }
0x16c: {  	v27 =	vld [tilespmem:s7+$0x10A90];
	[tilespmem:s4+$0x10AC0] =	vst v25;
	s4 =	smov.u32 s7  }
0x16d: {  	v25 =	vld [tilespmem:s4+$0x10AA0]  }
0x16e: {  	s5 =	sadd.s32 $0x140, s5;
	v24 =	vld [tilespmem:s4+$0x10AB0]  }
0x16f: {  	v28 =	vld [tilespmem:s4+$0x10AC0]  }
0x170: {  	v22 =	vadd.f32 v22, v26  }
0x171: {  	v23 =	vadd.f32 v23, v27  }
0x172: {  	[tilespmem:s4+$0x10A80] =	vst v22;
	v21 =	vadd.f32 v21, v25  }
0x173: {  	[tilespmem:s4+$0x10A90] =	vst v23;
	v20 =	vadd.f32 v20, v24  }
0x174: {  	[tilespmem:s4+$0x10AA0] =	vst v21;
	v19 =	vadd.f32 v19, v28  }
0x175: {  	[tilespmem:s4+$0x10AB0] =	vst v20  }
0x176: {  	s17 =	simm.s32 $0x10A80;
	[tilespmem:s4+$0x10AC0] =	vst v19  }
0x177: {  	[spmem:s15] =	stream.linear.scatter [tilespmem:s17], [sflag:$0x2], $0x820, $0x38;
	[tilespmem:$0x1B7C0] =	vst v63  }
0x178: {  	_ =	swait.ge [sflag:s1], $0x820  }
0x179: {  	[sflag:s1] =	ssyncset.done $0x0  }
0x17a: {  	[sflag:s1] =	ssyncadd.s32 $0xFFFFF7E0  }
0x17b: {  	s5 =	simm.s32 $0xC100;
	[bflag:$0x0] =	sbarrier.arrive $0xFFFF  }
0x17c: {  	[spmem:s22] =	stream.linear.scatter [tilespmem:s5], [sflag:$0x2], $0x4100, $0x38;
	[tilespmem:$0x1B7C0] =	vst v63  }
0x17d: {  	_ =	swait.ge [sflag:s1], $0x4100  }
0x17e: {  	[sflag:s1] =	ssyncset.done $0x0  }
0x17f: {  	[sflag:s1] =	ssyncadd.s32 $0xFFFFBF00  }
0x180: {  	[bflag:$0x0] =	sbarrier.arrive $0xFFFF  }
0x181: {  	[tilespmem:s17], [sflag:$0x2] =	stream.linear.gather [spmem:s6], $0x820, $0x38;
	[tilespmem:$0x1B7C0] =	vst v63  }
0x182: {  	_ =	swait.ge [sflag:s1], $0x820  }
0x183: {  	[sflag:s1] =	ssyncset.done $0x0  }
0x184: {  	[sflag:s1] =	ssyncadd.s32 $0xFFFFF7E0  }
0x185: {  	[tilespmem:s2], [sflag:$0x2] =	stream.linear.gather [spmem:s8], $0x820, $0x38;
	[tilespmem:$0x1B7C0] =	vst v63  }
0x186: {  	_ =	swait.ge [sflag:s1], $0x820  }
0x187: {  	[sflag:s1] =	ssyncset.done $0x0  }
0x188: {  	s4 =	simm.s32 $0x0;
	[sflag:s1] =	ssyncadd.s32 $0xFFFFF7E0  }
0x189: {  	v22 =	vld [tilespmem:s4+$0x10200]  }
0x18a: {  	v23 =	vld [tilespmem:s4+$0x10210]  }
0x18b: {  	v21 =	vld [tilespmem:s4+$0x10220]  }
0x18c: {  	v20 =	vld [tilespmem:s4+$0x10230]  }
0x18d: {  	v19 =	vld [tilespmem:s4+$0x10240]  }
0x18e: {  	v26 =	vld [tilespmem:s4+$0x10A80]  }
0x18f: {  	v27 =	vld [tilespmem:s4+$0x10A90]  }
0x190: {  	v25 =	vld [tilespmem:s4+$0x10AA0]  }
0x191: {  	s5 =	simm.s32 $0x140;
	v24 =	vld [tilespmem:s4+$0x10AB0]  }
.LBB2_20:
0x192: {  	s7 =	sshra.s32 s5, $0x2;
	p1 =	sne.s32 s5, $0x1F40;
	v28 =	vld [tilespmem:s4+$0x10AC0]  }
0x193: {  	v26 =	vadd.f32 v22, v26;
	v22 =	vld [tilespmem:s7+$0x10200]  }
0x194: {  	v27 =	vadd.f32 v23, v27;
	v23 =	vld [tilespmem:s7+$0x10210]  }
0x195: {  	[tilespmem:s4+$0x10A80] =	vst v26;
	v25 =	vadd.f32 v21, v25;
	v21 =	vld [tilespmem:s7+$0x10220]  }
0x196: {  	[tilespmem:s4+$0x10A90] =	vst v27;
	v24 =	vadd.f32 v20, v24;
	v20 =	vld [tilespmem:s7+$0x10230]  }
.Ltmp11:
0x197: {  	[tilespmem:s4+$0x10AA0] =	vst v25;
	v25 =	vadd.f32 v19, v28;
	v19 =	vld [tilespmem:s7+$0x10240];
	(pc) =	sbr.rel @p1 .LBB2_20-.Ltmp11, $4  }
0x198: {  	v26 =	vld [tilespmem:s7+$0x10A80];
	[tilespmem:s4+$0x10AB0] =	vst v24  }
0x199: {  	v27 =	vld [tilespmem:s7+$0x10A90];
	[tilespmem:s4+$0x10AC0] =	vst v25;
	s4 =	smov.u32 s7  }
0x19a: {  	v25 =	vld [tilespmem:s4+$0x10AA0]  }
0x19b: {  	s5 =	sadd.s32 $0x140, s5;
	v24 =	vld [tilespmem:s4+$0x10AB0]  }
0x19c: {  	v28 =	vld [tilespmem:s4+$0x10AC0]  }
0x19d: {  	v22 =	vadd.f32 v22, v26  }
0x19e: {  	v23 =	vadd.f32 v23, v27  }
0x19f: {  	[tilespmem:s4+$0x10A80] =	vst v22;
	v21 =	vadd.f32 v21, v25  }
0x1a0: {  	[tilespmem:s4+$0x10A90] =	vst v23;
	v20 =	vadd.f32 v20, v24  }
0x1a1: {  	[tilespmem:s4+$0x10AA0] =	vst v21;
	v19 =	vadd.f32 v19, v28  }
0x1a2: {  	[tilespmem:s4+$0x10AB0] =	vst v20  }
0x1a3: {  	[tilespmem:s4+$0x10AC0] =	vst v19  }
0x1a4: {  	[tilespmem:s2], [sflag:$0x2] =	stream.linear.gather [spmem:s9], $0x820, $0x38;
	[tilespmem:$0x1B7C0] =	vst v63  }
0x1a5: {  	_ =	swait.ge [sflag:s1], $0x820  }
0x1a6: {  	[sflag:s1] =	ssyncset.done $0x0  }
0x1a7: {  	s4 =	simm.s32 $0x0;
	[sflag:s1] =	ssyncadd.s32 $0xFFFFF7E0  }
0x1a8: {  	v22 =	vld [tilespmem:s4+$0x10200]  }
0x1a9: {  	v23 =	vld [tilespmem:s4+$0x10210]  }
0x1aa: {  	v21 =	vld [tilespmem:s4+$0x10220]  }
0x1ab: {  	v20 =	vld [tilespmem:s4+$0x10230]  }
0x1ac: {  	v19 =	vld [tilespmem:s4+$0x10240]  }
0x1ad: {  	v26 =	vld [tilespmem:s4+$0x10A80]  }
0x1ae: {  	v27 =	vld [tilespmem:s4+$0x10A90]  }
0x1af: {  	v25 =	vld [tilespmem:s4+$0x10AA0]  }
0x1b0: {  	s5 =	simm.s32 $0x140;
	v24 =	vld [tilespmem:s4+$0x10AB0]  }
.LBB2_22:
0x1b1: {  	s7 =	sshra.s32 s5, $0x2;
	p1 =	sne.s32 s5, $0x1F40;
	v28 =	vld [tilespmem:s4+$0x10AC0]  }
0x1b2: {  	v26 =	vadd.f32 v22, v26;
	v22 =	vld [tilespmem:s7+$0x10200]  }
0x1b3: {  	v27 =	vadd.f32 v23, v27;
	v23 =	vld [tilespmem:s7+$0x10210]  }
0x1b4: {  	[tilespmem:s4+$0x10A80] =	vst v26;
	v25 =	vadd.f32 v21, v25;
	v21 =	vld [tilespmem:s7+$0x10220]  }
0x1b5: {  	[tilespmem:s4+$0x10A90] =	vst v27;
	v24 =	vadd.f32 v20, v24;
	v20 =	vld [tilespmem:s7+$0x10230]  }
.Ltmp12:
0x1b6: {  	[tilespmem:s4+$0x10AA0] =	vst v25;
	v25 =	vadd.f32 v19, v28;
	v19 =	vld [tilespmem:s7+$0x10240];
	(pc) =	sbr.rel @p1 .LBB2_22-.Ltmp12, $4  }
0x1b7: {  	v26 =	vld [tilespmem:s7+$0x10A80];
	[tilespmem:s4+$0x10AB0] =	vst v24  }
0x1b8: {  	v27 =	vld [tilespmem:s7+$0x10A90];
	[tilespmem:s4+$0x10AC0] =	vst v25;
	s4 =	smov.u32 s7  }
0x1b9: {  	v25 =	vld [tilespmem:s4+$0x10AA0]  }
0x1ba: {  	s5 =	sadd.s32 $0x140, s5;
	v24 =	vld [tilespmem:s4+$0x10AB0]  }
0x1bb: {  	v28 =	vld [tilespmem:s4+$0x10AC0]  }
0x1bc: {  	v22 =	vadd.f32 v22, v26  }
0x1bd: {  	v23 =	vadd.f32 v23, v27  }
0x1be: {  	[tilespmem:s4+$0x10A80] =	vst v22;
	v21 =	vadd.f32 v21, v25  }
0x1bf: {  	[tilespmem:s4+$0x10A90] =	vst v23;
	v20 =	vadd.f32 v20, v24  }
0x1c0: {  	[tilespmem:s4+$0x10AA0] =	vst v21;
	v19 =	vadd.f32 v19, v28  }
0x1c1: {  	[tilespmem:s4+$0x10AB0] =	vst v20  }
0x1c2: {  	[tilespmem:s4+$0x10AC0] =	vst v19  }
0x1c3: {  	[tilespmem:s2], [sflag:$0x2] =	stream.linear.gather [spmem:s10], $0x820, $0x38;
	[tilespmem:$0x1B7C0] =	vst v63  }
0x1c4: {  	_ =	swait.ge [sflag:s1], $0x820  }
0x1c5: {  	[sflag:s1] =	ssyncset.done $0x0  }
0x1c6: {  	s4 =	simm.s32 $0x0;
	[sflag:s1] =	ssyncadd.s32 $0xFFFFF7E0  }
0x1c7: {  	v22 =	vld [tilespmem:s4+$0x10200]  }
0x1c8: {  	v23 =	vld [tilespmem:s4+$0x10210]  }
0x1c9: {  	v21 =	vld [tilespmem:s4+$0x10220]  }
0x1ca: {  	v20 =	vld [tilespmem:s4+$0x10230]  }
0x1cb: {  	v19 =	vld [tilespmem:s4+$0x10240]  }
0x1cc: {  	v26 =	vld [tilespmem:s4+$0x10A80]  }
0x1cd: {  	v27 =	vld [tilespmem:s4+$0x10A90]  }
0x1ce: {  	v25 =	vld [tilespmem:s4+$0x10AA0]  }
0x1cf: {  	s5 =	simm.s32 $0x140;
	v24 =	vld [tilespmem:s4+$0x10AB0]  }
.LBB2_24:
0x1d0: {  	s7 =	sshra.s32 s5, $0x2;
	p1 =	sne.s32 s5, $0x1F40;
	v28 =	vld [tilespmem:s4+$0x10AC0]  }
0x1d1: {  	v26 =	vadd.f32 v22, v26;
	v22 =	vld [tilespmem:s7+$0x10200]  }
0x1d2: {  	v27 =	vadd.f32 v23, v27;
	v23 =	vld [tilespmem:s7+$0x10210]  }
0x1d3: {  	[tilespmem:s4+$0x10A80] =	vst v26;
	v25 =	vadd.f32 v21, v25;
	v21 =	vld [tilespmem:s7+$0x10220]  }
0x1d4: {  	[tilespmem:s4+$0x10A90] =	vst v27;
	v24 =	vadd.f32 v20, v24;
	v20 =	vld [tilespmem:s7+$0x10230]  }
.Ltmp13:
0x1d5: {  	[tilespmem:s4+$0x10AA0] =	vst v25;
	v25 =	vadd.f32 v19, v28;
	v19 =	vld [tilespmem:s7+$0x10240];
	(pc) =	sbr.rel @p1 .LBB2_24-.Ltmp13, $4  }
0x1d6: {  	v26 =	vld [tilespmem:s7+$0x10A80];
	[tilespmem:s4+$0x10AB0] =	vst v24  }
0x1d7: {  	v27 =	vld [tilespmem:s7+$0x10A90];
	[tilespmem:s4+$0x10AC0] =	vst v25;
	s4 =	smov.u32 s7  }
0x1d8: {  	v25 =	vld [tilespmem:s4+$0x10AA0]  }
0x1d9: {  	s5 =	sadd.s32 $0x140, s5;
	v24 =	vld [tilespmem:s4+$0x10AB0]  }
0x1da: {  	v28 =	vld [tilespmem:s4+$0x10AC0]  }
0x1db: {  	v22 =	vadd.f32 v22, v26  }
0x1dc: {  	v23 =	vadd.f32 v23, v27  }
0x1dd: {  	[tilespmem:s4+$0x10A80] =	vst v22;
	v21 =	vadd.f32 v21, v25  }
0x1de: {  	[tilespmem:s4+$0x10A90] =	vst v23;
	v20 =	vadd.f32 v20, v24  }
0x1df: {  	[tilespmem:s4+$0x10AA0] =	vst v21;
	v19 =	vadd.f32 v19, v28  }
0x1e0: {  	[tilespmem:s4+$0x10AB0] =	vst v20  }
0x1e1: {  	[tilespmem:s4+$0x10AC0] =	vst v19  }
0x1e2: {  	[tilespmem:s2], [sflag:$0x2] =	stream.linear.gather [spmem:s11], $0x820, $0x38;
	[tilespmem:$0x1B7C0] =	vst v63  }
0x1e3: {  	_ =	swait.ge [sflag:s1], $0x820  }
0x1e4: {  	[sflag:s1] =	ssyncset.done $0x0  }
0x1e5: {  	s4 =	simm.s32 $0x0;
	[sflag:s1] =	ssyncadd.s32 $0xFFFFF7E0  }
0x1e6: {  	v22 =	vld [tilespmem:s4+$0x10200]  }
0x1e7: {  	v23 =	vld [tilespmem:s4+$0x10210]  }
0x1e8: {  	v21 =	vld [tilespmem:s4+$0x10220]  }
0x1e9: {  	v20 =	vld [tilespmem:s4+$0x10230]  }
0x1ea: {  	v19 =	vld [tilespmem:s4+$0x10240]  }
0x1eb: {  	v26 =	vld [tilespmem:s4+$0x10A80]  }
0x1ec: {  	v27 =	vld [tilespmem:s4+$0x10A90]  }
0x1ed: {  	v25 =	vld [tilespmem:s4+$0x10AA0]  }
0x1ee: {  	s5 =	simm.s32 $0x140;
	v24 =	vld [tilespmem:s4+$0x10AB0]  }
.LBB2_26:
0x1ef: {  	s7 =	sshra.s32 s5, $0x2;
	p1 =	sne.s32 s5, $0x1F40;
	v28 =	vld [tilespmem:s4+$0x10AC0]  }
0x1f0: {  	v26 =	vadd.f32 v22, v26;
	v22 =	vld [tilespmem:s7+$0x10200]  }
0x1f1: {  	v27 =	vadd.f32 v23, v27;
	v23 =	vld [tilespmem:s7+$0x10210]  }
0x1f2: {  	[tilespmem:s4+$0x10A80] =	vst v26;
	v25 =	vadd.f32 v21, v25;
	v21 =	vld [tilespmem:s7+$0x10220]  }
0x1f3: {  	[tilespmem:s4+$0x10A90] =	vst v27;
	v24 =	vadd.f32 v20, v24;
	v20 =	vld [tilespmem:s7+$0x10230]  }
.Ltmp14:
0x1f4: {  	[tilespmem:s4+$0x10AA0] =	vst v25;
	v25 =	vadd.f32 v19, v28;
	v19 =	vld [tilespmem:s7+$0x10240];
	(pc) =	sbr.rel @p1 .LBB2_26-.Ltmp14, $4  }
0x1f5: {  	v26 =	vld [tilespmem:s7+$0x10A80];
	[tilespmem:s4+$0x10AB0] =	vst v24  }
0x1f6: {  	v27 =	vld [tilespmem:s7+$0x10A90];
	[tilespmem:s4+$0x10AC0] =	vst v25;
	s4 =	smov.u32 s7  }
0x1f7: {  	v25 =	vld [tilespmem:s4+$0x10AA0]  }
0x1f8: {  	s5 =	sadd.s32 $0x140, s5;
	v24 =	vld [tilespmem:s4+$0x10AB0]  }
0x1f9: {  	v28 =	vld [tilespmem:s4+$0x10AC0]  }
0x1fa: {  	v22 =	vadd.f32 v22, v26  }
0x1fb: {  	v23 =	vadd.f32 v23, v27  }
0x1fc: {  	[tilespmem:s4+$0x10A80] =	vst v22;
	v21 =	vadd.f32 v21, v25  }
0x1fd: {  	[tilespmem:s4+$0x10A90] =	vst v23;
	v20 =	vadd.f32 v20, v24  }
0x1fe: {  	[tilespmem:s4+$0x10AA0] =	vst v21;
	v19 =	vadd.f32 v19, v28  }
0x1ff: {  	[tilespmem:s4+$0x10AB0] =	vst v20  }
0x200: {  	[tilespmem:s4+$0x10AC0] =	vst v19  }
0x201: {  	[tilespmem:s2], [sflag:$0x2] =	stream.linear.gather [spmem:s12], $0x820, $0x38;
	[tilespmem:$0x1B7C0] =	vst v63  }
0x202: {  	_ =	swait.ge [sflag:s1], $0x820  }
0x203: {  	[sflag:s1] =	ssyncset.done $0x0  }
0x204: {  	s4 =	simm.s32 $0x0;
	[sflag:s1] =	ssyncadd.s32 $0xFFFFF7E0  }
0x205: {  	v22 =	vld [tilespmem:s4+$0x10200]  }
0x206: {  	v23 =	vld [tilespmem:s4+$0x10210]  }
0x207: {  	v21 =	vld [tilespmem:s4+$0x10220]  }
0x208: {  	v20 =	vld [tilespmem:s4+$0x10230]  }
0x209: {  	v19 =	vld [tilespmem:s4+$0x10240]  }
0x20a: {  	v26 =	vld [tilespmem:s4+$0x10A80]  }
0x20b: {  	v27 =	vld [tilespmem:s4+$0x10A90]  }
0x20c: {  	v25 =	vld [tilespmem:s4+$0x10AA0]  }
0x20d: {  	s5 =	simm.s32 $0x140;
	v24 =	vld [tilespmem:s4+$0x10AB0]  }
.LBB2_28:
0x20e: {  	s7 =	sshra.s32 s5, $0x2;
	p1 =	sne.s32 s5, $0x1F40;
	v28 =	vld [tilespmem:s4+$0x10AC0]  }
0x20f: {  	v26 =	vadd.f32 v22, v26;
	v22 =	vld [tilespmem:s7+$0x10200]  }
0x210: {  	v27 =	vadd.f32 v23, v27;
	v23 =	vld [tilespmem:s7+$0x10210]  }
0x211: {  	[tilespmem:s4+$0x10A80] =	vst v26;
	v25 =	vadd.f32 v21, v25;
	v21 =	vld [tilespmem:s7+$0x10220]  }
0x212: {  	[tilespmem:s4+$0x10A90] =	vst v27;
	v24 =	vadd.f32 v20, v24;
	v20 =	vld [tilespmem:s7+$0x10230]  }
.Ltmp15:
0x213: {  	[tilespmem:s4+$0x10AA0] =	vst v25;
	v25 =	vadd.f32 v19, v28;
	v19 =	vld [tilespmem:s7+$0x10240];
	(pc) =	sbr.rel @p1 .LBB2_28-.Ltmp15, $4  }
0x214: {  	v26 =	vld [tilespmem:s7+$0x10A80];
	[tilespmem:s4+$0x10AB0] =	vst v24  }
0x215: {  	v27 =	vld [tilespmem:s7+$0x10A90];
	[tilespmem:s4+$0x10AC0] =	vst v25;
	s4 =	smov.u32 s7  }
0x216: {  	v25 =	vld [tilespmem:s4+$0x10AA0]  }
0x217: {  	s5 =	sadd.s32 $0x140, s5;
	v24 =	vld [tilespmem:s4+$0x10AB0]  }
0x218: {  	v28 =	vld [tilespmem:s4+$0x10AC0]  }
0x219: {  	v22 =	vadd.f32 v22, v26  }
0x21a: {  	v23 =	vadd.f32 v23, v27  }
0x21b: {  	[tilespmem:s4+$0x10A80] =	vst v22;
	v21 =	vadd.f32 v21, v25  }
0x21c: {  	[tilespmem:s4+$0x10A90] =	vst v23;
	v20 =	vadd.f32 v20, v24  }
0x21d: {  	[tilespmem:s4+$0x10AA0] =	vst v21;
	v19 =	vadd.f32 v19, v28  }
0x21e: {  	[tilespmem:s4+$0x10AB0] =	vst v20  }
0x21f: {  	[tilespmem:s4+$0x10AC0] =	vst v19  }
0x220: {  	[tilespmem:s2], [sflag:$0x2] =	stream.linear.gather [spmem:s14], $0x820, $0x38;
	[tilespmem:$0x1B7C0] =	vst v63  }
0x221: {  	_ =	swait.ge [sflag:s1], $0x820  }
0x222: {  	[sflag:s1] =	ssyncset.done $0x0  }
0x223: {  	s4 =	simm.s32 $0x0;
	[sflag:s1] =	ssyncadd.s32 $0xFFFFF7E0  }
0x224: {  	v22 =	vld [tilespmem:s4+$0x10200]  }
0x225: {  	v23 =	vld [tilespmem:s4+$0x10210]  }
0x226: {  	v21 =	vld [tilespmem:s4+$0x10220]  }
0x227: {  	v20 =	vld [tilespmem:s4+$0x10230]  }
0x228: {  	v19 =	vld [tilespmem:s4+$0x10240]  }
0x229: {  	v26 =	vld [tilespmem:s4+$0x10A80]  }
0x22a: {  	v27 =	vld [tilespmem:s4+$0x10A90]  }
0x22b: {  	v25 =	vld [tilespmem:s4+$0x10AA0]  }
0x22c: {  	s5 =	simm.s32 $0x140;
	v24 =	vld [tilespmem:s4+$0x10AB0]  }
.LBB2_30:
0x22d: {  	s7 =	sshra.s32 s5, $0x2;
	p1 =	sne.s32 s5, $0x1F40;
	v28 =	vld [tilespmem:s4+$0x10AC0]  }
0x22e: {  	v26 =	vadd.f32 v22, v26;
	v22 =	vld [tilespmem:s7+$0x10200]  }
0x22f: {  	v27 =	vadd.f32 v23, v27;
	v23 =	vld [tilespmem:s7+$0x10210]  }
0x230: {  	[tilespmem:s4+$0x10A80] =	vst v26;
	v25 =	vadd.f32 v21, v25;
	v21 =	vld [tilespmem:s7+$0x10220]  }
0x231: {  	[tilespmem:s4+$0x10A90] =	vst v27;
	v24 =	vadd.f32 v20, v24;
	v20 =	vld [tilespmem:s7+$0x10230]  }
.Ltmp16:
0x232: {  	[tilespmem:s4+$0x10AA0] =	vst v25;
	v25 =	vadd.f32 v19, v28;
	v19 =	vld [tilespmem:s7+$0x10240];
	(pc) =	sbr.rel @p1 .LBB2_30-.Ltmp16, $4  }
0x233: {  	v26 =	vld [tilespmem:s7+$0x10A80];
	[tilespmem:s4+$0x10AB0] =	vst v24  }
0x234: {  	v27 =	vld [tilespmem:s7+$0x10A90];
	[tilespmem:s4+$0x10AC0] =	vst v25;
	s4 =	smov.u32 s7  }
0x235: {  	v25 =	vld [tilespmem:s4+$0x10AA0]  }
0x236: {  	s5 =	sadd.s32 $0x140, s5;
	v24 =	vld [tilespmem:s4+$0x10AB0]  }
0x237: {  	v28 =	vld [tilespmem:s4+$0x10AC0]  }
0x238: {  	v22 =	vadd.f32 v22, v26  }
0x239: {  	v23 =	vadd.f32 v23, v27  }
0x23a: {  	[tilespmem:s4+$0x10A80] =	vst v22;
	v21 =	vadd.f32 v21, v25  }
0x23b: {  	[tilespmem:s4+$0x10A90] =	vst v23;
	v20 =	vadd.f32 v20, v24  }
0x23c: {  	[tilespmem:s4+$0x10AA0] =	vst v21;
	v19 =	vadd.f32 v19, v28  }
0x23d: {  	[tilespmem:s4+$0x10AB0] =	vst v20  }
0x23e: {  	[tilespmem:s4+$0x10AC0] =	vst v19  }
0x23f: {  	[tilespmem:s2], [sflag:$0x2] =	stream.linear.gather [spmem:s16], $0x820, $0x38;
	[tilespmem:$0x1B7C0] =	vst v63  }
0x240: {  	_ =	swait.ge [sflag:s1], $0x820  }
0x241: {  	[sflag:s1] =	ssyncset.done $0x0  }
0x242: {  	s4 =	simm.s32 $0x0;
	[sflag:s1] =	ssyncadd.s32 $0xFFFFF7E0  }
0x243: {  	v22 =	vld [tilespmem:s4+$0x10200]  }
0x244: {  	v23 =	vld [tilespmem:s4+$0x10210]  }
0x245: {  	v21 =	vld [tilespmem:s4+$0x10220]  }
0x246: {  	v20 =	vld [tilespmem:s4+$0x10230]  }
0x247: {  	v19 =	vld [tilespmem:s4+$0x10240]  }
0x248: {  	v26 =	vld [tilespmem:s4+$0x10A80]  }
0x249: {  	v27 =	vld [tilespmem:s4+$0x10A90]  }
0x24a: {  	v25 =	vld [tilespmem:s4+$0x10AA0]  }
0x24b: {  	s5 =	simm.s32 $0x140;
	v24 =	vld [tilespmem:s4+$0x10AB0]  }
.LBB2_32:
0x24c: {  	s7 =	sshra.s32 s5, $0x2;
	p1 =	sne.s32 s5, $0x1F40;
	v28 =	vld [tilespmem:s4+$0x10AC0]  }
0x24d: {  	v26 =	vadd.f32 v22, v26;
	v22 =	vld [tilespmem:s7+$0x10200]  }
0x24e: {  	v27 =	vadd.f32 v23, v27;
	v23 =	vld [tilespmem:s7+$0x10210]  }
0x24f: {  	[tilespmem:s4+$0x10A80] =	vst v26;
	v25 =	vadd.f32 v21, v25;
	v21 =	vld [tilespmem:s7+$0x10220]  }
0x250: {  	[tilespmem:s4+$0x10A90] =	vst v27;
	v24 =	vadd.f32 v20, v24;
	v20 =	vld [tilespmem:s7+$0x10230]  }
.Ltmp17:
0x251: {  	[tilespmem:s4+$0x10AA0] =	vst v25;
	v25 =	vadd.f32 v19, v28;
	v19 =	vld [tilespmem:s7+$0x10240];
	(pc) =	sbr.rel @p1 .LBB2_32-.Ltmp17, $4  }
0x252: {  	v26 =	vld [tilespmem:s7+$0x10A80];
	[tilespmem:s4+$0x10AB0] =	vst v24  }
0x253: {  	v27 =	vld [tilespmem:s7+$0x10A90];
	[tilespmem:s4+$0x10AC0] =	vst v25;
	s4 =	smov.u32 s7  }
0x254: {  	v25 =	vld [tilespmem:s4+$0x10AA0]  }
0x255: {  	s5 =	sadd.s32 $0x140, s5;
	v24 =	vld [tilespmem:s4+$0x10AB0]  }
0x256: {  	v28 =	vld [tilespmem:s4+$0x10AC0]  }
0x257: {  	v22 =	vadd.f32 v22, v26  }
0x258: {  	v23 =	vadd.f32 v23, v27  }
0x259: {  	[tilespmem:s4+$0x10A80] =	vst v22;
	v21 =	vadd.f32 v21, v25  }
0x25a: {  	[tilespmem:s4+$0x10A90] =	vst v23;
	v20 =	vadd.f32 v20, v24  }
0x25b: {  	[tilespmem:s4+$0x10AA0] =	vst v21;
	v19 =	vadd.f32 v19, v28  }
0x25c: {  	[tilespmem:s4+$0x10AB0] =	vst v20  }
0x25d: {  	s2 =	simm.s32 $0x10A80;
	[tilespmem:s4+$0x10AC0] =	vst v19  }
0x25e: {  	[spmem:s21] =	stream.linear.scatter [tilespmem:s2], [sflag:$0x2], $0x820, $0x38;
	[tilespmem:$0x1B7C0] =	vst v63  }
.Ltmp18:
0x25f: {  	_ =	swait.ge [sflag:s1], $0x820;
	(pc) =	sbr.rel @p0 .LBB2_45-.Ltmp18, $3  }
0x260: {  	[sflag:s1] =	ssyncset.done $0x0  }
0x261: {  	[sflag:s1] =	ssyncadd.s32 $0xFFFFF7E0  }
0x262: {  	[bflag:$0x0] =	sbarrier.arrive $0xFFFF;
	_ =	sdelay $0x1  }
0x263: {  	s4 =	rddreg [dreg:$0x6]  }
0x264: {  	[tilespmem:s0], [sflag:$0x2] =	stream.linear.gather [spmem:s4], $0x8200, $0x38;
	[tilespmem:$0x1B7C0] =	vst v63  }
0x265: {  	_ =	swait.ge [sflag:s1], $0x8200  }
0x266: {  	[sflag:s1] =	ssyncset.done $0x0  }
0x267: {  	[sflag:s1] =	ssyncadd.s32 $0xFFFF7E00  }
0x268: {  	[tilespmem:$0x11300] =	vst v4  }
0x269: {  	[tilespmem:$0x11310] =	vst v4  }
0x26a: {  	[tilespmem:$0x11320] =	vst v4  }
0x26b: {  	[tilespmem:$0x11330] =	vst v4  }
0x26c: {  	[tilespmem:$0x11340] =	vst v4  }
0x26d: {  	[tilespmem:$0x11350] =	vst v4  }
0x26e: {  	[tilespmem:$0x11360] =	vst v4  }
0x26f: {  	[tilespmem:$0x11370] =	vst v4  }
0x270: {  	[tilespmem:$0x11380] =	vst v4  }
0x271: {  	[tilespmem:$0x11500] =	vst v8  }
0x272: {  	[tilespmem:$0x11510] =	vst v8  }
0x273: {  	[tilespmem:$0x11520] =	vst v8  }
0x274: {  	[tilespmem:$0x11530] =	vst v8  }
0x275: {  	[tilespmem:$0x11540] =	vst v8  }
0x276: {  	[tilespmem:$0x11550] =	vst v8  }
0x277: {  	[tilespmem:$0x11560] =	vst v8  }
0x278: {  	[tilespmem:$0x11570] =	vst v8  }
0x279: {  	[tilespmem:$0x11580] =	vst v8  }
0x27a: {  	[tilespmem:$0x11590] =	vst v8  }
0x27b: {  	[tilespmem:$0x115A0] =	vst v8  }
0x27c: {  	[tilespmem:$0x115B0] =	vst v8  }
0x27d: {  	[tilespmem:$0x115C0] =	vst v8  }
0x27e: {  	[tilespmem:$0x115D0] =	vst v8  }
0x27f: {  	[tilespmem:$0x115E0] =	vst v8  }
0x280: {  	[tilespmem:$0x115F0] =	vst v8  }
0x281: {  	[tilespmem:$0x11600] =	vst v8  }
0x282: {  	[tilespmem:$0x11610] =	vst v8  }
0x283: {  	[tilespmem:$0x11620] =	vst v8  }
0x284: {  	[tilespmem:$0x11630] =	vst v8  }
0x285: {  	[tilespmem:$0x11640] =	vst v8  }
0x286: {  	[tilespmem:$0x11650] =	vst v8  }
0x287: {  	[tilespmem:$0x11660] =	vst v8  }
0x288: {  	[tilespmem:$0x11670] =	vst v8  }
0x289: {  	[tilespmem:$0x11680] =	vst v8  }
0x28a: {  	[tilespmem:$0x11690] =	vst v8  }
0x28b: {  	[tilespmem:$0x116A0] =	vst v8  }
0x28c: {  	[tilespmem:$0x116B0] =	vst v8  }
0x28d: {  	[tilespmem:$0x116C0] =	vst v8  }
0x28e: {  	[tilespmem:$0x116D0] =	vst v8  }
0x28f: {  	s4 =	simm.s32 $0x0;
	[tilespmem:$0x116E0] =	vst v8  }
0x290: {  	s5 =	simm.s32 $0x10;
	s7 =	sand.u32 $0x1F0, s4;
	[tilespmem:$0x116F0] =	vst v8  }
.LBB2_35:
0x291: {  	p1 =	sne.s32 s5, $0x1F0;
	[tilespmem:s7+$0x15F80] =	vst v2;
	s7 =	smov.u32 s5;
	s5 =	sadd.s32 $0x10, s5  }
.Ltmp19:
0x292: {  	(pc) =	sbr.rel @p1 .LBB2_35-.Ltmp19, $2  }
0x293: {  	_ =	sdelay $0x2  }
0x294: {  	s7 =	sand.u32 $0x1F0, s7  }
0x295: {  	[tilespmem:s7+$0x15F80] =	vst v2  }
.LBB2_37:
0x296: {  	p1 =	sne.s32 s4, $0x1F0  }
.Ltmp20:
0x297: {  	_ = 	snop;
	(pc) =	sbr.rel @p1 .LBB2_37-.Ltmp20, $3  }
0x298: {  	_ =	sdelay $0x1  }
0x299: {  	s5 =	sand.u32 $0x1F0, s4  }
0x29a: {  	s4 =	sadd.s32 $0x10, s4;
	[tilespmem:s5+$0x16180] =	vst v2  }
0x29b: {  	s4 =	simm.s32 $0x0  }
.LBB2_39:
0x29c: {  	p1 =	sne.s32 s4, $0x1F0  }
.Ltmp21:
0x29d: {  	_ = 	snop;
	(pc) =	sbr.rel @p1 .LBB2_39-.Ltmp21, $3  }
0x29e: {  	_ =	sdelay $0x1  }
0x29f: {  	s5 =	sand.u32 $0x1F0, s4  }
0x2a0: {  	s4 =	sadd.s32 $0x10, s4;
	[tilespmem:s5+$0x16380] =	vst v2  }
0x2a1: {  	s4 =	simm.s32 $0x10;
	s5 =	simm.s32 $0x8010  }
.LBB2_41:
0x2a2: {  	v19 =	vld [tilespmem:s5+$0xFFFFFFF0];
	_ =	sdelay $0x4  }
0x2a3: {  	v19 =	vtrunc.f32 v19  }
0x2a4: {  	s7 =	sadd.s32 $0xFFFFFFF0, s4;
	v19 =	vcvt.f32.s32 v19  }
0x2a5: {  	v20 =	vmov s7  }
0x2a6: {  	vm15 =	vlt.u32 v20, v5;
	vm14 =	vlt.s32 v19, $0x80  }
0x2a7: {  	v19 =	vnsel vm14, $0x80, v19;
	_ =	sdelay $0x4  }
0x2a8: {  	[tilespmem:v19+s28+$0x0] =	vst.idx.add.s32.msk vm15, v14  }
0x2a9: {  	v19 =	vld [tilespmem:s5+$0x0];
	_ =	sdelay $0x4  }
0x2aa: {  	v19 =	vtrunc.f32 v19  }
0x2ab: {  	v19 =	vcvt.f32.s32 v19  }
0x2ac: {  	v20 =	vmov s4  }
0x2ad: {  	vm15 =	vlt.u32 v20, v5;
	vm14 =	vlt.s32 v19, $0x80  }
0x2ae: {  	p1 =	sne.s32 s4, $0x19F0;
	v19 =	vnsel vm14, $0x80, v19  }
.Ltmp22:
0x2af: {  	_ = 	snop;
	(pc) =	sbr.rel @p1 .LBB2_41-.Ltmp22, $2  }
0x2b0: {  	_ =	sdelay $0x2  }
0x2b1: {  	s4 =	sadd.s32 $0x20, s4;
	s5 =	sadd.s32 $0x20, s5;
	[tilespmem:v19+s28+$0x0] =	vst.idx.add.s32.msk vm15, v14  }
0x2b2: {  	v19 =	vld [tilespmem:$0x11380];
	_ =	sdelay $0x1  }
0x2b3: {  	v20 =	vld [tilespmem:$0x11370];
	_ =	sdelay $0x1  }
0x2b4: {  	v21 =	vld [tilespmem:$0x11360]  }
0x2b5: {  	v22 =	vperm.xlane v19, v6  }
0x2b6: {  	v23 =	vld [tilespmem:$0x11350]  }
0x2b7: {  	(xrf0) =	vadd.scan.msk.s32 $0xffff, v22;
	v22 =	vperm.xlane v20, v6  }
0x2b8: {  	(xrf0) =	vadd.scan.msk.s32 $0xffff, v19;
	v19 =	vld [tilespmem:$0x11340]  }
0x2b9: {  	(xrf0) =	vadd.scan.msk.s32 $0xffff, v22;
	v22 =	vperm.xlane v21, v6  }
0x2ba: {  	(xrf0) =	vadd.scan.msk.s32 $0xffff, v20  }
0x2bb: {  	v20 =	vld [tilespmem:$0x11330];
	(xrf0) =	vadd.scan.msk.s32 $0xffff, v22;
	v22 =	vperm.xlane v23, v6  }
0x2bc: {  	(xrf0) =	vadd.scan.msk.s32 $0xffff, v21  }
0x2bd: {  	v21 =	vld [tilespmem:$0x11320];
	v28, _, _ =	vpop (xrf0);
	(xrf0) =	vadd.scan.msk.s32 $0xffff, v22;
	v22 =	vperm.xlane v19, v6  }
0x2be: {  	v25, _, _ =	vpop (xrf0);
	(xrf0) =	vadd.scan.msk.s32 $0xffff, v23  }
0x2bf: {  	v23 =	vld [tilespmem:$0x11310];
	v29, _, _ =	vpop (xrf0);
	(xrf0) =	vadd.scan.msk.s32 $0xffff, v22  }
0x2c0: {  	v22 =	vperm.xlane v20, v6;
	v24, _, _ =	vpop (xrf0);
	(xrf0) =	vadd.scan.msk.s32 $0xffff, v19;
	v19 =	vld [tilespmem:$0x11300];
	_ =	sdelay $0x1  }
0x2c1: {  	v26, _, _ =	vpop (xrf0);
	(xrf0) =	vadd.scan.msk.s32 $0xffff, v22;
	v22 =	vperm.xlane v21, v6  }
0x2c2: {  	v27, _, _ =	vpop (xrf0);
	(xrf0) =	vadd.scan.msk.s32 $0xffff, v20  }
0x2c3: {  	v20, _, _ =	vpop (xrf0);
	(xrf0) =	vadd.scan.msk.s32 $0xffff, v22;
	v22 =	vperm.xlane v23, v6  }
0x2c4: {  	v30, _, _ =	vpop (xrf0);
	(xrf0) =	vadd.scan.msk.s32 $0xffff, v21;
	v19 =	vperm.xlane v19, v6  }
0x2c5: {  	v31, _, _ =	vpop (xrf0);
	(xrf0) =	vadd.scan.msk.s32 $0xffff, v22  }
0x2c6: {  	v21, _, _ =	vpop (xrf0);
	(xrf0) =	vadd.scan.msk.s32 $0xffff, v23  }
0x2c7: {  	v32 =	vadd.s32 v25, v24;
	v22, _, _ =	vpop (xrf0);
	(xrf0) =	vadd.scan.msk.s32 $0xffff, v19  }
0x2c8: {  	v27 =	vadd.s32 v32, v27;
	v19, _, _ =	vpop (xrf0)  }
0x2c9: {  	v30 =	vadd.s32 v27, v30;
	v23, _, _ =	vpop (xrf0)  }
0x2ca: {  	v21 =	vadd.s32 v30, v21;
	v24, _, _ =	vpop (xrf0)  }
0x2cb: {  	v19 =	vadd.s32 v21, v19;
	v33, _, _ =	vpop (xrf0)  }
0x2cc: {  	v24 =	vadd.s32 v19, v24;
	v34, _, _ =	vpop (xrf0)  }
0x2cd: {  	v34 =	vadd.s32 v24, v34;
	v35, _, _ =	vpop (xrf0)  }
0x2ce: {  	v34 =	vbroadcast v34, $0xF;
	v35 =	vperm.xlane v35, v6  }
0x2cf: {  	v36 =	vbroadcast v24, $0xF;
	v33 =	vperm.xlane v33, v6  }
0x2d0: {  	v62 =	vperm.xlane v22, v6;
	v61 =	vperm.xlane v23, v6;
	v24 =	vadd.s32 v34, v35  }
0x2d1: {  	v19 =	vbroadcast v19, $0xF;
	v23 =	vadd.s32 v36, v33;
	vm14 =	vgt.s32 v24, $0x1FF  }
0x2d2: {  	v21 =	vbroadcast v21, $0xF;
	v63 =	vnsel vm14, $0x7FFFFFFF, v7;
	vm14 =	vgt.s32 v23, $0x1FF  }
0x2d3: {  	v22 =	vadd.s32 v19, v61;
	(xrf0) =	vmax.scan.msk.u32 $0xffff, v63;
	v19 =	vnsel vm14, $0x7FFFFFFF, v9  }
0x2d4: {  	v26 =	vperm.xlane v26, v6;
	v21 =	vadd.s32 v21, v62;
	vm14 =	vgt.s32 v22, $0x1FF;
	(xrf0) =	vmax.scan.msk.u32 $0xffff, v19  }
0x2d5: {  	v19 =	vbroadcast v30, $0xF;
	v30 =	vperm.xlane v31, v6;
	v31 =	vnsel vm14, $0x7FFFFFFF, v10  }
0x2d6: {  	v32 =	vbroadcast v32, $0xF;
	v20 =	vperm.xlane v20, v6;
	vm14 =	vgt.s32 v21, $0x1FF;
	(xrf0) =	vmax.scan.msk.u32 $0xffff, v31  }
0x2d7: {  	v31 =	vbroadcast v27, $0xF;
	v27 =	vadd.s32 v19, v30;
	v19 =	vnsel vm14, $0x7FFFFFFF, v11  }
0x2d8: {  	(xrf0) =	vmax.scan.msk.u32 $0xffff, v19;
	vm14 =	vgt.s32 v27, $0x1FF  }
0x2d9: {  	v19 =	vadd.s32 v32, v26;
	v26 =	vadd.s32 v31, v20;
	v20 =	vnsel vm14, $0x7FFFFFFF, v12;
	v30, _, _ =	vpop (xrf0)  }
0x2da: {  	v25 =	vbroadcast v25, $0xF;
	vm14 =	vgt.s32 v26, $0x1FF;
	(xrf0) =	vmax.scan.msk.u32 $0xffff, v20;
	(v2sf) =	vpush v30, $0xF;
	v30, _, _ =	vpop (xrf0)  }
0x2db: {  	v20 =	vperm.xlane v29, v6;
	v29 =	vnsel vm14, $0x7FFFFFFF, v13;
	(v2sf) =	vpush v30, $0xF  }
0x2dc: {  	vm14 =	vgt.s32 v19, $0x1FF;
	(xrf0) =	vmax.scan.msk.u32 $0xffff, v29;
	v30, _, _ =	vpop (xrf0)  }
0x2dd: {  	v29 =	vnsel vm14, $0x7FFFFFFF, v15;
	v25 =	vadd.s32 v25, v20;
	(v2sf) =	vpush v30, $0xF  }
0x2de: {  	v20 =	vperm.xlane v28, v6;
	(xrf0) =	vmax.scan.msk.u32 $0xffff, v29;
	vm14 =	vgt.s32 v25, $0x1FF;
	v28, _, _ =	vpop (xrf0)  }
0x2df: {  	(v2sf) =	vpush v28, $0xF;
	v28 =	vnsel vm14, $0x7FFFFFFF, v16  }
0x2e0: {  	vm14 =	vgt.s32 v20, $0x1FF;
	v29, _, _ =	vpop (xrf0);
	(xrf0) =	vmax.scan.msk.u32 $0xffff, v28  }
0x2e1: {  	v28 =	vnsel vm14, $0x7FFFFFFF, v17;
	(v2sf) =	vpush v29, $0xF  }
0x2e2: {  	v29, _, _ =	vpop (xrf0);
	(xrf0) =	vmax.scan.msk.u32 $0xffff, v28  }
0x2e3: {  	(v2sf) =	vpush v29, $0xF  }
0x2e4: {  	v28, _, _ =	vpop (xrf0)  }
0x2e5: {  	(v2sf) =	vpush v28, $0xF  }
0x2e6: {  	v28, _, _ =	vpop (xrf0)  }
0x2e7: {  	(v2sf) =	vpush v28, $0xF  }
0x2e8: {  	v28, _, _ =	vpop (xrf0)  }
0x2e9: {  	s4 =	spop (v2sf);
	(v2sf) =	vpush v28, $0xF  }
0x2ea: {  	s5 =	spop (v2sf)  }
0x2eb: {  	s4 =	sxor.u32 $0x80000000, s4;
	s5 =	sxor.u32 $0x80000000, s5  }
0x2ec: {  	s7 =	spop (v2sf);
	p1 =	sgt.s32 s4, s5  }
0x2ed: {  	s5 =	smov.u32 @p1 s4;
	s4 =	sxor.u32 $0x80000000, s7  }
0x2ee: {  	s2 =	spop (v2sf);
	p1 =	sgt.s32 s5, s4  }
0x2ef: {  	s4 =	smov.u32 @p1 s5;
	s5 =	sxor.u32 $0x80000000, s2  }
0x2f0: {  	s17 =	spop (v2sf);
	p1 =	sgt.s32 s4, s5  }
0x2f1: {  	s5 =	smov.u32 @p1 s4;
	s4 =	sxor.u32 $0x80000000, s17  }
0x2f2: {  	s2 =	spop (v2sf);
	p1 =	sgt.s32 s5, s4  }
0x2f3: {  	s4 =	smov.u32 @p1 s5;
	s5 =	sxor.u32 $0x80000000, s2  }
0x2f4: {  	s17 =	spop (v2sf);
	p1 =	sgt.s32 s4, s5  }
0x2f5: {  	s5 =	smov.u32 @p1 s4;
	s4 =	sxor.u32 $0x80000000, s17  }
0x2f6: {  	[tilespmem:$0x11430] =	vst v21;
	s2 =	spop (v2sf);
	p1 =	sgt.s32 s5, s4  }
0x2f7: {  	[tilespmem:$0x11420] =	vst v22;
	s4 =	smov.u32 @p1 s5;
	s5 =	sxor.u32 $0x80000000, s2  }
0x2f8: {  	[tilespmem:$0x11410] =	vst v23;
	p1 =	sgt.s32 s4, s5;
	s17 =	spop (v2sf)  }
0x2f9: {  	[tilespmem:$0x11400] =	vst v24;
	s5 =	smov.u32 @p1 s4;
	s4 =	sxor.u32 $0x80000000, s17  }
0x2fa: {  	[tilespmem:$0x11440] =	vst v27;
	p1 =	sgt.s32 s5, s4  }
0x2fb: {  	[tilespmem:$0x11460] =	vst v19;
	s4 =	smov.u32 @p1 s5  }
0x2fc: {  	[tilespmem:$0x11450] =	vst v26;
	s5 =	sshra.s32 s4, $0x1F  }
0x2fd: {  	[tilespmem:$0x11470] =	vst v25;
	s4 =	sor.u32 s5, s4  }
0x2fe: {  	v30 =	vimm.s32 $0x0;
	[tilespmem:$0x11480] =	vst v20;
	v29 =	vimm.s32 $0x0;
	s7 =	simm.s32 $0x8010;
	s5 =	simm.s32 $0x10;
	v28 =	vmov s4  }
.LBB2_43:
0x2ff: {  	v31 =	vld [tilespmem:s7+$0xFFFFFFF0];
	_ =	sdelay $0x4  }
0x300: {  	v31 =	vtrunc.f32 v31  }
0x301: {  	s17 =	sadd.s32 $0xFFFFFFF0, s5;
	v31 =	vcvt.f32.s32 v31  }
0x302: {  	v32 =	vor.u32 s17, v0  }
0x303: {  	vm15 =	vlt.u32 v32, $0x19A1;
	vm14 =	vlt.s32 v28, v31  }
0x304: {  	vm0 =	veq.s32 v28, v31;
	vm14 =	vmand vm15, vm14  }
0x305: {  	vm0 =	vmand vm15, vm0;
	v33 =	vsel vm14, $0x1, v4  }
0x306: {  	v52 =	vsel vm0, $0x1, v4;
	(xrf0) =	vadd.scan.msk.s32 $0xffff, v33  }
0x307: {  	(xrf0) =	vadd.scan.msk.s32 $0xffff, v52;
	_ =	sdelay $0x4  }
0x308: {  	v53, _, _ =	vpop (xrf0)  }
0x309: {  	v33 =	vadd.s32 v53, v30;
	v34, _, _ =	vpop (xrf0)  }
0x30a: {  	v33 =	vadd.s32 $0xFFFFFFFF, v33;
	v34 =	vadd.s32 v34, v29  }
0x30b: {  	v34 =	vadd.s32 $0xFFFFFFFF, v34  }
0x30c: {  	v35 =	vmov s17;
	v31 =	vshll.u32 v31, $0xD  }
0x30d: {  	v54 =	vadd.s32 $0x1FFF, v1;
	v31 =	vsub.s32 v31, v35  }
0x30e: {  	v31 =	vadd.s32 v54, v31  }
0x30f: {  	[tilespmem:v33+s29+$0x0] =	vst.idx.msk vm14, v31  }
0x310: {  	[tilespmem:v34+s30+$0x0] =	vst.idx.msk vm0, v32  }
0x311: {  	v31 =	vld [tilespmem:s7+$0x0];
	_ =	sdelay $0x4  }
0x312: {  	v31 =	vtrunc.f32 v31  }
0x313: {  	v31 =	vcvt.f32.s32 v31  }
0x314: {  	v55 =	vor.u32 s5, v0  }
0x315: {  	vm15 =	vlt.u32 v55, $0x19A1;
	vm1 =	vlt.s32 v28, v31  }
0x316: {  	vm2 =	veq.s32 v28, v31;
	vm1 =	vmand vm15, vm1  }
0x317: {  	vm2 =	vmand vm15, vm2;
	v56 =	vsel vm1, $0x1, v4  }
0x318: {  	v57 =	vsel vm2, $0x1, v4;
	(xrf0) =	vadd.scan.msk.s32 $0xffff, v56  }
0x319: {  	(xrf0) =	vadd.scan.msk.s32 $0xffff, v57;
	_ =	sdelay $0x2  }
0x31a: {  	v58 =	vmpcnt.ones.xlane vm14  }
0x31b: {  	v59 =	vmpcnt.ones.xlane vm0  }
0x31c: {  	v30 =	vadd.s32 v30, v58;
	v36, _, _ =	vpop (xrf0)  }
0x31d: {  	v29 =	vadd.s32 v29, v59;
	v33 =	vadd.s32 v36, v30;
	v60, _, _ =	vpop (xrf0)  }
0x31e: {  	v33 =	vadd.s32 $0xFFFFFFFF, v33;
	v34 =	vadd.s32 v60, v29  }
0x31f: {  	p1 =	sne.s32 s5, $0x19F0;
	v34 =	vadd.s32 $0xFFFFFFFF, v34  }
.Ltmp23:
0x320: {  	v61 =	vmov s5;
	v31 =	vshll.u32 v31, $0xD;
	(pc) =	sbr.rel @p1 .LBB2_43-.Ltmp23, $4  }
0x321: {  	v31 =	vsub.s32 v31, v61  }
0x322: {  	v31 =	vadd.s32 v54, v31;
	v62 =	vmpcnt.ones.xlane vm1;
	v63 =	vmpcnt.ones.xlane vm2  }
0x323: {  	[tilespmem:v33+s29+$0x0] =	vst.idx.msk vm1, v31  }
0x324: {  	s5 =	sadd.s32 $0x20, s5;
	s7 =	sadd.s32 $0x20, s7;
	v30 =	vadd.s32 v30, v62;
	v29 =	vadd.s32 v29, v63;
	[tilespmem:v34+s30+$0x0] =	vst.idx.msk vm2, v55  }
0x325: {  	s4 =	sadd.s32 $0x1, s4  }
0x326: {  	v29 =	vmov s4  }
0x327: {  	v24 =	vxor.u32 $0x80000000, v24;
	v30 =	vor.u32 $0x10, v0;
	vm0 =	veq.s32 v29, v0  }
0x328: {  	v23 =	vxor.u32 $0x80000000, v23;
	v24 =	vnsel vm0, $0x80000000, v24;
	vm0 =	veq.s32 v29, v30  }
0x329: {  	v50 =	vor.u32 $0x20, v0;
	(xrf0) =	vmax.scan.msk.u32 $0xffff, v24;
	v23 =	vnsel vm0, $0x80000000, v23  }
0x32a: {  	v22 =	vxor.u32 $0x80000000, v22;
	vm0 =	veq.s32 v29, v50;
	(xrf0) =	vmax.scan.msk.u32 $0xffff, v23  }
0x32b: {  	v51 =	vor.u32 $0x30, v0;
	v22 =	vnsel vm0, $0x80000000, v22  }
0x32c: {  	v21 =	vxor.u32 $0x80000000, v21;
	vm0 =	veq.s32 v29, v51;
	(xrf0) =	vmax.scan.msk.u32 $0xffff, v22  }
0x32d: {  	v52 =	vor.u32 $0x40, v0;
	v21 =	vnsel vm0, $0x80000000, v21  }
0x32e: {  	v53 =	vxor.u32 $0x80000000, v27;
	vm0 =	veq.s32 v29, v52;
	(xrf0) =	vmax.scan.msk.u32 $0xffff, v21  }
0x32f: {  	v55 =	vor.u32 $0x50, v0;
	v21 =	vnsel vm0, $0x80000000, v53;
	v54, _, _ =	vpop (xrf0)  }
0x330: {  	v57 =	vxor.u32 $0x80000000, v26;
	vm0 =	veq.s32 v29, v55;
	(xrf0) =	vmax.scan.msk.u32 $0xffff, v21;
	(v2sf) =	vpush v54, $0xF;
	v56, _, _ =	vpop (xrf0)  }
0x331: {  	v58 =	vor.u32 $0x60, v0;
	v21 =	vnsel vm0, $0x80000000, v57;
	(v2sf) =	vpush v56, $0xF  }
0x332: {  	v19 =	vxor.u32 $0x80000000, v19;
	vm0 =	veq.s32 v29, v58;
	(xrf0) =	vmax.scan.msk.u32 $0xffff, v21;
	v59, _, _ =	vpop (xrf0)  }
0x333: {  	v60 =	vor.u32 $0x70, v0;
	v19 =	vnsel vm0, $0x80000000, v19;
	(v2sf) =	vpush v59, $0xF  }
0x334: {  	vm0 =	veq.s32 v29, v60;
	(xrf0) =	vmax.scan.msk.u32 $0xffff, v19;
	v19 =	vxor.u32 $0x80000000, v25;
	v61, _, _ =	vpop (xrf0)  }
0x335: {  	v62 =	vor.u32 $0x80, v0;
	v19 =	vnsel vm0, $0x80000000, v19;
	(v2sf) =	vpush v61, $0xF  }
0x336: {  	vm0 =	veq.s32 v29, v62;
	v63, _, _ =	vpop (xrf0);
	(xrf0) =	vmax.scan.msk.u32 $0xffff, v19;
	v19 =	vxor.u32 $0x80000000, v20  }
0x337: {  	(v2sf) =	vpush v63, $0xF;
	v19 =	vnsel vm0, $0x80000000, v19  }
0x338: {  	v20, _, _ =	vpop (xrf0);
	(xrf0) =	vmax.scan.msk.u32 $0xffff, v19  }
0x339: {  	(v2sf) =	vpush v20, $0xF  }
0x33a: {  	v19, _, _ =	vpop (xrf0)  }
0x33b: {  	(v2sf) =	vpush v19, $0xF  }
0x33c: {  	v19, _, _ =	vpop (xrf0)  }
0x33d: {  	(v2sf) =	vpush v19, $0xF  }
0x33e: {  	[spmem:s24] =	stream.linear.scatter [tilespmem:s29], [sflag:$0x2], $0x200, $0x38;
	v19, _, _ =	vpop (xrf0);
	[tilespmem:$0x1B7C0] =	vst v63  }
0x33f: {  	s7 =	spop (v2sf);
	(v2sf) =	vpush v19, $0xF  }
0x340: {  	s5 =	spop (v2sf)  }
0x341: {  	s4 =	sxor.u32 $0x80000000, s7;
	s5 =	sxor.u32 $0x80000000, s5  }
0x342: {  	s7 =	spop (v2sf);
	p1 =	sgt.s32 s4, s5  }
0x343: {  	s5 =	smov.u32 @p1 s4;
	s4 =	sxor.u32 $0x80000000, s7  }
0x344: {  	s17 =	spop (v2sf);
	p1 =	sgt.s32 s5, s4  }
0x345: {  	s4 =	smov.u32 @p1 s5;
	s5 =	sxor.u32 $0x80000000, s17  }
0x346: {  	s2 =	spop (v2sf);
	p1 =	sgt.s32 s4, s5  }
0x347: {  	s5 =	smov.u32 @p1 s4;
	s4 =	sxor.u32 $0x80000000, s2  }
0x348: {  	s17 =	spop (v2sf);
	p1 =	sgt.s32 s5, s4  }
0x349: {  	s4 =	smov.u32 @p1 s5;
	s5 =	sxor.u32 $0x80000000, s17  }
0x34a: {  	s2 =	spop (v2sf);
	p1 =	sgt.s32 s4, s5  }
0x34b: {  	s5 =	smov.u32 @p1 s4;
	s4 =	sxor.u32 $0x80000000, s2  }
0x34c: {  	s17 =	spop (v2sf);
	p1 =	sgt.s32 s5, s4  }
0x34d: {  	s4 =	smov.u32 @p1 s5;
	s5 =	sxor.u32 $0x80000000, s17  }
0x34e: {  	p1 =	sgt.s32 s4, s5;
	s2 =	spop (v2sf)  }
0x34f: {  	s5 =	smov.u32 @p1 s4;
	s4 =	sxor.u32 $0x80000000, s2  }
0x350: {  	p1 =	sgt.s32 s5, s4  }
0x351: {  	_ =	swait.ge [sflag:s1], $0x200;
	s4 =	smov.u32 @p1 s5  }
0x352: {  	[sflag:s1] =	ssyncset.done $0x0;
	p1 =	sgt.s32 s4, $0x0  }
0x353: {  	[sflag:s1] =	ssyncadd.s32 $0xFFFFFE00;
	s4 =	simm.s32 @!p1 $0x0  }
0x354: {  	[tilespmem:$0x15510] =	vst v28;
	v19 =	vmov s4  }
0x355: {  	s17 =	simm.s32 $0x15500;
	s2 =	rddreg [dreg:$0x7];
	[tilespmem:$0x15500] =	vst v19  }
0x356: {  	[spmem:s2] =	stream.linear.scatter [tilespmem:s17], [sflag:$0x2], $0x20, $0x38;
	[tilespmem:$0x1B7C0] =	vst v63  }
0x357: {  	_ =	swait.ge [sflag:s1], $0x20  }
0x358: {  	[sflag:s1] =	ssyncset.done $0x0  }
0x359: {  	vm2 =	vcmask $0x308;
	vm1 =	vcmask $0x70C;
	vm0 =	vcmask $0xB10;
	[sflag:s1] =	ssyncadd.s32 $0xFFFFFFE0  }
.LBB2_45:
0x35a: {  	[bflag:$0x0] =	sbarrier.arrive $0xFFFF  }
0x35b: {  	[tilespmem:s29], [sflag:$0x2] =	stream.linear.gather [spmem:s24], $0x200, $0x38;
	[tilespmem:$0x1B7C0] =	vst v63  }
0x35c: {  	_ =	swait.ge [sflag:s1], $0x200  }
0x35d: {  	[sflag:s1] =	ssyncset.done $0x0  }
0x35e: {  	s4 =	simm.s32 $0x0;
	[sflag:s1] =	ssyncadd.s32 $0xFFFFFE00  }
0x35f: {  	v19 =	vld [tilespmem:s4+$0x11500];
	_ =	sdelay $0x3  }
0x360: {  	vm15 =	vmmov $0x1  }
0x361: {  	v20 =	vnsel vm15, $0x80000001, v19  }
0x362: {  	v21 =	vsel vm2, $0x80000001, v19;
	v20 =	vxor.u32 $0x80000000, v20  }
0x363: {  	v22 =	vsel vm1, $0x80000001, v19;
	v21 =	vxor.u32 $0x80000000, v21;
	(xrf0) =	vmax.scan.msk.u32 $0xffff, v20  }
0x364: {  	v48 =	vsel vm0, $0x80000001, v19;
	v20 =	vxor.u32 $0x80000000, v22;
	(xrf0) =	vmax.scan.msk.u32 $0xffff, v21  }
0x365: {  	v49 =	vsel vm3, $0x80000001, v19;
	v22 =	vxor.u32 $0x80000000, v48;
	(xrf0) =	vmax.scan.msk.u32 $0xffff, v20  }
0x366: {  	v21 =	vxor.u32 $0x80000000, v49;
	v20 =	vsel vm4, $0x80000001, v19;
	(xrf0) =	vmax.scan.msk.u32 $0xffff, v22  }
0x367: {  	vm14 =	vmmov $0x7fff;
	v50 =	vsel vm5, $0x80000001, v19;
	v20 =	vxor.u32 $0x80000000, v20;
	(xrf0) =	vmax.scan.msk.u32 $0xffff, v21  }
0x368: {  	v51 =	vsel vm6, $0x80000001, v19;
	v52 =	vsel vm8, $0x80000001, v19;
	v22 =	vxor.u32 $0x80000000, v50;
	(xrf0) =	vmax.scan.msk.u32 $0xffff, v20  }
0x369: {  	v54 =	vsel vm9, $0x80000001, v19;
	v21 =	vxor.u32 $0x80000000, v51;
	v20 =	vsel vm7, $0x80000001, v19;
	v23, _, _ =	vpop (xrf0);
	(xrf0) =	vmax.scan.msk.u32 $0xffff, v22  }
0x36a: {  	v57 =	vsel vm11, $0x80000001, v19;
	v20 =	vxor.u32 $0x80000000, v20;
	(v2sf) =	vpush v23, $0xF;
	v53, _, _ =	vpop (xrf0);
	(xrf0) =	vmax.scan.msk.u32 $0xffff, v21  }
0x36b: {  	v59 =	vsel vm12, $0x80000001, v19;
	v22 =	vxor.u32 $0x80000000, v52;
	(v2sf) =	vpush v53, $0xF;
	v55, _, _ =	vpop (xrf0);
	(xrf0) =	vmax.scan.msk.u32 $0xffff, v20  }
0x36c: {  	v21 =	vxor.u32 $0x80000000, v54;
	v20 =	vsel vm10, $0x80000001, v19;
	(v2sf) =	vpush v55, $0xF;
	v56, _, _ =	vpop (xrf0);
	(xrf0) =	vmax.scan.msk.u32 $0xffff, v22  }
0x36d: {  	v20 =	vxor.u32 $0x80000000, v20;
	v22 =	vxor.u32 $0x80000000, v57;
	(v2sf) =	vpush v56, $0xF;
	v58, _, _ =	vpop (xrf0);
	(xrf0) =	vmax.scan.msk.u32 $0xffff, v21  }
0x36e: {  	v21 =	vxor.u32 $0x80000000, v59;
	(v2sf) =	vpush v58, $0xF;
	v60, _, _ =	vpop (xrf0);
	(xrf0) =	vmax.scan.msk.u32 $0xffff, v20;
	v20 =	vsel vm13, $0x80000001, v19  }
0x36f: {  	v19 =	vsel vm14, $0x80000001, v19;
	(v2sf) =	vpush v60, $0xF;
	v61, _, _ =	vpop (xrf0);
	(xrf0) =	vmax.scan.msk.u32 $0xffff, v22;
	v20 =	vxor.u32 $0x80000000, v20  }
0x370: {  	v19 =	vxor.u32 $0x80000000, v19;
	(v2sf) =	vpush v61, $0xF;
	v62, _, _ =	vpop (xrf0);
	(xrf0) =	vmax.scan.msk.u32 $0xffff, v21  }
0x371: {  	(v2sf) =	vpush v62, $0xF;
	v63, _, _ =	vpop (xrf0);
	(xrf0) =	vmax.scan.msk.u32 $0xffff, v20  }
0x372: {  	(v2sf) =	vpush v63, $0xF;
	v20, _, _ =	vpop (xrf0);
	(xrf0) =	vmax.scan.msk.u32 $0xffff, v19  }
0x373: {  	(v2sf) =	vpush v20, $0xF;
	v19, _, _ =	vpop (xrf0)  }
0x374: {  	(v2sf) =	vpush v19, $0xF;
	v19, _, _ =	vpop (xrf0)  }
0x375: {  	(v2sf) =	vpush v19, $0xF;
	v19, _, _ =	vpop (xrf0)  }
0x376: {  	(v2sf) =	vpush v19, $0xF;
	v19, _, _ =	vpop (xrf0)  }
0x377: {  	(v2sf) =	vpush v19, $0xF;
	v19, _, _ =	vpop (xrf0)  }
0x378: {  	(v2sf) =	vpush v19, $0xF;
	v19, _, _ =	vpop (xrf0)  }
0x379: {  	s7 =	spop (v2sf);
	(v2sf) =	vpush v19, $0xF  }
0x37a: {  	s5 =	sxor.u32 $0x80000000, s7;
	s7 =	spop (v2sf)  }
0x37b: {  	s4 =	simm.s32 $0x13580;
	v19 =	vmov s5;
	s17 =	sxor.u32 $0x80000000, s7;
	s2 =	spop (v2sf)  }
0x37c: {  	[tilespmem:s4+$0xFFFFFF80] =	vst v19;
	v19 =	vmov s17;
	s17 =	sxor.u32 $0x80000000, s2;
	s2 =	spop (v2sf)  }
0x37d: {  	[tilespmem:s4+$0xFFFFFF90] =	vst v19;
	v19 =	vmov s17;
	s17 =	sxor.u32 $0x80000000, s2;
	s2 =	spop (v2sf)  }
0x37e: {  	[tilespmem:s4+$0xFFFFFFA0] =	vst v19;
	v19 =	vmov s17;
	s17 =	sxor.u32 $0x80000000, s2;
	s2 =	spop (v2sf)  }
0x37f: {  	[tilespmem:s4+$0xFFFFFFB0] =	vst v19;
	v19 =	vmov s17;
	s17 =	sxor.u32 $0x80000000, s2;
	s2 =	spop (v2sf)  }
0x380: {  	[tilespmem:s4+$0xFFFFFFC0] =	vst v19;
	v19 =	vmov s17;
	s17 =	sxor.u32 $0x80000000, s2;
	s2 =	spop (v2sf)  }
0x381: {  	[tilespmem:s4+$0xFFFFFFD0] =	vst v19;
	v19 =	vmov s17;
	s17 =	sxor.u32 $0x80000000, s2;
	s2 =	spop (v2sf)  }
0x382: {  	[tilespmem:s4+$0xFFFFFFE0] =	vst v19;
	v19 =	vmov s17;
	s17 =	sxor.u32 $0x80000000, s2;
	s2 =	spop (v2sf)  }
0x383: {  	[tilespmem:s4+$0xFFFFFFF0] =	vst v19;
	v19 =	vmov s17;
	s17 =	sxor.u32 $0x80000000, s2;
	s2 =	spop (v2sf)  }
0x384: {  	[tilespmem:s4+$0x0] =	vst v19;
	v19 =	vmov s17;
	s17 =	sxor.u32 $0x80000000, s2;
	s2 =	spop (v2sf)  }
0x385: {  	[tilespmem:s4+$0x10] =	vst v19;
	v19 =	vmov s17;
	s17 =	sxor.u32 $0x80000000, s2;
	s2 =	spop (v2sf)  }
0x386: {  	[tilespmem:s4+$0x20] =	vst v19;
	v19 =	vmov s17;
	s17 =	sxor.u32 $0x80000000, s2;
	s2 =	spop (v2sf)  }
0x387: {  	[tilespmem:s4+$0x30] =	vst v19;
	v19 =	vmov s17;
	s17 =	sxor.u32 $0x80000000, s2;
	s2 =	spop (v2sf)  }
0x388: {  	[tilespmem:s4+$0x40] =	vst v19;
	v19 =	vmov s17;
	s17 =	sxor.u32 $0x80000000, s2;
	s2 =	spop (v2sf)  }
0x389: {  	[tilespmem:s4+$0x50] =	vst v19;
	v19 =	vmov s17;
	s17 =	sxor.u32 $0x80000000, s2  }
0x38a: {  	[tilespmem:s4+$0x60] =	vst v19;
	v19 =	vmov s17  }
0x38b: {  	s7 =	simm.s32 $0x10;
	s5 =	simm.s32 $0x80;
	[tilespmem:s4+$0x70] =	vst v19  }
.LBB2_46:
0x38c: {  	p1 =	sne.s32 s5, $0x7C0;
	v19 =	vld [tilespmem:s7+$0x11500];
	_ =	sdelay $0x4  }
0x38d: {  	v20 =	vnsel vm15, $0x80000001, v19;
	v21 =	vsel vm2, $0x80000001, v19;
	v22 =	vsel vm1, $0x80000001, v19  }
0x38e: {  	v20 =	vxor.u32 $0x80000000, v20;
	v21 =	vxor.u32 $0x80000000, v21;
	v22 =	vxor.u32 $0x80000000, v22  }
0x38f: {  	v23 =	vsel vm0, $0x80000001, v19;
	v24 =	vsel vm3, $0x80000001, v19;
	v25 =	vsel vm4, $0x80000001, v19;
	(xrf0) =	vmax.scan.msk.u32 $0xffff, v20  }
0x390: {  	v20 =	vxor.u32 $0x80000000, v23;
	v23 =	vxor.u32 $0x80000000, v24;
	v24 =	vxor.u32 $0x80000000, v25;
	(xrf0) =	vmax.scan.msk.u32 $0xffff, v21  }
0x391: {  	v26 =	vsel vm7, $0x80000001, v19;
	v25 =	vsel vm6, $0x80000001, v19;
	v21 =	vsel vm5, $0x80000001, v19;
	(xrf0) =	vmax.scan.msk.u32 $0xffff, v22  }
0x392: {  	v21 =	vxor.u32 $0x80000000, v21;
	v22 =	vxor.u32 $0x80000000, v25;
	v25 =	vxor.u32 $0x80000000, v26;
	(xrf0) =	vmax.scan.msk.u32 $0xffff, v20  }
0x393: {  	v27 =	vsel vm10, $0x80000001, v19;
	v26 =	vsel vm9, $0x80000001, v19;
	v20 =	vsel vm8, $0x80000001, v19;
	(xrf0) =	vmax.scan.msk.u32 $0xffff, v23  }
0x394: {  	v20 =	vxor.u32 $0x80000000, v20;
	v23 =	vxor.u32 $0x80000000, v26;
	v26 =	vxor.u32 $0x80000000, v27;
	(xrf0) =	vmax.scan.msk.u32 $0xffff, v24  }
0x395: {  	v30 =	vsel vm12, $0x80000001, v19;
	v28 =	vsel vm13, $0x80000001, v19;
	v24 =	vsel vm11, $0x80000001, v19;
	v29, _, _ =	vpop (xrf0);
	(xrf0) =	vmax.scan.msk.u32 $0xffff, v21  }
0x396: {  	v21 =	vxor.u32 $0x80000000, v24;
	v24 =	vxor.u32 $0x80000000, v30;
	(v2sf) =	vpush v29, $0xF;
	v27, _, _ =	vpop (xrf0);
	(xrf0) =	vmax.scan.msk.u32 $0xffff, v22  }
0x397: {  	v19 =	vsel vm14, $0x80000001, v19;
	v22 =	vxor.u32 $0x80000000, v28;
	(v2sf) =	vpush v27, $0xF;
	v27, _, _ =	vpop (xrf0);
	(xrf0) =	vmax.scan.msk.u32 $0xffff, v25  }
0x398: {  	v19 =	vxor.u32 $0x80000000, v19;
	(v2sf) =	vpush v27, $0xF;
	v25, _, _ =	vpop (xrf0);
	(xrf0) =	vmax.scan.msk.u32 $0xffff, v20  }
0x399: {  	(v2sf) =	vpush v25, $0xF;
	v20, _, _ =	vpop (xrf0);
	(xrf0) =	vmax.scan.msk.u32 $0xffff, v23  }
0x39a: {  	(v2sf) =	vpush v20, $0xF;
	v20, _, _ =	vpop (xrf0);
	(xrf0) =	vmax.scan.msk.u32 $0xffff, v26  }
0x39b: {  	(v2sf) =	vpush v20, $0xF;
	v20, _, _ =	vpop (xrf0);
	(xrf0) =	vmax.scan.msk.u32 $0xffff, v21  }
0x39c: {  	(v2sf) =	vpush v20, $0xF;
	v20, _, _ =	vpop (xrf0);
	(xrf0) =	vmax.scan.msk.u32 $0xffff, v24  }
0x39d: {  	(v2sf) =	vpush v20, $0xF;
	v20, _, _ =	vpop (xrf0);
	(xrf0) =	vmax.scan.msk.u32 $0xffff, v22  }
0x39e: {  	(v2sf) =	vpush v20, $0xF;
	v20, _, _ =	vpop (xrf0);
	(xrf0) =	vmax.scan.msk.u32 $0xffff, v19  }
0x39f: {  	(v2sf) =	vpush v20, $0xF;
	v19, _, _ =	vpop (xrf0)  }
0x3a0: {  	(v2sf) =	vpush v19, $0xF;
	v19, _, _ =	vpop (xrf0)  }
0x3a1: {  	(v2sf) =	vpush v19, $0xF;
	v19, _, _ =	vpop (xrf0)  }
0x3a2: {  	(v2sf) =	vpush v19, $0xF;
	v19, _, _ =	vpop (xrf0)  }
0x3a3: {  	(v2sf) =	vpush v19, $0xF;
	v19, _, _ =	vpop (xrf0)  }
0x3a4: {  	(v2sf) =	vpush v19, $0xF;
	v19, _, _ =	vpop (xrf0)  }
0x3a5: {  	s7 =	spop (v2sf);
	(v2sf) =	vpush v19, $0xF  }
0x3a6: {  	s7 =	sxor.u32 $0x80000000, s7;
	s17 =	spop (v2sf)  }
0x3a7: {  	s4 =	sadd.s32 $0x100, s4;
	v19 =	vmov s7;
	s7 =	sxor.u32 $0x80000000, s17;
	s17 =	spop (v2sf)  }
0x3a8: {  	[tilespmem:s4+$0xFFFFFF80] =	vst v19;
	v19 =	vmov s7;
	s7 =	sxor.u32 $0x80000000, s17;
	s17 =	spop (v2sf)  }
0x3a9: {  	[tilespmem:s4+$0xFFFFFF90] =	vst v19;
	v19 =	vmov s7;
	s7 =	sxor.u32 $0x80000000, s17;
	s17 =	spop (v2sf)  }
0x3aa: {  	[tilespmem:s4+$0xFFFFFFA0] =	vst v19;
	v19 =	vmov s7;
	s7 =	sxor.u32 $0x80000000, s17;
	s17 =	spop (v2sf)  }
0x3ab: {  	[tilespmem:s4+$0xFFFFFFB0] =	vst v19;
	v19 =	vmov s7;
	s7 =	sxor.u32 $0x80000000, s17;
	s17 =	spop (v2sf)  }
0x3ac: {  	[tilespmem:s4+$0xFFFFFFC0] =	vst v19;
	v19 =	vmov s7;
	s7 =	sxor.u32 $0x80000000, s17;
	s17 =	spop (v2sf)  }
0x3ad: {  	[tilespmem:s4+$0xFFFFFFD0] =	vst v19;
	v19 =	vmov s7;
	s7 =	sxor.u32 $0x80000000, s17;
	s17 =	spop (v2sf)  }
0x3ae: {  	[tilespmem:s4+$0xFFFFFFE0] =	vst v19;
	v19 =	vmov s7;
	s7 =	sxor.u32 $0x80000000, s17;
	s17 =	spop (v2sf)  }
0x3af: {  	[tilespmem:s4+$0xFFFFFFF0] =	vst v19;
	v19 =	vmov s7;
	s7 =	sxor.u32 $0x80000000, s17;
	s17 =	spop (v2sf)  }
0x3b0: {  	[tilespmem:s4+$0x0] =	vst v19;
	v19 =	vmov s7;
	s7 =	sxor.u32 $0x80000000, s17;
	s17 =	spop (v2sf)  }
0x3b1: {  	[tilespmem:s4+$0x10] =	vst v19;
	v19 =	vmov s7;
	s7 =	sxor.u32 $0x80000000, s17;
	s17 =	spop (v2sf)  }
0x3b2: {  	[tilespmem:s4+$0x20] =	vst v19;
	v19 =	vmov s7;
	s7 =	sxor.u32 $0x80000000, s17;
	s17 =	spop (v2sf)  }
.Ltmp24:
0x3b3: {  	[tilespmem:s4+$0x30] =	vst v19;
	v19 =	vmov s7;
	s7 =	sxor.u32 $0x80000000, s17;
	s17 =	spop (v2sf);
	(pc) =	sbr.rel @p1 .LBB2_46-.Ltmp24, $4  }
0x3b4: {  	[tilespmem:s4+$0x40] =	vst v19;
	v19 =	vmov s7;
	s7 =	sxor.u32 $0x80000000, s17;
	s17 =	spop (v2sf)  }
0x3b5: {  	[tilespmem:s4+$0x50] =	vst v19;
	v19 =	vmov s7;
	s7 =	sxor.u32 $0x80000000, s17  }
0x3b6: {  	[tilespmem:s4+$0x60] =	vst v19;
	v19 =	vmov s7  }
0x3b7: {  	s7 =	sshra.s32 s5, $0x2;
	s5 =	sadd.s32 $0x40, s5;
	[tilespmem:s4+$0x70] =	vst v19  }
0x3b8: {  	v19 =	vld [tilespmem:s7+$0x11500];
	_ =	sdelay $0x4  }
0x3b9: {  	v20 =	vnsel vm15, $0x80000001, v19  }
0x3ba: {  	v21 =	vsel vm2, $0x80000001, v19;
	v20 =	vxor.u32 $0x80000000, v20  }
0x3bb: {  	v22 =	vsel vm1, $0x80000001, v19;
	v21 =	vxor.u32 $0x80000000, v21;
	(xrf0) =	vmax.scan.msk.u32 $0xffff, v20  }
0x3bc: {  	v20 =	vxor.u32 $0x80000000, v22;
	v22 =	vsel vm0, $0x80000001, v19;
	(xrf0) =	vmax.scan.msk.u32 $0xffff, v21  }
0x3bd: {  	v21 =	vsel vm3, $0x80000001, v19;
	v22 =	vxor.u32 $0x80000000, v22;
	(xrf0) =	vmax.scan.msk.u32 $0xffff, v20  }
0x3be: {  	v20 =	vsel vm4, $0x80000001, v19;
	v21 =	vxor.u32 $0x80000000, v21;
	(xrf0) =	vmax.scan.msk.u32 $0xffff, v22  }
0x3bf: {  	v20 =	vxor.u32 $0x80000000, v20;
	v22 =	vsel vm5, $0x80000001, v19;
	(xrf0) =	vmax.scan.msk.u32 $0xffff, v21  }
0x3c0: {  	v21 =	vsel vm6, $0x80000001, v19;
	v22 =	vxor.u32 $0x80000000, v22;
	(xrf0) =	vmax.scan.msk.u32 $0xffff, v20;
	v20 =	vsel vm7, $0x80000001, v19  }
0x3c1: {  	v21 =	vxor.u32 $0x80000000, v21;
	v23, _, _ =	vpop (xrf0);
	(xrf0) =	vmax.scan.msk.u32 $0xffff, v22;
	v20 =	vxor.u32 $0x80000000, v20;
	v22 =	vsel vm8, $0x80000001, v19  }
0x3c2: {  	(v2sf) =	vpush v23, $0xF;
	v23, _, _ =	vpop (xrf0);
	(xrf0) =	vmax.scan.msk.u32 $0xffff, v21;
	v21 =	vsel vm9, $0x80000001, v19;
	v22 =	vxor.u32 $0x80000000, v22  }
0x3c3: {  	(v2sf) =	vpush v23, $0xF;
	v23, _, _ =	vpop (xrf0);
	(xrf0) =	vmax.scan.msk.u32 $0xffff, v20;
	v20 =	vsel vm10, $0x80000001, v19;
	v21 =	vxor.u32 $0x80000000, v21  }
0x3c4: {  	(v2sf) =	vpush v23, $0xF;
	v23, _, _ =	vpop (xrf0);
	(xrf0) =	vmax.scan.msk.u32 $0xffff, v22;
	v20 =	vxor.u32 $0x80000000, v20;
	v22 =	vsel vm11, $0x80000001, v19  }
0x3c5: {  	(v2sf) =	vpush v23, $0xF;
	v23, _, _ =	vpop (xrf0);
	(xrf0) =	vmax.scan.msk.u32 $0xffff, v21;
	v21 =	vsel vm12, $0x80000001, v19;
	v22 =	vxor.u32 $0x80000000, v22  }
0x3c6: {  	(v2sf) =	vpush v23, $0xF;
	v23, _, _ =	vpop (xrf0);
	(xrf0) =	vmax.scan.msk.u32 $0xffff, v20;
	v20 =	vsel vm13, $0x80000001, v19;
	v21 =	vxor.u32 $0x80000000, v21  }
0x3c7: {  	v19 =	vsel vm14, $0x80000001, v19;
	(v2sf) =	vpush v23, $0xF;
	v23, _, _ =	vpop (xrf0);
	(xrf0) =	vmax.scan.msk.u32 $0xffff, v22;
	v20 =	vxor.u32 $0x80000000, v20  }
0x3c8: {  	v19 =	vxor.u32 $0x80000000, v19;
	(v2sf) =	vpush v23, $0xF;
	v22, _, _ =	vpop (xrf0);
	(xrf0) =	vmax.scan.msk.u32 $0xffff, v21  }
0x3c9: {  	(v2sf) =	vpush v22, $0xF;
	v21, _, _ =	vpop (xrf0);
	(xrf0) =	vmax.scan.msk.u32 $0xffff, v20  }
0x3ca: {  	(v2sf) =	vpush v21, $0xF;
	v20, _, _ =	vpop (xrf0);
	(xrf0) =	vmax.scan.msk.u32 $0xffff, v19  }
0x3cb: {  	(v2sf) =	vpush v20, $0xF;
	v19, _, _ =	vpop (xrf0)  }
0x3cc: {  	(v2sf) =	vpush v19, $0xF;
	v19, _, _ =	vpop (xrf0)  }
0x3cd: {  	(v2sf) =	vpush v19, $0xF;
	v19, _, _ =	vpop (xrf0)  }
0x3ce: {  	(v2sf) =	vpush v19, $0xF;
	v19, _, _ =	vpop (xrf0)  }
0x3cf: {  	(v2sf) =	vpush v19, $0xF;
	v19, _, _ =	vpop (xrf0)  }
0x3d0: {  	(v2sf) =	vpush v19, $0xF;
	v19, _, _ =	vpop (xrf0)  }
0x3d1: {  	s5 =	spop (v2sf);
	(v2sf) =	vpush v19, $0xF  }
0x3d2: {  	s5 =	sxor.u32 $0x80000000, s5;
	s2 =	spop (v2sf)  }
0x3d3: {  	s4 =	sadd.s32 $0x100, s4;
	v19 =	vmov s5;
	s17 =	sxor.u32 $0x80000000, s2;
	s2 =	spop (v2sf)  }
0x3d4: {  	[tilespmem:s4+$0xFFFFFF80] =	vst v19;
	v19 =	vmov s17;
	s17 =	sxor.u32 $0x80000000, s2;
	s2 =	spop (v2sf)  }
0x3d5: {  	[tilespmem:s4+$0xFFFFFF90] =	vst v19;
	v19 =	vmov s17;
	s17 =	sxor.u32 $0x80000000, s2;
	s2 =	spop (v2sf)  }
0x3d6: {  	[tilespmem:s4+$0xFFFFFFA0] =	vst v19;
	v19 =	vmov s17;
	s17 =	sxor.u32 $0x80000000, s2;
	s2 =	spop (v2sf)  }
0x3d7: {  	[tilespmem:s4+$0xFFFFFFB0] =	vst v19;
	v19 =	vmov s17;
	s17 =	sxor.u32 $0x80000000, s2;
	s2 =	spop (v2sf)  }
0x3d8: {  	[tilespmem:s4+$0xFFFFFFC0] =	vst v19;
	v19 =	vmov s17;
	s17 =	sxor.u32 $0x80000000, s2;
	s2 =	spop (v2sf)  }
0x3d9: {  	[tilespmem:s4+$0xFFFFFFD0] =	vst v19;
	v19 =	vmov s17;
	s17 =	sxor.u32 $0x80000000, s2;
	s2 =	spop (v2sf)  }
0x3da: {  	[tilespmem:s4+$0xFFFFFFE0] =	vst v19;
	v19 =	vmov s17;
	s17 =	sxor.u32 $0x80000000, s2;
	s2 =	spop (v2sf)  }
0x3db: {  	[tilespmem:s4+$0xFFFFFFF0] =	vst v19;
	v19 =	vmov s17;
	s17 =	sxor.u32 $0x80000000, s2;
	s2 =	spop (v2sf)  }
0x3dc: {  	[tilespmem:s4+$0x0] =	vst v19;
	v19 =	vmov s17;
	s17 =	sxor.u32 $0x80000000, s2;
	s2 =	spop (v2sf)  }
0x3dd: {  	[tilespmem:s4+$0x10] =	vst v19;
	v19 =	vmov s17;
	s17 =	sxor.u32 $0x80000000, s2;
	s2 =	spop (v2sf)  }
0x3de: {  	[tilespmem:s4+$0x20] =	vst v19;
	v19 =	vmov s17;
	s17 =	sxor.u32 $0x80000000, s2;
	s2 =	spop (v2sf)  }
0x3df: {  	[tilespmem:s4+$0x30] =	vst v19;
	v19 =	vmov s17;
	s17 =	sxor.u32 $0x80000000, s2;
	s2 =	spop (v2sf)  }
0x3e0: {  	[tilespmem:s4+$0x40] =	vst v19;
	v19 =	vmov s17;
	s17 =	sxor.u32 $0x80000000, s2;
	s2 =	spop (v2sf)  }
0x3e1: {  	[tilespmem:s4+$0x50] =	vst v19;
	v19 =	vmov s17;
	s7 =	sxor.u32 $0x80000000, s2  }
0x3e2: {  	[tilespmem:s4+$0x60] =	vst v19;
	v19 =	vmov s7  }
0x3e3: {  	[tilespmem:s4+$0x70] =	vst v19  }
0x3e4: {  	s17 =	simm.s32 $0x0;
	v19 =	vld [tilespmem:s31+$0x11500]  }
0x3e5: {  	v20 =	vld [tilespmem:s17+$0x13500]  }
0x3e6: {  	v22 =	vld [tilespmem:s17+$0x13510]  }
0x3e7: {  	v24 =	vld [tilespmem:s17+$0x13520]  }
0x3e8: {  	v23 =	vld [tilespmem:s17+$0x13530]  }
0x3e9: {  	v21 =	vld [tilespmem:s17+$0x13540]  }
0x3ea: {  	vm0 =	vgt.s32 v20, v19;
	v20 =	vld [tilespmem:s17+$0x13550]  }
0x3eb: {  	v25 =	vimm.s32 $0x0;
	v26 =	vsel vm0, $0x1, v4;
	vm0 =	vgt.s32 v22, v19;
	v22 =	vld [tilespmem:s17+$0x13560]  }
0x3ec: {  	s5 =	simm.s32 $0x400;
	s4 =	simm.s32 $0x80;
	vm14 =	vgt.s32 v24, v19;
	v24 =	vld [tilespmem:s17+$0x13570];
	v25 =	vadd.s32 v26, v25;
	v26 =	vsel vm0, $0x1, v4  }
.LBB2_48:
0x3ed: {  	p1 =	sne.s32 s5, $0x7E00;
	v27 =	vld [tilespmem:s4+$0x13500];
	v25 =	vadd.s32 v26, v25;
	v26 =	vsel vm14, $0x1, v4;
	vm0 =	vgt.s32 v23, v19  }
0x3ee: {  	v28 =	vld [tilespmem:s4+$0x13510];
	v23 =	vadd.s32 v26, v25;
	v25 =	vsel vm0, $0x1, v4;
	vm0 =	vgt.s32 v21, v19  }
0x3ef: {  	v29 =	vld [tilespmem:s4+$0x13520];
	v21 =	vadd.s32 v25, v23;
	v25 =	vsel vm0, $0x1, v4;
	vm0 =	vgt.s32 v20, v19  }
.Ltmp25:
0x3f0: {  	v23 =	vld [tilespmem:s4+$0x13530];
	v20 =	vadd.s32 v25, v21;
	v25 =	vsel vm0, $0x1, v4;
	vm0 =	vgt.s32 v22, v19;
	(pc) =	sbr.rel @p1 .LBB2_48-.Ltmp25, $4  }
0x3f1: {  	v21 =	vld [tilespmem:s4+$0x13540];
	v22 =	vadd.s32 v25, v20;
	v25 =	vsel vm0, $0x1, v4;
	vm0 =	vgt.s32 v24, v19  }
0x3f2: {  	vm1 =	vgt.s32 v27, v19;
	v20 =	vld [tilespmem:s4+$0x13550];
	v24 =	vadd.s32 v25, v22;
	v25 =	vsel vm0, $0x1, v4  }
0x3f3: {  	v26 =	vsel vm1, $0x1, v4;
	vm0 =	vgt.s32 v28, v19;
	v22 =	vld [tilespmem:s4+$0x13560];
	v24 =	vadd.s32 v25, v24  }
0x3f4: {  	v25 =	vadd.s32 v26, v24;
	v26 =	vsel vm0, $0x1, v4;
	vm14 =	vgt.s32 v29, v19;
	v24 =	vld [tilespmem:s4+$0x13570];
	s4 =	sshra.s32 s5, $0x2;
	s5 =	sadd.s32 $0x200, s5  }
0x3f5: {  	v27 =	vld [tilespmem:s4+$0x13500];
	v25 =	vadd.s32 v26, v25;
	v26 =	vsel vm14, $0x1, v4;
	vm0 =	vgt.s32 v23, v19  }
0x3f6: {  	v23 =	vld [tilespmem:s4+$0x13510];
	v25 =	vadd.s32 v26, v25;
	v26 =	vsel vm0, $0x1, v4;
	vm0 =	vgt.s32 v21, v19  }
0x3f7: {  	v21 =	vld [tilespmem:s4+$0x13520];
	v25 =	vadd.s32 v26, v25;
	v26 =	vsel vm0, $0x1, v4;
	vm0 =	vgt.s32 v20, v19  }
0x3f8: {  	v20 =	vld [tilespmem:s4+$0x13530];
	v25 =	vadd.s32 v26, v25;
	v26 =	vsel vm0, $0x1, v4;
	vm0 =	vgt.s32 v22, v19  }
0x3f9: {  	v22 =	vld [tilespmem:s4+$0x13540];
	v25 =	vadd.s32 v26, v25;
	v26 =	vsel vm0, $0x1, v4;
	vm0 =	vgt.s32 v24, v19  }
0x3fa: {  	v24 =	vld [tilespmem:s4+$0x13550];
	vm1 =	vgt.s32 v27, v19;
	v25 =	vadd.s32 v26, v25;
	v26 =	vsel vm0, $0x1, v4  }
0x3fb: {  	vm0 =	vgt.s32 v23, v19;
	v23 =	vld [tilespmem:s4+$0x13560];
	v27 =	vsel vm1, $0x1, v4;
	v25 =	vadd.s32 v26, v25  }
0x3fc: {  	v26 =	vsel vm0, $0x1, v4;
	vm0 =	vgt.s32 v21, v19;
	v21 =	vld [tilespmem:s4+$0x13570];
	v25 =	vadd.s32 v27, v25  }
0x3fd: {  	v25 =	vadd.s32 v26, v25;
	v26 =	vsel vm0, $0x1, v4;
	vm0 =	vgt.s32 v20, v19  }
0x3fe: {  	v20 =	vadd.s32 v26, v25;
	v25 =	vsel vm0, $0x1, v4;
	vm0 =	vgt.s32 v22, v19  }
0x3ff: {  	v20 =	vadd.s32 v25, v20;
	v22 =	vsel vm0, $0x1, v4;
	vm0 =	vgt.s32 v24, v19  }
0x400: {  	v20 =	vadd.s32 v22, v20;
	v22 =	vsel vm0, $0x1, v4;
	vm0 =	vgt.s32 v23, v19  }
0x401: {  	v20 =	vadd.s32 v22, v20;
	v22 =	vsel vm0, $0x1, v4;
	vm0 =	vgt.s32 v21, v19  }
0x402: {  	v19 =	vadd.s32 v22, v20;
	v20 =	vsel vm0, $0x1, v4  }
0x403: {  	v19 =	vadd.s32 v20, v19  }
0x404: {  	[tilespmem:$0x15500] =	vst v19  }
0x405: {  	s7 =	simm.s32 $0x0;
	v19 =	vld [tilespmem:s13+$0x10]  }
0x406: {  	v20 =	vld [tilespmem:s7+$0x13500]  }
0x407: {  	v22 =	vld [tilespmem:s7+$0x13510]  }
0x408: {  	v24 =	vld [tilespmem:s7+$0x13520]  }
0x409: {  	v23 =	vld [tilespmem:s7+$0x13530]  }
0x40a: {  	v21 =	vld [tilespmem:s7+$0x13540]  }
0x40b: {  	vm0 =	vgt.s32 v20, v19;
	v20 =	vld [tilespmem:s7+$0x13550]  }
0x40c: {  	v25 =	vimm.s32 $0x0;
	v26 =	vsel vm0, $0x1, v4;
	vm0 =	vgt.s32 v22, v19;
	v22 =	vld [tilespmem:s7+$0x13560]  }
0x40d: {  	s5 =	simm.s32 $0x400;
	s4 =	simm.s32 $0x80;
	vm14 =	vgt.s32 v24, v19;
	v24 =	vld [tilespmem:s7+$0x13570];
	v25 =	vadd.s32 v26, v25;
	v26 =	vsel vm0, $0x1, v4  }
.LBB2_50:
0x40e: {  	p1 =	sne.s32 s5, $0x7E00;
	v27 =	vld [tilespmem:s4+$0x13500];
	v25 =	vadd.s32 v26, v25;
	v26 =	vsel vm14, $0x1, v4;
	vm0 =	vgt.s32 v23, v19  }
0x40f: {  	v28 =	vld [tilespmem:s4+$0x13510];
	v23 =	vadd.s32 v26, v25;
	v25 =	vsel vm0, $0x1, v4;
	vm0 =	vgt.s32 v21, v19  }
0x410: {  	v29 =	vld [tilespmem:s4+$0x13520];
	v21 =	vadd.s32 v25, v23;
	v25 =	vsel vm0, $0x1, v4;
	vm0 =	vgt.s32 v20, v19  }
.Ltmp26:
0x411: {  	v23 =	vld [tilespmem:s4+$0x13530];
	v20 =	vadd.s32 v25, v21;
	v25 =	vsel vm0, $0x1, v4;
	vm0 =	vgt.s32 v22, v19;
	(pc) =	sbr.rel @p1 .LBB2_50-.Ltmp26, $4  }
0x412: {  	v21 =	vld [tilespmem:s4+$0x13540];
	v22 =	vadd.s32 v25, v20;
	v25 =	vsel vm0, $0x1, v4;
	vm0 =	vgt.s32 v24, v19  }
0x413: {  	vm1 =	vgt.s32 v27, v19;
	v20 =	vld [tilespmem:s4+$0x13550];
	v24 =	vadd.s32 v25, v22;
	v25 =	vsel vm0, $0x1, v4  }
0x414: {  	v26 =	vsel vm1, $0x1, v4;
	vm0 =	vgt.s32 v28, v19;
	v22 =	vld [tilespmem:s4+$0x13560];
	v24 =	vadd.s32 v25, v24  }
0x415: {  	v25 =	vadd.s32 v26, v24;
	v26 =	vsel vm0, $0x1, v4;
	vm14 =	vgt.s32 v29, v19;
	v24 =	vld [tilespmem:s4+$0x13570];
	s4 =	sshra.s32 s5, $0x2;
	s5 =	sadd.s32 $0x200, s5  }
0x416: {  	v27 =	vld [tilespmem:s4+$0x13500];
	v25 =	vadd.s32 v26, v25;
	v26 =	vsel vm14, $0x1, v4;
	vm0 =	vgt.s32 v23, v19  }
0x417: {  	v23 =	vld [tilespmem:s4+$0x13510];
	v25 =	vadd.s32 v26, v25;
	v26 =	vsel vm0, $0x1, v4;
	vm0 =	vgt.s32 v21, v19  }
0x418: {  	v21 =	vld [tilespmem:s4+$0x13520];
	v25 =	vadd.s32 v26, v25;
	v26 =	vsel vm0, $0x1, v4;
	vm0 =	vgt.s32 v20, v19  }
0x419: {  	v20 =	vld [tilespmem:s4+$0x13530];
	v25 =	vadd.s32 v26, v25;
	v26 =	vsel vm0, $0x1, v4;
	vm0 =	vgt.s32 v22, v19  }
0x41a: {  	v22 =	vld [tilespmem:s4+$0x13540];
	v25 =	vadd.s32 v26, v25;
	v26 =	vsel vm0, $0x1, v4;
	vm0 =	vgt.s32 v24, v19  }
0x41b: {  	v24 =	vld [tilespmem:s4+$0x13550];
	vm1 =	vgt.s32 v27, v19;
	v25 =	vadd.s32 v26, v25;
	v26 =	vsel vm0, $0x1, v4  }
0x41c: {  	vm0 =	vgt.s32 v23, v19;
	v23 =	vld [tilespmem:s4+$0x13560];
	v27 =	vsel vm1, $0x1, v4;
	v25 =	vadd.s32 v26, v25  }
0x41d: {  	v26 =	vsel vm0, $0x1, v4;
	vm0 =	vgt.s32 v21, v19;
	v21 =	vld [tilespmem:s4+$0x13570];
	v25 =	vadd.s32 v27, v25  }
0x41e: {  	v25 =	vadd.s32 v26, v25;
	v26 =	vsel vm0, $0x1, v4;
	vm0 =	vgt.s32 v20, v19  }
0x41f: {  	v20 =	vadd.s32 v26, v25;
	v25 =	vsel vm0, $0x1, v4;
	vm0 =	vgt.s32 v22, v19  }
0x420: {  	v20 =	vadd.s32 v25, v20;
	v22 =	vsel vm0, $0x1, v4;
	vm0 =	vgt.s32 v24, v19  }
0x421: {  	v20 =	vadd.s32 v22, v20;
	v22 =	vsel vm0, $0x1, v4;
	vm0 =	vgt.s32 v23, v19  }
0x422: {  	v20 =	vadd.s32 v22, v20;
	v22 =	vsel vm0, $0x1, v4;
	vm0 =	vgt.s32 v21, v19  }
0x423: {  	v19 =	vadd.s32 v22, v20;
	v20 =	vsel vm0, $0x1, v4  }
0x424: {  	v19 =	vadd.s32 v20, v19  }
0x425: {  	[tilespmem:$0x15510] =	vst v19  }
0x426: {  	s7 =	simm.s32 $0x0;
	v19 =	vld [tilespmem:s13+$0x20]  }
0x427: {  	v20 =	vld [tilespmem:s7+$0x13500]  }
0x428: {  	v22 =	vld [tilespmem:s7+$0x13510]  }
0x429: {  	v24 =	vld [tilespmem:s7+$0x13520]  }
0x42a: {  	v23 =	vld [tilespmem:s7+$0x13530]  }
0x42b: {  	v21 =	vld [tilespmem:s7+$0x13540]  }
0x42c: {  	vm0 =	vgt.s32 v20, v19;
	v20 =	vld [tilespmem:s7+$0x13550]  }
0x42d: {  	v25 =	vimm.s32 $0x0;
	v26 =	vsel vm0, $0x1, v4;
	vm0 =	vgt.s32 v22, v19;
	v22 =	vld [tilespmem:s7+$0x13560]  }
0x42e: {  	s5 =	simm.s32 $0x400;
	s4 =	simm.s32 $0x80;
	vm14 =	vgt.s32 v24, v19;
	v24 =	vld [tilespmem:s7+$0x13570];
	v25 =	vadd.s32 v26, v25;
	v26 =	vsel vm0, $0x1, v4  }
.LBB2_52:
0x42f: {  	p1 =	sne.s32 s5, $0x7E00;
	v27 =	vld [tilespmem:s4+$0x13500];
	v25 =	vadd.s32 v26, v25;
	v26 =	vsel vm14, $0x1, v4;
	vm0 =	vgt.s32 v23, v19  }
0x430: {  	v28 =	vld [tilespmem:s4+$0x13510];
	v23 =	vadd.s32 v26, v25;
	v25 =	vsel vm0, $0x1, v4;
	vm0 =	vgt.s32 v21, v19  }
0x431: {  	v29 =	vld [tilespmem:s4+$0x13520];
	v21 =	vadd.s32 v25, v23;
	v25 =	vsel vm0, $0x1, v4;
	vm0 =	vgt.s32 v20, v19  }
.Ltmp27:
0x432: {  	v23 =	vld [tilespmem:s4+$0x13530];
	v20 =	vadd.s32 v25, v21;
	v25 =	vsel vm0, $0x1, v4;
	vm0 =	vgt.s32 v22, v19;
	(pc) =	sbr.rel @p1 .LBB2_52-.Ltmp27, $4  }
0x433: {  	v21 =	vld [tilespmem:s4+$0x13540];
	v22 =	vadd.s32 v25, v20;
	v25 =	vsel vm0, $0x1, v4;
	vm0 =	vgt.s32 v24, v19  }
0x434: {  	vm1 =	vgt.s32 v27, v19;
	v20 =	vld [tilespmem:s4+$0x13550];
	v24 =	vadd.s32 v25, v22;
	v25 =	vsel vm0, $0x1, v4  }
0x435: {  	v26 =	vsel vm1, $0x1, v4;
	vm0 =	vgt.s32 v28, v19;
	v22 =	vld [tilespmem:s4+$0x13560];
	v24 =	vadd.s32 v25, v24  }
0x436: {  	v25 =	vadd.s32 v26, v24;
	v26 =	vsel vm0, $0x1, v4;
	vm14 =	vgt.s32 v29, v19;
	v24 =	vld [tilespmem:s4+$0x13570];
	s4 =	sshra.s32 s5, $0x2;
	s5 =	sadd.s32 $0x200, s5  }
0x437: {  	v27 =	vld [tilespmem:s4+$0x13500];
	v25 =	vadd.s32 v26, v25;
	v26 =	vsel vm14, $0x1, v4;
	vm0 =	vgt.s32 v23, v19  }
0x438: {  	v23 =	vld [tilespmem:s4+$0x13510];
	v25 =	vadd.s32 v26, v25;
	v26 =	vsel vm0, $0x1, v4;
	vm0 =	vgt.s32 v21, v19  }
0x439: {  	v21 =	vld [tilespmem:s4+$0x13520];
	v25 =	vadd.s32 v26, v25;
	v26 =	vsel vm0, $0x1, v4;
	vm0 =	vgt.s32 v20, v19  }
0x43a: {  	v20 =	vld [tilespmem:s4+$0x13530];
	v25 =	vadd.s32 v26, v25;
	v26 =	vsel vm0, $0x1, v4;
	vm0 =	vgt.s32 v22, v19  }
0x43b: {  	v22 =	vld [tilespmem:s4+$0x13540];
	v25 =	vadd.s32 v26, v25;
	v26 =	vsel vm0, $0x1, v4;
	vm0 =	vgt.s32 v24, v19  }
0x43c: {  	v24 =	vld [tilespmem:s4+$0x13550];
	vm1 =	vgt.s32 v27, v19;
	v25 =	vadd.s32 v26, v25;
	v26 =	vsel vm0, $0x1, v4  }
0x43d: {  	vm0 =	vgt.s32 v23, v19;
	v23 =	vld [tilespmem:s4+$0x13560];
	v27 =	vsel vm1, $0x1, v4;
	v25 =	vadd.s32 v26, v25  }
0x43e: {  	v26 =	vsel vm0, $0x1, v4;
	vm0 =	vgt.s32 v21, v19;
	v21 =	vld [tilespmem:s4+$0x13570];
	v25 =	vadd.s32 v27, v25  }
0x43f: {  	v25 =	vadd.s32 v26, v25;
	v26 =	vsel vm0, $0x1, v4;
	vm0 =	vgt.s32 v20, v19  }
0x440: {  	v20 =	vadd.s32 v26, v25;
	v25 =	vsel vm0, $0x1, v4;
	vm0 =	vgt.s32 v22, v19  }
0x441: {  	v20 =	vadd.s32 v25, v20;
	v22 =	vsel vm0, $0x1, v4;
	vm0 =	vgt.s32 v24, v19  }
0x442: {  	v20 =	vadd.s32 v22, v20;
	v22 =	vsel vm0, $0x1, v4;
	vm0 =	vgt.s32 v23, v19  }
0x443: {  	v20 =	vadd.s32 v22, v20;
	v22 =	vsel vm0, $0x1, v4;
	vm0 =	vgt.s32 v21, v19  }
0x444: {  	v19 =	vadd.s32 v22, v20;
	v20 =	vsel vm0, $0x1, v4  }
0x445: {  	v19 =	vadd.s32 v20, v19  }
0x446: {  	[tilespmem:$0x15520] =	vst v19  }
0x447: {  	s7 =	simm.s32 $0x0;
	v19 =	vld [tilespmem:s13+$0x30]  }
0x448: {  	v20 =	vld [tilespmem:s7+$0x13500]  }
0x449: {  	v22 =	vld [tilespmem:s7+$0x13510]  }
0x44a: {  	v24 =	vld [tilespmem:s7+$0x13520]  }
0x44b: {  	v23 =	vld [tilespmem:s7+$0x13530]  }
0x44c: {  	v21 =	vld [tilespmem:s7+$0x13540]  }
0x44d: {  	vm0 =	vgt.s32 v20, v19;
	v20 =	vld [tilespmem:s7+$0x13550]  }
0x44e: {  	v25 =	vimm.s32 $0x0;
	v26 =	vsel vm0, $0x1, v4;
	vm0 =	vgt.s32 v22, v19;
	v22 =	vld [tilespmem:s7+$0x13560]  }
0x44f: {  	s5 =	simm.s32 $0x400;
	s4 =	simm.s32 $0x80;
	vm14 =	vgt.s32 v24, v19;
	v24 =	vld [tilespmem:s7+$0x13570];
	v25 =	vadd.s32 v26, v25;
	v26 =	vsel vm0, $0x1, v4  }
.LBB2_54:
0x450: {  	p1 =	sne.s32 s5, $0x7E00;
	v27 =	vld [tilespmem:s4+$0x13500];
	v25 =	vadd.s32 v26, v25;
	v26 =	vsel vm14, $0x1, v4;
	vm0 =	vgt.s32 v23, v19  }
0x451: {  	v28 =	vld [tilespmem:s4+$0x13510];
	v23 =	vadd.s32 v26, v25;
	v25 =	vsel vm0, $0x1, v4;
	vm0 =	vgt.s32 v21, v19  }
0x452: {  	v29 =	vld [tilespmem:s4+$0x13520];
	v21 =	vadd.s32 v25, v23;
	v25 =	vsel vm0, $0x1, v4;
	vm0 =	vgt.s32 v20, v19  }
.Ltmp28:
0x453: {  	v23 =	vld [tilespmem:s4+$0x13530];
	v20 =	vadd.s32 v25, v21;
	v25 =	vsel vm0, $0x1, v4;
	vm0 =	vgt.s32 v22, v19;
	(pc) =	sbr.rel @p1 .LBB2_54-.Ltmp28, $4  }
0x454: {  	v21 =	vld [tilespmem:s4+$0x13540];
	v22 =	vadd.s32 v25, v20;
	v25 =	vsel vm0, $0x1, v4;
	vm0 =	vgt.s32 v24, v19  }
0x455: {  	vm1 =	vgt.s32 v27, v19;
	v20 =	vld [tilespmem:s4+$0x13550];
	v24 =	vadd.s32 v25, v22;
	v25 =	vsel vm0, $0x1, v4  }
0x456: {  	v26 =	vsel vm1, $0x1, v4;
	vm0 =	vgt.s32 v28, v19;
	v22 =	vld [tilespmem:s4+$0x13560];
	v24 =	vadd.s32 v25, v24  }
0x457: {  	v25 =	vadd.s32 v26, v24;
	v26 =	vsel vm0, $0x1, v4;
	vm14 =	vgt.s32 v29, v19;
	v24 =	vld [tilespmem:s4+$0x13570];
	s4 =	sshra.s32 s5, $0x2;
	s5 =	sadd.s32 $0x200, s5  }
0x458: {  	v27 =	vld [tilespmem:s4+$0x13500];
	v25 =	vadd.s32 v26, v25;
	v47 =	vsel vm14, $0x1, v4;
	vm0 =	vgt.s32 v23, v19  }
0x459: {  	v48 =	vld [tilespmem:s4+$0x13510];
	v25 =	vadd.s32 v47, v25;
	v49 =	vsel vm0, $0x1, v4;
	vm0 =	vgt.s32 v21, v19  }
0x45a: {  	v50 =	vld [tilespmem:s4+$0x13520];
	v25 =	vadd.s32 v49, v25;
	v51 =	vsel vm0, $0x1, v4;
	vm0 =	vgt.s32 v20, v19  }
0x45b: {  	v20 =	vld [tilespmem:s4+$0x13530];
	v25 =	vadd.s32 v51, v25;
	v52 =	vsel vm0, $0x1, v4;
	vm0 =	vgt.s32 v22, v19  }
0x45c: {  	v53 =	vld [tilespmem:s4+$0x13540];
	v25 =	vadd.s32 v52, v25;
	v54 =	vsel vm0, $0x1, v4;
	vm0 =	vgt.s32 v24, v19  }
0x45d: {  	v55 =	vld [tilespmem:s4+$0x13550];
	vm1 =	vgt.s32 v27, v19;
	v25 =	vadd.s32 v54, v25;
	v56 =	vsel vm0, $0x1, v4  }
0x45e: {  	v57 =	vld [tilespmem:s4+$0x13560];
	vm0 =	vgt.s32 v48, v19;
	v27 =	vsel vm1, $0x1, v4;
	v25 =	vadd.s32 v56, v25  }
0x45f: {  	v59 =	vld [tilespmem:s4+$0x13570];
	v58 =	vsel vm0, $0x1, v4;
	vm0 =	vgt.s32 v50, v19;
	v25 =	vadd.s32 v27, v25  }
0x460: {  	v60 =	vsel vm0, $0x1, v4;
	vm0 =	vgt.s32 v20, v19;
	v25 =	vadd.s32 v58, v25  }
0x461: {  	v61 =	vsel vm0, $0x1, v4;
	vm0 =	vgt.s32 v53, v19;
	v20 =	vadd.s32 v60, v25  }
0x462: {  	v22 =	vsel vm0, $0x1, v4;
	vm0 =	vgt.s32 v55, v19;
	v20 =	vadd.s32 v61, v20  }
0x463: {  	v62 =	vsel vm0, $0x1, v4;
	vm0 =	vgt.s32 v57, v19;
	v20 =	vadd.s32 v22, v20  }
0x464: {  	v63 =	vsel vm0, $0x1, v4;
	vm0 =	vgt.s32 v59, v19;
	v20 =	vadd.s32 v62, v20  }
0x465: {  	v19 =	vadd.s32 v63, v20;
	v20 =	vsel vm0, $0x1, v4  }
0x466: {  	v19 =	vadd.s32 v20, v19  }
0x467: {  	s2 =	rddreg [dreg:$0xb];
	s17 =	simm.s32 $0x15500;
	[tilespmem:$0x15530] =	vst v19  }
0x468: {  	[spmem:s2] =	stream.linear.scatter [tilespmem:s17], [sflag:$0x2], $0x40, $0x38;
	[tilespmem:$0x1B7C0] =	vst v63  }
.Ltmp29:
0x469: {  	_ =	swait.ge [sflag:s1], $0x40;
	(pc) =	sbr.rel @p0 .LBB2_63-.Ltmp29, $4  }
0x46a: {  	[sflag:s1] =	ssyncset.done $0x0  }
0x46b: {  	[sflag:s1] =	ssyncadd.s32 $0xFFFFFFC0  }
0x46c: {  	[bflag:$0x0] =	sbarrier.arrive $0xFFFF  }
0x46d: {  	vm1 =	vcmask $0x70C;
	vm0 =	vcmask $0xB10;
	s2 =	rddreg [dreg:$0xc]  }
0x46e: {  	s5 =	simm.s32 $0x13500;
	s2 =	rddreg [dreg:$0x8]  }
0x46f: {  	[tilespmem:s5], [sflag:$0x2] =	stream.linear.gather [spmem:s2], $0x200, $0x38;
	[tilespmem:$0x1B7C0] =	vst v63  }
0x470: {  	_ =	swait.ge [sflag:s1], $0x200  }
0x471: {  	[sflag:s1] =	ssyncset.done $0x0  }
0x472: {  	s4 =	simm.s32 $0x15500;
	s7 =	rddreg [dreg:$0x7];
	[sflag:s1] =	ssyncadd.s32 $0xFFFFFE00  }
0x473: {  	[tilespmem:s4], [sflag:$0x2] =	stream.linear.gather [spmem:s7], $0x20, $0x38;
	[tilespmem:$0x1B7C0] =	vst v63  }
0x474: {  	_ =	swait.ge [sflag:s1], $0x20  }
0x475: {  	[sflag:s1] =	ssyncset.done $0x0  }
0x476: {  	[sflag:s1] =	ssyncadd.s32 $0xFFFFFFE0  }
0x477: {  	v19 =	vld [tilespmem:$0x15500];
	_ =	sdelay $0x4  }
0x478: {  	v19 =	vxor.u32 $0x80000000, v19  }
0x479: {  	(xrf0) =	vmax.scan.msk.u32 $0xffff, v19;
	_ =	sdelay $0x5  }
0x47a: {  	v19, _, _ =	vpop (xrf0)  }
0x47b: {  	(v2sf) =	vpush v19, $0xF;
	_ =	sdelay $0xa  }
0x47c: {  	s3 =	smov.u32 s13  }
0x47d: {  	s13 =	smov.u32 s31;
	s31 =	smov.u32 s22;
	s22 =	smov.u32 s6  }
0x47e: {  	s6 =	smov.u32 s24;
	s24 =	smov.u32 s16;
	s16 =	smov.u32 s14  }
0x47f: {  	s14 =	smov.u32 s12;
	s12 =	smov.u32 s11;
	s11 =	smov.u32 s10  }
0x480: {  	s10 =	smov.u32 s9;
	s9 =	smov.u32 s8;
	v20 =	vld [tilespmem:$0x15510];
	s17 =	spop (v2sf)  }
0x481: {  	s7 =	simm.s32 $0x11500;
	v21 =	vld [tilespmem:s5+$0x0];
	s4 =	sxor.u32 $0x80000000, s17;
	s17 =	simm.s32 $0x0  }
0x482: {  	s8 =	smov.u32 s18;
	s2 =	smov.u32 s21;
	v22 =	vld [tilespmem:s7+$0x0];
	v19 =	vmov s4;
	v23 =	vor.u32 s17, v0;
	s17 =	simm.s32 $0x10  }
.LBB2_57:
0x483: {  	p1 =	seq.s32 s17, $0x1F0;
	vm0 =	vlt.s32 v23, v19;
	_ =	sdelay $0x3  }
0x484: {  	v23 =	vshra.s32 v22, $0xD  }
.Ltmp30:
0x485: {  	v22 =	vandn.u32 $0x1FFF, v22;
	v23 =	vcvt.s32.f32 v23;
	(pc) =	sbr.rel @!p1 .LBB2_57-.Ltmp30, $4  }
0x486: {  	[tilespmem:v21+s19+$0x0] =	vst.idx.msk vm0, v22  }
0x487: {  	s5 =	sadd.s32 $0x10, s5;
	[tilespmem:v21+s23+$0x0] =	vst.idx.msk vm0, v23  }
0x488: {  	s7 =	sadd.s32 $0x10, s7;
	v21 =	vld [tilespmem:s5+$0x0]  }
0x489: {  	v23 =	vor.u32 s17, v0;
	s17 =	sadd.s32 $0x10, s17;
	v22 =	vld [tilespmem:s7+$0x0]  }
0x48a: {  	v20 =	vxor.u32 $0x80000000, v20  }
0x48b: {  	(xrf0) =	vmax.scan.msk.u32 $0xffff, v20;
	_ =	sdelay $0x5  }
0x48c: {  	v20, _, _ =	vpop (xrf0)  }
0x48d: {  	(v2sf) =	vpush v20, $0xF;
	_ =	sdelay $0xc  }
0x48e: {  	vm0 =	vlt.s32 v23, v19;
	_ =	sdelay $0x1  }
0x48f: {  	s5 =	spop (v2sf)  }
0x490: {  	s5 =	sxor.u32 $0x80000000, s5  }
0x491: {  	v23 =	vshra.s32 v22, $0xD;
	s5 =	scvt.s32.f32 s5  }
0x492: {  	v22 =	vandn.u32 $0x1FFF, v22;
	v23 =	vcvt.s32.f32 v23  }
0x493: {  	s4 =	ssub.s32 $0x200, s4;
	[tilespmem:v21+s19+$0x0] =	vst.idx.msk vm0, v22;
	v20 =	vmov s5;
	s5 =	simm.s32 $0x0  }
0x494: {  	s21 =	smov.u32 s15;
	s18 =	smov.u32 s20;
	s20 =	smov.u32 s26;
	[tilespmem:v21+s23+$0x0] =	vst.idx.msk vm0, v23;
	v21 =	vmov s4;
	v22 =	vor.u32 s5, v0  }
0x495: {  	s15 =	smov.u32 s25;
	s7 =	simm.s32 $0x10;
	s4 =	simm.s32 $0x11700;
	vm0 =	vcmask $0xB10;
	vm14 =	vlt.s32 v22, v21  }
.LBB2_59:
0x496: {  	p1 =	sne.s32 s7, $0x1F0;
	v23 =	vld [tilespmem:s4+$0x0];
	v24 =	vadd.s32 v19, v22;
	_ =	sdelay $0x1  }
.Ltmp31:
0x497: {  	(pc) =	sbr.rel @p1 .LBB2_59-.Ltmp31, $4  }
0x498: {  	_ = 	snop  }
0x499: {  	s17 =	simm.s32 $0x13100  }
0x49a: {  	v22 =	vor.u32 s7, v0;
	s25 =	simm.s32 $0x13300;
	[tilespmem:v24+s17+$0x0] =	vst.idx.msk vm14, v23  }
0x49b: {  	s7 =	sadd.s32 $0x10, s7;
	s4 =	sadd.s32 $0x10, s4;
	[tilespmem:v24+s25+$0x0] =	vst.idx.msk vm14, v20;
	vm14 =	vlt.s32 v22, v21  }
0x49c: {  	v21 =	vld [tilespmem:s4+$0x0];
	v19 =	vadd.s32 v19, v22;
	_ =	sdelay $0x4  }
0x49d: {  	[tilespmem:v19+s17+$0x0] =	vst.idx.msk vm14, v21  }
0x49e: {  	[tilespmem:v19+s25+$0x0] =	vst.idx.msk vm14, v20  }
0x49f: {  	v19 =	vld [tilespmem:s25+$0x0]  }
0x4a0: {  	v20 =	vld [tilespmem:s17+$0x0];
	_ =	sdelay $0x3  }
0x4a1: {  	v21 =	vmax.f32 v19, $1.000000000e+00  }
0x4a2: {  	v22 =	vadd.s32 $0x1A00, v20;
	(erf) = vrcp.f32 v21;
	_ =	sdelay $0x4  }
0x4a3: {  	v21 =	vld.idx.msk [tilespmem:v22+s0+$0x0], $0xffff;
	_ =	sdelay $0x2  }
0x4a4: {  	v22 =	vadd.s32 $0x3400, v20  }
0x4a5: {  	v23 =	vpop (erf)  }
0x4a6: {  	v21 =	vmul.f32 v23, v21  }
0x4a7: {  	s4 =	simm.s32 $0x15580  }
0x4a8: {  	[tilespmem:s4+$0x0] =	vst v21  }
0x4a9: {  	v21 =	vld.idx.msk [tilespmem:v22+s0+$0x0], $0xffff;
	_ =	sdelay $0x2  }
0x4aa: {  	v22 =	vadd.s32 $0x4E00, v20;
	_ =	sdelay $0x1  }
0x4ab: {  	v21 =	vmul.f32 v21, v23  }
0x4ac: {  	s5 =	sand.u32 $0x1F0, s5  }
0x4ad: {  	[tilespmem:s5+$0x15780] =	vst v21  }
0x4ae: {  	v21 =	vld.idx.msk [tilespmem:v22+s0+$0x0], $0xffff;
	_ =	sdelay $0x2  }
0x4af: {  	v20 =	vadd.s32 $0x6800, v20;
	_ =	sdelay $0x1  }
0x4b0: {  	v21 =	vmul.f32 v21, v23;
	_ =	sdelay $0x1  }
0x4b1: {  	[tilespmem:s5+$0x15980] =	vst v21  }
0x4b2: {  	v20 =	vld.idx.msk [tilespmem:v20+s0+$0x0], $0xffff;
	_ =	sdelay $0x4  }
0x4b3: {  	v20 =	vmul.f32 v20, v23  }
0x4b4: {  	[tilespmem:s5+$0x15D80] =	vst v19  }
0x4b5: {  	s7 =	simm.s32 $0x13310;
	[tilespmem:s5+$0x15B80] =	vst v20  }
0x4b6: {  	s17 =	simm.s32 $0x13110;
	v19 =	vld [tilespmem:s7+$0x0]  }
0x4b7: {  	s25 =	simm.s32 $0x20;
	s5 =	simm.s32 $0x10;
	v20 =	vld [tilespmem:s17+$0x0]  }
.LBB2_61:
0x4b8: {  	p1 =	sne.s32 s25, $0x1F0;
	_ =	sdelay $0x3  }
0x4b9: {  	v21 =	vmax.f32 v19, $1.000000000e+00;
	v22 =	vadd.s32 $0x1A00, v20;
	v23 =	vadd.s32 $0x6800, v20  }
0x4ba: {  	(erf) = vrcp.f32 v21;
	_ =	sdelay $0x3  }
0x4bb: {  	v21 =	vld.idx.msk [tilespmem:v22+s0+$0x0], $0xffff;
	_ =	sdelay $0x3  }
0x4bc: {  	v22 =	vadd.s32 $0x3400, v20  }
0x4bd: {  	v24 =	vpop (erf)  }
0x4be: {  	v21 =	vmul.f32 v24, v21  }
0x4bf: {  	s4 =	sadd.s32 $0x10, s4  }
0x4c0: {  	[tilespmem:s4+$0x0] =	vst v21  }
0x4c1: {  	v21 =	vld.idx.msk [tilespmem:v22+s0+$0x0], $0xffff;
	_ =	sdelay $0x3  }
0x4c2: {  	v20 =	vadd.s32 $0x4E00, v20;
	_ =	sdelay $0x1  }
0x4c3: {  	v21 =	vmul.f32 v21, v24  }
0x4c4: {  	s26 =	sand.u32 $0x1F0, s5;
	s5 =	smov.u32 s25  }
0x4c5: {  	[tilespmem:s26+$0x15780] =	vst v21  }
0x4c6: {  	v20 =	vld.idx.msk [tilespmem:v20+s0+$0x0], $0xffff;
	_ =	sdelay $0x5  }
0x4c7: {  	v20 =	vmul.f32 v20, v24;
	_ =	sdelay $0x1  }
0x4c8: {  	[tilespmem:s26+$0x15980] =	vst v20  }
0x4c9: {  	v20 =	vld.idx.msk [tilespmem:v23+s0+$0x0], $0xffff;
	[tilespmem:s26+$0x15D80] =	vst v19;
	_ =	sdelay $0x5  }
.Ltmp32:
0x4ca: {  	v19 =	vmul.f32 v20, v24;
	(pc) =	sbr.rel @p1 .LBB2_61-.Ltmp32, $4  }
0x4cb: {  	_ = 	snop  }
0x4cc: {  	s7 =	sadd.s32 $0x10, s7;
	[tilespmem:s26+$0x15B80] =	vst v19  }
0x4cd: {  	s17 =	sadd.s32 $0x10, s17;
	v19 =	vld [tilespmem:s7+$0x0]  }
0x4ce: {  	s25 =	sadd.s32 $0x10, s25;
	v20 =	vld [tilespmem:s17+$0x0]  }
.Ltmp33:
0x4cf: {  	_ = 	snop;
	(pc) =	sbr.rel .LBB2_62-.Ltmp33, $1  }
0x4d0: {  	_ =	sdelay $0x3  }
.LBB2_64:
0x4d1: {  	_ =	sfence.sel $0x180000  }
0x4d2: {  	[bflag:$0x0] =	sbarrier.arrive $0xFFFF  }
0x4d3: {  	_ =	strace $0x90000047  }
0x4d4: {  	s0 =	stileid.u32;
	[bflag:$0x2] =	sbarrier.arrive $0xFFFF  }
0x4d5: {  	p0 =	sne.s32 s0, $0x0;
	s0 =	rddreg [dreg:$0x5]  }
0x4d6: {  	s0 =	sadd.s32 @!p0 $0x100000, s0  }
0x4d7: {  	[sflag:s0] =	ssyncadd.tile.s32 @!p0 $0x1;
	_ =	shalt  }
.Lfunc_end2:
_tile_overlayer_lowered:
.L_overlay_start_2:
0x4d8: {  	(tag) =	ssettag $0x2  }
0x4d9: {  	s0 =	rddreg [dreg:$0x0];
	s2 =	stileid.u32  }
0x4da: {  	s1 =	rddreg [dreg:$0x1];
	p0 =	sne.s32 s2, $0x0  }
0x4db: {  	s3 =	rddreg [dreg:$0x2];
	[bflag:$0x3] =	sbarrier.arrive $0xFFFF;
	s2 =	simm.s32 @!p0 $0x1C02  }
0x4dc: {  	[timem:s3], [sflag:s2] =	dma.local @!p0 [hbm:s0], s1  }
0x4dd: {  	s0 =	simm.s32 @!p0 $0x2  }
0x4de: {  	_ =	swait.ge @!p0 [sflag:s0], s1  }
0x4df: {  	s1 =	ssub.s32 @!p0 $0x0, s1;
	[sflag:s0] =	ssyncset.done @!p0 $0x0  }
0x4e0: {  	[sflag:s0] =	ssyncadd.s32 @!p0 s1  }
0x4e1: {  	[bflag:$0x3] =	sbarrier.arrive $0xFFFF  }
0x4e2: {  	_ =	shalt  }

</sc_bundles>
